<compile_context>
chip_gen: v7x
topology: tpu7x:2x2x1
jax: 0.10.2.dev20260603
libtpu: 0.0.44.dev20260713+nightly
codegen_flags: <defaults>
</compile_context>

<pallas_src>
import jax
import jax.numpy as jnp
from jax import lax
from jax.experimental import pallas as pl
from jax.experimental.pallas import tpu as pltpu
from jax.experimental.pallas import tpu_sc as plsc

H = 2048
W = 2048
C = 3
N = 1048576

NUM_WORKERS = 32
PTS_PER_TILE = N // NUM_WORKERS
CHUNK = 128
G = PTS_PER_TILE // CHUNK
L = 16
D = 8
NTEX = H * W


def _body(xs_hbm, table_hbm, out_hbm,
          xs_all,
          it0, it10, ib0, ib10, wx0, wy0, gt0, gt10, gb0, gb10,
          it1, it11, ib1, ib11, wx1, wy1, gt1, gt11, gb1, gb11,
          obuf, sem0, sem1):
  wid = lax.axis_index("s") * 2 + lax.axis_index("c")
  lane = lax.broadcasted_iota(jnp.int32, (L,), 0)
  slots = (
      (it0, it10, ib0, ib10, wx0, wy0, gt0, gt10, gb0, gb10, sem0),
      (it1, it11, ib1, ib11, wx1, wy1, gt1, gt11, gb1, gb11, sem1),
  )

  pltpu.sync_copy(xs_hbm.at[pl.ds(2 * wid * PTS_PER_TILE, 2 * PTS_PER_TILE)],
                  xs_all)

  def pass1(g, slot):
    idxt, idxt1, idxb, idxb1, wx_ref, wy_ref = slot[:6]
    for q in range(CHUNK // L):
      pbase = q * L
      ex = 2 * (g * CHUNK + pbase + lane)
      px = plsc.load_gather(xs_all, [ex])
      py = plsc.load_gather(xs_all, [ex + 1])
      sx = px * jnp.float32(W)
      sy = py * jnp.float32(H)
      ix = sx.astype(jnp.int32)
      iy = sy.astype(jnp.int32)
      wx = sx - ix.astype(jnp.float32)
      wy = sy - iy.astype(jnp.float32)
      x0 = jnp.minimum(jnp.maximum(ix, 0), W - 1)
      y0 = jnp.minimum(jnp.maximum(iy, 0), H - 1)
      y1 = jnp.minimum(y0 + 1, H - 1)
      wx = jnp.where(x0 >= W - 1, jnp.float32(0.0), wx)
      kt = y0 * W + x0
      kb = y1 * W + x0
      sl = pl.ds(pbase, L)
      idxt[sl] = kt
      idxt1[sl] = kt + 1
      idxb[sl] = kb
      idxb1[sl] = kb + 1
      wx_ref[sl] = wx
      wy_ref[sl] = wy

  def fire(slot):
    idxt, idxt1, idxb, idxb1 = slot[:4]
    gt, gt1, gb, gb1, sem = slot[6:11]
    pltpu.async_copy(table_hbm.at[idxt], gt, sem)
    pltpu.async_copy(table_hbm.at[idxt1], gt1, sem)
    pltpu.async_copy(table_hbm.at[idxb], gb, sem)
    pltpu.async_copy(table_hbm.at[idxb1], gb1, sem)

  def drain(slot):
    idxt, idxt1, idxb, idxb1 = slot[:4]
    gt, gt1, gb, gb1, sem = slot[6:11]
    pltpu.make_async_copy(table_hbm.at[idxt], gt, sem).wait()
    pltpu.make_async_copy(table_hbm.at[idxt1], gt1, sem).wait()
    pltpu.make_async_copy(table_hbm.at[idxb], gb, sem).wait()
    pltpu.make_async_copy(table_hbm.at[idxb1], gb1, sem).wait()

  def combine(slot, b):
    wx_ref, wy_ref, gt, gt1, gb, gb1 = slot[4:10]
    for q in range(CHUNK // L):
      pbase = q * L
      sl = pl.ds(pbase, L)
      wx = wx_ref[sl]
      wy = wy_ref[sl]
      prow = pbase + lane
      obase = b * (C * CHUNK)
      for c in range(C):
        ccol = jnp.full((L,), c, jnp.int32)
        t0 = plsc.load_gather(gt, [prow, ccol])
        t1 = plsc.load_gather(gt1, [prow, ccol])
        b0 = plsc.load_gather(gb, [prow, ccol])
        b1 = plsc.load_gather(gb1, [prow, ccol])
        top = t0 + wx * (t1 - t0)
        bot = b0 + wx * (b1 - b0)
        o = top + wy * (bot - top)
        plsc.store_scatter(obuf, [obase + 3 * prow + c], o)

  for b in (0, 1):
    pass1(jnp.int32(b), slots[b])
    fire(slots[b])

  def body(i, carry):
    for b in (0, 1):
      g = 2 * i + b
      drain(slots[b])
      combine(slots[b], b)
      gn = g + 2
      gn = jnp.where(gn >= G, gn - G, gn)
      pass1(gn, slots[b])
      fire(slots[b])
    pltpu.sync_copy(
        obuf, out_hbm.at[pl.ds(3 * (wid * PTS_PER_TILE + 2 * i * CHUNK),
                               2 * C * CHUNK)])
    return carry

  lax.fori_loop(0, G // 2, body, 0)
  drain(slots[0])
  drain(slots[1])


@jax.jit
def _run(xs_flat, table):
  mesh = plsc.VectorSubcoreMesh(core_axis_name="c", subcore_axis_name="s")
  slot_types = [
      pltpu.VMEM((CHUNK,), jnp.int32),
      pltpu.VMEM((CHUNK,), jnp.int32),
      pltpu.VMEM((CHUNK,), jnp.int32),
      pltpu.VMEM((CHUNK,), jnp.int32),
      pltpu.VMEM((CHUNK,), jnp.float32),
      pltpu.VMEM((CHUNK,), jnp.float32),
      pltpu.VMEM((CHUNK, D), jnp.float32),
      pltpu.VMEM((CHUNK, D), jnp.float32),
      pltpu.VMEM((CHUNK, D), jnp.float32),
      pltpu.VMEM((CHUNK, D), jnp.float32),
  ]
  kern = pl.kernel(
      _body,
      out_type=jax.ShapeDtypeStruct((N * C,), jnp.float32),
      mesh=mesh,
      compiler_params=pltpu.CompilerParams(
          needs_layout_passes=False, use_tc_tiling_on_sc=False),
      scratch_types=(
          [pltpu.VMEM((2 * PTS_PER_TILE,), jnp.float32)]
          + slot_types + slot_types
          + [pltpu.VMEM((2 * C * CHUNK,), jnp.float32),
             pltpu.SemaphoreType.DMA,
             pltpu.SemaphoreType.DMA]
      ),
  )
  return kern(xs_flat, table)


def kernel(xs, data):
  rows = data.reshape(NTEX, C)
  table = jnp.pad(rows, ((0, 1), (0, D - C)))
  out_flat = _run(xs.reshape(-1), table)
  return out_flat.reshape(N, C)

# --- scband reference (transcript-rebuilt; emitter-appended) ---
"""Pipeline reference for scband-image-8358006358028 (READ-ONLY COPY).

The authoritative reference and input builder live on the scoring server;
editing this copy changes nothing except your own understanding.
"""

import jax, jax.numpy as jnp
import numpy as np

H, W, C = 2048, 2048, 3
N = 1048576

def setup_inputs(seed: int = 0) -> dict:
    key = jax.random.key(seed)
    k1, k2 = jax.random.split(key)
    xs = jax.random.uniform(k1, (N, 2), dtype=jnp.float32)
    data = jax.random.uniform(k2, (H, W, C), dtype=jnp.float32)
    return {"xs": xs, "data": data}

def reference(xs, data):
    h, w, c = data.shape
    scale = jnp.array([w, h], dtype=jnp.float32)
    xs_s = xs * scale
    indices = jax.lax.stop_gradient(xs_s).astype(jnp.int32)
    x0 = jnp.clip(indices[:, 0], 0, w - 1)
    y0 = jnp.clip(indices[:, 1], 0, h - 1)
    lerp = xs_s - indices.astype(jnp.float32)
    x1 = jnp.minimum(x0 + 1, w - 1)
    y1 = jnp.minimum(y0 + 1, h - 1)
    wx = lerp[:, 0:1]
    wy = lerp[:, 1:2]
    out = (data[y0, x0] * (1.0 - wx) * (1.0 - wy)
           + data[y0, x1] * wx * (1.0 - wy)
           + data[y1, x0] * (1.0 - wx) * wy
           + data[y1, x1] * wx * wy)
    return out

if __name__ == "__main__":
    import jax
    _d = setup_inputs()
    print(jax.jit(kernel)(*tuple(_d.values())))

</pallas_src>

<mosaic_0001>
#map = affine_map<(d0, d1) -> (0)>
#map1 = affine_map<(d0, d1) -> (0, 0)>
module attributes {stable_mosaic.version = 14 : i64} {
  func.func @_body(%arg0: i32, %arg1: i32, %arg2: memref<2097152xf32, #tpu.memory_space<hbm>>, %arg3: memref<4194305x8xf32, #tpu.memory_space<hbm>>, %arg4: memref<3145728xf32, #tpu.memory_space<hbm>>, %arg5: memref<65536xf32, #tpu.memory_space<vmem>>, %arg6: memref<128xi32, #tpu.memory_space<vmem>>, %arg7: memref<128xi32, #tpu.memory_space<vmem>>, %arg8: memref<128xi32, #tpu.memory_space<vmem>>, %arg9: memref<128xi32, #tpu.memory_space<vmem>>, %arg10: memref<128xf32, #tpu.memory_space<vmem>>, %arg11: memref<128xf32, #tpu.memory_space<vmem>>, %arg12: memref<128x8xf32, #tpu.memory_space<vmem>>, %arg13: memref<128x8xf32, #tpu.memory_space<vmem>>, %arg14: memref<128x8xf32, #tpu.memory_space<vmem>>, %arg15: memref<128x8xf32, #tpu.memory_space<vmem>>, %arg16: memref<128xi32, #tpu.memory_space<vmem>>, %arg17: memref<128xi32, #tpu.memory_space<vmem>>, %arg18: memref<128xi32, #tpu.memory_space<vmem>>, %arg19: memref<128xi32, #tpu.memory_space<vmem>>, %arg20: memref<128xf32, #tpu.memory_space<vmem>>, %arg21: memref<128xf32, #tpu.memory_space<vmem>>, %arg22: memref<128x8xf32, #tpu.memory_space<vmem>>, %arg23: memref<128x8xf32, #tpu.memory_space<vmem>>, %arg24: memref<128x8xf32, #tpu.memory_space<vmem>>, %arg25: memref<128x8xf32, #tpu.memory_space<vmem>>, %arg26: memref<768xf32, #tpu.memory_space<vmem>>, %arg27: memref<!tpu.dma_semaphore, #tpu.memory_space<semaphore_mem>>, %arg28: memref<!tpu.dma_semaphore, #tpu.memory_space<semaphore_mem>>) attributes {dimension_semantics = [#tpu.dimension_semantics<core_parallel>, #tpu.dimension_semantics<subcore_parallel>], iteration_bounds = array<i64: 2, 16>, scalar_prefetch = 0 : i64, scratch_operands = 24 : i64, tpu.core_type = #tpu.core_type<sc_vector_subcore>, window_params = [{transform_indices = #map}, {transform_indices = #map1}, {transform_indices = #map}]} {
    %mul3A = arith.constant 2 : i32
    %mul3A_0 = arith.muli %arg1, %mul3A : i32
    %add3A = arith.addi %mul3A_0, %arg0 : i32
    %iota3A = tpu.iota {dimensions = array<i32: 0>} : vector<16xi32>
    %mul3A_1 = arith.constant 2 : i32
    %mul3A_2 = arith.muli %mul3A_1, %add3A : i32
    %mul3A_3 = arith.constant 32768 : i32
    %mul3A_4 = arith.muli %mul3A_2, %mul3A_3 : i32
    "tpu.region"() ({
      %run_scoped3A = tpu.sem_alloc : memref<!tpu.dma_semaphore, #tpu.memory_space<semaphore_mem>>
      %dma_start3A_1278 = tpu.memref_slice %arg2[%mul3A_4] : memref<2097152xf32, #tpu.memory_space<hbm>> -> memref<65536xf32, #tpu.memory_space<hbm>>
      %dma_start3A_1279 = tpu.memref_slice %arg2[%mul3A_4] : memref<2097152xf32, #tpu.memory_space<hbm>> -> memref<65536xf32, #tpu.memory_space<hbm>>
      tpu.enqueue_dma source(%dma_start3A_1279 : memref<65536xf32, #tpu.memory_space<hbm>>) target(%arg5 : memref<65536xf32, #tpu.memory_space<vmem>>) target_semaphore(%run_scoped3A : memref<!tpu.dma_semaphore, #tpu.memory_space<semaphore_mem>>)
      %dma_wait3A_1280 = tpu.memref_slice %arg2[%mul3A_4] : memref<2097152xf32, #tpu.memory_space<hbm>> -> memref<65536xf32, #tpu.memory_space<hbm>>
      %dma_wait3A_1281 = tpu.memref_slice %arg2[%mul3A_4] : memref<2097152xf32, #tpu.memory_space<hbm>> -> memref<65536xf32, #tpu.memory_space<hbm>>
      tpu.wait_dma2 semaphore(%run_scoped3A : memref<!tpu.dma_semaphore, #tpu.memory_space<semaphore_mem>>) src(%dma_wait3A_1281 : memref<65536xf32, #tpu.memory_space<hbm>>) dst(%arg5 : memref<65536xf32, #tpu.memory_space<vmem>>)
      tpu.yield
    }) : () -> ()
    %mul3A_5 = arith.constant 0 : i32
    %mul3A_6 = arith.constant 128 : i32
    %mul3A_7 = arith.muli %mul3A_5, %mul3A_6 : i32
    %add3A_8 = arith.constant 0 : i32
    %add3A_9 = arith.addi %mul3A_7, %add3A_8 : i32
    %add3A_10 = vector.broadcast %add3A_9 : i32 to vector<16xi32>
    %add3A_11 = arith.addi %add3A_10, %iota3A : vector<16xi32>
    %mul3A_12 = arith.constant 2 : i32
    %mul3A_13 = vector.broadcast %mul3A_12 : i32 to vector<16xi32>
    %mul3A_14 = arith.muli %mul3A_13, %add3A_11 : vector<16xi32>
    %gather3A = tpu.vector_load_idx %arg5[%mul3A_14] : memref<65536xf32, #tpu.memory_space<vmem>>[vector<16xi32>], vector<16xf32>,
    %add3A_15 = arith.constant 1 : i32
    %add3A_16 = vector.broadcast %add3A_15 : i32 to vector<16xi32>
    %add3A_17 = arith.addi %mul3A_14, %add3A_16 : vector<16xi32>
    %gather3A_18 = tpu.vector_load_idx %arg5[%add3A_17] : memref<65536xf32, #tpu.memory_space<vmem>>[vector<16xi32>], vector<16xf32>,
    %mul3A_19 = arith.constant 2.048000e+03 : f32
    %mul3A_20 = vector.broadcast %mul3A_19 : f32 to vector<16xf32>
    %mul3A_21 = arith.mulf %gather3A, %mul3A_20 : vector<16xf32>
    %mul3A_22 = arith.constant 2.048000e+03 : f32
    %mul3A_23 = vector.broadcast %mul3A_22 : f32 to vector<16xf32>
    %mul3A_24 = arith.mulf %gather3A_18, %mul3A_23 : vector<16xf32>
    %convert_element_type3A = arith.fptosi %mul3A_21 : vector<16xf32> to vector<16xi32>
    %convert_element_type3A_25 = arith.fptosi %mul3A_24 : vector<16xf32> to vector<16xi32>
    %convert_element_type3A_26 = arith.sitofp %convert_element_type3A : vector<16xi32> to vector<16xf32>
    %sub3A = arith.subf %mul3A_21, %convert_element_type3A_26 : vector<16xf32>
    %convert_element_type3A_27 = arith.sitofp %convert_element_type3A_25 : vector<16xi32> to vector<16xf32>
    %sub3A_28 = arith.subf %mul3A_24, %convert_element_type3A_27 : vector<16xf32>
    %max3A = arith.constant 0 : i32
    %max3A_29 = vector.broadcast %max3A : i32 to vector<16xi32>
    %max3A_30 = arith.maxsi %convert_element_type3A, %max3A_29 : vector<16xi32>
    %min3A = arith.constant 2047 : i32
    %min3A_31 = vector.broadcast %min3A : i32 to vector<16xi32>
    %min3A_32 = arith.minsi %max3A_30, %min3A_31 : vector<16xi32>
    %max3A_33 = arith.constant 0 : i32
    %max3A_34 = vector.broadcast %max3A_33 : i32 to vector<16xi32>
    %max3A_35 = arith.maxsi %convert_element_type3A_25, %max3A_34 : vector<16xi32>
    %min3A_36 = arith.constant 2047 : i32
    %min3A_37 = vector.broadcast %min3A_36 : i32 to vector<16xi32>
    %min3A_38 = arith.minsi %max3A_35, %min3A_37 : vector<16xi32>
    %add3A_39 = arith.constant 1 : i32
    %add3A_40 = vector.broadcast %add3A_39 : i32 to vector<16xi32>
    %add3A_41 = arith.addi %min3A_38, %add3A_40 : vector<16xi32>
    %min3A_42 = arith.constant 2047 : i32
    %min3A_43 = vector.broadcast %min3A_42 : i32 to vector<16xi32>
    %min3A_44 = arith.minsi %add3A_41, %min3A_43 : vector<16xi32>
    %ge3A = arith.constant 2047 : i32
    %ge3A_45 = vector.broadcast %ge3A : i32 to vector<16xi32>
    %ge3A_46 = arith.cmpi sge, %min3A_32, %ge3A_45 : vector<16xi32>
    %jit3A = arith.constant 0.000000e+00 : f32
    %broadcast_in_dim3A = vector.broadcast %jit3A : f32 to vector<16xf32>
    %select_n3A = arith.select %ge3A_46, %broadcast_in_dim3A, %sub3A : vector<16xi1>, vector<16xf32>
    %mul3A_47 = arith.constant 2048 : i32
    %mul3A_48 = vector.broadcast %mul3A_47 : i32 to vector<16xi32>
    %mul3A_49 = arith.muli %min3A_38, %mul3A_48 : vector<16xi32>
    %add3A_50 = arith.addi %mul3A_49, %min3A_32 : vector<16xi32>
    %mul3A_51 = arith.constant 2048 : i32
    %mul3A_52 = vector.broadcast %mul3A_51 : i32 to vector<16xi32>
    %mul3A_53 = arith.muli %min3A_44, %mul3A_52 : vector<16xi32>
    %add3A_54 = arith.addi %mul3A_53, %min3A_32 : vector<16xi32>
    %swap3A = arith.constant 0 : index
    %swap3A_55 = tpu.vector_load %arg6[%swap3A] {strides = array<i32>} : memref<128xi32, #tpu.memory_space<vmem>>, vector<16xi32>,
    tpu.vector_store %arg6[%swap3A], %add3A_50 {strides = array<i32>} : memref<128xi32, #tpu.memory_space<vmem>>, vector<16xi32>,
    %add3A_56 = arith.constant 1 : i32
    %add3A_57 = vector.broadcast %add3A_56 : i32 to vector<16xi32>
    %add3A_58 = arith.addi %add3A_50, %add3A_57 : vector<16xi32>
    %swap3A_59 = arith.constant 0 : index
    %swap3A_60 = tpu.vector_load %arg7[%swap3A_59] {strides = array<i32>} : memref<128xi32, #tpu.memory_space<vmem>>, vector<16xi32>,
    tpu.vector_store %arg7[%swap3A_59], %add3A_58 {strides = array<i32>} : memref<128xi32, #tpu.memory_space<vmem>>, vector<16xi32>,
    %swap3A_61 = arith.constant 0 : index
    %swap3A_62 = tpu.vector_load %arg8[%swap3A_61] {strides = array<i32>} : memref<128xi32, #tpu.memory_space<vmem>>, vector<16xi32>,
    tpu.vector_store %arg8[%swap3A_61], %add3A_54 {strides = array<i32>} : memref<128xi32, #tpu.memory_space<vmem>>, vector<16xi32>,
    %add3A_63 = arith.constant 1 : i32
    %add3A_64 = vector.broadcast %add3A_63 : i32 to vector<16xi32>
    %add3A_65 = arith.addi %add3A_54, %add3A_64 : vector<16xi32>
    %swap3A_66 = arith.constant 0 : index
    %swap3A_67 = tpu.vector_load %arg9[%swap3A_66] {strides = array<i32>} : memref<128xi32, #tpu.memory_space<vmem>>, vector<16xi32>,
    tpu.vector_store %arg9[%swap3A_66], %add3A_65 {strides = array<i32>} : memref<128xi32, #tpu.memory_space<vmem>>, vector<16xi32>,
    %swap3A_68 = arith.constant 0 : index
    %swap3A_69 = tpu.vector_load %arg10[%swap3A_68] {strides = array<i32>} : memref<128xf32, #tpu.memory_space<vmem>>, vector<16xf32>,
    tpu.vector_store %arg10[%swap3A_68], %select_n3A {strides = array<i32>} : memref<128xf32, #tpu.memory_space<vmem>>, vector<16xf32>,
    %swap3A_70 = arith.constant 0 : index
    %swap3A_71 = tpu.vector_load %arg11[%swap3A_70] {strides = array<i32>} : memref<128xf32, #tpu.memory_space<vmem>>, vector<16xf32>,
    tpu.vector_store %arg11[%swap3A_70], %sub3A_28 {strides = array<i32>} : memref<128xf32, #tpu.memory_space<vmem>>, vector<16xf32>,
    %mul3A_72 = arith.constant 0 : i32
    %mul3A_73 = arith.constant 128 : i32
    %mul3A_74 = arith.muli %mul3A_72, %mul3A_73 : i32
    %add3A_75 = arith.constant 16 : i32
    %add3A_76 = arith.addi %mul3A_74, %add3A_75 : i32
    %add3A_77 = vector.broadcast %add3A_76 : i32 to vector<16xi32>
    %add3A_78 = arith.addi %add3A_77, %iota3A : vector<16xi32>
    %mul3A_79 = arith.constant 2 : i32
    %mul3A_80 = vector.broadcast %mul3A_79 : i32 to vector<16xi32>
    %mul3A_81 = arith.muli %mul3A_80, %add3A_78 : vector<16xi32>
    %gather3A_82 = tpu.vector_load_idx %arg5[%mul3A_81] : memref<65536xf32, #tpu.memory_space<vmem>>[vector<16xi32>], vector<16xf32>,
    %add3A_83 = arith.constant 1 : i32
    %add3A_84 = vector.broadcast %add3A_83 : i32 to vector<16xi32>
    %add3A_85 = arith.addi %mul3A_81, %add3A_84 : vector<16xi32>
    %gather3A_86 = tpu.vector_load_idx %arg5[%add3A_85] : memref<65536xf32, #tpu.memory_space<vmem>>[vector<16xi32>], vector<16xf32>,
    %mul3A_87 = arith.constant 2.048000e+03 : f32
    %mul3A_88 = vector.broadcast %mul3A_87 : f32 to vector<16xf32>
    %mul3A_89 = arith.mulf %gather3A_82, %mul3A_88 : vector<16xf32>
    %mul3A_90 = arith.constant 2.048000e+03 : f32
    %mul3A_91 = vector.broadcast %mul3A_90 : f32 to vector<16xf32>
    %mul3A_92 = arith.mulf %gather3A_86, %mul3A_91 : vector<16xf32>
    %convert_element_type3A_93 = arith.fptosi %mul3A_89 : vector<16xf32> to vector<16xi32>
    %convert_element_type3A_94 = arith.fptosi %mul3A_92 : vector<16xf32> to vector<16xi32>
    %convert_element_type3A_95 = arith.sitofp %convert_element_type3A_93 : vector<16xi32> to vector<16xf32>
    %sub3A_96 = arith.subf %mul3A_89, %convert_element_type3A_95 : vector<16xf32>
    %convert_element_type3A_97 = arith.sitofp %convert_element_type3A_94 : vector<16xi32> to vector<16xf32>
    %sub3A_98 = arith.subf %mul3A_92, %convert_element_type3A_97 : vector<16xf32>
    %max3A_99 = arith.constant 0 : i32
    %max3A_100 = vector.broadcast %max3A_99 : i32 to vector<16xi32>
    %max3A_101 = arith.maxsi %convert_element_type3A_93, %max3A_100 : vector<16xi32>
    %min3A_102 = arith.constant 2047 : i32
    %min3A_103 = vector.broadcast %min3A_102 : i32 to vector<16xi32>
    %min3A_104 = arith.minsi %max3A_101, %min3A_103 : vector<16xi32>
    %max3A_105 = arith.constant 0 : i32
    %max3A_106 = vector.broadcast %max3A_105 : i32 to vector<16xi32>
    %max3A_107 = arith.maxsi %convert_element_type3A_94, %max3A_106 : vector<16xi32>
    %min3A_108 = arith.constant 2047 : i32
    %min3A_109 = vector.broadcast %min3A_108 : i32 to vector<16xi32>
    %min3A_110 = arith.minsi %max3A_107, %min3A_109 : vector<16xi32>
    %add3A_111 = arith.constant 1 : i32
    %add3A_112 = vector.broadcast %add3A_111 : i32 to vector<16xi32>
    %add3A_113 = arith.addi %min3A_110, %add3A_112 : vector<16xi32>
    %min3A_114 = arith.constant 2047 : i32
    %min3A_115 = vector.broadcast %min3A_114 : i32 to vector<16xi32>
    %min3A_116 = arith.minsi %add3A_113, %min3A_115 : vector<16xi32>
    %ge3A_117 = arith.constant 2047 : i32
    %ge3A_118 = vector.broadcast %ge3A_117 : i32 to vector<16xi32>
    %ge3A_119 = arith.cmpi sge, %min3A_104, %ge3A_118 : vector<16xi32>
    %jit3A_120 = arith.constant 0.000000e+00 : f32
    %broadcast_in_dim3A_121 = vector.broadcast %jit3A_120 : f32 to vector<16xf32>
    %select_n3A_122 = arith.select %ge3A_119, %broadcast_in_dim3A_121, %sub3A_96 : vector<16xi1>, vector<16xf32>
    %mul3A_123 = arith.constant 2048 : i32
    %mul3A_124 = vector.broadcast %mul3A_123 : i32 to vector<16xi32>
    %mul3A_125 = arith.muli %min3A_110, %mul3A_124 : vector<16xi32>
    %add3A_126 = arith.addi %mul3A_125, %min3A_104 : vector<16xi32>
    %mul3A_127 = arith.constant 2048 : i32
    %mul3A_128 = vector.broadcast %mul3A_127 : i32 to vector<16xi32>
    %mul3A_129 = arith.muli %min3A_116, %mul3A_128 : vector<16xi32>
    %add3A_130 = arith.addi %mul3A_129, %min3A_104 : vector<16xi32>
    %swap3A_131 = arith.constant 16 : index
    %swap3A_132 = tpu.vector_load %arg6[%swap3A_131] {strides = array<i32>} : memref<128xi32, #tpu.memory_space<vmem>>, vector<16xi32>,
    tpu.vector_store %arg6[%swap3A_131], %add3A_126 {strides = array<i32>} : memref<128xi32, #tpu.memory_space<vmem>>, vector<16xi32>,
    %add3A_133 = arith.constant 1 : i32
    %add3A_134 = vector.broadcast %add3A_133 : i32 to vector<16xi32>
    %add3A_135 = arith.addi %add3A_126, %add3A_134 : vector<16xi32>
    %swap3A_136 = arith.constant 16 : index
    %swap3A_137 = tpu.vector_load %arg7[%swap3A_136] {strides = array<i32>} : memref<128xi32, #tpu.memory_space<vmem>>, vector<16xi32>,
    tpu.vector_store %arg7[%swap3A_136], %add3A_135 {strides = array<i32>} : memref<128xi32, #tpu.memory_space<vmem>>, vector<16xi32>,
    %swap3A_138 = arith.constant 16 : index
    %swap3A_139 = tpu.vector_load %arg8[%swap3A_138] {strides = array<i32>} : memref<128xi32, #tpu.memory_space<vmem>>, vector<16xi32>,
    tpu.vector_store %arg8[%swap3A_138], %add3A_130 {strides = array<i32>} : memref<128xi32, #tpu.memory_space<vmem>>, vector<16xi32>,
    %add3A_140 = arith.constant 1 : i32
    %add3A_141 = vector.broadcast %add3A_140 : i32 to vector<16xi32>
    %add3A_142 = arith.addi %add3A_130, %add3A_141 : vector<16xi32>
    %swap3A_143 = arith.constant 16 : index
    %swap3A_144 = tpu.vector_load %arg9[%swap3A_143] {strides = array<i32>} : memref<128xi32, #tpu.memory_space<vmem>>, vector<16xi32>,
    tpu.vector_store %arg9[%swap3A_143], %add3A_142 {strides = array<i32>} : memref<128xi32, #tpu.memory_space<vmem>>, vector<16xi32>,
    %swap3A_145 = arith.constant 16 : index
    %swap3A_146 = tpu.vector_load %arg10[%swap3A_145] {strides = array<i32>} : memref<128xf32, #tpu.memory_space<vmem>>, vector<16xf32>,
    tpu.vector_store %arg10[%swap3A_145], %select_n3A_122 {strides = array<i32>} : memref<128xf32, #tpu.memory_space<vmem>>, vector<16xf32>,
    %swap3A_147 = arith.constant 16 : index
    %swap3A_148 = tpu.vector_load %arg11[%swap3A_147] {strides = array<i32>} : memref<128xf32, #tpu.memory_space<vmem>>, vector<16xf32>,
    tpu.vector_store %arg11[%swap3A_147], %sub3A_98 {strides = array<i32>} : memref<128xf32, #tpu.memory_space<vmem>>, vector<16xf32>,
    %mul3A_149 = arith.constant 0 : i32
    %mul3A_150 = arith.constant 128 : i32
    %mul3A_151 = arith.muli %mul3A_149, %mul3A_150 : i32
    %add3A_152 = arith.constant 32 : i32
    %add3A_153 = arith.addi %mul3A_151, %add3A_152 : i32
    %add3A_154 = vector.broadcast %add3A_153 : i32 to vector<16xi32>
    %add3A_155 = arith.addi %add3A_154, %iota3A : vector<16xi32>
    %mul3A_156 = arith.constant 2 : i32
    %mul3A_157 = vector.broadcast %mul3A_156 : i32 to vector<16xi32>
    %mul3A_158 = arith.muli %mul3A_157, %add3A_155 : vector<16xi32>
    %gather3A_159 = tpu.vector_load_idx %arg5[%mul3A_158] : memref<65536xf32, #tpu.memory_space<vmem>>[vector<16xi32>], vector<16xf32>,
    %add3A_160 = arith.constant 1 : i32
    %add3A_161 = vector.broadcast %add3A_160 : i32 to vector<16xi32>
    %add3A_162 = arith.addi %mul3A_158, %add3A_161 : vector<16xi32>
    %gather3A_163 = tpu.vector_load_idx %arg5[%add3A_162] : memref<65536xf32, #tpu.memory_space<vmem>>[vector<16xi32>], vector<16xf32>,
    %mul3A_164 = arith.constant 2.048000e+03 : f32
    %mul3A_165 = vector.broadcast %mul3A_164 : f32 to vector<16xf32>
    %mul3A_166 = arith.mulf %gather3A_159, %mul3A_165 : vector<16xf32>
    %mul3A_167 = arith.constant 2.048000e+03 : f32
    %mul3A_168 = vector.broadcast %mul3A_167 : f32 to vector<16xf32>
    %mul3A_169 = arith.mulf %gather3A_163, %mul3A_168 : vector<16xf32>
    %convert_element_type3A_170 = arith.fptosi %mul3A_166 : vector<16xf32> to vector<16xi32>
    %convert_element_type3A_171 = arith.fptosi %mul3A_169 : vector<16xf32> to vector<16xi32>
    %convert_element_type3A_172 = arith.sitofp %convert_element_type3A_170 : vector<16xi32> to vector<16xf32>
    %sub3A_173 = arith.subf %mul3A_166, %convert_element_type3A_172 : vector<16xf32>
    %convert_element_type3A_174 = arith.sitofp %convert_element_type3A_171 : vector<16xi32> to vector<16xf32>
    %sub3A_175 = arith.subf %mul3A_169, %convert_element_type3A_174 : vector<16xf32>
    %max3A_176 = arith.constant 0 : i32
    %max3A_177 = vector.broadcast %max3A_176 : i32 to vector<16xi32>
    %max3A_178 = arith.maxsi %convert_element_type3A_170, %max3A_177 : vector<16xi32>
    %min3A_179 = arith.constant 2047 : i32
    %min3A_180 = vector.broadcast %min3A_179 : i32 to vector<16xi32>
    %min3A_181 = arith.minsi %max3A_178, %min3A_180 : vector<16xi32>
    %max3A_182 = arith.constant 0 : i32
    %max3A_183 = vector.broadcast %max3A_182 : i32 to vector<16xi32>
    %max3A_184 = arith.maxsi %convert_element_type3A_171, %max3A_183 : vector<16xi32>
    %min3A_185 = arith.constant 2047 : i32
    %min3A_186 = vector.broadcast %min3A_185 : i32 to vector<16xi32>
    %min3A_187 = arith.minsi %max3A_184, %min3A_186 : vector<16xi32>
    %add3A_188 = arith.constant 1 : i32
    %add3A_189 = vector.broadcast %add3A_188 : i32 to vector<16xi32>
    %add3A_190 = arith.addi %min3A_187, %add3A_189 : vector<16xi32>
    %min3A_191 = arith.constant 2047 : i32
    %min3A_192 = vector.broadcast %min3A_191 : i32 to vector<16xi32>
    %min3A_193 = arith.minsi %add3A_190, %min3A_192 : vector<16xi32>
    %ge3A_194 = arith.constant 2047 : i32
    %ge3A_195 = vector.broadcast %ge3A_194 : i32 to vector<16xi32>
    %ge3A_196 = arith.cmpi sge, %min3A_181, %ge3A_195 : vector<16xi32>
    %jit3A_197 = arith.constant 0.000000e+00 : f32
    %broadcast_in_dim3A_198 = vector.broadcast %jit3A_197 : f32 to vector<16xf32>
    %select_n3A_199 = arith.select %ge3A_196, %broadcast_in_dim3A_198, %sub3A_173 : vector<16xi1>, vector<16xf32>
    %mul3A_200 = arith.constant 2048 : i32
    %mul3A_201 = vector.broadcast %mul3A_200 : i32 to vector<16xi32>
    %mul3A_202 = arith.muli %min3A_187, %mul3A_201 : vector<16xi32>
    %add3A_203 = arith.addi %mul3A_202, %min3A_181 : vector<16xi32>
    %mul3A_204 = arith.constant 2048 : i32
    %mul3A_205 = vector.broadcast %mul3A_204 : i32 to vector<16xi32>
    %mul3A_206 = arith.muli %min3A_193, %mul3A_205 : vector<16xi32>
    %add3A_207 = arith.addi %mul3A_206, %min3A_181 : vector<16xi32>
    %swap3A_208 = arith.constant 32 : index
    %swap3A_209 = tpu.vector_load %arg6[%swap3A_208] {strides = array<i32>} : memref<128xi32, #tpu.memory_space<vmem>>, vector<16xi32>,
    tpu.vector_store %arg6[%swap3A_208], %add3A_203 {strides = array<i32>} : memref<128xi32, #tpu.memory_space<vmem>>, vector<16xi32>,
    %add3A_210 = arith.constant 1 : i32
    %add3A_211 = vector.broadcast %add3A_210 : i32 to vector<16xi32>
    %add3A_212 = arith.addi %add3A_203, %add3A_211 : vector<16xi32>
    %swap3A_213 = arith.constant 32 : index
    %swap3A_214 = tpu.vector_load %arg7[%swap3A_213] {strides = array<i32>} : memref<128xi32, #tpu.memory_space<vmem>>, vector<16xi32>,
    tpu.vector_store %arg7[%swap3A_213], %add3A_212 {strides = array<i32>} : memref<128xi32, #tpu.memory_space<vmem>>, vector<16xi32>,
    %swap3A_215 = arith.constant 32 : index
    %swap3A_216 = tpu.vector_load %arg8[%swap3A_215] {strides = array<i32>} : memref<128xi32, #tpu.memory_space<vmem>>, vector<16xi32>,
    tpu.vector_store %arg8[%swap3A_215], %add3A_207 {strides = array<i32>} : memref<128xi32, #tpu.memory_space<vmem>>, vector<16xi32>,
    %add3A_217 = arith.constant 1 : i32
    %add3A_218 = vector.broadcast %add3A_217 : i32 to vector<16xi32>
    %add3A_219 = arith.addi %add3A_207, %add3A_218 : vector<16xi32>
    %swap3A_220 = arith.constant 32 : index
    %swap3A_221 = tpu.vector_load %arg9[%swap3A_220] {strides = array<i32>} : memref<128xi32, #tpu.memory_space<vmem>>, vector<16xi32>,
    tpu.vector_store %arg9[%swap3A_220], %add3A_219 {strides = array<i32>} : memref<128xi32, #tpu.memory_space<vmem>>, vector<16xi32>,
    %swap3A_222 = arith.constant 32 : index
    %swap3A_223 = tpu.vector_load %arg10[%swap3A_222] {strides = array<i32>} : memref<128xf32, #tpu.memory_space<vmem>>, vector<16xf32>,
    tpu.vector_store %arg10[%swap3A_222], %select_n3A_199 {strides = array<i32>} : memref<128xf32, #tpu.memory_space<vmem>>, vector<16xf32>,
    %swap3A_224 = arith.constant 32 : index
    %swap3A_225 = tpu.vector_load %arg11[%swap3A_224] {strides = array<i32>} : memref<128xf32, #tpu.memory_space<vmem>>, vector<16xf32>,
    tpu.vector_store %arg11[%swap3A_224], %sub3A_175 {strides = array<i32>} : memref<128xf32, #tpu.memory_space<vmem>>, vector<16xf32>,
    %mul3A_226 = arith.constant 0 : i32
    %mul3A_227 = arith.constant 128 : i32
    %mul3A_228 = arith.muli %mul3A_226, %mul3A_227 : i32
    %add3A_229 = arith.constant 48 : i32
    %add3A_230 = arith.addi %mul3A_228, %add3A_229 : i32
    %add3A_231 = vector.broadcast %add3A_230 : i32 to vector<16xi32>
    %add3A_232 = arith.addi %add3A_231, %iota3A : vector<16xi32>
    %mul3A_233 = arith.constant 2 : i32
    %mul3A_234 = vector.broadcast %mul3A_233 : i32 to vector<16xi32>
    %mul3A_235 = arith.muli %mul3A_234, %add3A_232 : vector<16xi32>
    %gather3A_236 = tpu.vector_load_idx %arg5[%mul3A_235] : memref<65536xf32, #tpu.memory_space<vmem>>[vector<16xi32>], vector<16xf32>,
    %add3A_237 = arith.constant 1 : i32
    %add3A_238 = vector.broadcast %add3A_237 : i32 to vector<16xi32>
    %add3A_239 = arith.addi %mul3A_235, %add3A_238 : vector<16xi32>
    %gather3A_240 = tpu.vector_load_idx %arg5[%add3A_239] : memref<65536xf32, #tpu.memory_space<vmem>>[vector<16xi32>], vector<16xf32>,
    %mul3A_241 = arith.constant 2.048000e+03 : f32
    %mul3A_242 = vector.broadcast %mul3A_241 : f32 to vector<16xf32>
    %mul3A_243 = arith.mulf %gather3A_236, %mul3A_242 : vector<16xf32>
    %mul3A_244 = arith.constant 2.048000e+03 : f32
    %mul3A_245 = vector.broadcast %mul3A_244 : f32 to vector<16xf32>
    %mul3A_246 = arith.mulf %gather3A_240, %mul3A_245 : vector<16xf32>
    %convert_element_type3A_247 = arith.fptosi %mul3A_243 : vector<16xf32> to vector<16xi32>
    %convert_element_type3A_248 = arith.fptosi %mul3A_246 : vector<16xf32> to vector<16xi32>
    %convert_element_type3A_249 = arith.sitofp %convert_element_type3A_247 : vector<16xi32> to vector<16xf32>
    %sub3A_250 = arith.subf %mul3A_243, %convert_element_type3A_249 : vector<16xf32>
    %convert_element_type3A_251 = arith.sitofp %convert_element_type3A_248 : vector<16xi32> to vector<16xf32>
    %sub3A_252 = arith.subf %mul3A_246, %convert_element_type3A_251 : vector<16xf32>
    %max3A_253 = arith.constant 0 : i32
    %max3A_254 = vector.broadcast %max3A_253 : i32 to vector<16xi32>
    %max3A_255 = arith.maxsi %convert_element_type3A_247, %max3A_254 : vector<16xi32>
    %min3A_256 = arith.constant 2047 : i32
    %min3A_257 = vector.broadcast %min3A_256 : i32 to vector<16xi32>
    %min3A_258 = arith.minsi %max3A_255, %min3A_257 : vector<16xi32>
    %max3A_259 = arith.constant 0 : i32
    %max3A_260 = vector.broadcast %max3A_259 : i32 to vector<16xi32>
    %max3A_261 = arith.maxsi %convert_element_type3A_248, %max3A_260 : vector<16xi32>
    %min3A_262 = arith.constant 2047 : i32
    %min3A_263 = vector.broadcast %min3A_262 : i32 to vector<16xi32>
    %min3A_264 = arith.minsi %max3A_261, %min3A_263 : vector<16xi32>
    %add3A_265 = arith.constant 1 : i32
    %add3A_266 = vector.broadcast %add3A_265 : i32 to vector<16xi32>
    %add3A_267 = arith.addi %min3A_264, %add3A_266 : vector<16xi32>
    %min3A_268 = arith.constant 2047 : i32
    %min3A_269 = vector.broadcast %min3A_268 : i32 to vector<16xi32>
    %min3A_270 = arith.minsi %add3A_267, %min3A_269 : vector<16xi32>
    %ge3A_271 = arith.constant 2047 : i32
    %ge3A_272 = vector.broadcast %ge3A_271 : i32 to vector<16xi32>
    %ge3A_273 = arith.cmpi sge, %min3A_258, %ge3A_272 : vector<16xi32>
    %jit3A_274 = arith.constant 0.000000e+00 : f32
    %broadcast_in_dim3A_275 = vector.broadcast %jit3A_274 : f32 to vector<16xf32>
    %select_n3A_276 = arith.select %ge3A_273, %broadcast_in_dim3A_275, %sub3A_250 : vector<16xi1>, vector<16xf32>
    %mul3A_277 = arith.constant 2048 : i32
    %mul3A_278 = vector.broadcast %mul3A_277 : i32 to vector<16xi32>
    %mul3A_279 = arith.muli %min3A_264, %mul3A_278 : vector<16xi32>
    %add3A_280 = arith.addi %mul3A_279, %min3A_258 : vector<16xi32>
    %mul3A_281 = arith.constant 2048 : i32
    %mul3A_282 = vector.broadcast %mul3A_281 : i32 to vector<16xi32>
    %mul3A_283 = arith.muli %min3A_270, %mul3A_282 : vector<16xi32>
    %add3A_284 = arith.addi %mul3A_283, %min3A_258 : vector<16xi32>
    %swap3A_285 = arith.constant 48 : index
    %swap3A_286 = tpu.vector_load %arg6[%swap3A_285] {strides = array<i32>} : memref<128xi32, #tpu.memory_space<vmem>>, vector<16xi32>,
    tpu.vector_store %arg6[%swap3A_285], %add3A_280 {strides = array<i32>} : memref<128xi32, #tpu.memory_space<vmem>>, vector<16xi32>,
    %add3A_287 = arith.constant 1 : i32
    %add3A_288 = vector.broadcast %add3A_287 : i32 to vector<16xi32>
    %add3A_289 = arith.addi %add3A_280, %add3A_288 : vector<16xi32>
    %swap3A_290 = arith.constant 48 : index
    %swap3A_291 = tpu.vector_load %arg7[%swap3A_290] {strides = array<i32>} : memref<128xi32, #tpu.memory_space<vmem>>, vector<16xi32>,
    tpu.vector_store %arg7[%swap3A_290], %add3A_289 {strides = array<i32>} : memref<128xi32, #tpu.memory_space<vmem>>, vector<16xi32>,
    %swap3A_292 = arith.constant 48 : index
    %swap3A_293 = tpu.vector_load %arg8[%swap3A_292] {strides = array<i32>} : memref<128xi32, #tpu.memory_space<vmem>>, vector<16xi32>,
    tpu.vector_store %arg8[%swap3A_292], %add3A_284 {strides = array<i32>} : memref<128xi32, #tpu.memory_space<vmem>>, vector<16xi32>,
    %add3A_294 = arith.constant 1 : i32
    %add3A_295 = vector.broadcast %add3A_294 : i32 to vector<16xi32>
    %add3A_296 = arith.addi %add3A_284, %add3A_295 : vector<16xi32>
    %swap3A_297 = arith.constant 48 : index
    %swap3A_298 = tpu.vector_load %arg9[%swap3A_297] {strides = array<i32>} : memref<128xi32, #tpu.memory_space<vmem>>, vector<16xi32>,
    tpu.vector_store %arg9[%swap3A_297], %add3A_296 {strides = array<i32>} : memref<128xi32, #tpu.memory_space<vmem>>, vector<16xi32>,
    %swap3A_299 = arith.constant 48 : index
    %swap3A_300 = tpu.vector_load %arg10[%swap3A_299] {strides = array<i32>} : memref<128xf32, #tpu.memory_space<vmem>>, vector<16xf32>,
    tpu.vector_store %arg10[%swap3A_299], %select_n3A_276 {strides = array<i32>} : memref<128xf32, #tpu.memory_space<vmem>>, vector<16xf32>,
    %swap3A_301 = arith.constant 48 : index
    %swap3A_302 = tpu.vector_load %arg11[%swap3A_301] {strides = array<i32>} : memref<128xf32, #tpu.memory_space<vmem>>, vector<16xf32>,
    tpu.vector_store %arg11[%swap3A_301], %sub3A_252 {strides = array<i32>} : memref<128xf32, #tpu.memory_space<vmem>>, vector<16xf32>,
    %mul3A_303 = arith.constant 0 : i32
    %mul3A_304 = arith.constant 128 : i32
    %mul3A_305 = arith.muli %mul3A_303, %mul3A_304 : i32
    %add3A_306 = arith.constant 64 : i32
    %add3A_307 = arith.addi %mul3A_305, %add3A_306 : i32
    %add3A_308 = vector.broadcast %add3A_307 : i32 to vector<16xi32>
    %add3A_309 = arith.addi %add3A_308, %iota3A : vector<16xi32>
    %mul3A_310 = arith.constant 2 : i32
    %mul3A_311 = vector.broadcast %mul3A_310 : i32 to vector<16xi32>
    %mul3A_312 = arith.muli %mul3A_311, %add3A_309 : vector<16xi32>
    %gather3A_313 = tpu.vector_load_idx %arg5[%mul3A_312] : memref<65536xf32, #tpu.memory_space<vmem>>[vector<16xi32>], vector<16xf32>,
    %add3A_314 = arith.constant 1 : i32
    %add3A_315 = vector.broadcast %add3A_314 : i32 to vector<16xi32>
    %add3A_316 = arith.addi %mul3A_312, %add3A_315 : vector<16xi32>
    %gather3A_317 = tpu.vector_load_idx %arg5[%add3A_316] : memref<65536xf32, #tpu.memory_space<vmem>>[vector<16xi32>], vector<16xf32>,
    %mul3A_318 = arith.constant 2.048000e+03 : f32
    %mul3A_319 = vector.broadcast %mul3A_318 : f32 to vector<16xf32>
    %mul3A_320 = arith.mulf %gather3A_313, %mul3A_319 : vector<16xf32>
    %mul3A_321 = arith.constant 2.048000e+03 : f32
    %mul3A_322 = vector.broadcast %mul3A_321 : f32 to vector<16xf32>
    %mul3A_323 = arith.mulf %gather3A_317, %mul3A_322 : vector<16xf32>
    %convert_element_type3A_324 = arith.fptosi %mul3A_320 : vector<16xf32> to vector<16xi32>
    %convert_element_type3A_325 = arith.fptosi %mul3A_323 : vector<16xf32> to vector<16xi32>
    %convert_element_type3A_326 = arith.sitofp %convert_element_type3A_324 : vector<16xi32> to vector<16xf32>
    %sub3A_327 = arith.subf %mul3A_320, %convert_element_type3A_326 : vector<16xf32>
    %convert_element_type3A_328 = arith.sitofp %convert_element_type3A_325 : vector<16xi32> to vector<16xf32>
    %sub3A_329 = arith.subf %mul3A_323, %convert_element_type3A_328 : vector<16xf32>
    %max3A_330 = arith.constant 0 : i32
    %max3A_331 = vector.broadcast %max3A_330 : i32 to vector<16xi32>
    %max3A_332 = arith.maxsi %convert_element_type3A_324, %max3A_331 : vector<16xi32>
    %min3A_333 = arith.constant 2047 : i32
    %min3A_334 = vector.broadcast %min3A_333 : i32 to vector<16xi32>
    %min3A_335 = arith.minsi %max3A_332, %min3A_334 : vector<16xi32>
    %max3A_336 = arith.constant 0 : i32
    %max3A_337 = vector.broadcast %max3A_336 : i32 to vector<16xi32>
    %max3A_338 = arith.maxsi %convert_element_type3A_325, %max3A_337 : vector<16xi32>
    %min3A_339 = arith.constant 2047 : i32
    %min3A_340 = vector.broadcast %min3A_339 : i32 to vector<16xi32>
    %min3A_341 = arith.minsi %max3A_338, %min3A_340 : vector<16xi32>
    %add3A_342 = arith.constant 1 : i32
    %add3A_343 = vector.broadcast %add3A_342 : i32 to vector<16xi32>
    %add3A_344 = arith.addi %min3A_341, %add3A_343 : vector<16xi32>
    %min3A_345 = arith.constant 2047 : i32
    %min3A_346 = vector.broadcast %min3A_345 : i32 to vector<16xi32>
    %min3A_347 = arith.minsi %add3A_344, %min3A_346 : vector<16xi32>
    %ge3A_348 = arith.constant 2047 : i32
    %ge3A_349 = vector.broadcast %ge3A_348 : i32 to vector<16xi32>
    %ge3A_350 = arith.cmpi sge, %min3A_335, %ge3A_349 : vector<16xi32>
    %jit3A_351 = arith.constant 0.000000e+00 : f32
    %broadcast_in_dim3A_352 = vector.broadcast %jit3A_351 : f32 to vector<16xf32>
    %select_n3A_353 = arith.select %ge3A_350, %broadcast_in_dim3A_352, %sub3A_327 : vector<16xi1>, vector<16xf32>
    %mul3A_354 = arith.constant 2048 : i32
    %mul3A_355 = vector.broadcast %mul3A_354 : i32 to vector<16xi32>
    %mul3A_356 = arith.muli %min3A_341, %mul3A_355 : vector<16xi32>
    %add3A_357 = arith.addi %mul3A_356, %min3A_335 : vector<16xi32>
    %mul3A_358 = arith.constant 2048 : i32
    %mul3A_359 = vector.broadcast %mul3A_358 : i32 to vector<16xi32>
    %mul3A_360 = arith.muli %min3A_347, %mul3A_359 : vector<16xi32>
    %add3A_361 = arith.addi %mul3A_360, %min3A_335 : vector<16xi32>
    %swap3A_362 = arith.constant 64 : index
    %swap3A_363 = tpu.vector_load %arg6[%swap3A_362] {strides = array<i32>} : memref<128xi32, #tpu.memory_space<vmem>>, vector<16xi32>,
    tpu.vector_store %arg6[%swap3A_362], %add3A_357 {strides = array<i32>} : memref<128xi32, #tpu.memory_space<vmem>>, vector<16xi32>,
    %add3A_364 = arith.constant 1 : i32
    %add3A_365 = vector.broadcast %add3A_364 : i32 to vector<16xi32>
    %add3A_366 = arith.addi %add3A_357, %add3A_365 : vector<16xi32>
    %swap3A_367 = arith.constant 64 : index
    %swap3A_368 = tpu.vector_load %arg7[%swap3A_367] {strides = array<i32>} : memref<128xi32, #tpu.memory_space<vmem>>, vector<16xi32>,
    tpu.vector_store %arg7[%swap3A_367], %add3A_366 {strides = array<i32>} : memref<128xi32, #tpu.memory_space<vmem>>, vector<16xi32>,
    %swap3A_369 = arith.constant 64 : index
    %swap3A_370 = tpu.vector_load %arg8[%swap3A_369] {strides = array<i32>} : memref<128xi32, #tpu.memory_space<vmem>>, vector<16xi32>,
    tpu.vector_store %arg8[%swap3A_369], %add3A_361 {strides = array<i32>} : memref<128xi32, #tpu.memory_space<vmem>>, vector<16xi32>,
    %add3A_371 = arith.constant 1 : i32
    %add3A_372 = vector.broadcast %add3A_371 : i32 to vector<16xi32>
    %add3A_373 = arith.addi %add3A_361, %add3A_372 : vector<16xi32>
    %swap3A_374 = arith.constant 64 : index
    %swap3A_375 = tpu.vector_load %arg9[%swap3A_374] {strides = array<i32>} : memref<128xi32, #tpu.memory_space<vmem>>, vector<16xi32>,
    tpu.vector_store %arg9[%swap3A_374], %add3A_373 {strides = array<i32>} : memref<128xi32, #tpu.memory_space<vmem>>, vector<16xi32>,
    %swap3A_376 = arith.constant 64 : index
    %swap3A_377 = tpu.vector_load %arg10[%swap3A_376] {strides = array<i32>} : memref<128xf32, #tpu.memory_space<vmem>>, vector<16xf32>,
    tpu.vector_store %arg10[%swap3A_376], %select_n3A_353 {strides = array<i32>} : memref<128xf32, #tpu.memory_space<vmem>>, vector<16xf32>,
    %swap3A_378 = arith.constant 64 : index
    %swap3A_379 = tpu.vector_load %arg11[%swap3A_378] {strides = array<i32>} : memref<128xf32, #tpu.memory_space<vmem>>, vector<16xf32>,
    tpu.vector_store %arg11[%swap3A_378], %sub3A_329 {strides = array<i32>} : memref<128xf32, #tpu.memory_space<vmem>>, vector<16xf32>,
    %mul3A_380 = arith.constant 0 : i32
    %mul3A_381 = arith.constant 128 : i32
    %mul3A_382 = arith.muli %mul3A_380, %mul3A_381 : i32
    %add3A_383 = arith.constant 80 : i32
    %add3A_384 = arith.addi %mul3A_382, %add3A_383 : i32
    %add3A_385 = vector.broadcast %add3A_384 : i32 to vector<16xi32>
    %add3A_386 = arith.addi %add3A_385, %iota3A : vector<16xi32>
    %mul3A_387 = arith.constant 2 : i32
    %mul3A_388 = vector.broadcast %mul3A_387 : i32 to vector<16xi32>
    %mul3A_389 = arith.muli %mul3A_388, %add3A_386 : vector<16xi32>
    %gather3A_390 = tpu.vector_load_idx %arg5[%mul3A_389] : memref<65536xf32, #tpu.memory_space<vmem>>[vector<16xi32>], vector<16xf32>,
    %add3A_391 = arith.constant 1 : i32
    %add3A_392 = vector.broadcast %add3A_391 : i32 to vector<16xi32>
    %add3A_393 = arith.addi %mul3A_389, %add3A_392 : vector<16xi32>
    %gather3A_394 = tpu.vector_load_idx %arg5[%add3A_393] : memref<65536xf32, #tpu.memory_space<vmem>>[vector<16xi32>], vector<16xf32>,
    %mul3A_395 = arith.constant 2.048000e+03 : f32
    %mul3A_396 = vector.broadcast %mul3A_395 : f32 to vector<16xf32>
    %mul3A_397 = arith.mulf %gather3A_390, %mul3A_396 : vector<16xf32>
    %mul3A_398 = arith.constant 2.048000e+03 : f32
    %mul3A_399 = vector.broadcast %mul3A_398 : f32 to vector<16xf32>
    %mul3A_400 = arith.mulf %gather3A_394, %mul3A_399 : vector<16xf32>
    %convert_element_type3A_401 = arith.fptosi %mul3A_397 : vector<16xf32> to vector<16xi32>
    %convert_element_type3A_402 = arith.fptosi %mul3A_400 : vector<16xf32> to vector<16xi32>
    %convert_element_type3A_403 = arith.sitofp %convert_element_type3A_401 : vector<16xi32> to vector<16xf32>
    %sub3A_404 = arith.subf %mul3A_397, %convert_element_type3A_403 : vector<16xf32>
    %convert_element_type3A_405 = arith.sitofp %convert_element_type3A_402 : vector<16xi32> to vector<16xf32>
    %sub3A_406 = arith.subf %mul3A_400, %convert_element_type3A_405 : vector<16xf32>
    %max3A_407 = arith.constant 0 : i32
    %max3A_408 = vector.broadcast %max3A_407 : i32 to vector<16xi32>
    %max3A_409 = arith.maxsi %convert_element_type3A_401, %max3A_408 : vector<16xi32>
    %min3A_410 = arith.constant 2047 : i32
    %min3A_411 = vector.broadcast %min3A_410 : i32 to vector<16xi32>
    %min3A_412 = arith.minsi %max3A_409, %min3A_411 : vector<16xi32>
    %max3A_413 = arith.constant 0 : i32
    %max3A_414 = vector.broadcast %max3A_413 : i32 to vector<16xi32>
    %max3A_415 = arith.maxsi %convert_element_type3A_402, %max3A_414 : vector<16xi32>
    %min3A_416 = arith.constant 2047 : i32
    %min3A_417 = vector.broadcast %min3A_416 : i32 to vector<16xi32>
    %min3A_418 = arith.minsi %max3A_415, %min3A_417 : vector<16xi32>
    %add3A_419 = arith.constant 1 : i32
    %add3A_420 = vector.broadcast %add3A_419 : i32 to vector<16xi32>
    %add3A_421 = arith.addi %min3A_418, %add3A_420 : vector<16xi32>
    %min3A_422 = arith.constant 2047 : i32
    %min3A_423 = vector.broadcast %min3A_422 : i32 to vector<16xi32>
    %min3A_424 = arith.minsi %add3A_421, %min3A_423 : vector<16xi32>
    %ge3A_425 = arith.constant 2047 : i32
    %ge3A_426 = vector.broadcast %ge3A_425 : i32 to vector<16xi32>
    %ge3A_427 = arith.cmpi sge, %min3A_412, %ge3A_426 : vector<16xi32>
    %jit3A_428 = arith.constant 0.000000e+00 : f32
    %broadcast_in_dim3A_429 = vector.broadcast %jit3A_428 : f32 to vector<16xf32>
    %select_n3A_430 = arith.select %ge3A_427, %broadcast_in_dim3A_429, %sub3A_404 : vector<16xi1>, vector<16xf32>
    %mul3A_431 = arith.constant 2048 : i32
    %mul3A_432 = vector.broadcast %mul3A_431 : i32 to vector<16xi32>
    %mul3A_433 = arith.muli %min3A_418, %mul3A_432 : vector<16xi32>
    %add3A_434 = arith.addi %mul3A_433, %min3A_412 : vector<16xi32>
    %mul3A_435 = arith.constant 2048 : i32
    %mul3A_436 = vector.broadcast %mul3A_435 : i32 to vector<16xi32>
    %mul3A_437 = arith.muli %min3A_424, %mul3A_436 : vector<16xi32>
    %add3A_438 = arith.addi %mul3A_437, %min3A_412 : vector<16xi32>
    %swap3A_439 = arith.constant 80 : index
    %swap3A_440 = tpu.vector_load %arg6[%swap3A_439] {strides = array<i32>} : memref<128xi32, #tpu.memory_space<vmem>>, vector<16xi32>,
    tpu.vector_store %arg6[%swap3A_439], %add3A_434 {strides = array<i32>} : memref<128xi32, #tpu.memory_space<vmem>>, vector<16xi32>,
    %add3A_441 = arith.constant 1 : i32
    %add3A_442 = vector.broadcast %add3A_441 : i32 to vector<16xi32>
    %add3A_443 = arith.addi %add3A_434, %add3A_442 : vector<16xi32>
    %swap3A_444 = arith.constant 80 : index
    %swap3A_445 = tpu.vector_load %arg7[%swap3A_444] {strides = array<i32>} : memref<128xi32, #tpu.memory_space<vmem>>, vector<16xi32>,
    tpu.vector_store %arg7[%swap3A_444], %add3A_443 {strides = array<i32>} : memref<128xi32, #tpu.memory_space<vmem>>, vector<16xi32>,
    %swap3A_446 = arith.constant 80 : index
    %swap3A_447 = tpu.vector_load %arg8[%swap3A_446] {strides = array<i32>} : memref<128xi32, #tpu.memory_space<vmem>>, vector<16xi32>,
    tpu.vector_store %arg8[%swap3A_446], %add3A_438 {strides = array<i32>} : memref<128xi32, #tpu.memory_space<vmem>>, vector<16xi32>,
    %add3A_448 = arith.constant 1 : i32
    %add3A_449 = vector.broadcast %add3A_448 : i32 to vector<16xi32>
    %add3A_450 = arith.addi %add3A_438, %add3A_449 : vector<16xi32>
    %swap3A_451 = arith.constant 80 : index
    %swap3A_452 = tpu.vector_load %arg9[%swap3A_451] {strides = array<i32>} : memref<128xi32, #tpu.memory_space<vmem>>, vector<16xi32>,
    tpu.vector_store %arg9[%swap3A_451], %add3A_450 {strides = array<i32>} : memref<128xi32, #tpu.memory_space<vmem>>, vector<16xi32>,
    %swap3A_453 = arith.constant 80 : index
    %swap3A_454 = tpu.vector_load %arg10[%swap3A_453] {strides = array<i32>} : memref<128xf32, #tpu.memory_space<vmem>>, vector<16xf32>,
    tpu.vector_store %arg10[%swap3A_453], %select_n3A_430 {strides = array<i32>} : memref<128xf32, #tpu.memory_space<vmem>>, vector<16xf32>,
    %swap3A_455 = arith.constant 80 : index
    %swap3A_456 = tpu.vector_load %arg11[%swap3A_455] {strides = array<i32>} : memref<128xf32, #tpu.memory_space<vmem>>, vector<16xf32>,
    tpu.vector_store %arg11[%swap3A_455], %sub3A_406 {strides = array<i32>} : memref<128xf32, #tpu.memory_space<vmem>>, vector<16xf32>,
    %mul3A_457 = arith.constant 0 : i32
    %mul3A_458 = arith.constant 128 : i32
    %mul3A_459 = arith.muli %mul3A_457, %mul3A_458 : i32
    %add3A_460 = arith.constant 96 : i32
    %add3A_461 = arith.addi %mul3A_459, %add3A_460 : i32
    %add3A_462 = vector.broadcast %add3A_461 : i32 to vector<16xi32>
    %add3A_463 = arith.addi %add3A_462, %iota3A : vector<16xi32>
    %mul3A_464 = arith.constant 2 : i32
    %mul3A_465 = vector.broadcast %mul3A_464 : i32 to vector<16xi32>
    %mul3A_466 = arith.muli %mul3A_465, %add3A_463 : vector<16xi32>
    %gather3A_467 = tpu.vector_load_idx %arg5[%mul3A_466] : memref<65536xf32, #tpu.memory_space<vmem>>[vector<16xi32>], vector<16xf32>,
    %add3A_468 = arith.constant 1 : i32
    %add3A_469 = vector.broadcast %add3A_468 : i32 to vector<16xi32>
    %add3A_470 = arith.addi %mul3A_466, %add3A_469 : vector<16xi32>
    %gather3A_471 = tpu.vector_load_idx %arg5[%add3A_470] : memref<65536xf32, #tpu.memory_space<vmem>>[vector<16xi32>], vector<16xf32>,
    %mul3A_472 = arith.constant 2.048000e+03 : f32
    %mul3A_473 = vector.broadcast %mul3A_472 : f32 to vector<16xf32>
    %mul3A_474 = arith.mulf %gather3A_467, %mul3A_473 : vector<16xf32>
    %mul3A_475 = arith.constant 2.048000e+03 : f32
    %mul3A_476 = vector.broadcast %mul3A_475 : f32 to vector<16xf32>
    %mul3A_477 = arith.mulf %gather3A_471, %mul3A_476 : vector<16xf32>
    %convert_element_type3A_478 = arith.fptosi %mul3A_474 : vector<16xf32> to vector<16xi32>
    %convert_element_type3A_479 = arith.fptosi %mul3A_477 : vector<16xf32> to vector<16xi32>
    %convert_element_type3A_480 = arith.sitofp %convert_element_type3A_478 : vector<16xi32> to vector<16xf32>
    %sub3A_481 = arith.subf %mul3A_474, %convert_element_type3A_480 : vector<16xf32>
    %convert_element_type3A_482 = arith.sitofp %convert_element_type3A_479 : vector<16xi32> to vector<16xf32>
    %sub3A_483 = arith.subf %mul3A_477, %convert_element_type3A_482 : vector<16xf32>
    %max3A_484 = arith.constant 0 : i32
    %max3A_485 = vector.broadcast %max3A_484 : i32 to vector<16xi32>
    %max3A_486 = arith.maxsi %convert_element_type3A_478, %max3A_485 : vector<16xi32>
    %min3A_487 = arith.constant 2047 : i32
    %min3A_488 = vector.broadcast %min3A_487 : i32 to vector<16xi32>
    %min3A_489 = arith.minsi %max3A_486, %min3A_488 : vector<16xi32>
    %max3A_490 = arith.constant 0 : i32
    %max3A_491 = vector.broadcast %max3A_490 : i32 to vector<16xi32>
    %max3A_492 = arith.maxsi %convert_element_type3A_479, %max3A_491 : vector<16xi32>
    %min3A_493 = arith.constant 2047 : i32
    %min3A_494 = vector.broadcast %min3A_493 : i32 to vector<16xi32>
    %min3A_495 = arith.minsi %max3A_492, %min3A_494 : vector<16xi32>
    %add3A_496 = arith.constant 1 : i32
    %add3A_497 = vector.broadcast %add3A_496 : i32 to vector<16xi32>
    %add3A_498 = arith.addi %min3A_495, %add3A_497 : vector<16xi32>
    %min3A_499 = arith.constant 2047 : i32
    %min3A_500 = vector.broadcast %min3A_499 : i32 to vector<16xi32>
    %min3A_501 = arith.minsi %add3A_498, %min3A_500 : vector<16xi32>
    %ge3A_502 = arith.constant 2047 : i32
    %ge3A_503 = vector.broadcast %ge3A_502 : i32 to vector<16xi32>
    %ge3A_504 = arith.cmpi sge, %min3A_489, %ge3A_503 : vector<16xi32>
    %jit3A_505 = arith.constant 0.000000e+00 : f32
    %broadcast_in_dim3A_506 = vector.broadcast %jit3A_505 : f32 to vector<16xf32>
    %select_n3A_507 = arith.select %ge3A_504, %broadcast_in_dim3A_506, %sub3A_481 : vector<16xi1>, vector<16xf32>
    %mul3A_508 = arith.constant 2048 : i32
    %mul3A_509 = vector.broadcast %mul3A_508 : i32 to vector<16xi32>
    %mul3A_510 = arith.muli %min3A_495, %mul3A_509 : vector<16xi32>
    %add3A_511 = arith.addi %mul3A_510, %min3A_489 : vector<16xi32>
    %mul3A_512 = arith.constant 2048 : i32
    %mul3A_513 = vector.broadcast %mul3A_512 : i32 to vector<16xi32>
    %mul3A_514 = arith.muli %min3A_501, %mul3A_513 : vector<16xi32>
    %add3A_515 = arith.addi %mul3A_514, %min3A_489 : vector<16xi32>
    %swap3A_516 = arith.constant 96 : index
    %swap3A_517 = tpu.vector_load %arg6[%swap3A_516] {strides = array<i32>} : memref<128xi32, #tpu.memory_space<vmem>>, vector<16xi32>,
    tpu.vector_store %arg6[%swap3A_516], %add3A_511 {strides = array<i32>} : memref<128xi32, #tpu.memory_space<vmem>>, vector<16xi32>,
    %add3A_518 = arith.constant 1 : i32
    %add3A_519 = vector.broadcast %add3A_518 : i32 to vector<16xi32>
    %add3A_520 = arith.addi %add3A_511, %add3A_519 : vector<16xi32>
    %swap3A_521 = arith.constant 96 : index
    %swap3A_522 = tpu.vector_load %arg7[%swap3A_521] {strides = array<i32>} : memref<128xi32, #tpu.memory_space<vmem>>, vector<16xi32>,
    tpu.vector_store %arg7[%swap3A_521], %add3A_520 {strides = array<i32>} : memref<128xi32, #tpu.memory_space<vmem>>, vector<16xi32>,
    %swap3A_523 = arith.constant 96 : index
    %swap3A_524 = tpu.vector_load %arg8[%swap3A_523] {strides = array<i32>} : memref<128xi32, #tpu.memory_space<vmem>>, vector<16xi32>,
    tpu.vector_store %arg8[%swap3A_523], %add3A_515 {strides = array<i32>} : memref<128xi32, #tpu.memory_space<vmem>>, vector<16xi32>,
    %add3A_525 = arith.constant 1 : i32
    %add3A_526 = vector.broadcast %add3A_525 : i32 to vector<16xi32>
    %add3A_527 = arith.addi %add3A_515, %add3A_526 : vector<16xi32>
    %swap3A_528 = arith.constant 96 : index
    %swap3A_529 = tpu.vector_load %arg9[%swap3A_528] {strides = array<i32>} : memref<128xi32, #tpu.memory_space<vmem>>, vector<16xi32>,
    tpu.vector_store %arg9[%swap3A_528], %add3A_527 {strides = array<i32>} : memref<128xi32, #tpu.memory_space<vmem>>, vector<16xi32>,
    %swap3A_530 = arith.constant 96 : index
    %swap3A_531 = tpu.vector_load %arg10[%swap3A_530] {strides = array<i32>} : memref<128xf32, #tpu.memory_space<vmem>>, vector<16xf32>,
    tpu.vector_store %arg10[%swap3A_530], %select_n3A_507 {strides = array<i32>} : memref<128xf32, #tpu.memory_space<vmem>>, vector<16xf32>,
    %swap3A_532 = arith.constant 96 : index
    %swap3A_533 = tpu.vector_load %arg11[%swap3A_532] {strides = array<i32>} : memref<128xf32, #tpu.memory_space<vmem>>, vector<16xf32>,
    tpu.vector_store %arg11[%swap3A_532], %sub3A_483 {strides = array<i32>} : memref<128xf32, #tpu.memory_space<vmem>>, vector<16xf32>,
    %mul3A_534 = arith.constant 0 : i32
    %mul3A_535 = arith.constant 128 : i32
    %mul3A_536 = arith.muli %mul3A_534, %mul3A_535 : i32
    %add3A_537 = arith.constant 112 : i32
    %add3A_538 = arith.addi %mul3A_536, %add3A_537 : i32
    %add3A_539 = vector.broadcast %add3A_538 : i32 to vector<16xi32>
    %add3A_540 = arith.addi %add3A_539, %iota3A : vector<16xi32>
    %mul3A_541 = arith.constant 2 : i32
    %mul3A_542 = vector.broadcast %mul3A_541 : i32 to vector<16xi32>
    %mul3A_543 = arith.muli %mul3A_542, %add3A_540 : vector<16xi32>
    %gather3A_544 = tpu.vector_load_idx %arg5[%mul3A_543] : memref<65536xf32, #tpu.memory_space<vmem>>[vector<16xi32>], vector<16xf32>,
    %add3A_545 = arith.constant 1 : i32
    %add3A_546 = vector.broadcast %add3A_545 : i32 to vector<16xi32>
    %add3A_547 = arith.addi %mul3A_543, %add3A_546 : vector<16xi32>
    %gather3A_548 = tpu.vector_load_idx %arg5[%add3A_547] : memref<65536xf32, #tpu.memory_space<vmem>>[vector<16xi32>], vector<16xf32>,
    %mul3A_549 = arith.constant 2.048000e+03 : f32
    %mul3A_550 = vector.broadcast %mul3A_549 : f32 to vector<16xf32>
    %mul3A_551 = arith.mulf %gather3A_544, %mul3A_550 : vector<16xf32>
    %mul3A_552 = arith.constant 2.048000e+03 : f32
    %mul3A_553 = vector.broadcast %mul3A_552 : f32 to vector<16xf32>
    %mul3A_554 = arith.mulf %gather3A_548, %mul3A_553 : vector<16xf32>
    %convert_element_type3A_555 = arith.fptosi %mul3A_551 : vector<16xf32> to vector<16xi32>
    %convert_element_type3A_556 = arith.fptosi %mul3A_554 : vector<16xf32> to vector<16xi32>
    %convert_element_type3A_557 = arith.sitofp %convert_element_type3A_555 : vector<16xi32> to vector<16xf32>
    %sub3A_558 = arith.subf %mul3A_551, %convert_element_type3A_557 : vector<16xf32>
    %convert_element_type3A_559 = arith.sitofp %convert_element_type3A_556 : vector<16xi32> to vector<16xf32>
    %sub3A_560 = arith.subf %mul3A_554, %convert_element_type3A_559 : vector<16xf32>
    %max3A_561 = arith.constant 0 : i32
    %max3A_562 = vector.broadcast %max3A_561 : i32 to vector<16xi32>
    %max3A_563 = arith.maxsi %convert_element_type3A_555, %max3A_562 : vector<16xi32>
    %min3A_564 = arith.constant 2047 : i32
    %min3A_565 = vector.broadcast %min3A_564 : i32 to vector<16xi32>
    %min3A_566 = arith.minsi %max3A_563, %min3A_565 : vector<16xi32>
    %max3A_567 = arith.constant 0 : i32
    %max3A_568 = vector.broadcast %max3A_567 : i32 to vector<16xi32>
    %max3A_569 = arith.maxsi %convert_element_type3A_556, %max3A_568 : vector<16xi32>
    %min3A_570 = arith.constant 2047 : i32
    %min3A_571 = vector.broadcast %min3A_570 : i32 to vector<16xi32>
    %min3A_572 = arith.minsi %max3A_569, %min3A_571 : vector<16xi32>
    %add3A_573 = arith.constant 1 : i32
    %add3A_574 = vector.broadcast %add3A_573 : i32 to vector<16xi32>
    %add3A_575 = arith.addi %min3A_572, %add3A_574 : vector<16xi32>
    %min3A_576 = arith.constant 2047 : i32
    %min3A_577 = vector.broadcast %min3A_576 : i32 to vector<16xi32>
    %min3A_578 = arith.minsi %add3A_575, %min3A_577 : vector<16xi32>
    %ge3A_579 = arith.constant 2047 : i32
    %ge3A_580 = vector.broadcast %ge3A_579 : i32 to vector<16xi32>
    %ge3A_581 = arith.cmpi sge, %min3A_566, %ge3A_580 : vector<16xi32>
    %jit3A_582 = arith.constant 0.000000e+00 : f32
    %broadcast_in_dim3A_583 = vector.broadcast %jit3A_582 : f32 to vector<16xf32>
    %select_n3A_584 = arith.select %ge3A_581, %broadcast_in_dim3A_583, %sub3A_558 : vector<16xi1>, vector<16xf32>
    %mul3A_585 = arith.constant 2048 : i32
    %mul3A_586 = vector.broadcast %mul3A_585 : i32 to vector<16xi32>
    %mul3A_587 = arith.muli %min3A_572, %mul3A_586 : vector<16xi32>
    %add3A_588 = arith.addi %mul3A_587, %min3A_566 : vector<16xi32>
    %mul3A_589 = arith.constant 2048 : i32
    %mul3A_590 = vector.broadcast %mul3A_589 : i32 to vector<16xi32>
    %mul3A_591 = arith.muli %min3A_578, %mul3A_590 : vector<16xi32>
    %add3A_592 = arith.addi %mul3A_591, %min3A_566 : vector<16xi32>
    %swap3A_593 = arith.constant 112 : index
    %swap3A_594 = tpu.vector_load %arg6[%swap3A_593] {strides = array<i32>} : memref<128xi32, #tpu.memory_space<vmem>>, vector<16xi32>,
    tpu.vector_store %arg6[%swap3A_593], %add3A_588 {strides = array<i32>} : memref<128xi32, #tpu.memory_space<vmem>>, vector<16xi32>,
    %add3A_595 = arith.constant 1 : i32
    %add3A_596 = vector.broadcast %add3A_595 : i32 to vector<16xi32>
    %add3A_597 = arith.addi %add3A_588, %add3A_596 : vector<16xi32>
    %swap3A_598 = arith.constant 112 : index
    %swap3A_599 = tpu.vector_load %arg7[%swap3A_598] {strides = array<i32>} : memref<128xi32, #tpu.memory_space<vmem>>, vector<16xi32>,
    tpu.vector_store %arg7[%swap3A_598], %add3A_597 {strides = array<i32>} : memref<128xi32, #tpu.memory_space<vmem>>, vector<16xi32>,
    %swap3A_600 = arith.constant 112 : index
    %swap3A_601 = tpu.vector_load %arg8[%swap3A_600] {strides = array<i32>} : memref<128xi32, #tpu.memory_space<vmem>>, vector<16xi32>,
    tpu.vector_store %arg8[%swap3A_600], %add3A_592 {strides = array<i32>} : memref<128xi32, #tpu.memory_space<vmem>>, vector<16xi32>,
    %add3A_602 = arith.constant 1 : i32
    %add3A_603 = vector.broadcast %add3A_602 : i32 to vector<16xi32>
    %add3A_604 = arith.addi %add3A_592, %add3A_603 : vector<16xi32>
    %swap3A_605 = arith.constant 112 : index
    %swap3A_606 = tpu.vector_load %arg9[%swap3A_605] {strides = array<i32>} : memref<128xi32, #tpu.memory_space<vmem>>, vector<16xi32>,
    tpu.vector_store %arg9[%swap3A_605], %add3A_604 {strides = array<i32>} : memref<128xi32, #tpu.memory_space<vmem>>, vector<16xi32>,
    %swap3A_607 = arith.constant 112 : index
    %swap3A_608 = tpu.vector_load %arg10[%swap3A_607] {strides = array<i32>} : memref<128xf32, #tpu.memory_space<vmem>>, vector<16xf32>,
    tpu.vector_store %arg10[%swap3A_607], %select_n3A_584 {strides = array<i32>} : memref<128xf32, #tpu.memory_space<vmem>>, vector<16xf32>,
    %swap3A_609 = arith.constant 112 : index
    %swap3A_610 = tpu.vector_load %arg11[%swap3A_609] {strides = array<i32>} : memref<128xf32, #tpu.memory_space<vmem>>, vector<16xf32>,
    tpu.vector_store %arg11[%swap3A_609], %sub3A_560 {strides = array<i32>} : memref<128xf32, #tpu.memory_space<vmem>>, vector<16xf32>,
    %dma_start3A = arith.constant 0 : i32
    %dma_start3A_611 = arith.constant 0 : i32
    %dma_start3A_612 = tpu.memref_slice %arg3[%dma_start3A, %dma_start3A_611] : memref<4194305x8xf32, #tpu.memory_space<hbm>> -> memref<4194305x8xf32, #tpu.memory_space<hbm>>
    tpu.enqueue_indirect_dma source(%dma_start3A_612 : memref<4194305x8xf32, #tpu.memory_space<hbm>>) target(%arg12 : memref<128x8xf32, #tpu.memory_space<vmem>>) offsets(%arg6 : memref<128xi32, #tpu.memory_space<vmem>>) semaphore(%arg27 : memref<!tpu.dma_semaphore, #tpu.memory_space<semaphore_mem>>)
    %dma_start3A_613 = arith.constant 0 : i32
    %dma_start3A_614 = arith.constant 0 : i32
    %dma_start3A_615 = tpu.memref_slice %arg3[%dma_start3A_613, %dma_start3A_614] : memref<4194305x8xf32, #tpu.memory_space<hbm>> -> memref<4194305x8xf32, #tpu.memory_space<hbm>>
    tpu.enqueue_indirect_dma source(%dma_start3A_615 : memref<4194305x8xf32, #tpu.memory_space<hbm>>) target(%arg13 : memref<128x8xf32, #tpu.memory_space<vmem>>) offsets(%arg7 : memref<128xi32, #tpu.memory_space<vmem>>) semaphore(%arg27 : memref<!tpu.dma_semaphore, #tpu.memory_space<semaphore_mem>>)
    %dma_start3A_616 = arith.constant 0 : i32
    %dma_start3A_617 = arith.constant 0 : i32
    %dma_start3A_618 = tpu.memref_slice %arg3[%dma_start3A_616, %dma_start3A_617] : memref<4194305x8xf32, #tpu.memory_space<hbm>> -> memref<4194305x8xf32, #tpu.memory_space<hbm>>
    tpu.enqueue_indirect_dma source(%dma_start3A_618 : memref<4194305x8xf32, #tpu.memory_space<hbm>>) target(%arg14 : memref<128x8xf32, #tpu.memory_space<vmem>>) offsets(%arg8 : memref<128xi32, #tpu.memory_space<vmem>>) semaphore(%arg27 : memref<!tpu.dma_semaphore, #tpu.memory_space<semaphore_mem>>)
    %dma_start3A_619 = arith.constant 0 : i32
    %dma_start3A_620 = arith.constant 0 : i32
    %dma_start3A_621 = tpu.memref_slice %arg3[%dma_start3A_619, %dma_start3A_620] : memref<4194305x8xf32, #tpu.memory_space<hbm>> -> memref<4194305x8xf32, #tpu.memory_space<hbm>>
    tpu.enqueue_indirect_dma source(%dma_start3A_621 : memref<4194305x8xf32, #tpu.memory_space<hbm>>) target(%arg15 : memref<128x8xf32, #tpu.memory_space<vmem>>) offsets(%arg9 : memref<128xi32, #tpu.memory_space<vmem>>) semaphore(%arg27 : memref<!tpu.dma_semaphore, #tpu.memory_space<semaphore_mem>>)
    %mul3A_622 = arith.constant 1 : i32
    %mul3A_623 = arith.constant 128 : i32
    %mul3A_624 = arith.muli %mul3A_622, %mul3A_623 : i32
    %add3A_625 = arith.constant 0 : i32
    %add3A_626 = arith.addi %mul3A_624, %add3A_625 : i32
    %add3A_627 = vector.broadcast %add3A_626 : i32 to vector<16xi32>
    %add3A_628 = arith.addi %add3A_627, %iota3A : vector<16xi32>
    %mul3A_629 = arith.constant 2 : i32
    %mul3A_630 = vector.broadcast %mul3A_629 : i32 to vector<16xi32>
    %mul3A_631 = arith.muli %mul3A_630, %add3A_628 : vector<16xi32>
    %gather3A_632 = tpu.vector_load_idx %arg5[%mul3A_631] : memref<65536xf32, #tpu.memory_space<vmem>>[vector<16xi32>], vector<16xf32>,
    %add3A_633 = arith.constant 1 : i32
    %add3A_634 = vector.broadcast %add3A_633 : i32 to vector<16xi32>
    %add3A_635 = arith.addi %mul3A_631, %add3A_634 : vector<16xi32>
    %gather3A_636 = tpu.vector_load_idx %arg5[%add3A_635] : memref<65536xf32, #tpu.memory_space<vmem>>[vector<16xi32>], vector<16xf32>,
    %mul3A_637 = arith.constant 2.048000e+03 : f32
    %mul3A_638 = vector.broadcast %mul3A_637 : f32 to vector<16xf32>
    %mul3A_639 = arith.mulf %gather3A_632, %mul3A_638 : vector<16xf32>
    %mul3A_640 = arith.constant 2.048000e+03 : f32
    %mul3A_641 = vector.broadcast %mul3A_640 : f32 to vector<16xf32>
    %mul3A_642 = arith.mulf %gather3A_636, %mul3A_641 : vector<16xf32>
    %convert_element_type3A_643 = arith.fptosi %mul3A_639 : vector<16xf32> to vector<16xi32>
    %convert_element_type3A_644 = arith.fptosi %mul3A_642 : vector<16xf32> to vector<16xi32>
    %convert_element_type3A_645 = arith.sitofp %convert_element_type3A_643 : vector<16xi32> to vector<16xf32>
    %sub3A_646 = arith.subf %mul3A_639, %convert_element_type3A_645 : vector<16xf32>
    %convert_element_type3A_647 = arith.sitofp %convert_element_type3A_644 : vector<16xi32> to vector<16xf32>
    %sub3A_648 = arith.subf %mul3A_642, %convert_element_type3A_647 : vector<16xf32>
    %max3A_649 = arith.constant 0 : i32
    %max3A_650 = vector.broadcast %max3A_649 : i32 to vector<16xi32>
    %max3A_651 = arith.maxsi %convert_element_type3A_643, %max3A_650 : vector<16xi32>
    %min3A_652 = arith.constant 2047 : i32
    %min3A_653 = vector.broadcast %min3A_652 : i32 to vector<16xi32>
    %min3A_654 = arith.minsi %max3A_651, %min3A_653 : vector<16xi32>
    %max3A_655 = arith.constant 0 : i32
    %max3A_656 = vector.broadcast %max3A_655 : i32 to vector<16xi32>
    %max3A_657 = arith.maxsi %convert_element_type3A_644, %max3A_656 : vector<16xi32>
    %min3A_658 = arith.constant 2047 : i32
    %min3A_659 = vector.broadcast %min3A_658 : i32 to vector<16xi32>
    %min3A_660 = arith.minsi %max3A_657, %min3A_659 : vector<16xi32>
    %add3A_661 = arith.constant 1 : i32
    %add3A_662 = vector.broadcast %add3A_661 : i32 to vector<16xi32>
    %add3A_663 = arith.addi %min3A_660, %add3A_662 : vector<16xi32>
    %min3A_664 = arith.constant 2047 : i32
    %min3A_665 = vector.broadcast %min3A_664 : i32 to vector<16xi32>
    %min3A_666 = arith.minsi %add3A_663, %min3A_665 : vector<16xi32>
    %ge3A_667 = arith.constant 2047 : i32
    %ge3A_668 = vector.broadcast %ge3A_667 : i32 to vector<16xi32>
    %ge3A_669 = arith.cmpi sge, %min3A_654, %ge3A_668 : vector<16xi32>
    %jit3A_670 = arith.constant 0.000000e+00 : f32
    %broadcast_in_dim3A_671 = vector.broadcast %jit3A_670 : f32 to vector<16xf32>
    %select_n3A_672 = arith.select %ge3A_669, %broadcast_in_dim3A_671, %sub3A_646 : vector<16xi1>, vector<16xf32>
    %mul3A_673 = arith.constant 2048 : i32
    %mul3A_674 = vector.broadcast %mul3A_673 : i32 to vector<16xi32>
    %mul3A_675 = arith.muli %min3A_660, %mul3A_674 : vector<16xi32>
    %add3A_676 = arith.addi %mul3A_675, %min3A_654 : vector<16xi32>
    %mul3A_677 = arith.constant 2048 : i32
    %mul3A_678 = vector.broadcast %mul3A_677 : i32 to vector<16xi32>
    %mul3A_679 = arith.muli %min3A_666, %mul3A_678 : vector<16xi32>
    %add3A_680 = arith.addi %mul3A_679, %min3A_654 : vector<16xi32>
    %swap3A_681 = arith.constant 0 : index
    %swap3A_682 = tpu.vector_load %arg16[%swap3A_681] {strides = array<i32>} : memref<128xi32, #tpu.memory_space<vmem>>, vector<16xi32>,
    tpu.vector_store %arg16[%swap3A_681], %add3A_676 {strides = array<i32>} : memref<128xi32, #tpu.memory_space<vmem>>, vector<16xi32>,
    %add3A_683 = arith.constant 1 : i32
    %add3A_684 = vector.broadcast %add3A_683 : i32 to vector<16xi32>
    %add3A_685 = arith.addi %add3A_676, %add3A_684 : vector<16xi32>
    %swap3A_686 = arith.constant 0 : index
    %swap3A_687 = tpu.vector_load %arg17[%swap3A_686] {strides = array<i32>} : memref<128xi32, #tpu.memory_space<vmem>>, vector<16xi32>,
    tpu.vector_store %arg17[%swap3A_686], %add3A_685 {strides = array<i32>} : memref<128xi32, #tpu.memory_space<vmem>>, vector<16xi32>,
    %swap3A_688 = arith.constant 0 : index
    %swap3A_689 = tpu.vector_load %arg18[%swap3A_688] {strides = array<i32>} : memref<128xi32, #tpu.memory_space<vmem>>, vector<16xi32>,
    tpu.vector_store %arg18[%swap3A_688], %add3A_680 {strides = array<i32>} : memref<128xi32, #tpu.memory_space<vmem>>, vector<16xi32>,
    %add3A_690 = arith.constant 1 : i32
    %add3A_691 = vector.broadcast %add3A_690 : i32 to vector<16xi32>
    %add3A_692 = arith.addi %add3A_680, %add3A_691 : vector<16xi32>
    %swap3A_693 = arith.constant 0 : index
    %swap3A_694 = tpu.vector_load %arg19[%swap3A_693] {strides = array<i32>} : memref<128xi32, #tpu.memory_space<vmem>>, vector<16xi32>,
    tpu.vector_store %arg19[%swap3A_693], %add3A_692 {strides = array<i32>} : memref<128xi32, #tpu.memory_space<vmem>>, vector<16xi32>,
    %swap3A_695 = arith.constant 0 : index
    %swap3A_696 = tpu.vector_load %arg20[%swap3A_695] {strides = array<i32>} : memref<128xf32, #tpu.memory_space<vmem>>, vector<16xf32>,
    tpu.vector_store %arg20[%swap3A_695], %select_n3A_672 {strides = array<i32>} : memref<128xf32, #tpu.memory_space<vmem>>, vector<16xf32>,
    %swap3A_697 = arith.constant 0 : index
    %swap3A_698 = tpu.vector_load %arg21[%swap3A_697] {strides = array<i32>} : memref<128xf32, #tpu.memory_space<vmem>>, vector<16xf32>,
    tpu.vector_store %arg21[%swap3A_697], %sub3A_648 {strides = array<i32>} : memref<128xf32, #tpu.memory_space<vmem>>, vector<16xf32>,
    %mul3A_699 = arith.constant 1 : i32
    %mul3A_700 = arith.constant 128 : i32
    %mul3A_701 = arith.muli %mul3A_699, %mul3A_700 : i32
    %add3A_702 = arith.constant 16 : i32
    %add3A_703 = arith.addi %mul3A_701, %add3A_702 : i32
    %add3A_704 = vector.broadcast %add3A_703 : i32 to vector<16xi32>
    %add3A_705 = arith.addi %add3A_704, %iota3A : vector<16xi32>
    %mul3A_706 = arith.constant 2 : i32
    %mul3A_707 = vector.broadcast %mul3A_706 : i32 to vector<16xi32>
    %mul3A_708 = arith.muli %mul3A_707, %add3A_705 : vector<16xi32>
    %gather3A_709 = tpu.vector_load_idx %arg5[%mul3A_708] : memref<65536xf32, #tpu.memory_space<vmem>>[vector<16xi32>], vector<16xf32>,
    %add3A_710 = arith.constant 1 : i32
    %add3A_711 = vector.broadcast %add3A_710 : i32 to vector<16xi32>
    %add3A_712 = arith.addi %mul3A_708, %add3A_711 : vector<16xi32>
    %gather3A_713 = tpu.vector_load_idx %arg5[%add3A_712] : memref<65536xf32, #tpu.memory_space<vmem>>[vector<16xi32>], vector<16xf32>,
    %mul3A_714 = arith.constant 2.048000e+03 : f32
    %mul3A_715 = vector.broadcast %mul3A_714 : f32 to vector<16xf32>
    %mul3A_716 = arith.mulf %gather3A_709, %mul3A_715 : vector<16xf32>
    %mul3A_717 = arith.constant 2.048000e+03 : f32
    %mul3A_718 = vector.broadcast %mul3A_717 : f32 to vector<16xf32>
    %mul3A_719 = arith.mulf %gather3A_713, %mul3A_718 : vector<16xf32>
    %convert_element_type3A_720 = arith.fptosi %mul3A_716 : vector<16xf32> to vector<16xi32>
    %convert_element_type3A_721 = arith.fptosi %mul3A_719 : vector<16xf32> to vector<16xi32>
    %convert_element_type3A_722 = arith.sitofp %convert_element_type3A_720 : vector<16xi32> to vector<16xf32>
    %sub3A_723 = arith.subf %mul3A_716, %convert_element_type3A_722 : vector<16xf32>
    %convert_element_type3A_724 = arith.sitofp %convert_element_type3A_721 : vector<16xi32> to vector<16xf32>
    %sub3A_725 = arith.subf %mul3A_719, %convert_element_type3A_724 : vector<16xf32>
    %max3A_726 = arith.constant 0 : i32
    %max3A_727 = vector.broadcast %max3A_726 : i32 to vector<16xi32>
    %max3A_728 = arith.maxsi %convert_element_type3A_720, %max3A_727 : vector<16xi32>
    %min3A_729 = arith.constant 2047 : i32
    %min3A_730 = vector.broadcast %min3A_729 : i32 to vector<16xi32>
    %min3A_731 = arith.minsi %max3A_728, %min3A_730 : vector<16xi32>
    %max3A_732 = arith.constant 0 : i32
    %max3A_733 = vector.broadcast %max3A_732 : i32 to vector<16xi32>
    %max3A_734 = arith.maxsi %convert_element_type3A_721, %max3A_733 : vector<16xi32>
    %min3A_735 = arith.constant 2047 : i32
    %min3A_736 = vector.broadcast %min3A_735 : i32 to vector<16xi32>
    %min3A_737 = arith.minsi %max3A_734, %min3A_736 : vector<16xi32>
    %add3A_738 = arith.constant 1 : i32
    %add3A_739 = vector.broadcast %add3A_738 : i32 to vector<16xi32>
    %add3A_740 = arith.addi %min3A_737, %add3A_739 : vector<16xi32>
    %min3A_741 = arith.constant 2047 : i32
    %min3A_742 = vector.broadcast %min3A_741 : i32 to vector<16xi32>
    %min3A_743 = arith.minsi %add3A_740, %min3A_742 : vector<16xi32>
    %ge3A_744 = arith.constant 2047 : i32
    %ge3A_745 = vector.broadcast %ge3A_744 : i32 to vector<16xi32>
    %ge3A_746 = arith.cmpi sge, %min3A_731, %ge3A_745 : vector<16xi32>
    %jit3A_747 = arith.constant 0.000000e+00 : f32
    %broadcast_in_dim3A_748 = vector.broadcast %jit3A_747 : f32 to vector<16xf32>
    %select_n3A_749 = arith.select %ge3A_746, %broadcast_in_dim3A_748, %sub3A_723 : vector<16xi1>, vector<16xf32>
    %mul3A_750 = arith.constant 2048 : i32
    %mul3A_751 = vector.broadcast %mul3A_750 : i32 to vector<16xi32>
    %mul3A_752 = arith.muli %min3A_737, %mul3A_751 : vector<16xi32>
    %add3A_753 = arith.addi %mul3A_752, %min3A_731 : vector<16xi32>
    %mul3A_754 = arith.constant 2048 : i32
    %mul3A_755 = vector.broadcast %mul3A_754 : i32 to vector<16xi32>
    %mul3A_756 = arith.muli %min3A_743, %mul3A_755 : vector<16xi32>
    %add3A_757 = arith.addi %mul3A_756, %min3A_731 : vector<16xi32>
    %swap3A_758 = arith.constant 16 : index
    %swap3A_759 = tpu.vector_load %arg16[%swap3A_758] {strides = array<i32>} : memref<128xi32, #tpu.memory_space<vmem>>, vector<16xi32>,
    tpu.vector_store %arg16[%swap3A_758], %add3A_753 {strides = array<i32>} : memref<128xi32, #tpu.memory_space<vmem>>, vector<16xi32>,
    %add3A_760 = arith.constant 1 : i32
    %add3A_761 = vector.broadcast %add3A_760 : i32 to vector<16xi32>
    %add3A_762 = arith.addi %add3A_753, %add3A_761 : vector<16xi32>
    %swap3A_763 = arith.constant 16 : index
    %swap3A_764 = tpu.vector_load %arg17[%swap3A_763] {strides = array<i32>} : memref<128xi32, #tpu.memory_space<vmem>>, vector<16xi32>,
    tpu.vector_store %arg17[%swap3A_763], %add3A_762 {strides = array<i32>} : memref<128xi32, #tpu.memory_space<vmem>>, vector<16xi32>,
    %swap3A_765 = arith.constant 16 : index
    %swap3A_766 = tpu.vector_load %arg18[%swap3A_765] {strides = array<i32>} : memref<128xi32, #tpu.memory_space<vmem>>, vector<16xi32>,
    tpu.vector_store %arg18[%swap3A_765], %add3A_757 {strides = array<i32>} : memref<128xi32, #tpu.memory_space<vmem>>, vector<16xi32>,
    %add3A_767 = arith.constant 1 : i32
    %add3A_768 = vector.broadcast %add3A_767 : i32 to vector<16xi32>
    %add3A_769 = arith.addi %add3A_757, %add3A_768 : vector<16xi32>
    %swap3A_770 = arith.constant 16 : index
    %swap3A_771 = tpu.vector_load %arg19[%swap3A_770] {strides = array<i32>} : memref<128xi32, #tpu.memory_space<vmem>>, vector<16xi32>,
    tpu.vector_store %arg19[%swap3A_770], %add3A_769 {strides = array<i32>} : memref<128xi32, #tpu.memory_space<vmem>>, vector<16xi32>,
    %swap3A_772 = arith.constant 16 : index
    %swap3A_773 = tpu.vector_load %arg20[%swap3A_772] {strides = array<i32>} : memref<128xf32, #tpu.memory_space<vmem>>, vector<16xf32>,
    tpu.vector_store %arg20[%swap3A_772], %select_n3A_749 {strides = array<i32>} : memref<128xf32, #tpu.memory_space<vmem>>, vector<16xf32>,
    %swap3A_774 = arith.constant 16 : index
    %swap3A_775 = tpu.vector_load %arg21[%swap3A_774] {strides = array<i32>} : memref<128xf32, #tpu.memory_space<vmem>>, vector<16xf32>,
    tpu.vector_store %arg21[%swap3A_774], %sub3A_725 {strides = array<i32>} : memref<128xf32, #tpu.memory_space<vmem>>, vector<16xf32>,
    %mul3A_776 = arith.constant 1 : i32
    %mul3A_777 = arith.constant 128 : i32
    %mul3A_778 = arith.muli %mul3A_776, %mul3A_777 : i32
    %add3A_779 = arith.constant 32 : i32
    %add3A_780 = arith.addi %mul3A_778, %add3A_779 : i32
    %add3A_781 = vector.broadcast %add3A_780 : i32 to vector<16xi32>
    %add3A_782 = arith.addi %add3A_781, %iota3A : vector<16xi32>
    %mul3A_783 = arith.constant 2 : i32
    %mul3A_784 = vector.broadcast %mul3A_783 : i32 to vector<16xi32>
    %mul3A_785 = arith.muli %mul3A_784, %add3A_782 : vector<16xi32>
    %gather3A_786 = tpu.vector_load_idx %arg5[%mul3A_785] : memref<65536xf32, #tpu.memory_space<vmem>>[vector<16xi32>], vector<16xf32>,
    %add3A_787 = arith.constant 1 : i32
    %add3A_788 = vector.broadcast %add3A_787 : i32 to vector<16xi32>
    %add3A_789 = arith.addi %mul3A_785, %add3A_788 : vector<16xi32>
    %gather3A_790 = tpu.vector_load_idx %arg5[%add3A_789] : memref<65536xf32, #tpu.memory_space<vmem>>[vector<16xi32>], vector<16xf32>,
    %mul3A_791 = arith.constant 2.048000e+03 : f32
    %mul3A_792 = vector.broadcast %mul3A_791 : f32 to vector<16xf32>
    %mul3A_793 = arith.mulf %gather3A_786, %mul3A_792 : vector<16xf32>
    %mul3A_794 = arith.constant 2.048000e+03 : f32
    %mul3A_795 = vector.broadcast %mul3A_794 : f32 to vector<16xf32>
    %mul3A_796 = arith.mulf %gather3A_790, %mul3A_795 : vector<16xf32>
    %convert_element_type3A_797 = arith.fptosi %mul3A_793 : vector<16xf32> to vector<16xi32>
    %convert_element_type3A_798 = arith.fptosi %mul3A_796 : vector<16xf32> to vector<16xi32>
    %convert_element_type3A_799 = arith.sitofp %convert_element_type3A_797 : vector<16xi32> to vector<16xf32>
    %sub3A_800 = arith.subf %mul3A_793, %convert_element_type3A_799 : vector<16xf32>
    %convert_element_type3A_801 = arith.sitofp %convert_element_type3A_798 : vector<16xi32> to vector<16xf32>
    %sub3A_802 = arith.subf %mul3A_796, %convert_element_type3A_801 : vector<16xf32>
    %max3A_803 = arith.constant 0 : i32
    %max3A_804 = vector.broadcast %max3A_803 : i32 to vector<16xi32>
    %max3A_805 = arith.maxsi %convert_element_type3A_797, %max3A_804 : vector<16xi32>
    %min3A_806 = arith.constant 2047 : i32
    %min3A_807 = vector.broadcast %min3A_806 : i32 to vector<16xi32>
    %min3A_808 = arith.minsi %max3A_805, %min3A_807 : vector<16xi32>
    %max3A_809 = arith.constant 0 : i32
    %max3A_810 = vector.broadcast %max3A_809 : i32 to vector<16xi32>
    %max3A_811 = arith.maxsi %convert_element_type3A_798, %max3A_810 : vector<16xi32>
    %min3A_812 = arith.constant 2047 : i32
    %min3A_813 = vector.broadcast %min3A_812 : i32 to vector<16xi32>
    %min3A_814 = arith.minsi %max3A_811, %min3A_813 : vector<16xi32>
    %add3A_815 = arith.constant 1 : i32
    %add3A_816 = vector.broadcast %add3A_815 : i32 to vector<16xi32>
    %add3A_817 = arith.addi %min3A_814, %add3A_816 : vector<16xi32>
    %min3A_818 = arith.constant 2047 : i32
    %min3A_819 = vector.broadcast %min3A_818 : i32 to vector<16xi32>
    %min3A_820 = arith.minsi %add3A_817, %min3A_819 : vector<16xi32>
    %ge3A_821 = arith.constant 2047 : i32
    %ge3A_822 = vector.broadcast %ge3A_821 : i32 to vector<16xi32>
    %ge3A_823 = arith.cmpi sge, %min3A_808, %ge3A_822 : vector<16xi32>
    %jit3A_824 = arith.constant 0.000000e+00 : f32
    %broadcast_in_dim3A_825 = vector.broadcast %jit3A_824 : f32 to vector<16xf32>
    %select_n3A_826 = arith.select %ge3A_823, %broadcast_in_dim3A_825, %sub3A_800 : vector<16xi1>, vector<16xf32>
    %mul3A_827 = arith.constant 2048 : i32
    %mul3A_828 = vector.broadcast %mul3A_827 : i32 to vector<16xi32>
    %mul3A_829 = arith.muli %min3A_814, %mul3A_828 : vector<16xi32>
    %add3A_830 = arith.addi %mul3A_829, %min3A_808 : vector<16xi32>
    %mul3A_831 = arith.constant 2048 : i32
    %mul3A_832 = vector.broadcast %mul3A_831 : i32 to vector<16xi32>
    %mul3A_833 = arith.muli %min3A_820, %mul3A_832 : vector<16xi32>
    %add3A_834 = arith.addi %mul3A_833, %min3A_808 : vector<16xi32>
    %swap3A_835 = arith.constant 32 : index
    %swap3A_836 = tpu.vector_load %arg16[%swap3A_835] {strides = array<i32>} : memref<128xi32, #tpu.memory_space<vmem>>, vector<16xi32>,
    tpu.vector_store %arg16[%swap3A_835], %add3A_830 {strides = array<i32>} : memref<128xi32, #tpu.memory_space<vmem>>, vector<16xi32>,
    %add3A_837 = arith.constant 1 : i32
    %add3A_838 = vector.broadcast %add3A_837 : i32 to vector<16xi32>
    %add3A_839 = arith.addi %add3A_830, %add3A_838 : vector<16xi32>
    %swap3A_840 = arith.constant 32 : index
    %swap3A_841 = tpu.vector_load %arg17[%swap3A_840] {strides = array<i32>} : memref<128xi32, #tpu.memory_space<vmem>>, vector<16xi32>,
    tpu.vector_store %arg17[%swap3A_840], %add3A_839 {strides = array<i32>} : memref<128xi32, #tpu.memory_space<vmem>>, vector<16xi32>,
    %swap3A_842 = arith.constant 32 : index
    %swap3A_843 = tpu.vector_load %arg18[%swap3A_842] {strides = array<i32>} : memref<128xi32, #tpu.memory_space<vmem>>, vector<16xi32>,
    tpu.vector_store %arg18[%swap3A_842], %add3A_834 {strides = array<i32>} : memref<128xi32, #tpu.memory_space<vmem>>, vector<16xi32>,
    %add3A_844 = arith.constant 1 : i32
    %add3A_845 = vector.broadcast %add3A_844 : i32 to vector<16xi32>
    %add3A_846 = arith.addi %add3A_834, %add3A_845 : vector<16xi32>
    %swap3A_847 = arith.constant 32 : index
    %swap3A_848 = tpu.vector_load %arg19[%swap3A_847] {strides = array<i32>} : memref<128xi32, #tpu.memory_space<vmem>>, vector<16xi32>,
    tpu.vector_store %arg19[%swap3A_847], %add3A_846 {strides = array<i32>} : memref<128xi32, #tpu.memory_space<vmem>>, vector<16xi32>,
    %swap3A_849 = arith.constant 32 : index
    %swap3A_850 = tpu.vector_load %arg20[%swap3A_849] {strides = array<i32>} : memref<128xf32, #tpu.memory_space<vmem>>, vector<16xf32>,
    tpu.vector_store %arg20[%swap3A_849], %select_n3A_826 {strides = array<i32>} : memref<128xf32, #tpu.memory_space<vmem>>, vector<16xf32>,
    %swap3A_851 = arith.constant 32 : index
    %swap3A_852 = tpu.vector_load %arg21[%swap3A_851] {strides = array<i32>} : memref<128xf32, #tpu.memory_space<vmem>>, vector<16xf32>,
    tpu.vector_store %arg21[%swap3A_851], %sub3A_802 {strides = array<i32>} : memref<128xf32, #tpu.memory_space<vmem>>, vector<16xf32>,
    %mul3A_853 = arith.constant 1 : i32
    %mul3A_854 = arith.constant 128 : i32
    %mul3A_855 = arith.muli %mul3A_853, %mul3A_854 : i32
    %add3A_856 = arith.constant 48 : i32
    %add3A_857 = arith.addi %mul3A_855, %add3A_856 : i32
    %add3A_858 = vector.broadcast %add3A_857 : i32 to vector<16xi32>
    %add3A_859 = arith.addi %add3A_858, %iota3A : vector<16xi32>
    %mul3A_860 = arith.constant 2 : i32
    %mul3A_861 = vector.broadcast %mul3A_860 : i32 to vector<16xi32>
    %mul3A_862 = arith.muli %mul3A_861, %add3A_859 : vector<16xi32>
    %gather3A_863 = tpu.vector_load_idx %arg5[%mul3A_862] : memref<65536xf32, #tpu.memory_space<vmem>>[vector<16xi32>], vector<16xf32>,
    %add3A_864 = arith.constant 1 : i32
    %add3A_865 = vector.broadcast %add3A_864 : i32 to vector<16xi32>
    %add3A_866 = arith.addi %mul3A_862, %add3A_865 : vector<16xi32>
    %gather3A_867 = tpu.vector_load_idx %arg5[%add3A_866] : memref<65536xf32, #tpu.memory_space<vmem>>[vector<16xi32>], vector<16xf32>,
    %mul3A_868 = arith.constant 2.048000e+03 : f32
    %mul3A_869 = vector.broadcast %mul3A_868 : f32 to vector<16xf32>
    %mul3A_870 = arith.mulf %gather3A_863, %mul3A_869 : vector<16xf32>
    %mul3A_871 = arith.constant 2.048000e+03 : f32
    %mul3A_872 = vector.broadcast %mul3A_871 : f32 to vector<16xf32>
    %mul3A_873 = arith.mulf %gather3A_867, %mul3A_872 : vector<16xf32>
    %convert_element_type3A_874 = arith.fptosi %mul3A_870 : vector<16xf32> to vector<16xi32>
    %convert_element_type3A_875 = arith.fptosi %mul3A_873 : vector<16xf32> to vector<16xi32>
    %convert_element_type3A_876 = arith.sitofp %convert_element_type3A_874 : vector<16xi32> to vector<16xf32>
    %sub3A_877 = arith.subf %mul3A_870, %convert_element_type3A_876 : vector<16xf32>
    %convert_element_type3A_878 = arith.sitofp %convert_element_type3A_875 : vector<16xi32> to vector<16xf32>
    %sub3A_879 = arith.subf %mul3A_873, %convert_element_type3A_878 : vector<16xf32>
    %max3A_880 = arith.constant 0 : i32
    %max3A_881 = vector.broadcast %max3A_880 : i32 to vector<16xi32>
    %max3A_882 = arith.maxsi %convert_element_type3A_874, %max3A_881 : vector<16xi32>
    %min3A_883 = arith.constant 2047 : i32
    %min3A_884 = vector.broadcast %min3A_883 : i32 to vector<16xi32>
    %min3A_885 = arith.minsi %max3A_882, %min3A_884 : vector<16xi32>
    %max3A_886 = arith.constant 0 : i32
    %max3A_887 = vector.broadcast %max3A_886 : i32 to vector<16xi32>
    %max3A_888 = arith.maxsi %convert_element_type3A_875, %max3A_887 : vector<16xi32>
    %min3A_889 = arith.constant 2047 : i32
    %min3A_890 = vector.broadcast %min3A_889 : i32 to vector<16xi32>
    %min3A_891 = arith.minsi %max3A_888, %min3A_890 : vector<16xi32>
    %add3A_892 = arith.constant 1 : i32
    %add3A_893 = vector.broadcast %add3A_892 : i32 to vector<16xi32>
    %add3A_894 = arith.addi %min3A_891, %add3A_893 : vector<16xi32>
    %min3A_895 = arith.constant 2047 : i32
    %min3A_896 = vector.broadcast %min3A_895 : i32 to vector<16xi32>
    %min3A_897 = arith.minsi %add3A_894, %min3A_896 : vector<16xi32>
    %ge3A_898 = arith.constant 2047 : i32
    %ge3A_899 = vector.broadcast %ge3A_898 : i32 to vector<16xi32>
    %ge3A_900 = arith.cmpi sge, %min3A_885, %ge3A_899 : vector<16xi32>
    %jit3A_901 = arith.constant 0.000000e+00 : f32
    %broadcast_in_dim3A_902 = vector.broadcast %jit3A_901 : f32 to vector<16xf32>
    %select_n3A_903 = arith.select %ge3A_900, %broadcast_in_dim3A_902, %sub3A_877 : vector<16xi1>, vector<16xf32>
    %mul3A_904 = arith.constant 2048 : i32
    %mul3A_905 = vector.broadcast %mul3A_904 : i32 to vector<16xi32>
    %mul3A_906 = arith.muli %min3A_891, %mul3A_905 : vector<16xi32>
    %add3A_907 = arith.addi %mul3A_906, %min3A_885 : vector<16xi32>
    %mul3A_908 = arith.constant 2048 : i32
    %mul3A_909 = vector.broadcast %mul3A_908 : i32 to vector<16xi32>
    %mul3A_910 = arith.muli %min3A_897, %mul3A_909 : vector<16xi32>
    %add3A_911 = arith.addi %mul3A_910, %min3A_885 : vector<16xi32>
    %swap3A_912 = arith.constant 48 : index
    %swap3A_913 = tpu.vector_load %arg16[%swap3A_912] {strides = array<i32>} : memref<128xi32, #tpu.memory_space<vmem>>, vector<16xi32>,
    tpu.vector_store %arg16[%swap3A_912], %add3A_907 {strides = array<i32>} : memref<128xi32, #tpu.memory_space<vmem>>, vector<16xi32>,
    %add3A_914 = arith.constant 1 : i32
    %add3A_915 = vector.broadcast %add3A_914 : i32 to vector<16xi32>
    %add3A_916 = arith.addi %add3A_907, %add3A_915 : vector<16xi32>
    %swap3A_917 = arith.constant 48 : index
    %swap3A_918 = tpu.vector_load %arg17[%swap3A_917] {strides = array<i32>} : memref<128xi32, #tpu.memory_space<vmem>>, vector<16xi32>,
    tpu.vector_store %arg17[%swap3A_917], %add3A_916 {strides = array<i32>} : memref<128xi32, #tpu.memory_space<vmem>>, vector<16xi32>,
    %swap3A_919 = arith.constant 48 : index
    %swap3A_920 = tpu.vector_load %arg18[%swap3A_919] {strides = array<i32>} : memref<128xi32, #tpu.memory_space<vmem>>, vector<16xi32>,
    tpu.vector_store %arg18[%swap3A_919], %add3A_911 {strides = array<i32>} : memref<128xi32, #tpu.memory_space<vmem>>, vector<16xi32>,
    %add3A_921 = arith.constant 1 : i32
    %add3A_922 = vector.broadcast %add3A_921 : i32 to vector<16xi32>
    %add3A_923 = arith.addi %add3A_911, %add3A_922 : vector<16xi32>
    %swap3A_924 = arith.constant 48 : index
    %swap3A_925 = tpu.vector_load %arg19[%swap3A_924] {strides = array<i32>} : memref<128xi32, #tpu.memory_space<vmem>>, vector<16xi32>,
    tpu.vector_store %arg19[%swap3A_924], %add3A_923 {strides = array<i32>} : memref<128xi32, #tpu.memory_space<vmem>>, vector<16xi32>,
    %swap3A_926 = arith.constant 48 : index
    %swap3A_927 = tpu.vector_load %arg20[%swap3A_926] {strides = array<i32>} : memref<128xf32, #tpu.memory_space<vmem>>, vector<16xf32>,
    tpu.vector_store %arg20[%swap3A_926], %select_n3A_903 {strides = array<i32>} : memref<128xf32, #tpu.memory_space<vmem>>, vector<16xf32>,
    %swap3A_928 = arith.constant 48 : index
    %swap3A_929 = tpu.vector_load %arg21[%swap3A_928] {strides = array<i32>} : memref<128xf32, #tpu.memory_space<vmem>>, vector<16xf32>,
    tpu.vector_store %arg21[%swap3A_928], %sub3A_879 {strides = array<i32>} : memref<128xf32, #tpu.memory_space<vmem>>, vector<16xf32>,
    %mul3A_930 = arith.constant 1 : i32
    %mul3A_931 = arith.constant 128 : i32
    %mul3A_932 = arith.muli %mul3A_930, %mul3A_931 : i32
    %add3A_933 = arith.constant 64 : i32
    %add3A_934 = arith.addi %mul3A_932, %add3A_933 : i32
    %add3A_935 = vector.broadcast %add3A_934 : i32 to vector<16xi32>
    %add3A_936 = arith.addi %add3A_935, %iota3A : vector<16xi32>
    %mul3A_937 = arith.constant 2 : i32
    %mul3A_938 = vector.broadcast %mul3A_937 : i32 to vector<16xi32>
    %mul3A_939 = arith.muli %mul3A_938, %add3A_936 : vector<16xi32>
    %gather3A_940 = tpu.vector_load_idx %arg5[%mul3A_939] : memref<65536xf32, #tpu.memory_space<vmem>>[vector<16xi32>], vector<16xf32>,
    %add3A_941 = arith.constant 1 : i32
    %add3A_942 = vector.broadcast %add3A_941 : i32 to vector<16xi32>
    %add3A_943 = arith.addi %mul3A_939, %add3A_942 : vector<16xi32>
    %gather3A_944 = tpu.vector_load_idx %arg5[%add3A_943] : memref<65536xf32, #tpu.memory_space<vmem>>[vector<16xi32>], vector<16xf32>,
    %mul3A_945 = arith.constant 2.048000e+03 : f32
    %mul3A_946 = vector.broadcast %mul3A_945 : f32 to vector<16xf32>
    %mul3A_947 = arith.mulf %gather3A_940, %mul3A_946 : vector<16xf32>
    %mul3A_948 = arith.constant 2.048000e+03 : f32
    %mul3A_949 = vector.broadcast %mul3A_948 : f32 to vector<16xf32>
    %mul3A_950 = arith.mulf %gather3A_944, %mul3A_949 : vector<16xf32>
    %convert_element_type3A_951 = arith.fptosi %mul3A_947 : vector<16xf32> to vector<16xi32>
    %convert_element_type3A_952 = arith.fptosi %mul3A_950 : vector<16xf32> to vector<16xi32>
    %convert_element_type3A_953 = arith.sitofp %convert_element_type3A_951 : vector<16xi32> to vector<16xf32>
    %sub3A_954 = arith.subf %mul3A_947, %convert_element_type3A_953 : vector<16xf32>
    %convert_element_type3A_955 = arith.sitofp %convert_element_type3A_952 : vector<16xi32> to vector<16xf32>
    %sub3A_956 = arith.subf %mul3A_950, %convert_element_type3A_955 : vector<16xf32>
    %max3A_957 = arith.constant 0 : i32
    %max3A_958 = vector.broadcast %max3A_957 : i32 to vector<16xi32>
    %max3A_959 = arith.maxsi %convert_element_type3A_951, %max3A_958 : vector<16xi32>
    %min3A_960 = arith.constant 2047 : i32
    %min3A_961 = vector.broadcast %min3A_960 : i32 to vector<16xi32>
    %min3A_962 = arith.minsi %max3A_959, %min3A_961 : vector<16xi32>
    %max3A_963 = arith.constant 0 : i32
    %max3A_964 = vector.broadcast %max3A_963 : i32 to vector<16xi32>
    %max3A_965 = arith.maxsi %convert_element_type3A_952, %max3A_964 : vector<16xi32>
    %min3A_966 = arith.constant 2047 : i32
    %min3A_967 = vector.broadcast %min3A_966 : i32 to vector<16xi32>
    %min3A_968 = arith.minsi %max3A_965, %min3A_967 : vector<16xi32>
    %add3A_969 = arith.constant 1 : i32
    %add3A_970 = vector.broadcast %add3A_969 : i32 to vector<16xi32>
    %add3A_971 = arith.addi %min3A_968, %add3A_970 : vector<16xi32>
    %min3A_972 = arith.constant 2047 : i32
    %min3A_973 = vector.broadcast %min3A_972 : i32 to vector<16xi32>
    %min3A_974 = arith.minsi %add3A_971, %min3A_973 : vector<16xi32>
    %ge3A_975 = arith.constant 2047 : i32
    %ge3A_976 = vector.broadcast %ge3A_975 : i32 to vector<16xi32>
    %ge3A_977 = arith.cmpi sge, %min3A_962, %ge3A_976 : vector<16xi32>
    %jit3A_978 = arith.constant 0.000000e+00 : f32
    %broadcast_in_dim3A_979 = vector.broadcast %jit3A_978 : f32 to vector<16xf32>
    %select_n3A_980 = arith.select %ge3A_977, %broadcast_in_dim3A_979, %sub3A_954 : vector<16xi1>, vector<16xf32>
    %mul3A_981 = arith.constant 2048 : i32
    %mul3A_982 = vector.broadcast %mul3A_981 : i32 to vector<16xi32>
    %mul3A_983 = arith.muli %min3A_968, %mul3A_982 : vector<16xi32>
    %add3A_984 = arith.addi %mul3A_983, %min3A_962 : vector<16xi32>
    %mul3A_985 = arith.constant 2048 : i32
    %mul3A_986 = vector.broadcast %mul3A_985 : i32 to vector<16xi32>
    %mul3A_987 = arith.muli %min3A_974, %mul3A_986 : vector<16xi32>
    %add3A_988 = arith.addi %mul3A_987, %min3A_962 : vector<16xi32>
    %swap3A_989 = arith.constant 64 : index
    %swap3A_990 = tpu.vector_load %arg16[%swap3A_989] {strides = array<i32>} : memref<128xi32, #tpu.memory_space<vmem>>, vector<16xi32>,
    tpu.vector_store %arg16[%swap3A_989], %add3A_984 {strides = array<i32>} : memref<128xi32, #tpu.memory_space<vmem>>, vector<16xi32>,
    %add3A_991 = arith.constant 1 : i32
    %add3A_992 = vector.broadcast %add3A_991 : i32 to vector<16xi32>
    %add3A_993 = arith.addi %add3A_984, %add3A_992 : vector<16xi32>
    %swap3A_994 = arith.constant 64 : index
    %swap3A_995 = tpu.vector_load %arg17[%swap3A_994] {strides = array<i32>} : memref<128xi32, #tpu.memory_space<vmem>>, vector<16xi32>,
    tpu.vector_store %arg17[%swap3A_994], %add3A_993 {strides = array<i32>} : memref<128xi32, #tpu.memory_space<vmem>>, vector<16xi32>,
    %swap3A_996 = arith.constant 64 : index
    %swap3A_997 = tpu.vector_load %arg18[%swap3A_996] {strides = array<i32>} : memref<128xi32, #tpu.memory_space<vmem>>, vector<16xi32>,
    tpu.vector_store %arg18[%swap3A_996], %add3A_988 {strides = array<i32>} : memref<128xi32, #tpu.memory_space<vmem>>, vector<16xi32>,
    %add3A_998 = arith.constant 1 : i32
    %add3A_999 = vector.broadcast %add3A_998 : i32 to vector<16xi32>
    %add3A_1000 = arith.addi %add3A_988, %add3A_999 : vector<16xi32>
    %swap3A_1001 = arith.constant 64 : index
    %swap3A_1002 = tpu.vector_load %arg19[%swap3A_1001] {strides = array<i32>} : memref<128xi32, #tpu.memory_space<vmem>>, vector<16xi32>,
    tpu.vector_store %arg19[%swap3A_1001], %add3A_1000 {strides = array<i32>} : memref<128xi32, #tpu.memory_space<vmem>>, vector<16xi32>,
    %swap3A_1003 = arith.constant 64 : index
    %swap3A_1004 = tpu.vector_load %arg20[%swap3A_1003] {strides = array<i32>} : memref<128xf32, #tpu.memory_space<vmem>>, vector<16xf32>,
    tpu.vector_store %arg20[%swap3A_1003], %select_n3A_980 {strides = array<i32>} : memref<128xf32, #tpu.memory_space<vmem>>, vector<16xf32>,
    %swap3A_1005 = arith.constant 64 : index
    %swap3A_1006 = tpu.vector_load %arg21[%swap3A_1005] {strides = array<i32>} : memref<128xf32, #tpu.memory_space<vmem>>, vector<16xf32>,
    tpu.vector_store %arg21[%swap3A_1005], %sub3A_956 {strides = array<i32>} : memref<128xf32, #tpu.memory_space<vmem>>, vector<16xf32>,
    %mul3A_1007 = arith.constant 1 : i32
    %mul3A_1008 = arith.constant 128 : i32
    %mul3A_1009 = arith.muli %mul3A_1007, %mul3A_1008 : i32
    %add3A_1010 = arith.constant 80 : i32
    %add3A_1011 = arith.addi %mul3A_1009, %add3A_1010 : i32
    %add3A_1012 = vector.broadcast %add3A_1011 : i32 to vector<16xi32>
    %add3A_1013 = arith.addi %add3A_1012, %iota3A : vector<16xi32>
    %mul3A_1014 = arith.constant 2 : i32
    %mul3A_1015 = vector.broadcast %mul3A_1014 : i32 to vector<16xi32>
    %mul3A_1016 = arith.muli %mul3A_1015, %add3A_1013 : vector<16xi32>
    %gather3A_1017 = tpu.vector_load_idx %arg5[%mul3A_1016] : memref<65536xf32, #tpu.memory_space<vmem>>[vector<16xi32>], vector<16xf32>,
    %add3A_1018 = arith.constant 1 : i32
    %add3A_1019 = vector.broadcast %add3A_1018 : i32 to vector<16xi32>
    %add3A_1020 = arith.addi %mul3A_1016, %add3A_1019 : vector<16xi32>
    %gather3A_1021 = tpu.vector_load_idx %arg5[%add3A_1020] : memref<65536xf32, #tpu.memory_space<vmem>>[vector<16xi32>], vector<16xf32>,
    %mul3A_1022 = arith.constant 2.048000e+03 : f32
    %mul3A_1023 = vector.broadcast %mul3A_1022 : f32 to vector<16xf32>
    %mul3A_1024 = arith.mulf %gather3A_1017, %mul3A_1023 : vector<16xf32>
    %mul3A_1025 = arith.constant 2.048000e+03 : f32
    %mul3A_1026 = vector.broadcast %mul3A_1025 : f32 to vector<16xf32>
    %mul3A_1027 = arith.mulf %gather3A_1021, %mul3A_1026 : vector<16xf32>
    %convert_element_type3A_1028 = arith.fptosi %mul3A_1024 : vector<16xf32> to vector<16xi32>
    %convert_element_type3A_1029 = arith.fptosi %mul3A_1027 : vector<16xf32> to vector<16xi32>
    %convert_element_type3A_1030 = arith.sitofp %convert_element_type3A_1028 : vector<16xi32> to vector<16xf32>
    %sub3A_1031 = arith.subf %mul3A_1024, %convert_element_type3A_1030 : vector<16xf32>
    %convert_element_type3A_1032 = arith.sitofp %convert_element_type3A_1029 : vector<16xi32> to vector<16xf32>
    %sub3A_1033 = arith.subf %mul3A_1027, %convert_element_type3A_1032 : vector<16xf32>
    %max3A_1034 = arith.constant 0 : i32
    %max3A_1035 = vector.broadcast %max3A_1034 : i32 to vector<16xi32>
    %max3A_1036 = arith.maxsi %convert_element_type3A_1028, %max3A_1035 : vector<16xi32>
    %min3A_1037 = arith.constant 2047 : i32
    %min3A_1038 = vector.broadcast %min3A_1037 : i32 to vector<16xi32>
    %min3A_1039 = arith.minsi %max3A_1036, %min3A_1038 : vector<16xi32>
    %max3A_1040 = arith.constant 0 : i32
    %max3A_1041 = vector.broadcast %max3A_1040 : i32 to vector<16xi32>
    %max3A_1042 = arith.maxsi %convert_element_type3A_1029, %max3A_1041 : vector<16xi32>
    %min3A_1043 = arith.constant 2047 : i32
    %min3A_1044 = vector.broadcast %min3A_1043 : i32 to vector<16xi32>
    %min3A_1045 = arith.minsi %max3A_1042, %min3A_1044 : vector<16xi32>
    %add3A_1046 = arith.constant 1 : i32
    %add3A_1047 = vector.broadcast %add3A_1046 : i32 to vector<16xi32>
    %add3A_1048 = arith.addi %min3A_1045, %add3A_1047 : vector<16xi32>
    %min3A_1049 = arith.constant 2047 : i32
    %min3A_1050 = vector.broadcast %min3A_1049 : i32 to vector<16xi32>
    %min3A_1051 = arith.minsi %add3A_1048, %min3A_1050 : vector<16xi32>
    %ge3A_1052 = arith.constant 2047 : i32
    %ge3A_1053 = vector.broadcast %ge3A_1052 : i32 to vector<16xi32>
    %ge3A_1054 = arith.cmpi sge, %min3A_1039, %ge3A_1053 : vector<16xi32>
    %jit3A_1055 = arith.constant 0.000000e+00 : f32
    %broadcast_in_dim3A_1056 = vector.broadcast %jit3A_1055 : f32 to vector<16xf32>
    %select_n3A_1057 = arith.select %ge3A_1054, %broadcast_in_dim3A_1056, %sub3A_1031 : vector<16xi1>, vector<16xf32>
    %mul3A_1058 = arith.constant 2048 : i32
    %mul3A_1059 = vector.broadcast %mul3A_1058 : i32 to vector<16xi32>
    %mul3A_1060 = arith.muli %min3A_1045, %mul3A_1059 : vector<16xi32>
    %add3A_1061 = arith.addi %mul3A_1060, %min3A_1039 : vector<16xi32>
    %mul3A_1062 = arith.constant 2048 : i32
    %mul3A_1063 = vector.broadcast %mul3A_1062 : i32 to vector<16xi32>
    %mul3A_1064 = arith.muli %min3A_1051, %mul3A_1063 : vector<16xi32>
    %add3A_1065 = arith.addi %mul3A_1064, %min3A_1039 : vector<16xi32>
    %swap3A_1066 = arith.constant 80 : index
    %swap3A_1067 = tpu.vector_load %arg16[%swap3A_1066] {strides = array<i32>} : memref<128xi32, #tpu.memory_space<vmem>>, vector<16xi32>,
    tpu.vector_store %arg16[%swap3A_1066], %add3A_1061 {strides = array<i32>} : memref<128xi32, #tpu.memory_space<vmem>>, vector<16xi32>,
    %add3A_1068 = arith.constant 1 : i32
    %add3A_1069 = vector.broadcast %add3A_1068 : i32 to vector<16xi32>
    %add3A_1070 = arith.addi %add3A_1061, %add3A_1069 : vector<16xi32>
    %swap3A_1071 = arith.constant 80 : index
    %swap3A_1072 = tpu.vector_load %arg17[%swap3A_1071] {strides = array<i32>} : memref<128xi32, #tpu.memory_space<vmem>>, vector<16xi32>,
    tpu.vector_store %arg17[%swap3A_1071], %add3A_1070 {strides = array<i32>} : memref<128xi32, #tpu.memory_space<vmem>>, vector<16xi32>,
    %swap3A_1073 = arith.constant 80 : index
    %swap3A_1074 = tpu.vector_load %arg18[%swap3A_1073] {strides = array<i32>} : memref<128xi32, #tpu.memory_space<vmem>>, vector<16xi32>,
    tpu.vector_store %arg18[%swap3A_1073], %add3A_1065 {strides = array<i32>} : memref<128xi32, #tpu.memory_space<vmem>>, vector<16xi32>,
    %add3A_1075 = arith.constant 1 : i32
    %add3A_1076 = vector.broadcast %add3A_1075 : i32 to vector<16xi32>
    %add3A_1077 = arith.addi %add3A_1065, %add3A_1076 : vector<16xi32>
    %swap3A_1078 = arith.constant 80 : index
    %swap3A_1079 = tpu.vector_load %arg19[%swap3A_1078] {strides = array<i32>} : memref<128xi32, #tpu.memory_space<vmem>>, vector<16xi32>,
    tpu.vector_store %arg19[%swap3A_1078], %add3A_1077 {strides = array<i32>} : memref<128xi32, #tpu.memory_space<vmem>>, vector<16xi32>,
    %swap3A_1080 = arith.constant 80 : index
    %swap3A_1081 = tpu.vector_load %arg20[%swap3A_1080] {strides = array<i32>} : memref<128xf32, #tpu.memory_space<vmem>>, vector<16xf32>,
    tpu.vector_store %arg20[%swap3A_1080], %select_n3A_1057 {strides = array<i32>} : memref<128xf32, #tpu.memory_space<vmem>>, vector<16xf32>,
    %swap3A_1082 = arith.constant 80 : index
    %swap3A_1083 = tpu.vector_load %arg21[%swap3A_1082] {strides = array<i32>} : memref<128xf32, #tpu.memory_space<vmem>>, vector<16xf32>,
    tpu.vector_store %arg21[%swap3A_1082], %sub3A_1033 {strides = array<i32>} : memref<128xf32, #tpu.memory_space<vmem>>, vector<16xf32>,
    %mul3A_1084 = arith.constant 1 : i32
    %mul3A_1085 = arith.constant 128 : i32
    %mul3A_1086 = arith.muli %mul3A_1084, %mul3A_1085 : i32
    %add3A_1087 = arith.constant 96 : i32
    %add3A_1088 = arith.addi %mul3A_1086, %add3A_1087 : i32
    %add3A_1089 = vector.broadcast %add3A_1088 : i32 to vector<16xi32>
    %add3A_1090 = arith.addi %add3A_1089, %iota3A : vector<16xi32>
    %mul3A_1091 = arith.constant 2 : i32
    %mul3A_1092 = vector.broadcast %mul3A_1091 : i32 to vector<16xi32>
    %mul3A_1093 = arith.muli %mul3A_1092, %add3A_1090 : vector<16xi32>
    %gather3A_1094 = tpu.vector_load_idx %arg5[%mul3A_1093] : memref<65536xf32, #tpu.memory_space<vmem>>[vector<16xi32>], vector<16xf32>,
    %add3A_1095 = arith.constant 1 : i32
    %add3A_1096 = vector.broadcast %add3A_1095 : i32 to vector<16xi32>
    %add3A_1097 = arith.addi %mul3A_1093, %add3A_1096 : vector<16xi32>
    %gather3A_1098 = tpu.vector_load_idx %arg5[%add3A_1097] : memref<65536xf32, #tpu.memory_space<vmem>>[vector<16xi32>], vector<16xf32>,
    %mul3A_1099 = arith.constant 2.048000e+03 : f32
    %mul3A_1100 = vector.broadcast %mul3A_1099 : f32 to vector<16xf32>
    %mul3A_1101 = arith.mulf %gather3A_1094, %mul3A_1100 : vector<16xf32>
    %mul3A_1102 = arith.constant 2.048000e+03 : f32
    %mul3A_1103 = vector.broadcast %mul3A_1102 : f32 to vector<16xf32>
    %mul3A_1104 = arith.mulf %gather3A_1098, %mul3A_1103 : vector<16xf32>
    %convert_element_type3A_1105 = arith.fptosi %mul3A_1101 : vector<16xf32> to vector<16xi32>
    %convert_element_type3A_1106 = arith.fptosi %mul3A_1104 : vector<16xf32> to vector<16xi32>
    %convert_element_type3A_1107 = arith.sitofp %convert_element_type3A_1105 : vector<16xi32> to vector<16xf32>
    %sub3A_1108 = arith.subf %mul3A_1101, %convert_element_type3A_1107 : vector<16xf32>
    %convert_element_type3A_1109 = arith.sitofp %convert_element_type3A_1106 : vector<16xi32> to vector<16xf32>
    %sub3A_1110 = arith.subf %mul3A_1104, %convert_element_type3A_1109 : vector<16xf32>
    %max3A_1111 = arith.constant 0 : i32
    %max3A_1112 = vector.broadcast %max3A_1111 : i32 to vector<16xi32>
    %max3A_1113 = arith.maxsi %convert_element_type3A_1105, %max3A_1112 : vector<16xi32>
    %min3A_1114 = arith.constant 2047 : i32
    %min3A_1115 = vector.broadcast %min3A_1114 : i32 to vector<16xi32>
    %min3A_1116 = arith.minsi %max3A_1113, %min3A_1115 : vector<16xi32>
    %max3A_1117 = arith.constant 0 : i32
    %max3A_1118 = vector.broadcast %max3A_1117 : i32 to vector<16xi32>
    %max3A_1119 = arith.maxsi %convert_element_type3A_1106, %max3A_1118 : vector<16xi32>
    %min3A_1120 = arith.constant 2047 : i32
    %min3A_1121 = vector.broadcast %min3A_1120 : i32 to vector<16xi32>
    %min3A_1122 = arith.minsi %max3A_1119, %min3A_1121 : vector<16xi32>
    %add3A_1123 = arith.constant 1 : i32
    %add3A_1124 = vector.broadcast %add3A_1123 : i32 to vector<16xi32>
    %add3A_1125 = arith.addi %min3A_1122, %add3A_1124 : vector<16xi32>
    %min3A_1126 = arith.constant 2047 : i32
    %min3A_1127 = vector.broadcast %min3A_1126 : i32 to vector<16xi32>
    %min3A_1128 = arith.minsi %add3A_1125, %min3A_1127 : vector<16xi32>
    %ge3A_1129 = arith.constant 2047 : i32
    %ge3A_1130 = vector.broadcast %ge3A_1129 : i32 to vector<16xi32>
    %ge3A_1131 = arith.cmpi sge, %min3A_1116, %ge3A_1130 : vector<16xi32>
    %jit3A_1132 = arith.constant 0.000000e+00 : f32
    %broadcast_in_dim3A_1133 = vector.broadcast %jit3A_1132 : f32 to vector<16xf32>
    %select_n3A_1134 = arith.select %ge3A_1131, %broadcast_in_dim3A_1133, %sub3A_1108 : vector<16xi1>, vector<16xf32>
    %mul3A_1135 = arith.constant 2048 : i32
    %mul3A_1136 = vector.broadcast %mul3A_1135 : i32 to vector<16xi32>
    %mul3A_1137 = arith.muli %min3A_1122, %mul3A_1136 : vector<16xi32>
    %add3A_1138 = arith.addi %mul3A_1137, %min3A_1116 : vector<16xi32>
    %mul3A_1139 = arith.constant 2048 : i32
    %mul3A_1140 = vector.broadcast %mul3A_1139 : i32 to vector<16xi32>
    %mul3A_1141 = arith.muli %min3A_1128, %mul3A_1140 : vector<16xi32>
    %add3A_1142 = arith.addi %mul3A_1141, %min3A_1116 : vector<16xi32>
    %swap3A_1143 = arith.constant 96 : index
    %swap3A_1144 = tpu.vector_load %arg16[%swap3A_1143] {strides = array<i32>} : memref<128xi32, #tpu.memory_space<vmem>>, vector<16xi32>,
    tpu.vector_store %arg16[%swap3A_1143], %add3A_1138 {strides = array<i32>} : memref<128xi32, #tpu.memory_space<vmem>>, vector<16xi32>,
    %add3A_1145 = arith.constant 1 : i32
    %add3A_1146 = vector.broadcast %add3A_1145 : i32 to vector<16xi32>
    %add3A_1147 = arith.addi %add3A_1138, %add3A_1146 : vector<16xi32>
    %swap3A_1148 = arith.constant 96 : index
    %swap3A_1149 = tpu.vector_load %arg17[%swap3A_1148] {strides = array<i32>} : memref<128xi32, #tpu.memory_space<vmem>>, vector<16xi32>,
    tpu.vector_store %arg17[%swap3A_1148], %add3A_1147 {strides = array<i32>} : memref<128xi32, #tpu.memory_space<vmem>>, vector<16xi32>,
    %swap3A_1150 = arith.constant 96 : index
    %swap3A_1151 = tpu.vector_load %arg18[%swap3A_1150] {strides = array<i32>} : memref<128xi32, #tpu.memory_space<vmem>>, vector<16xi32>,
    tpu.vector_store %arg18[%swap3A_1150], %add3A_1142 {strides = array<i32>} : memref<128xi32, #tpu.memory_space<vmem>>, vector<16xi32>,
    %add3A_1152 = arith.constant 1 : i32
    %add3A_1153 = vector.broadcast %add3A_1152 : i32 to vector<16xi32>
    %add3A_1154 = arith.addi %add3A_1142, %add3A_1153 : vector<16xi32>
    %swap3A_1155 = arith.constant 96 : index
    %swap3A_1156 = tpu.vector_load %arg19[%swap3A_1155] {strides = array<i32>} : memref<128xi32, #tpu.memory_space<vmem>>, vector<16xi32>,
    tpu.vector_store %arg19[%swap3A_1155], %add3A_1154 {strides = array<i32>} : memref<128xi32, #tpu.memory_space<vmem>>, vector<16xi32>,
    %swap3A_1157 = arith.constant 96 : index
    %swap3A_1158 = tpu.vector_load %arg20[%swap3A_1157] {strides = array<i32>} : memref<128xf32, #tpu.memory_space<vmem>>, vector<16xf32>,
    tpu.vector_store %arg20[%swap3A_1157], %select_n3A_1134 {strides = array<i32>} : memref<128xf32, #tpu.memory_space<vmem>>, vector<16xf32>,
    %swap3A_1159 = arith.constant 96 : index
    %swap3A_1160 = tpu.vector_load %arg21[%swap3A_1159] {strides = array<i32>} : memref<128xf32, #tpu.memory_space<vmem>>, vector<16xf32>,
    tpu.vector_store %arg21[%swap3A_1159], %sub3A_1110 {strides = array<i32>} : memref<128xf32, #tpu.memory_space<vmem>>, vector<16xf32>,
    %mul3A_1161 = arith.constant 1 : i32
    %mul3A_1162 = arith.constant 128 : i32
    %mul3A_1163 = arith.muli %mul3A_1161, %mul3A_1162 : i32
    %add3A_1164 = arith.constant 112 : i32
    %add3A_1165 = arith.addi %mul3A_1163, %add3A_1164 : i32
    %add3A_1166 = vector.broadcast %add3A_1165 : i32 to vector<16xi32>
    %add3A_1167 = arith.addi %add3A_1166, %iota3A : vector<16xi32>
    %mul3A_1168 = arith.constant 2 : i32
    %mul3A_1169 = vector.broadcast %mul3A_1168 : i32 to vector<16xi32>
    %mul3A_1170 = arith.muli %mul3A_1169, %add3A_1167 : vector<16xi32>
    %gather3A_1171 = tpu.vector_load_idx %arg5[%mul3A_1170] : memref<65536xf32, #tpu.memory_space<vmem>>[vector<16xi32>], vector<16xf32>,
    %add3A_1172 = arith.constant 1 : i32
    %add3A_1173 = vector.broadcast %add3A_1172 : i32 to vector<16xi32>
    %add3A_1174 = arith.addi %mul3A_1170, %add3A_1173 : vector<16xi32>
    %gather3A_1175 = tpu.vector_load_idx %arg5[%add3A_1174] : memref<65536xf32, #tpu.memory_space<vmem>>[vector<16xi32>], vector<16xf32>,
    %mul3A_1176 = arith.constant 2.048000e+03 : f32
    %mul3A_1177 = vector.broadcast %mul3A_1176 : f32 to vector<16xf32>
    %mul3A_1178 = arith.mulf %gather3A_1171, %mul3A_1177 : vector<16xf32>
    %mul3A_1179 = arith.constant 2.048000e+03 : f32
    %mul3A_1180 = vector.broadcast %mul3A_1179 : f32 to vector<16xf32>
    %mul3A_1181 = arith.mulf %gather3A_1175, %mul3A_1180 : vector<16xf32>
    %convert_element_type3A_1182 = arith.fptosi %mul3A_1178 : vector<16xf32> to vector<16xi32>
    %convert_element_type3A_1183 = arith.fptosi %mul3A_1181 : vector<16xf32> to vector<16xi32>
    %convert_element_type3A_1184 = arith.sitofp %convert_element_type3A_1182 : vector<16xi32> to vector<16xf32>
    %sub3A_1185 = arith.subf %mul3A_1178, %convert_element_type3A_1184 : vector<16xf32>
    %convert_element_type3A_1186 = arith.sitofp %convert_element_type3A_1183 : vector<16xi32> to vector<16xf32>
    %sub3A_1187 = arith.subf %mul3A_1181, %convert_element_type3A_1186 : vector<16xf32>
    %max3A_1188 = arith.constant 0 : i32
    %max3A_1189 = vector.broadcast %max3A_1188 : i32 to vector<16xi32>
    %max3A_1190 = arith.maxsi %convert_element_type3A_1182, %max3A_1189 : vector<16xi32>
    %min3A_1191 = arith.constant 2047 : i32
    %min3A_1192 = vector.broadcast %min3A_1191 : i32 to vector<16xi32>
    %min3A_1193 = arith.minsi %max3A_1190, %min3A_1192 : vector<16xi32>
    %max3A_1194 = arith.constant 0 : i32
    %max3A_1195 = vector.broadcast %max3A_1194 : i32 to vector<16xi32>
    %max3A_1196 = arith.maxsi %convert_element_type3A_1183, %max3A_1195 : vector<16xi32>
    %min3A_1197 = arith.constant 2047 : i32
    %min3A_1198 = vector.broadcast %min3A_1197 : i32 to vector<16xi32>
    %min3A_1199 = arith.minsi %max3A_1196, %min3A_1198 : vector<16xi32>
    %add3A_1200 = arith.constant 1 : i32
    %add3A_1201 = vector.broadcast %add3A_1200 : i32 to vector<16xi32>
    %add3A_1202 = arith.addi %min3A_1199, %add3A_1201 : vector<16xi32>
    %min3A_1203 = arith.constant 2047 : i32
    %min3A_1204 = vector.broadcast %min3A_1203 : i32 to vector<16xi32>
    %min3A_1205 = arith.minsi %add3A_1202, %min3A_1204 : vector<16xi32>
    %ge3A_1206 = arith.constant 2047 : i32
    %ge3A_1207 = vector.broadcast %ge3A_1206 : i32 to vector<16xi32>
    %ge3A_1208 = arith.cmpi sge, %min3A_1193, %ge3A_1207 : vector<16xi32>
    %jit3A_1209 = arith.constant 0.000000e+00 : f32
    %broadcast_in_dim3A_1210 = vector.broadcast %jit3A_1209 : f32 to vector<16xf32>
    %select_n3A_1211 = arith.select %ge3A_1208, %broadcast_in_dim3A_1210, %sub3A_1185 : vector<16xi1>, vector<16xf32>
    %mul3A_1212 = arith.constant 2048 : i32
    %mul3A_1213 = vector.broadcast %mul3A_1212 : i32 to vector<16xi32>
    %mul3A_1214 = arith.muli %min3A_1199, %mul3A_1213 : vector<16xi32>
    %add3A_1215 = arith.addi %mul3A_1214, %min3A_1193 : vector<16xi32>
    %mul3A_1216 = arith.constant 2048 : i32
    %mul3A_1217 = vector.broadcast %mul3A_1216 : i32 to vector<16xi32>
    %mul3A_1218 = arith.muli %min3A_1205, %mul3A_1217 : vector<16xi32>
    %add3A_1219 = arith.addi %mul3A_1218, %min3A_1193 : vector<16xi32>
    %swap3A_1220 = arith.constant 112 : index
    %swap3A_1221 = tpu.vector_load %arg16[%swap3A_1220] {strides = array<i32>} : memref<128xi32, #tpu.memory_space<vmem>>, vector<16xi32>,
    tpu.vector_store %arg16[%swap3A_1220], %add3A_1215 {strides = array<i32>} : memref<128xi32, #tpu.memory_space<vmem>>, vector<16xi32>,
    %add3A_1222 = arith.constant 1 : i32
    %add3A_1223 = vector.broadcast %add3A_1222 : i32 to vector<16xi32>
    %add3A_1224 = arith.addi %add3A_1215, %add3A_1223 : vector<16xi32>
    %swap3A_1225 = arith.constant 112 : index
    %swap3A_1226 = tpu.vector_load %arg17[%swap3A_1225] {strides = array<i32>} : memref<128xi32, #tpu.memory_space<vmem>>, vector<16xi32>,
    tpu.vector_store %arg17[%swap3A_1225], %add3A_1224 {strides = array<i32>} : memref<128xi32, #tpu.memory_space<vmem>>, vector<16xi32>,
    %swap3A_1227 = arith.constant 112 : index
    %swap3A_1228 = tpu.vector_load %arg18[%swap3A_1227] {strides = array<i32>} : memref<128xi32, #tpu.memory_space<vmem>>, vector<16xi32>,
    tpu.vector_store %arg18[%swap3A_1227], %add3A_1219 {strides = array<i32>} : memref<128xi32, #tpu.memory_space<vmem>>, vector<16xi32>,
    %add3A_1229 = arith.constant 1 : i32
    %add3A_1230 = vector.broadcast %add3A_1229 : i32 to vector<16xi32>
    %add3A_1231 = arith.addi %add3A_1219, %add3A_1230 : vector<16xi32>
    %swap3A_1232 = arith.constant 112 : index
    %swap3A_1233 = tpu.vector_load %arg19[%swap3A_1232] {strides = array<i32>} : memref<128xi32, #tpu.memory_space<vmem>>, vector<16xi32>,
    tpu.vector_store %arg19[%swap3A_1232], %add3A_1231 {strides = array<i32>} : memref<128xi32, #tpu.memory_space<vmem>>, vector<16xi32>,
    %swap3A_1234 = arith.constant 112 : index
    %swap3A_1235 = tpu.vector_load %arg20[%swap3A_1234] {strides = array<i32>} : memref<128xf32, #tpu.memory_space<vmem>>, vector<16xf32>,
    tpu.vector_store %arg20[%swap3A_1234], %select_n3A_1211 {strides = array<i32>} : memref<128xf32, #tpu.memory_space<vmem>>, vector<16xf32>,
    %swap3A_1236 = arith.constant 112 : index
    %swap3A_1237 = tpu.vector_load %arg21[%swap3A_1236] {strides = array<i32>} : memref<128xf32, #tpu.memory_space<vmem>>, vector<16xf32>,
    tpu.vector_store %arg21[%swap3A_1236], %sub3A_1187 {strides = array<i32>} : memref<128xf32, #tpu.memory_space<vmem>>, vector<16xf32>,
    %dma_start3A_1238 = arith.constant 0 : i32
    %dma_start3A_1239 = arith.constant 0 : i32
    %dma_start3A_1240 = tpu.memref_slice %arg3[%dma_start3A_1238, %dma_start3A_1239] : memref<4194305x8xf32, #tpu.memory_space<hbm>> -> memref<4194305x8xf32, #tpu.memory_space<hbm>>
    tpu.enqueue_indirect_dma source(%dma_start3A_1240 : memref<4194305x8xf32, #tpu.memory_space<hbm>>) target(%arg22 : memref<128x8xf32, #tpu.memory_space<vmem>>) offsets(%arg16 : memref<128xi32, #tpu.memory_space<vmem>>) semaphore(%arg28 : memref<!tpu.dma_semaphore, #tpu.memory_space<semaphore_mem>>)
    %dma_start3A_1241 = arith.constant 0 : i32
    %dma_start3A_1242 = arith.constant 0 : i32
    %dma_start3A_1243 = tpu.memref_slice %arg3[%dma_start3A_1241, %dma_start3A_1242] : memref<4194305x8xf32, #tpu.memory_space<hbm>> -> memref<4194305x8xf32, #tpu.memory_space<hbm>>
    tpu.enqueue_indirect_dma source(%dma_start3A_1243 : memref<4194305x8xf32, #tpu.memory_space<hbm>>) target(%arg23 : memref<128x8xf32, #tpu.memory_space<vmem>>) offsets(%arg17 : memref<128xi32, #tpu.memory_space<vmem>>) semaphore(%arg28 : memref<!tpu.dma_semaphore, #tpu.memory_space<semaphore_mem>>)
    %dma_start3A_1244 = arith.constant 0 : i32
    %dma_start3A_1245 = arith.constant 0 : i32
    %dma_start3A_1246 = tpu.memref_slice %arg3[%dma_start3A_1244, %dma_start3A_1245] : memref<4194305x8xf32, #tpu.memory_space<hbm>> -> memref<4194305x8xf32, #tpu.memory_space<hbm>>
    tpu.enqueue_indirect_dma source(%dma_start3A_1246 : memref<4194305x8xf32, #tpu.memory_space<hbm>>) target(%arg24 : memref<128x8xf32, #tpu.memory_space<vmem>>) offsets(%arg18 : memref<128xi32, #tpu.memory_space<vmem>>) semaphore(%arg28 : memref<!tpu.dma_semaphore, #tpu.memory_space<semaphore_mem>>)
    %dma_start3A_1247 = arith.constant 0 : i32
    %dma_start3A_1248 = arith.constant 0 : i32
    %dma_start3A_1249 = tpu.memref_slice %arg3[%dma_start3A_1247, %dma_start3A_1248] : memref<4194305x8xf32, #tpu.memory_space<hbm>> -> memref<4194305x8xf32, #tpu.memory_space<hbm>>
    tpu.enqueue_indirect_dma source(%dma_start3A_1249 : memref<4194305x8xf32, #tpu.memory_space<hbm>>) target(%arg25 : memref<128x8xf32, #tpu.memory_space<vmem>>) offsets(%arg19 : memref<128xi32, #tpu.memory_space<vmem>>) semaphore(%arg28 : memref<!tpu.dma_semaphore, #tpu.memory_space<semaphore_mem>>)
    %scan3A = arith.constant 0 : i32
    %scan3A_1250 = arith.constant 0 : i32
    %scan3A_1251 = arith.constant 128 : i32
    %scan3A_1252 = arith.addi %scan3A_1250, %scan3A_1251 : i32
    %scan3A_1253 = arith.constant 1 : i32
    scf.for %scan3A_1278 = %scan3A_1250 to %scan3A_1252 step %scan3A_1253  : i32 {
      %mul3A_1279 = arith.constant 2 : i32
      %mul3A_1280 = arith.muli %mul3A_1279, %scan3A_1278 : i32
      %add3A_1281 = arith.constant 0 : i32
      %add3A_1282 = arith.addi %mul3A_1280, %add3A_1281 : i32
      %dma_wait3A_1283 = arith.constant 0 : i32
      %dma_wait3A_1284 = arith.constant 0 : i32
      %dma_wait3A_1285 = tpu.memref_slice %arg3[%dma_wait3A_1283, %dma_wait3A_1284] : memref<4194305x8xf32, #tpu.memory_space<hbm>> -> memref<4194305x8xf32, #tpu.memory_space<hbm>>
      tpu.wait_indirect_dma semaphore(%arg27 : memref<!tpu.dma_semaphore, #tpu.memory_space<semaphore_mem>>) src(%dma_wait3A_1285 : memref<4194305x8xf32, #tpu.memory_space<hbm>>) dst(%arg12 : memref<128x8xf32, #tpu.memory_space<vmem>>)
      %dma_wait3A_1286 = arith.constant 0 : i32
      %dma_wait3A_1287 = arith.constant 0 : i32
      %dma_wait3A_1288 = tpu.memref_slice %arg3[%dma_wait3A_1286, %dma_wait3A_1287] : memref<4194305x8xf32, #tpu.memory_space<hbm>> -> memref<4194305x8xf32, #tpu.memory_space<hbm>>
      tpu.wait_indirect_dma semaphore(%arg27 : memref<!tpu.dma_semaphore, #tpu.memory_space<semaphore_mem>>) src(%dma_wait3A_1288 : memref<4194305x8xf32, #tpu.memory_space<hbm>>) dst(%arg13 : memref<128x8xf32, #tpu.memory_space<vmem>>)
      %dma_wait3A_1289 = arith.constant 0 : i32
      %dma_wait3A_1290 = arith.constant 0 : i32
      %dma_wait3A_1291 = tpu.memref_slice %arg3[%dma_wait3A_1289, %dma_wait3A_1290] : memref<4194305x8xf32, #tpu.memory_space<hbm>> -> memref<4194305x8xf32, #tpu.memory_space<hbm>>
      tpu.wait_indirect_dma semaphore(%arg27 : memref<!tpu.dma_semaphore, #tpu.memory_space<semaphore_mem>>) src(%dma_wait3A_1291 : memref<4194305x8xf32, #tpu.memory_space<hbm>>) dst(%arg14 : memref<128x8xf32, #tpu.memory_space<vmem>>)
      %dma_wait3A_1292 = arith.constant 0 : i32
      %dma_wait3A_1293 = arith.constant 0 : i32
      %dma_wait3A_1294 = tpu.memref_slice %arg3[%dma_wait3A_1292, %dma_wait3A_1293] : memref<4194305x8xf32, #tpu.memory_space<hbm>> -> memref<4194305x8xf32, #tpu.memory_space<hbm>>
      tpu.wait_indirect_dma semaphore(%arg27 : memref<!tpu.dma_semaphore, #tpu.memory_space<semaphore_mem>>) src(%dma_wait3A_1294 : memref<4194305x8xf32, #tpu.memory_space<hbm>>) dst(%arg15 : memref<128x8xf32, #tpu.memory_space<vmem>>)
      %get3A = arith.constant 0 : index
      %get3A_1295 = tpu.vector_load %arg10[%get3A] {strides = array<i32>} : memref<128xf32, #tpu.memory_space<vmem>>, vector<16xf32>,
      %get3A_1296 = arith.constant 0 : index
      %get3A_1297 = tpu.vector_load %arg11[%get3A_1296] {strides = array<i32>} : memref<128xf32, #tpu.memory_space<vmem>>, vector<16xf32>,
      %add3A_1298 = arith.constant 0 : i32
      %add3A_1299 = vector.broadcast %add3A_1298 : i32 to vector<16xi32>
      %add3A_1300 = arith.addi %add3A_1299, %iota3A : vector<16xi32>
      %broadcast_in_dim3A_1301 = arith.constant 0 : i32
      %broadcast_in_dim3A_1302 = vector.broadcast %broadcast_in_dim3A_1301 : i32 to vector<16xi32>
      %gather3A_1303 = tpu.vector_load_idx %arg12[%add3A_1300, %broadcast_in_dim3A_1302] : memref<128x8xf32, #tpu.memory_space<vmem>>[vector<16xi32>, vector<16xi32>], vector<16xf32>,
      %gather3A_1304 = tpu.vector_load_idx %arg13[%add3A_1300, %broadcast_in_dim3A_1302] : memref<128x8xf32, #tpu.memory_space<vmem>>[vector<16xi32>, vector<16xi32>], vector<16xf32>,
      %gather3A_1305 = tpu.vector_load_idx %arg14[%add3A_1300, %broadcast_in_dim3A_1302] : memref<128x8xf32, #tpu.memory_space<vmem>>[vector<16xi32>, vector<16xi32>], vector<16xf32>,
      %gather3A_1306 = tpu.vector_load_idx %arg15[%add3A_1300, %broadcast_in_dim3A_1302] : memref<128x8xf32, #tpu.memory_space<vmem>>[vector<16xi32>, vector<16xi32>], vector<16xf32>,
      %sub3A_1307 = arith.subf %gather3A_1304, %gather3A_1303 : vector<16xf32>
      %mul3A_1308 = arith.mulf %get3A_1295, %sub3A_1307 : vector<16xf32>
      %add3A_1309 = arith.addf %gather3A_1303, %mul3A_1308 : vector<16xf32>
      %sub3A_1310 = arith.subf %gather3A_1306, %gather3A_1305 : vector<16xf32>
      %mul3A_1311 = arith.mulf %get3A_1295, %sub3A_1310 : vector<16xf32>
      %add3A_1312 = arith.addf %gather3A_1305, %mul3A_1311 : vector<16xf32>
      %sub3A_1313 = arith.subf %add3A_1312, %add3A_1309 : vector<16xf32>
      %mul3A_1314 = arith.mulf %get3A_1297, %sub3A_1313 : vector<16xf32>
      %add3A_1315 = arith.addf %add3A_1309, %mul3A_1314 : vector<16xf32>
      %mul3A_1316 = arith.constant 3 : i32
      %mul3A_1317 = vector.broadcast %mul3A_1316 : i32 to vector<16xi32>
      %mul3A_1318 = arith.muli %mul3A_1317, %add3A_1300 : vector<16xi32>
      %add3A_1319 = arith.constant 0 : i32
      %add3A_1320 = vector.broadcast %add3A_1319 : i32 to vector<16xi32>
      %add3A_1321 = arith.addi %add3A_1320, %mul3A_1318 : vector<16xi32>
      %add3A_1322 = arith.constant 0 : i32
      %add3A_1323 = vector.broadcast %add3A_1322 : i32 to vector<16xi32>
      %add3A_1324 = arith.addi %add3A_1321, %add3A_1323 : vector<16xi32>
      tpu.vector_store_idx %arg26[%add3A_1324], %add3A_1315 : memref<768xf32, #tpu.memory_space<vmem>>[vector<16xi32>], vector<16xf32>,
      %broadcast_in_dim3A_1325 = arith.constant 1 : i32
      %broadcast_in_dim3A_1326 = vector.broadcast %broadcast_in_dim3A_1325 : i32 to vector<16xi32>
      %gather3A_1327 = tpu.vector_load_idx %arg12[%add3A_1300, %broadcast_in_dim3A_1326] : memref<128x8xf32, #tpu.memory_space<vmem>>[vector<16xi32>, vector<16xi32>], vector<16xf32>,
      %gather3A_1328 = tpu.vector_load_idx %arg13[%add3A_1300, %broadcast_in_dim3A_1326] : memref<128x8xf32, #tpu.memory_space<vmem>>[vector<16xi32>, vector<16xi32>], vector<16xf32>,
      %gather3A_1329 = tpu.vector_load_idx %arg14[%add3A_1300, %broadcast_in_dim3A_1326] : memref<128x8xf32, #tpu.memory_space<vmem>>[vector<16xi32>, vector<16xi32>], vector<16xf32>,
      %gather3A_1330 = tpu.vector_load_idx %arg15[%add3A_1300, %broadcast_in_dim3A_1326] : memref<128x8xf32, #tpu.memory_space<vmem>>[vector<16xi32>, vector<16xi32>], vector<16xf32>,
      %sub3A_1331 = arith.subf %gather3A_1328, %gather3A_1327 : vector<16xf32>
      %mul3A_1332 = arith.mulf %get3A_1295, %sub3A_1331 : vector<16xf32>
      %add3A_1333 = arith.addf %gather3A_1327, %mul3A_1332 : vector<16xf32>
      %sub3A_1334 = arith.subf %gather3A_1330, %gather3A_1329 : vector<16xf32>
      %mul3A_1335 = arith.mulf %get3A_1295, %sub3A_1334 : vector<16xf32>
      %add3A_1336 = arith.addf %gather3A_1329, %mul3A_1335 : vector<16xf32>
      %sub3A_1337 = arith.subf %add3A_1336, %add3A_1333 : vector<16xf32>
      %mul3A_1338 = arith.mulf %get3A_1297, %sub3A_1337 : vector<16xf32>
      %add3A_1339 = arith.addf %add3A_1333, %mul3A_1338 : vector<16xf32>
      %mul3A_1340 = arith.constant 3 : i32
      %mul3A_1341 = vector.broadcast %mul3A_1340 : i32 to vector<16xi32>
      %mul3A_1342 = arith.muli %mul3A_1341, %add3A_1300 : vector<16xi32>
      %add3A_1343 = arith.constant 0 : i32
      %add3A_1344 = vector.broadcast %add3A_1343 : i32 to vector<16xi32>
      %add3A_1345 = arith.addi %add3A_1344, %mul3A_1342 : vector<16xi32>
      %add3A_1346 = arith.constant 1 : i32
      %add3A_1347 = vector.broadcast %add3A_1346 : i32 to vector<16xi32>
      %add3A_1348 = arith.addi %add3A_1345, %add3A_1347 : vector<16xi32>
      tpu.vector_store_idx %arg26[%add3A_1348], %add3A_1339 : memref<768xf32, #tpu.memory_space<vmem>>[vector<16xi32>], vector<16xf32>,
      %broadcast_in_dim3A_1349 = arith.constant 2 : i32
      %broadcast_in_dim3A_1350 = vector.broadcast %broadcast_in_dim3A_1349 : i32 to vector<16xi32>
      %gather3A_1351 = tpu.vector_load_idx %arg12[%add3A_1300, %broadcast_in_dim3A_1350] : memref<128x8xf32, #tpu.memory_space<vmem>>[vector<16xi32>, vector<16xi32>], vector<16xf32>,
      %gather3A_1352 = tpu.vector_load_idx %arg13[%add3A_1300, %broadcast_in_dim3A_1350] : memref<128x8xf32, #tpu.memory_space<vmem>>[vector<16xi32>, vector<16xi32>], vector<16xf32>,
      %gather3A_1353 = tpu.vector_load_idx %arg14[%add3A_1300, %broadcast_in_dim3A_1350] : memref<128x8xf32, #tpu.memory_space<vmem>>[vector<16xi32>, vector<16xi32>], vector<16xf32>,
      %gather3A_1354 = tpu.vector_load_idx %arg15[%add3A_1300, %broadcast_in_dim3A_1350] : memref<128x8xf32, #tpu.memory_space<vmem>>[vector<16xi32>, vector<16xi32>], vector<16xf32>,
      %sub3A_1355 = arith.subf %gather3A_1352, %gather3A_1351 : vector<16xf32>
      %mul3A_1356 = arith.mulf %get3A_1295, %sub3A_1355 : vector<16xf32>
      %add3A_1357 = arith.addf %gather3A_1351, %mul3A_1356 : vector<16xf32>
      %sub3A_1358 = arith.subf %gather3A_1354, %gather3A_1353 : vector<16xf32>
      %mul3A_1359 = arith.mulf %get3A_1295, %sub3A_1358 : vector<16xf32>
      %add3A_1360 = arith.addf %gather3A_1353, %mul3A_1359 : vector<16xf32>
      %sub3A_1361 = arith.subf %add3A_1360, %add3A_1357 : vector<16xf32>
      %mul3A_1362 = arith.mulf %get3A_1297, %sub3A_1361 : vector<16xf32>
      %add3A_1363 = arith.addf %add3A_1357, %mul3A_1362 : vector<16xf32>
      %mul3A_1364 = arith.constant 3 : i32
      %mul3A_1365 = vector.broadcast %mul3A_1364 : i32 to vector<16xi32>
      %mul3A_1366 = arith.muli %mul3A_1365, %add3A_1300 : vector<16xi32>
      %add3A_1367 = arith.constant 0 : i32
      %add3A_1368 = vector.broadcast %add3A_1367 : i32 to vector<16xi32>
      %add3A_1369 = arith.addi %add3A_1368, %mul3A_1366 : vector<16xi32>
      %add3A_1370 = arith.constant 2 : i32
      %add3A_1371 = vector.broadcast %add3A_1370 : i32 to vector<16xi32>
      %add3A_1372 = arith.addi %add3A_1369, %add3A_1371 : vector<16xi32>
      tpu.vector_store_idx %arg26[%add3A_1372], %add3A_1363 : memref<768xf32, #tpu.memory_space<vmem>>[vector<16xi32>], vector<16xf32>,
      %get3A_1373 = arith.constant 16 : index
      %get3A_1374 = tpu.vector_load %arg10[%get3A_1373] {strides = array<i32>} : memref<128xf32, #tpu.memory_space<vmem>>, vector<16xf32>,
      %get3A_1375 = arith.constant 16 : index
      %get3A_1376 = tpu.vector_load %arg11[%get3A_1375] {strides = array<i32>} : memref<128xf32, #tpu.memory_space<vmem>>, vector<16xf32>,
      %add3A_1377 = arith.constant 16 : i32
      %add3A_1378 = vector.broadcast %add3A_1377 : i32 to vector<16xi32>
      %add3A_1379 = arith.addi %add3A_1378, %iota3A : vector<16xi32>
      %broadcast_in_dim3A_1380 = arith.constant 0 : i32
      %broadcast_in_dim3A_1381 = vector.broadcast %broadcast_in_dim3A_1380 : i32 to vector<16xi32>
      %gather3A_1382 = tpu.vector_load_idx %arg12[%add3A_1379, %broadcast_in_dim3A_1381] : memref<128x8xf32, #tpu.memory_space<vmem>>[vector<16xi32>, vector<16xi32>], vector<16xf32>,
      %gather3A_1383 = tpu.vector_load_idx %arg13[%add3A_1379, %broadcast_in_dim3A_1381] : memref<128x8xf32, #tpu.memory_space<vmem>>[vector<16xi32>, vector<16xi32>], vector<16xf32>,
      %gather3A_1384 = tpu.vector_load_idx %arg14[%add3A_1379, %broadcast_in_dim3A_1381] : memref<128x8xf32, #tpu.memory_space<vmem>>[vector<16xi32>, vector<16xi32>], vector<16xf32>,
      %gather3A_1385 = tpu.vector_load_idx %arg15[%add3A_1379, %broadcast_in_dim3A_1381] : memref<128x8xf32, #tpu.memory_space<vmem>>[vector<16xi32>, vector<16xi32>], vector<16xf32>,
      %sub3A_1386 = arith.subf %gather3A_1383, %gather3A_1382 : vector<16xf32>
      %mul3A_1387 = arith.mulf %get3A_1374, %sub3A_1386 : vector<16xf32>
      %add3A_1388 = arith.addf %gather3A_1382, %mul3A_1387 : vector<16xf32>
      %sub3A_1389 = arith.subf %gather3A_1385, %gather3A_1384 : vector<16xf32>
      %mul3A_1390 = arith.mulf %get3A_1374, %sub3A_1389 : vector<16xf32>
      %add3A_1391 = arith.addf %gather3A_1384, %mul3A_1390 : vector<16xf32>
      %sub3A_1392 = arith.subf %add3A_1391, %add3A_1388 : vector<16xf32>
      %mul3A_1393 = arith.mulf %get3A_1376, %sub3A_1392 : vector<16xf32>
      %add3A_1394 = arith.addf %add3A_1388, %mul3A_1393 : vector<16xf32>
      %mul3A_1395 = arith.constant 3 : i32
      %mul3A_1396 = vector.broadcast %mul3A_1395 : i32 to vector<16xi32>
      %mul3A_1397 = arith.muli %mul3A_1396, %add3A_1379 : vector<16xi32>
      %add3A_1398 = arith.constant 0 : i32
      %add3A_1399 = vector.broadcast %add3A_1398 : i32 to vector<16xi32>
      %add3A_1400 = arith.addi %add3A_1399, %mul3A_1397 : vector<16xi32>
      %add3A_1401 = arith.constant 0 : i32
      %add3A_1402 = vector.broadcast %add3A_1401 : i32 to vector<16xi32>
      %add3A_1403 = arith.addi %add3A_1400, %add3A_1402 : vector<16xi32>
      tpu.vector_store_idx %arg26[%add3A_1403], %add3A_1394 : memref<768xf32, #tpu.memory_space<vmem>>[vector<16xi32>], vector<16xf32>,
      %broadcast_in_dim3A_1404 = arith.constant 1 : i32
      %broadcast_in_dim3A_1405 = vector.broadcast %broadcast_in_dim3A_1404 : i32 to vector<16xi32>
      %gather3A_1406 = tpu.vector_load_idx %arg12[%add3A_1379, %broadcast_in_dim3A_1405] : memref<128x8xf32, #tpu.memory_space<vmem>>[vector<16xi32>, vector<16xi32>], vector<16xf32>,
      %gather3A_1407 = tpu.vector_load_idx %arg13[%add3A_1379, %broadcast_in_dim3A_1405] : memref<128x8xf32, #tpu.memory_space<vmem>>[vector<16xi32>, vector<16xi32>], vector<16xf32>,
      %gather3A_1408 = tpu.vector_load_idx %arg14[%add3A_1379, %broadcast_in_dim3A_1405] : memref<128x8xf32, #tpu.memory_space<vmem>>[vector<16xi32>, vector<16xi32>], vector<16xf32>,
      %gather3A_1409 = tpu.vector_load_idx %arg15[%add3A_1379, %broadcast_in_dim3A_1405] : memref<128x8xf32, #tpu.memory_space<vmem>>[vector<16xi32>, vector<16xi32>], vector<16xf32>,
      %sub3A_1410 = arith.subf %gather3A_1407, %gather3A_1406 : vector<16xf32>
      %mul3A_1411 = arith.mulf %get3A_1374, %sub3A_1410 : vector<16xf32>
      %add3A_1412 = arith.addf %gather3A_1406, %mul3A_1411 : vector<16xf32>
      %sub3A_1413 = arith.subf %gather3A_1409, %gather3A_1408 : vector<16xf32>
      %mul3A_1414 = arith.mulf %get3A_1374, %sub3A_1413 : vector<16xf32>
      %add3A_1415 = arith.addf %gather3A_1408, %mul3A_1414 : vector<16xf32>
      %sub3A_1416 = arith.subf %add3A_1415, %add3A_1412 : vector<16xf32>
      %mul3A_1417 = arith.mulf %get3A_1376, %sub3A_1416 : vector<16xf32>
      %add3A_1418 = arith.addf %add3A_1412, %mul3A_1417 : vector<16xf32>
      %mul3A_1419 = arith.constant 3 : i32
      %mul3A_1420 = vector.broadcast %mul3A_1419 : i32 to vector<16xi32>
      %mul3A_1421 = arith.muli %mul3A_1420, %add3A_1379 : vector<16xi32>
      %add3A_1422 = arith.constant 0 : i32
      %add3A_1423 = vector.broadcast %add3A_1422 : i32 to vector<16xi32>
      %add3A_1424 = arith.addi %add3A_1423, %mul3A_1421 : vector<16xi32>
      %add3A_1425 = arith.constant 1 : i32
      %add3A_1426 = vector.broadcast %add3A_1425 : i32 to vector<16xi32>
      %add3A_1427 = arith.addi %add3A_1424, %add3A_1426 : vector<16xi32>
      tpu.vector_store_idx %arg26[%add3A_1427], %add3A_1418 : memref<768xf32, #tpu.memory_space<vmem>>[vector<16xi32>], vector<16xf32>,
      %broadcast_in_dim3A_1428 = arith.constant 2 : i32
      %broadcast_in_dim3A_1429 = vector.broadcast %broadcast_in_dim3A_1428 : i32 to vector<16xi32>
      %gather3A_1430 = tpu.vector_load_idx %arg12[%add3A_1379, %broadcast_in_dim3A_1429] : memref<128x8xf32, #tpu.memory_space<vmem>>[vector<16xi32>, vector<16xi32>], vector<16xf32>,
      %gather3A_1431 = tpu.vector_load_idx %arg13[%add3A_1379, %broadcast_in_dim3A_1429] : memref<128x8xf32, #tpu.memory_space<vmem>>[vector<16xi32>, vector<16xi32>], vector<16xf32>,
      %gather3A_1432 = tpu.vector_load_idx %arg14[%add3A_1379, %broadcast_in_dim3A_1429] : memref<128x8xf32, #tpu.memory_space<vmem>>[vector<16xi32>, vector<16xi32>], vector<16xf32>,
      %gather3A_1433 = tpu.vector_load_idx %arg15[%add3A_1379, %broadcast_in_dim3A_1429] : memref<128x8xf32, #tpu.memory_space<vmem>>[vector<16xi32>, vector<16xi32>], vector<16xf32>,
      %sub3A_1434 = arith.subf %gather3A_1431, %gather3A_1430 : vector<16xf32>
      %mul3A_1435 = arith.mulf %get3A_1374, %sub3A_1434 : vector<16xf32>
      %add3A_1436 = arith.addf %gather3A_1430, %mul3A_1435 : vector<16xf32>
      %sub3A_1437 = arith.subf %gather3A_1433, %gather3A_1432 : vector<16xf32>
      %mul3A_1438 = arith.mulf %get3A_1374, %sub3A_1437 : vector<16xf32>
      %add3A_1439 = arith.addf %gather3A_1432, %mul3A_1438 : vector<16xf32>
      %sub3A_1440 = arith.subf %add3A_1439, %add3A_1436 : vector<16xf32>
      %mul3A_1441 = arith.mulf %get3A_1376, %sub3A_1440 : vector<16xf32>
      %add3A_1442 = arith.addf %add3A_1436, %mul3A_1441 : vector<16xf32>
      %mul3A_1443 = arith.constant 3 : i32
      %mul3A_1444 = vector.broadcast %mul3A_1443 : i32 to vector<16xi32>
      %mul3A_1445 = arith.muli %mul3A_1444, %add3A_1379 : vector<16xi32>
      %add3A_1446 = arith.constant 0 : i32
      %add3A_1447 = vector.broadcast %add3A_1446 : i32 to vector<16xi32>
      %add3A_1448 = arith.addi %add3A_1447, %mul3A_1445 : vector<16xi32>
      %add3A_1449 = arith.constant 2 : i32
      %add3A_1450 = vector.broadcast %add3A_1449 : i32 to vector<16xi32>
      %add3A_1451 = arith.addi %add3A_1448, %add3A_1450 : vector<16xi32>
      tpu.vector_store_idx %arg26[%add3A_1451], %add3A_1442 : memref<768xf32, #tpu.memory_space<vmem>>[vector<16xi32>], vector<16xf32>,
      %get3A_1452 = arith.constant 32 : index
      %get3A_1453 = tpu.vector_load %arg10[%get3A_1452] {strides = array<i32>} : memref<128xf32, #tpu.memory_space<vmem>>, vector<16xf32>,
      %get3A_1454 = arith.constant 32 : index
      %get3A_1455 = tpu.vector_load %arg11[%get3A_1454] {strides = array<i32>} : memref<128xf32, #tpu.memory_space<vmem>>, vector<16xf32>,
      %add3A_1456 = arith.constant 32 : i32
      %add3A_1457 = vector.broadcast %add3A_1456 : i32 to vector<16xi32>
      %add3A_1458 = arith.addi %add3A_1457, %iota3A : vector<16xi32>
      %broadcast_in_dim3A_1459 = arith.constant 0 : i32
      %broadcast_in_dim3A_1460 = vector.broadcast %broadcast_in_dim3A_1459 : i32 to vector<16xi32>
      %gather3A_1461 = tpu.vector_load_idx %arg12[%add3A_1458, %broadcast_in_dim3A_1460] : memref<128x8xf32, #tpu.memory_space<vmem>>[vector<16xi32>, vector<16xi32>], vector<16xf32>,
      %gather3A_1462 = tpu.vector_load_idx %arg13[%add3A_1458, %broadcast_in_dim3A_1460] : memref<128x8xf32, #tpu.memory_space<vmem>>[vector<16xi32>, vector<16xi32>], vector<16xf32>,
      %gather3A_1463 = tpu.vector_load_idx %arg14[%add3A_1458, %broadcast_in_dim3A_1460] : memref<128x8xf32, #tpu.memory_space<vmem>>[vector<16xi32>, vector<16xi32>], vector<16xf32>,
      %gather3A_1464 = tpu.vector_load_idx %arg15[%add3A_1458, %broadcast_in_dim3A_1460] : memref<128x8xf32, #tpu.memory_space<vmem>>[vector<16xi32>, vector<16xi32>], vector<16xf32>,
      %sub3A_1465 = arith.subf %gather3A_1462, %gather3A_1461 : vector<16xf32>
      %mul3A_1466 = arith.mulf %get3A_1453, %sub3A_1465 : vector<16xf32>
      %add3A_1467 = arith.addf %gather3A_1461, %mul3A_1466 : vector<16xf32>
      %sub3A_1468 = arith.subf %gather3A_1464, %gather3A_1463 : vector<16xf32>
      %mul3A_1469 = arith.mulf %get3A_1453, %sub3A_1468 : vector<16xf32>
      %add3A_1470 = arith.addf %gather3A_1463, %mul3A_1469 : vector<16xf32>
      %sub3A_1471 = arith.subf %add3A_1470, %add3A_1467 : vector<16xf32>
      %mul3A_1472 = arith.mulf %get3A_1455, %sub3A_1471 : vector<16xf32>
      %add3A_1473 = arith.addf %add3A_1467, %mul3A_1472 : vector<16xf32>
      %mul3A_1474 = arith.constant 3 : i32
      %mul3A_1475 = vector.broadcast %mul3A_1474 : i32 to vector<16xi32>
      %mul3A_1476 = arith.muli %mul3A_1475, %add3A_1458 : vector<16xi32>
      %add3A_1477 = arith.constant 0 : i32
      %add3A_1478 = vector.broadcast %add3A_1477 : i32 to vector<16xi32>
      %add3A_1479 = arith.addi %add3A_1478, %mul3A_1476 : vector<16xi32>
      %add3A_1480 = arith.constant 0 : i32
      %add3A_1481 = vector.broadcast %add3A_1480 : i32 to vector<16xi32>
      %add3A_1482 = arith.addi %add3A_1479, %add3A_1481 : vector<16xi32>
      tpu.vector_store_idx %arg26[%add3A_1482], %add3A_1473 : memref<768xf32, #tpu.memory_space<vmem>>[vector<16xi32>], vector<16xf32>,
      %broadcast_in_dim3A_1483 = arith.constant 1 : i32
      %broadcast_in_dim3A_1484 = vector.broadcast %broadcast_in_dim3A_1483 : i32 to vector<16xi32>
      %gather3A_1485 = tpu.vector_load_idx %arg12[%add3A_1458, %broadcast_in_dim3A_1484] : memref<128x8xf32, #tpu.memory_space<vmem>>[vector<16xi32>, vector<16xi32>], vector<16xf32>,
      %gather3A_1486 = tpu.vector_load_idx %arg13[%add3A_1458, %broadcast_in_dim3A_1484] : memref<128x8xf32, #tpu.memory_space<vmem>>[vector<16xi32>, vector<16xi32>], vector<16xf32>,
      %gather3A_1487 = tpu.vector_load_idx %arg14[%add3A_1458, %broadcast_in_dim3A_1484] : memref<128x8xf32, #tpu.memory_space<vmem>>[vector<16xi32>, vector<16xi32>], vector<16xf32>,
      %gather3A_1488 = tpu.vector_load_idx %arg15[%add3A_1458, %broadcast_in_dim3A_1484] : memref<128x8xf32, #tpu.memory_space<vmem>>[vector<16xi32>, vector<16xi32>], vector<16xf32>,
      %sub3A_1489 = arith.subf %gather3A_1486, %gather3A_1485 : vector<16xf32>
      %mul3A_1490 = arith.mulf %get3A_1453, %sub3A_1489 : vector<16xf32>
      %add3A_1491 = arith.addf %gather3A_1485, %mul3A_1490 : vector<16xf32>
      %sub3A_1492 = arith.subf %gather3A_1488, %gather3A_1487 : vector<16xf32>
      %mul3A_1493 = arith.mulf %get3A_1453, %sub3A_1492 : vector<16xf32>
      %add3A_1494 = arith.addf %gather3A_1487, %mul3A_1493 : vector<16xf32>
      %sub3A_1495 = arith.subf %add3A_1494, %add3A_1491 : vector<16xf32>
      %mul3A_1496 = arith.mulf %get3A_1455, %sub3A_1495 : vector<16xf32>
      %add3A_1497 = arith.addf %add3A_1491, %mul3A_1496 : vector<16xf32>
      %mul3A_1498 = arith.constant 3 : i32
      %mul3A_1499 = vector.broadcast %mul3A_1498 : i32 to vector<16xi32>
      %mul3A_1500 = arith.muli %mul3A_1499, %add3A_1458 : vector<16xi32>
      %add3A_1501 = arith.constant 0 : i32
      %add3A_1502 = vector.broadcast %add3A_1501 : i32 to vector<16xi32>
      %add3A_1503 = arith.addi %add3A_1502, %mul3A_1500 : vector<16xi32>
      %add3A_1504 = arith.constant 1 : i32
      %add3A_1505 = vector.broadcast %add3A_1504 : i32 to vector<16xi32>
      %add3A_1506 = arith.addi %add3A_1503, %add3A_1505 : vector<16xi32>
      tpu.vector_store_idx %arg26[%add3A_1506], %add3A_1497 : memref<768xf32, #tpu.memory_space<vmem>>[vector<16xi32>], vector<16xf32>,
      %broadcast_in_dim3A_1507 = arith.constant 2 : i32
      %broadcast_in_dim3A_1508 = vector.broadcast %broadcast_in_dim3A_1507 : i32 to vector<16xi32>
      %gather3A_1509 = tpu.vector_load_idx %arg12[%add3A_1458, %broadcast_in_dim3A_1508] : memref<128x8xf32, #tpu.memory_space<vmem>>[vector<16xi32>, vector<16xi32>], vector<16xf32>,
      %gather3A_1510 = tpu.vector_load_idx %arg13[%add3A_1458, %broadcast_in_dim3A_1508] : memref<128x8xf32, #tpu.memory_space<vmem>>[vector<16xi32>, vector<16xi32>], vector<16xf32>,
      %gather3A_1511 = tpu.vector_load_idx %arg14[%add3A_1458, %broadcast_in_dim3A_1508] : memref<128x8xf32, #tpu.memory_space<vmem>>[vector<16xi32>, vector<16xi32>], vector<16xf32>,
      %gather3A_1512 = tpu.vector_load_idx %arg15[%add3A_1458, %broadcast_in_dim3A_1508] : memref<128x8xf32, #tpu.memory_space<vmem>>[vector<16xi32>, vector<16xi32>], vector<16xf32>,
      %sub3A_1513 = arith.subf %gather3A_1510, %gather3A_1509 : vector<16xf32>
      %mul3A_1514 = arith.mulf %get3A_1453, %sub3A_1513 : vector<16xf32>
      %add3A_1515 = arith.addf %gather3A_1509, %mul3A_1514 : vector<16xf32>
      %sub3A_1516 = arith.subf %gather3A_1512, %gather3A_1511 : vector<16xf32>
      %mul3A_1517 = arith.mulf %get3A_1453, %sub3A_1516 : vector<16xf32>
      %add3A_1518 = arith.addf %gather3A_1511, %mul3A_1517 : vector<16xf32>
      %sub3A_1519 = arith.subf %add3A_1518, %add3A_1515 : vector<16xf32>
      %mul3A_1520 = arith.mulf %get3A_1455, %sub3A_1519 : vector<16xf32>
      %add3A_1521 = arith.addf %add3A_1515, %mul3A_1520 : vector<16xf32>
      %mul3A_1522 = arith.constant 3 : i32
      %mul3A_1523 = vector.broadcast %mul3A_1522 : i32 to vector<16xi32>
      %mul3A_1524 = arith.muli %mul3A_1523, %add3A_1458 : vector<16xi32>
      %add3A_1525 = arith.constant 0 : i32
      %add3A_1526 = vector.broadcast %add3A_1525 : i32 to vector<16xi32>
      %add3A_1527 = arith.addi %add3A_1526, %mul3A_1524 : vector<16xi32>
      %add3A_1528 = arith.constant 2 : i32
      %add3A_1529 = vector.broadcast %add3A_1528 : i32 to vector<16xi32>
      %add3A_1530 = arith.addi %add3A_1527, %add3A_1529 : vector<16xi32>
      tpu.vector_store_idx %arg26[%add3A_1530], %add3A_1521 : memref<768xf32, #tpu.memory_space<vmem>>[vector<16xi32>], vector<16xf32>,
      %get3A_1531 = arith.constant 48 : index
      %get3A_1532 = tpu.vector_load %arg10[%get3A_1531] {strides = array<i32>} : memref<128xf32, #tpu.memory_space<vmem>>, vector<16xf32>,
      %get3A_1533 = arith.constant 48 : index
      %get3A_1534 = tpu.vector_load %arg11[%get3A_1533] {strides = array<i32>} : memref<128xf32, #tpu.memory_space<vmem>>, vector<16xf32>,
      %add3A_1535 = arith.constant 48 : i32
      %add3A_1536 = vector.broadcast %add3A_1535 : i32 to vector<16xi32>
      %add3A_1537 = arith.addi %add3A_1536, %iota3A : vector<16xi32>
      %broadcast_in_dim3A_1538 = arith.constant 0 : i32
      %broadcast_in_dim3A_1539 = vector.broadcast %broadcast_in_dim3A_1538 : i32 to vector<16xi32>
      %gather3A_1540 = tpu.vector_load_idx %arg12[%add3A_1537, %broadcast_in_dim3A_1539] : memref<128x8xf32, #tpu.memory_space<vmem>>[vector<16xi32>, vector<16xi32>], vector<16xf32>,
      %gather3A_1541 = tpu.vector_load_idx %arg13[%add3A_1537, %broadcast_in_dim3A_1539] : memref<128x8xf32, #tpu.memory_space<vmem>>[vector<16xi32>, vector<16xi32>], vector<16xf32>,
      %gather3A_1542 = tpu.vector_load_idx %arg14[%add3A_1537, %broadcast_in_dim3A_1539] : memref<128x8xf32, #tpu.memory_space<vmem>>[vector<16xi32>, vector<16xi32>], vector<16xf32>,
      %gather3A_1543 = tpu.vector_load_idx %arg15[%add3A_1537, %broadcast_in_dim3A_1539] : memref<128x8xf32, #tpu.memory_space<vmem>>[vector<16xi32>, vector<16xi32>], vector<16xf32>,
      %sub3A_1544 = arith.subf %gather3A_1541, %gather3A_1540 : vector<16xf32>
      %mul3A_1545 = arith.mulf %get3A_1532, %sub3A_1544 : vector<16xf32>
      %add3A_1546 = arith.addf %gather3A_1540, %mul3A_1545 : vector<16xf32>
      %sub3A_1547 = arith.subf %gather3A_1543, %gather3A_1542 : vector<16xf32>
      %mul3A_1548 = arith.mulf %get3A_1532, %sub3A_1547 : vector<16xf32>
      %add3A_1549 = arith.addf %gather3A_1542, %mul3A_1548 : vector<16xf32>
      %sub3A_1550 = arith.subf %add3A_1549, %add3A_1546 : vector<16xf32>
      %mul3A_1551 = arith.mulf %get3A_1534, %sub3A_1550 : vector<16xf32>
      %add3A_1552 = arith.addf %add3A_1546, %mul3A_1551 : vector<16xf32>
      %mul3A_1553 = arith.constant 3 : i32
      %mul3A_1554 = vector.broadcast %mul3A_1553 : i32 to vector<16xi32>
      %mul3A_1555 = arith.muli %mul3A_1554, %add3A_1537 : vector<16xi32>
      %add3A_1556 = arith.constant 0 : i32
      %add3A_1557 = vector.broadcast %add3A_1556 : i32 to vector<16xi32>
      %add3A_1558 = arith.addi %add3A_1557, %mul3A_1555 : vector<16xi32>
      %add3A_1559 = arith.constant 0 : i32
      %add3A_1560 = vector.broadcast %add3A_1559 : i32 to vector<16xi32>
      %add3A_1561 = arith.addi %add3A_1558, %add3A_1560 : vector<16xi32>
      tpu.vector_store_idx %arg26[%add3A_1561], %add3A_1552 : memref<768xf32, #tpu.memory_space<vmem>>[vector<16xi32>], vector<16xf32>,
      %broadcast_in_dim3A_1562 = arith.constant 1 : i32
      %broadcast_in_dim3A_1563 = vector.broadcast %broadcast_in_dim3A_1562 : i32 to vector<16xi32>
      %gather3A_1564 = tpu.vector_load_idx %arg12[%add3A_1537, %broadcast_in_dim3A_1563] : memref<128x8xf32, #tpu.memory_space<vmem>>[vector<16xi32>, vector<16xi32>], vector<16xf32>,
      %gather3A_1565 = tpu.vector_load_idx %arg13[%add3A_1537, %broadcast_in_dim3A_1563] : memref<128x8xf32, #tpu.memory_space<vmem>>[vector<16xi32>, vector<16xi32>], vector<16xf32>,
      %gather3A_1566 = tpu.vector_load_idx %arg14[%add3A_1537, %broadcast_in_dim3A_1563] : memref<128x8xf32, #tpu.memory_space<vmem>>[vector<16xi32>, vector<16xi32>], vector<16xf32>,
      %gather3A_1567 = tpu.vector_load_idx %arg15[%add3A_1537, %broadcast_in_dim3A_1563] : memref<128x8xf32, #tpu.memory_space<vmem>>[vector<16xi32>, vector<16xi32>], vector<16xf32>,
      %sub3A_1568 = arith.subf %gather3A_1565, %gather3A_1564 : vector<16xf32>
      %mul3A_1569 = arith.mulf %get3A_1532, %sub3A_1568 : vector<16xf32>
      %add3A_1570 = arith.addf %gather3A_1564, %mul3A_1569 : vector<16xf32>
      %sub3A_1571 = arith.subf %gather3A_1567, %gather3A_1566 : vector<16xf32>
      %mul3A_1572 = arith.mulf %get3A_1532, %sub3A_1571 : vector<16xf32>
      %add3A_1573 = arith.addf %gather3A_1566, %mul3A_1572 : vector<16xf32>
      %sub3A_1574 = arith.subf %add3A_1573, %add3A_1570 : vector<16xf32>
      %mul3A_1575 = arith.mulf %get3A_1534, %sub3A_1574 : vector<16xf32>
      %add3A_1576 = arith.addf %add3A_1570, %mul3A_1575 : vector<16xf32>
      %mul3A_1577 = arith.constant 3 : i32
      %mul3A_1578 = vector.broadcast %mul3A_1577 : i32 to vector<16xi32>
      %mul3A_1579 = arith.muli %mul3A_1578, %add3A_1537 : vector<16xi32>
      %add3A_1580 = arith.constant 0 : i32
      %add3A_1581 = vector.broadcast %add3A_1580 : i32 to vector<16xi32>
      %add3A_1582 = arith.addi %add3A_1581, %mul3A_1579 : vector<16xi32>
      %add3A_1583 = arith.constant 1 : i32
      %add3A_1584 = vector.broadcast %add3A_1583 : i32 to vector<16xi32>
      %add3A_1585 = arith.addi %add3A_1582, %add3A_1584 : vector<16xi32>
      tpu.vector_store_idx %arg26[%add3A_1585], %add3A_1576 : memref<768xf32, #tpu.memory_space<vmem>>[vector<16xi32>], vector<16xf32>,
      %broadcast_in_dim3A_1586 = arith.constant 2 : i32
      %broadcast_in_dim3A_1587 = vector.broadcast %broadcast_in_dim3A_1586 : i32 to vector<16xi32>
      %gather3A_1588 = tpu.vector_load_idx %arg12[%add3A_1537, %broadcast_in_dim3A_1587] : memref<128x8xf32, #tpu.memory_space<vmem>>[vector<16xi32>, vector<16xi32>], vector<16xf32>,
      %gather3A_1589 = tpu.vector_load_idx %arg13[%add3A_1537, %broadcast_in_dim3A_1587] : memref<128x8xf32, #tpu.memory_space<vmem>>[vector<16xi32>, vector<16xi32>], vector<16xf32>,
      %gather3A_1590 = tpu.vector_load_idx %arg14[%add3A_1537, %broadcast_in_dim3A_1587] : memref<128x8xf32, #tpu.memory_space<vmem>>[vector<16xi32>, vector<16xi32>], vector<16xf32>,
      %gather3A_1591 = tpu.vector_load_idx %arg15[%add3A_1537, %broadcast_in_dim3A_1587] : memref<128x8xf32, #tpu.memory_space<vmem>>[vector<16xi32>, vector<16xi32>], vector<16xf32>,
      %sub3A_1592 = arith.subf %gather3A_1589, %gather3A_1588 : vector<16xf32>
      %mul3A_1593 = arith.mulf %get3A_1532, %sub3A_1592 : vector<16xf32>
      %add3A_1594 = arith.addf %gather3A_1588, %mul3A_1593 : vector<16xf32>
      %sub3A_1595 = arith.subf %gather3A_1591, %gather3A_1590 : vector<16xf32>
      %mul3A_1596 = arith.mulf %get3A_1532, %sub3A_1595 : vector<16xf32>
      %add3A_1597 = arith.addf %gather3A_1590, %mul3A_1596 : vector<16xf32>
      %sub3A_1598 = arith.subf %add3A_1597, %add3A_1594 : vector<16xf32>
      %mul3A_1599 = arith.mulf %get3A_1534, %sub3A_1598 : vector<16xf32>
      %add3A_1600 = arith.addf %add3A_1594, %mul3A_1599 : vector<16xf32>
      %mul3A_1601 = arith.constant 3 : i32
      %mul3A_1602 = vector.broadcast %mul3A_1601 : i32 to vector<16xi32>
      %mul3A_1603 = arith.muli %mul3A_1602, %add3A_1537 : vector<16xi32>
      %add3A_1604 = arith.constant 0 : i32
      %add3A_1605 = vector.broadcast %add3A_1604 : i32 to vector<16xi32>
      %add3A_1606 = arith.addi %add3A_1605, %mul3A_1603 : vector<16xi32>
      %add3A_1607 = arith.constant 2 : i32
      %add3A_1608 = vector.broadcast %add3A_1607 : i32 to vector<16xi32>
      %add3A_1609 = arith.addi %add3A_1606, %add3A_1608 : vector<16xi32>
      tpu.vector_store_idx %arg26[%add3A_1609], %add3A_1600 : memref<768xf32, #tpu.memory_space<vmem>>[vector<16xi32>], vector<16xf32>,
      %get3A_1610 = arith.constant 64 : index
      %get3A_1611 = tpu.vector_load %arg10[%get3A_1610] {strides = array<i32>} : memref<128xf32, #tpu.memory_space<vmem>>, vector<16xf32>,
      %get3A_1612 = arith.constant 64 : index
      %get3A_1613 = tpu.vector_load %arg11[%get3A_1612] {strides = array<i32>} : memref<128xf32, #tpu.memory_space<vmem>>, vector<16xf32>,
      %add3A_1614 = arith.constant 64 : i32
      %add3A_1615 = vector.broadcast %add3A_1614 : i32 to vector<16xi32>
      %add3A_1616 = arith.addi %add3A_1615, %iota3A : vector<16xi32>
      %broadcast_in_dim3A_1617 = arith.constant 0 : i32
      %broadcast_in_dim3A_1618 = vector.broadcast %broadcast_in_dim3A_1617 : i32 to vector<16xi32>
      %gather3A_1619 = tpu.vector_load_idx %arg12[%add3A_1616, %broadcast_in_dim3A_1618] : memref<128x8xf32, #tpu.memory_space<vmem>>[vector<16xi32>, vector<16xi32>], vector<16xf32>,
      %gather3A_1620 = tpu.vector_load_idx %arg13[%add3A_1616, %broadcast_in_dim3A_1618] : memref<128x8xf32, #tpu.memory_space<vmem>>[vector<16xi32>, vector<16xi32>], vector<16xf32>,
      %gather3A_1621 = tpu.vector_load_idx %arg14[%add3A_1616, %broadcast_in_dim3A_1618] : memref<128x8xf32, #tpu.memory_space<vmem>>[vector<16xi32>, vector<16xi32>], vector<16xf32>,
      %gather3A_1622 = tpu.vector_load_idx %arg15[%add3A_1616, %broadcast_in_dim3A_1618] : memref<128x8xf32, #tpu.memory_space<vmem>>[vector<16xi32>, vector<16xi32>], vector<16xf32>,
      %sub3A_1623 = arith.subf %gather3A_1620, %gather3A_1619 : vector<16xf32>
      %mul3A_1624 = arith.mulf %get3A_1611, %sub3A_1623 : vector<16xf32>
      %add3A_1625 = arith.addf %gather3A_1619, %mul3A_1624 : vector<16xf32>
      %sub3A_1626 = arith.subf %gather3A_1622, %gather3A_1621 : vector<16xf32>
      %mul3A_1627 = arith.mulf %get3A_1611, %sub3A_1626 : vector<16xf32>
      %add3A_1628 = arith.addf %gather3A_1621, %mul3A_1627 : vector<16xf32>
      %sub3A_1629 = arith.subf %add3A_1628, %add3A_1625 : vector<16xf32>
      %mul3A_1630 = arith.mulf %get3A_1613, %sub3A_1629 : vector<16xf32>
      %add3A_1631 = arith.addf %add3A_1625, %mul3A_1630 : vector<16xf32>
      %mul3A_1632 = arith.constant 3 : i32
      %mul3A_1633 = vector.broadcast %mul3A_1632 : i32 to vector<16xi32>
      %mul3A_1634 = arith.muli %mul3A_1633, %add3A_1616 : vector<16xi32>
      %add3A_1635 = arith.constant 0 : i32
      %add3A_1636 = vector.broadcast %add3A_1635 : i32 to vector<16xi32>
      %add3A_1637 = arith.addi %add3A_1636, %mul3A_1634 : vector<16xi32>
      %add3A_1638 = arith.constant 0 : i32
      %add3A_1639 = vector.broadcast %add3A_1638 : i32 to vector<16xi32>
      %add3A_1640 = arith.addi %add3A_1637, %add3A_1639 : vector<16xi32>
      tpu.vector_store_idx %arg26[%add3A_1640], %add3A_1631 : memref<768xf32, #tpu.memory_space<vmem>>[vector<16xi32>], vector<16xf32>,
      %broadcast_in_dim3A_1641 = arith.constant 1 : i32
      %broadcast_in_dim3A_1642 = vector.broadcast %broadcast_in_dim3A_1641 : i32 to vector<16xi32>
      %gather3A_1643 = tpu.vector_load_idx %arg12[%add3A_1616, %broadcast_in_dim3A_1642] : memref<128x8xf32, #tpu.memory_space<vmem>>[vector<16xi32>, vector<16xi32>], vector<16xf32>,
      %gather3A_1644 = tpu.vector_load_idx %arg13[%add3A_1616, %broadcast_in_dim3A_1642] : memref<128x8xf32, #tpu.memory_space<vmem>>[vector<16xi32>, vector<16xi32>], vector<16xf32>,
      %gather3A_1645 = tpu.vector_load_idx %arg14[%add3A_1616, %broadcast_in_dim3A_1642] : memref<128x8xf32, #tpu.memory_space<vmem>>[vector<16xi32>, vector<16xi32>], vector<16xf32>,
      %gather3A_1646 = tpu.vector_load_idx %arg15[%add3A_1616, %broadcast_in_dim3A_1642] : memref<128x8xf32, #tpu.memory_space<vmem>>[vector<16xi32>, vector<16xi32>], vector<16xf32>,
      %sub3A_1647 = arith.subf %gather3A_1644, %gather3A_1643 : vector<16xf32>
      %mul3A_1648 = arith.mulf %get3A_1611, %sub3A_1647 : vector<16xf32>
      %add3A_1649 = arith.addf %gather3A_1643, %mul3A_1648 : vector<16xf32>
      %sub3A_1650 = arith.subf %gather3A_1646, %gather3A_1645 : vector<16xf32>
      %mul3A_1651 = arith.mulf %get3A_1611, %sub3A_1650 : vector<16xf32>
      %add3A_1652 = arith.addf %gather3A_1645, %mul3A_1651 : vector<16xf32>
      %sub3A_1653 = arith.subf %add3A_1652, %add3A_1649 : vector<16xf32>
      %mul3A_1654 = arith.mulf %get3A_1613, %sub3A_1653 : vector<16xf32>
      %add3A_1655 = arith.addf %add3A_1649, %mul3A_1654 : vector<16xf32>
      %mul3A_1656 = arith.constant 3 : i32
      %mul3A_1657 = vector.broadcast %mul3A_1656 : i32 to vector<16xi32>
      %mul3A_1658 = arith.muli %mul3A_1657, %add3A_1616 : vector<16xi32>
      %add3A_1659 = arith.constant 0 : i32
      %add3A_1660 = vector.broadcast %add3A_1659 : i32 to vector<16xi32>
      %add3A_1661 = arith.addi %add3A_1660, %mul3A_1658 : vector<16xi32>
      %add3A_1662 = arith.constant 1 : i32
      %add3A_1663 = vector.broadcast %add3A_1662 : i32 to vector<16xi32>
      %add3A_1664 = arith.addi %add3A_1661, %add3A_1663 : vector<16xi32>
      tpu.vector_store_idx %arg26[%add3A_1664], %add3A_1655 : memref<768xf32, #tpu.memory_space<vmem>>[vector<16xi32>], vector<16xf32>,
      %broadcast_in_dim3A_1665 = arith.constant 2 : i32
      %broadcast_in_dim3A_1666 = vector.broadcast %broadcast_in_dim3A_1665 : i32 to vector<16xi32>
      %gather3A_1667 = tpu.vector_load_idx %arg12[%add3A_1616, %broadcast_in_dim3A_1666] : memref<128x8xf32, #tpu.memory_space<vmem>>[vector<16xi32>, vector<16xi32>], vector<16xf32>,
      %gather3A_1668 = tpu.vector_load_idx %arg13[%add3A_1616, %broadcast_in_dim3A_1666] : memref<128x8xf32, #tpu.memory_space<vmem>>[vector<16xi32>, vector<16xi32>], vector<16xf32>,
      %gather3A_1669 = tpu.vector_load_idx %arg14[%add3A_1616, %broadcast_in_dim3A_1666] : memref<128x8xf32, #tpu.memory_space<vmem>>[vector<16xi32>, vector<16xi32>], vector<16xf32>,
      %gather3A_1670 = tpu.vector_load_idx %arg15[%add3A_1616, %broadcast_in_dim3A_1666] : memref<128x8xf32, #tpu.memory_space<vmem>>[vector<16xi32>, vector<16xi32>], vector<16xf32>,
      %sub3A_1671 = arith.subf %gather3A_1668, %gather3A_1667 : vector<16xf32>
      %mul3A_1672 = arith.mulf %get3A_1611, %sub3A_1671 : vector<16xf32>
      %add3A_1673 = arith.addf %gather3A_1667, %mul3A_1672 : vector<16xf32>
      %sub3A_1674 = arith.subf %gather3A_1670, %gather3A_1669 : vector<16xf32>
      %mul3A_1675 = arith.mulf %get3A_1611, %sub3A_1674 : vector<16xf32>
      %add3A_1676 = arith.addf %gather3A_1669, %mul3A_1675 : vector<16xf32>
      %sub3A_1677 = arith.subf %add3A_1676, %add3A_1673 : vector<16xf32>
      %mul3A_1678 = arith.mulf %get3A_1613, %sub3A_1677 : vector<16xf32>
      %add3A_1679 = arith.addf %add3A_1673, %mul3A_1678 : vector<16xf32>
      %mul3A_1680 = arith.constant 3 : i32
      %mul3A_1681 = vector.broadcast %mul3A_1680 : i32 to vector<16xi32>
      %mul3A_1682 = arith.muli %mul3A_1681, %add3A_1616 : vector<16xi32>
      %add3A_1683 = arith.constant 0 : i32
      %add3A_1684 = vector.broadcast %add3A_1683 : i32 to vector<16xi32>
      %add3A_1685 = arith.addi %add3A_1684, %mul3A_1682 : vector<16xi32>
      %add3A_1686 = arith.constant 2 : i32
      %add3A_1687 = vector.broadcast %add3A_1686 : i32 to vector<16xi32>
      %add3A_1688 = arith.addi %add3A_1685, %add3A_1687 : vector<16xi32>
      tpu.vector_store_idx %arg26[%add3A_1688], %add3A_1679 : memref<768xf32, #tpu.memory_space<vmem>>[vector<16xi32>], vector<16xf32>,
      %get3A_1689 = arith.constant 80 : index
      %get3A_1690 = tpu.vector_load %arg10[%get3A_1689] {strides = array<i32>} : memref<128xf32, #tpu.memory_space<vmem>>, vector<16xf32>,
      %get3A_1691 = arith.constant 80 : index
      %get3A_1692 = tpu.vector_load %arg11[%get3A_1691] {strides = array<i32>} : memref<128xf32, #tpu.memory_space<vmem>>, vector<16xf32>,
      %add3A_1693 = arith.constant 80 : i32
      %add3A_1694 = vector.broadcast %add3A_1693 : i32 to vector<16xi32>
      %add3A_1695 = arith.addi %add3A_1694, %iota3A : vector<16xi32>
      %broadcast_in_dim3A_1696 = arith.constant 0 : i32
      %broadcast_in_dim3A_1697 = vector.broadcast %broadcast_in_dim3A_1696 : i32 to vector<16xi32>
      %gather3A_1698 = tpu.vector_load_idx %arg12[%add3A_1695, %broadcast_in_dim3A_1697] : memref<128x8xf32, #tpu.memory_space<vmem>>[vector<16xi32>, vector<16xi32>], vector<16xf32>,
      %gather3A_1699 = tpu.vector_load_idx %arg13[%add3A_1695, %broadcast_in_dim3A_1697] : memref<128x8xf32, #tpu.memory_space<vmem>>[vector<16xi32>, vector<16xi32>], vector<16xf32>,
      %gather3A_1700 = tpu.vector_load_idx %arg14[%add3A_1695, %broadcast_in_dim3A_1697] : memref<128x8xf32, #tpu.memory_space<vmem>>[vector<16xi32>, vector<16xi32>], vector<16xf32>,
      %gather3A_1701 = tpu.vector_load_idx %arg15[%add3A_1695, %broadcast_in_dim3A_1697] : memref<128x8xf32, #tpu.memory_space<vmem>>[vector<16xi32>, vector<16xi32>], vector<16xf32>,
      %sub3A_1702 = arith.subf %gather3A_1699, %gather3A_1698 : vector<16xf32>
      %mul3A_1703 = arith.mulf %get3A_1690, %sub3A_1702 : vector<16xf32>
      %add3A_1704 = arith.addf %gather3A_1698, %mul3A_1703 : vector<16xf32>
      %sub3A_1705 = arith.subf %gather3A_1701, %gather3A_1700 : vector<16xf32>
      %mul3A_1706 = arith.mulf %get3A_1690, %sub3A_1705 : vector<16xf32>
      %add3A_1707 = arith.addf %gather3A_1700, %mul3A_1706 : vector<16xf32>
      %sub3A_1708 = arith.subf %add3A_1707, %add3A_1704 : vector<16xf32>
      %mul3A_1709 = arith.mulf %get3A_1692, %sub3A_1708 : vector<16xf32>
      %add3A_1710 = arith.addf %add3A_1704, %mul3A_1709 : vector<16xf32>
      %mul3A_1711 = arith.constant 3 : i32
      %mul3A_1712 = vector.broadcast %mul3A_1711 : i32 to vector<16xi32>
      %mul3A_1713 = arith.muli %mul3A_1712, %add3A_1695 : vector<16xi32>
      %add3A_1714 = arith.constant 0 : i32
      %add3A_1715 = vector.broadcast %add3A_1714 : i32 to vector<16xi32>
      %add3A_1716 = arith.addi %add3A_1715, %mul3A_1713 : vector<16xi32>
      %add3A_1717 = arith.constant 0 : i32
      %add3A_1718 = vector.broadcast %add3A_1717 : i32 to vector<16xi32>
      %add3A_1719 = arith.addi %add3A_1716, %add3A_1718 : vector<16xi32>
      tpu.vector_store_idx %arg26[%add3A_1719], %add3A_1710 : memref<768xf32, #tpu.memory_space<vmem>>[vector<16xi32>], vector<16xf32>,
      %broadcast_in_dim3A_1720 = arith.constant 1 : i32
      %broadcast_in_dim3A_1721 = vector.broadcast %broadcast_in_dim3A_1720 : i32 to vector<16xi32>
      %gather3A_1722 = tpu.vector_load_idx %arg12[%add3A_1695, %broadcast_in_dim3A_1721] : memref<128x8xf32, #tpu.memory_space<vmem>>[vector<16xi32>, vector<16xi32>], vector<16xf32>,
      %gather3A_1723 = tpu.vector_load_idx %arg13[%add3A_1695, %broadcast_in_dim3A_1721] : memref<128x8xf32, #tpu.memory_space<vmem>>[vector<16xi32>, vector<16xi32>], vector<16xf32>,
      %gather3A_1724 = tpu.vector_load_idx %arg14[%add3A_1695, %broadcast_in_dim3A_1721] : memref<128x8xf32, #tpu.memory_space<vmem>>[vector<16xi32>, vector<16xi32>], vector<16xf32>,
      %gather3A_1725 = tpu.vector_load_idx %arg15[%add3A_1695, %broadcast_in_dim3A_1721] : memref<128x8xf32, #tpu.memory_space<vmem>>[vector<16xi32>, vector<16xi32>], vector<16xf32>,
      %sub3A_1726 = arith.subf %gather3A_1723, %gather3A_1722 : vector<16xf32>
      %mul3A_1727 = arith.mulf %get3A_1690, %sub3A_1726 : vector<16xf32>
      %add3A_1728 = arith.addf %gather3A_1722, %mul3A_1727 : vector<16xf32>
      %sub3A_1729 = arith.subf %gather3A_1725, %gather3A_1724 : vector<16xf32>
      %mul3A_1730 = arith.mulf %get3A_1690, %sub3A_1729 : vector<16xf32>
      %add3A_1731 = arith.addf %gather3A_1724, %mul3A_1730 : vector<16xf32>
      %sub3A_1732 = arith.subf %add3A_1731, %add3A_1728 : vector<16xf32>
      %mul3A_1733 = arith.mulf %get3A_1692, %sub3A_1732 : vector<16xf32>
      %add3A_1734 = arith.addf %add3A_1728, %mul3A_1733 : vector<16xf32>
      %mul3A_1735 = arith.constant 3 : i32
      %mul3A_1736 = vector.broadcast %mul3A_1735 : i32 to vector<16xi32>
      %mul3A_1737 = arith.muli %mul3A_1736, %add3A_1695 : vector<16xi32>
      %add3A_1738 = arith.constant 0 : i32
      %add3A_1739 = vector.broadcast %add3A_1738 : i32 to vector<16xi32>
      %add3A_1740 = arith.addi %add3A_1739, %mul3A_1737 : vector<16xi32>
      %add3A_1741 = arith.constant 1 : i32
      %add3A_1742 = vector.broadcast %add3A_1741 : i32 to vector<16xi32>
      %add3A_1743 = arith.addi %add3A_1740, %add3A_1742 : vector<16xi32>
      tpu.vector_store_idx %arg26[%add3A_1743], %add3A_1734 : memref<768xf32, #tpu.memory_space<vmem>>[vector<16xi32>], vector<16xf32>,
      %broadcast_in_dim3A_1744 = arith.constant 2 : i32
      %broadcast_in_dim3A_1745 = vector.broadcast %broadcast_in_dim3A_1744 : i32 to vector<16xi32>
      %gather3A_1746 = tpu.vector_load_idx %arg12[%add3A_1695, %broadcast_in_dim3A_1745] : memref<128x8xf32, #tpu.memory_space<vmem>>[vector<16xi32>, vector<16xi32>], vector<16xf32>,
      %gather3A_1747 = tpu.vector_load_idx %arg13[%add3A_1695, %broadcast_in_dim3A_1745] : memref<128x8xf32, #tpu.memory_space<vmem>>[vector<16xi32>, vector<16xi32>], vector<16xf32>,
      %gather3A_1748 = tpu.vector_load_idx %arg14[%add3A_1695, %broadcast_in_dim3A_1745] : memref<128x8xf32, #tpu.memory_space<vmem>>[vector<16xi32>, vector<16xi32>], vector<16xf32>,
      %gather3A_1749 = tpu.vector_load_idx %arg15[%add3A_1695, %broadcast_in_dim3A_1745] : memref<128x8xf32, #tpu.memory_space<vmem>>[vector<16xi32>, vector<16xi32>], vector<16xf32>,
      %sub3A_1750 = arith.subf %gather3A_1747, %gather3A_1746 : vector<16xf32>
      %mul3A_1751 = arith.mulf %get3A_1690, %sub3A_1750 : vector<16xf32>
      %add3A_1752 = arith.addf %gather3A_1746, %mul3A_1751 : vector<16xf32>
      %sub3A_1753 = arith.subf %gather3A_1749, %gather3A_1748 : vector<16xf32>
      %mul3A_1754 = arith.mulf %get3A_1690, %sub3A_1753 : vector<16xf32>
      %add3A_1755 = arith.addf %gather3A_1748, %mul3A_1754 : vector<16xf32>
      %sub3A_1756 = arith.subf %add3A_1755, %add3A_1752 : vector<16xf32>
      %mul3A_1757 = arith.mulf %get3A_1692, %sub3A_1756 : vector<16xf32>
      %add3A_1758 = arith.addf %add3A_1752, %mul3A_1757 : vector<16xf32>
      %mul3A_1759 = arith.constant 3 : i32
      %mul3A_1760 = vector.broadcast %mul3A_1759 : i32 to vector<16xi32>
      %mul3A_1761 = arith.muli %mul3A_1760, %add3A_1695 : vector<16xi32>
      %add3A_1762 = arith.constant 0 : i32
      %add3A_1763 = vector.broadcast %add3A_1762 : i32 to vector<16xi32>
      %add3A_1764 = arith.addi %add3A_1763, %mul3A_1761 : vector<16xi32>
      %add3A_1765 = arith.constant 2 : i32
      %add3A_1766 = vector.broadcast %add3A_1765 : i32 to vector<16xi32>
      %add3A_1767 = arith.addi %add3A_1764, %add3A_1766 : vector<16xi32>
      tpu.vector_store_idx %arg26[%add3A_1767], %add3A_1758 : memref<768xf32, #tpu.memory_space<vmem>>[vector<16xi32>], vector<16xf32>,
      %get3A_1768 = arith.constant 96 : index
      %get3A_1769 = tpu.vector_load %arg10[%get3A_1768] {strides = array<i32>} : memref<128xf32, #tpu.memory_space<vmem>>, vector<16xf32>,
      %get3A_1770 = arith.constant 96 : index
      %get3A_1771 = tpu.vector_load %arg11[%get3A_1770] {strides = array<i32>} : memref<128xf32, #tpu.memory_space<vmem>>, vector<16xf32>,
      %add3A_1772 = arith.constant 96 : i32
      %add3A_1773 = vector.broadcast %add3A_1772 : i32 to vector<16xi32>
      %add3A_1774 = arith.addi %add3A_1773, %iota3A : vector<16xi32>
      %broadcast_in_dim3A_1775 = arith.constant 0 : i32
      %broadcast_in_dim3A_1776 = vector.broadcast %broadcast_in_dim3A_1775 : i32 to vector<16xi32>
      %gather3A_1777 = tpu.vector_load_idx %arg12[%add3A_1774, %broadcast_in_dim3A_1776] : memref<128x8xf32, #tpu.memory_space<vmem>>[vector<16xi32>, vector<16xi32>], vector<16xf32>,
      %gather3A_1778 = tpu.vector_load_idx %arg13[%add3A_1774, %broadcast_in_dim3A_1776] : memref<128x8xf32, #tpu.memory_space<vmem>>[vector<16xi32>, vector<16xi32>], vector<16xf32>,
      %gather3A_1779 = tpu.vector_load_idx %arg14[%add3A_1774, %broadcast_in_dim3A_1776] : memref<128x8xf32, #tpu.memory_space<vmem>>[vector<16xi32>, vector<16xi32>], vector<16xf32>,
      %gather3A_1780 = tpu.vector_load_idx %arg15[%add3A_1774, %broadcast_in_dim3A_1776] : memref<128x8xf32, #tpu.memory_space<vmem>>[vector<16xi32>, vector<16xi32>], vector<16xf32>,
      %sub3A_1781 = arith.subf %gather3A_1778, %gather3A_1777 : vector<16xf32>
      %mul3A_1782 = arith.mulf %get3A_1769, %sub3A_1781 : vector<16xf32>
      %add3A_1783 = arith.addf %gather3A_1777, %mul3A_1782 : vector<16xf32>
      %sub3A_1784 = arith.subf %gather3A_1780, %gather3A_1779 : vector<16xf32>
      %mul3A_1785 = arith.mulf %get3A_1769, %sub3A_1784 : vector<16xf32>
      %add3A_1786 = arith.addf %gather3A_1779, %mul3A_1785 : vector<16xf32>
      %sub3A_1787 = arith.subf %add3A_1786, %add3A_1783 : vector<16xf32>
      %mul3A_1788 = arith.mulf %get3A_1771, %sub3A_1787 : vector<16xf32>
      %add3A_1789 = arith.addf %add3A_1783, %mul3A_1788 : vector<16xf32>
      %mul3A_1790 = arith.constant 3 : i32
      %mul3A_1791 = vector.broadcast %mul3A_1790 : i32 to vector<16xi32>
      %mul3A_1792 = arith.muli %mul3A_1791, %add3A_1774 : vector<16xi32>
      %add3A_1793 = arith.constant 0 : i32
      %add3A_1794 = vector.broadcast %add3A_1793 : i32 to vector<16xi32>
      %add3A_1795 = arith.addi %add3A_1794, %mul3A_1792 : vector<16xi32>
      %add3A_1796 = arith.constant 0 : i32
      %add3A_1797 = vector.broadcast %add3A_1796 : i32 to vector<16xi32>
      %add3A_1798 = arith.addi %add3A_1795, %add3A_1797 : vector<16xi32>
      tpu.vector_store_idx %arg26[%add3A_1798], %add3A_1789 : memref<768xf32, #tpu.memory_space<vmem>>[vector<16xi32>], vector<16xf32>,
      %broadcast_in_dim3A_1799 = arith.constant 1 : i32
      %broadcast_in_dim3A_1800 = vector.broadcast %broadcast_in_dim3A_1799 : i32 to vector<16xi32>
      %gather3A_1801 = tpu.vector_load_idx %arg12[%add3A_1774, %broadcast_in_dim3A_1800] : memref<128x8xf32, #tpu.memory_space<vmem>>[vector<16xi32>, vector<16xi32>], vector<16xf32>,
      %gather3A_1802 = tpu.vector_load_idx %arg13[%add3A_1774, %broadcast_in_dim3A_1800] : memref<128x8xf32, #tpu.memory_space<vmem>>[vector<16xi32>, vector<16xi32>], vector<16xf32>,
      %gather3A_1803 = tpu.vector_load_idx %arg14[%add3A_1774, %broadcast_in_dim3A_1800] : memref<128x8xf32, #tpu.memory_space<vmem>>[vector<16xi32>, vector<16xi32>], vector<16xf32>,
      %gather3A_1804 = tpu.vector_load_idx %arg15[%add3A_1774, %broadcast_in_dim3A_1800] : memref<128x8xf32, #tpu.memory_space<vmem>>[vector<16xi32>, vector<16xi32>], vector<16xf32>,
      %sub3A_1805 = arith.subf %gather3A_1802, %gather3A_1801 : vector<16xf32>
      %mul3A_1806 = arith.mulf %get3A_1769, %sub3A_1805 : vector<16xf32>
      %add3A_1807 = arith.addf %gather3A_1801, %mul3A_1806 : vector<16xf32>
      %sub3A_1808 = arith.subf %gather3A_1804, %gather3A_1803 : vector<16xf32>
      %mul3A_1809 = arith.mulf %get3A_1769, %sub3A_1808 : vector<16xf32>
      %add3A_1810 = arith.addf %gather3A_1803, %mul3A_1809 : vector<16xf32>
      %sub3A_1811 = arith.subf %add3A_1810, %add3A_1807 : vector<16xf32>
      %mul3A_1812 = arith.mulf %get3A_1771, %sub3A_1811 : vector<16xf32>
      %add3A_1813 = arith.addf %add3A_1807, %mul3A_1812 : vector<16xf32>
      %mul3A_1814 = arith.constant 3 : i32
      %mul3A_1815 = vector.broadcast %mul3A_1814 : i32 to vector<16xi32>
      %mul3A_1816 = arith.muli %mul3A_1815, %add3A_1774 : vector<16xi32>
      %add3A_1817 = arith.constant 0 : i32
      %add3A_1818 = vector.broadcast %add3A_1817 : i32 to vector<16xi32>
      %add3A_1819 = arith.addi %add3A_1818, %mul3A_1816 : vector<16xi32>
      %add3A_1820 = arith.constant 1 : i32
      %add3A_1821 = vector.broadcast %add3A_1820 : i32 to vector<16xi32>
      %add3A_1822 = arith.addi %add3A_1819, %add3A_1821 : vector<16xi32>
      tpu.vector_store_idx %arg26[%add3A_1822], %add3A_1813 : memref<768xf32, #tpu.memory_space<vmem>>[vector<16xi32>], vector<16xf32>,
      %broadcast_in_dim3A_1823 = arith.constant 2 : i32
      %broadcast_in_dim3A_1824 = vector.broadcast %broadcast_in_dim3A_1823 : i32 to vector<16xi32>
      %gather3A_1825 = tpu.vector_load_idx %arg12[%add3A_1774, %broadcast_in_dim3A_1824] : memref<128x8xf32, #tpu.memory_space<vmem>>[vector<16xi32>, vector<16xi32>], vector<16xf32>,
      %gather3A_1826 = tpu.vector_load_idx %arg13[%add3A_1774, %broadcast_in_dim3A_1824] : memref<128x8xf32, #tpu.memory_space<vmem>>[vector<16xi32>, vector<16xi32>], vector<16xf32>,
      %gather3A_1827 = tpu.vector_load_idx %arg14[%add3A_1774, %broadcast_in_dim3A_1824] : memref<128x8xf32, #tpu.memory_space<vmem>>[vector<16xi32>, vector<16xi32>], vector<16xf32>,
      %gather3A_1828 = tpu.vector_load_idx %arg15[%add3A_1774, %broadcast_in_dim3A_1824] : memref<128x8xf32, #tpu.memory_space<vmem>>[vector<16xi32>, vector<16xi32>], vector<16xf32>,
      %sub3A_1829 = arith.subf %gather3A_1826, %gather3A_1825 : vector<16xf32>
      %mul3A_1830 = arith.mulf %get3A_1769, %sub3A_1829 : vector<16xf32>
      %add3A_1831 = arith.addf %gather3A_1825, %mul3A_1830 : vector<16xf32>
      %sub3A_1832 = arith.subf %gather3A_1828, %gather3A_1827 : vector<16xf32>
      %mul3A_1833 = arith.mulf %get3A_1769, %sub3A_1832 : vector<16xf32>
      %add3A_1834 = arith.addf %gather3A_1827, %mul3A_1833 : vector<16xf32>
      %sub3A_1835 = arith.subf %add3A_1834, %add3A_1831 : vector<16xf32>
      %mul3A_1836 = arith.mulf %get3A_1771, %sub3A_1835 : vector<16xf32>
      %add3A_1837 = arith.addf %add3A_1831, %mul3A_1836 : vector<16xf32>
      %mul3A_1838 = arith.constant 3 : i32
      %mul3A_1839 = vector.broadcast %mul3A_1838 : i32 to vector<16xi32>
      %mul3A_1840 = arith.muli %mul3A_1839, %add3A_1774 : vector<16xi32>
      %add3A_1841 = arith.constant 0 : i32
      %add3A_1842 = vector.broadcast %add3A_1841 : i32 to vector<16xi32>
      %add3A_1843 = arith.addi %add3A_1842, %mul3A_1840 : vector<16xi32>
      %add3A_1844 = arith.constant 2 : i32
      %add3A_1845 = vector.broadcast %add3A_1844 : i32 to vector<16xi32>
      %add3A_1846 = arith.addi %add3A_1843, %add3A_1845 : vector<16xi32>
      tpu.vector_store_idx %arg26[%add3A_1846], %add3A_1837 : memref<768xf32, #tpu.memory_space<vmem>>[vector<16xi32>], vector<16xf32>,
      %get3A_1847 = arith.constant 112 : index
      %get3A_1848 = tpu.vector_load %arg10[%get3A_1847] {strides = array<i32>} : memref<128xf32, #tpu.memory_space<vmem>>, vector<16xf32>,
      %get3A_1849 = arith.constant 112 : index
      %get3A_1850 = tpu.vector_load %arg11[%get3A_1849] {strides = array<i32>} : memref<128xf32, #tpu.memory_space<vmem>>, vector<16xf32>,
      %add3A_1851 = arith.constant 112 : i32
      %add3A_1852 = vector.broadcast %add3A_1851 : i32 to vector<16xi32>
      %add3A_1853 = arith.addi %add3A_1852, %iota3A : vector<16xi32>
      %broadcast_in_dim3A_1854 = arith.constant 0 : i32
      %broadcast_in_dim3A_1855 = vector.broadcast %broadcast_in_dim3A_1854 : i32 to vector<16xi32>
      %gather3A_1856 = tpu.vector_load_idx %arg12[%add3A_1853, %broadcast_in_dim3A_1855] : memref<128x8xf32, #tpu.memory_space<vmem>>[vector<16xi32>, vector<16xi32>], vector<16xf32>,
      %gather3A_1857 = tpu.vector_load_idx %arg13[%add3A_1853, %broadcast_in_dim3A_1855] : memref<128x8xf32, #tpu.memory_space<vmem>>[vector<16xi32>, vector<16xi32>], vector<16xf32>,
      %gather3A_1858 = tpu.vector_load_idx %arg14[%add3A_1853, %broadcast_in_dim3A_1855] : memref<128x8xf32, #tpu.memory_space<vmem>>[vector<16xi32>, vector<16xi32>], vector<16xf32>,
      %gather3A_1859 = tpu.vector_load_idx %arg15[%add3A_1853, %broadcast_in_dim3A_1855] : memref<128x8xf32, #tpu.memory_space<vmem>>[vector<16xi32>, vector<16xi32>], vector<16xf32>,
      %sub3A_1860 = arith.subf %gather3A_1857, %gather3A_1856 : vector<16xf32>
      %mul3A_1861 = arith.mulf %get3A_1848, %sub3A_1860 : vector<16xf32>
      %add3A_1862 = arith.addf %gather3A_1856, %mul3A_1861 : vector<16xf32>
      %sub3A_1863 = arith.subf %gather3A_1859, %gather3A_1858 : vector<16xf32>
      %mul3A_1864 = arith.mulf %get3A_1848, %sub3A_1863 : vector<16xf32>
      %add3A_1865 = arith.addf %gather3A_1858, %mul3A_1864 : vector<16xf32>
      %sub3A_1866 = arith.subf %add3A_1865, %add3A_1862 : vector<16xf32>
      %mul3A_1867 = arith.mulf %get3A_1850, %sub3A_1866 : vector<16xf32>
      %add3A_1868 = arith.addf %add3A_1862, %mul3A_1867 : vector<16xf32>
      %mul3A_1869 = arith.constant 3 : i32
      %mul3A_1870 = vector.broadcast %mul3A_1869 : i32 to vector<16xi32>
      %mul3A_1871 = arith.muli %mul3A_1870, %add3A_1853 : vector<16xi32>
      %add3A_1872 = arith.constant 0 : i32
      %add3A_1873 = vector.broadcast %add3A_1872 : i32 to vector<16xi32>
      %add3A_1874 = arith.addi %add3A_1873, %mul3A_1871 : vector<16xi32>
      %add3A_1875 = arith.constant 0 : i32
      %add3A_1876 = vector.broadcast %add3A_1875 : i32 to vector<16xi32>
      %add3A_1877 = arith.addi %add3A_1874, %add3A_1876 : vector<16xi32>
      tpu.vector_store_idx %arg26[%add3A_1877], %add3A_1868 : memref<768xf32, #tpu.memory_space<vmem>>[vector<16xi32>], vector<16xf32>,
      %broadcast_in_dim3A_1878 = arith.constant 1 : i32
      %broadcast_in_dim3A_1879 = vector.broadcast %broadcast_in_dim3A_1878 : i32 to vector<16xi32>
      %gather3A_1880 = tpu.vector_load_idx %arg12[%add3A_1853, %broadcast_in_dim3A_1879] : memref<128x8xf32, #tpu.memory_space<vmem>>[vector<16xi32>, vector<16xi32>], vector<16xf32>,
      %gather3A_1881 = tpu.vector_load_idx %arg13[%add3A_1853, %broadcast_in_dim3A_1879] : memref<128x8xf32, #tpu.memory_space<vmem>>[vector<16xi32>, vector<16xi32>], vector<16xf32>,
      %gather3A_1882 = tpu.vector_load_idx %arg14[%add3A_1853, %broadcast_in_dim3A_1879] : memref<128x8xf32, #tpu.memory_space<vmem>>[vector<16xi32>, vector<16xi32>], vector<16xf32>,
      %gather3A_1883 = tpu.vector_load_idx %arg15[%add3A_1853, %broadcast_in_dim3A_1879] : memref<128x8xf32, #tpu.memory_space<vmem>>[vector<16xi32>, vector<16xi32>], vector<16xf32>,
      %sub3A_1884 = arith.subf %gather3A_1881, %gather3A_1880 : vector<16xf32>
      %mul3A_1885 = arith.mulf %get3A_1848, %sub3A_1884 : vector<16xf32>
      %add3A_1886 = arith.addf %gather3A_1880, %mul3A_1885 : vector<16xf32>
      %sub3A_1887 = arith.subf %gather3A_1883, %gather3A_1882 : vector<16xf32>
      %mul3A_1888 = arith.mulf %get3A_1848, %sub3A_1887 : vector<16xf32>
      %add3A_1889 = arith.addf %gather3A_1882, %mul3A_1888 : vector<16xf32>
      %sub3A_1890 = arith.subf %add3A_1889, %add3A_1886 : vector<16xf32>
      %mul3A_1891 = arith.mulf %get3A_1850, %sub3A_1890 : vector<16xf32>
      %add3A_1892 = arith.addf %add3A_1886, %mul3A_1891 : vector<16xf32>
      %mul3A_1893 = arith.constant 3 : i32
      %mul3A_1894 = vector.broadcast %mul3A_1893 : i32 to vector<16xi32>
      %mul3A_1895 = arith.muli %mul3A_1894, %add3A_1853 : vector<16xi32>
      %add3A_1896 = arith.constant 0 : i32
      %add3A_1897 = vector.broadcast %add3A_1896 : i32 to vector<16xi32>
      %add3A_1898 = arith.addi %add3A_1897, %mul3A_1895 : vector<16xi32>
      %add3A_1899 = arith.constant 1 : i32
      %add3A_1900 = vector.broadcast %add3A_1899 : i32 to vector<16xi32>
      %add3A_1901 = arith.addi %add3A_1898, %add3A_1900 : vector<16xi32>
      tpu.vector_store_idx %arg26[%add3A_1901], %add3A_1892 : memref<768xf32, #tpu.memory_space<vmem>>[vector<16xi32>], vector<16xf32>,
      %broadcast_in_dim3A_1902 = arith.constant 2 : i32
      %broadcast_in_dim3A_1903 = vector.broadcast %broadcast_in_dim3A_1902 : i32 to vector<16xi32>
      %gather3A_1904 = tpu.vector_load_idx %arg12[%add3A_1853, %broadcast_in_dim3A_1903] : memref<128x8xf32, #tpu.memory_space<vmem>>[vector<16xi32>, vector<16xi32>], vector<16xf32>,
      %gather3A_1905 = tpu.vector_load_idx %arg13[%add3A_1853, %broadcast_in_dim3A_1903] : memref<128x8xf32, #tpu.memory_space<vmem>>[vector<16xi32>, vector<16xi32>], vector<16xf32>,
      %gather3A_1906 = tpu.vector_load_idx %arg14[%add3A_1853, %broadcast_in_dim3A_1903] : memref<128x8xf32, #tpu.memory_space<vmem>>[vector<16xi32>, vector<16xi32>], vector<16xf32>,
      %gather3A_1907 = tpu.vector_load_idx %arg15[%add3A_1853, %broadcast_in_dim3A_1903] : memref<128x8xf32, #tpu.memory_space<vmem>>[vector<16xi32>, vector<16xi32>], vector<16xf32>,
      %sub3A_1908 = arith.subf %gather3A_1905, %gather3A_1904 : vector<16xf32>
      %mul3A_1909 = arith.mulf %get3A_1848, %sub3A_1908 : vector<16xf32>
      %add3A_1910 = arith.addf %gather3A_1904, %mul3A_1909 : vector<16xf32>
      %sub3A_1911 = arith.subf %gather3A_1907, %gather3A_1906 : vector<16xf32>
      %mul3A_1912 = arith.mulf %get3A_1848, %sub3A_1911 : vector<16xf32>
      %add3A_1913 = arith.addf %gather3A_1906, %mul3A_1912 : vector<16xf32>
      %sub3A_1914 = arith.subf %add3A_1913, %add3A_1910 : vector<16xf32>
      %mul3A_1915 = arith.mulf %get3A_1850, %sub3A_1914 : vector<16xf32>
      %add3A_1916 = arith.addf %add3A_1910, %mul3A_1915 : vector<16xf32>
      %mul3A_1917 = arith.constant 3 : i32
      %mul3A_1918 = vector.broadcast %mul3A_1917 : i32 to vector<16xi32>
      %mul3A_1919 = arith.muli %mul3A_1918, %add3A_1853 : vector<16xi32>
      %add3A_1920 = arith.constant 0 : i32
      %add3A_1921 = vector.broadcast %add3A_1920 : i32 to vector<16xi32>
      %add3A_1922 = arith.addi %add3A_1921, %mul3A_1919 : vector<16xi32>
      %add3A_1923 = arith.constant 2 : i32
      %add3A_1924 = vector.broadcast %add3A_1923 : i32 to vector<16xi32>
      %add3A_1925 = arith.addi %add3A_1922, %add3A_1924 : vector<16xi32>
      tpu.vector_store_idx %arg26[%add3A_1925], %add3A_1916 : memref<768xf32, #tpu.memory_space<vmem>>[vector<16xi32>], vector<16xf32>,
      %add3A_1926 = arith.constant 2 : i32
      %add3A_1927 = arith.addi %add3A_1282, %add3A_1926 : i32
      %ge3A_1928 = arith.constant 256 : i32
      %ge3A_1929 = arith.cmpi sge, %add3A_1927, %ge3A_1928 : i32
      %sub3A_1930 = arith.constant 256 : i32
      %sub3A_1931 = arith.subi %add3A_1927, %sub3A_1930 : i32
      %select_n3A_1932 = arith.select %ge3A_1929, %sub3A_1931, %add3A_1927 : i32
      %mul3A_1933 = arith.constant 128 : i32
      %mul3A_1934 = arith.muli %select_n3A_1932, %mul3A_1933 : i32
      %add3A_1935 = arith.constant 0 : i32
      %add3A_1936 = arith.addi %mul3A_1934, %add3A_1935 : i32
      %add3A_1937 = vector.broadcast %add3A_1936 : i32 to vector<16xi32>
      %add3A_1938 = arith.addi %add3A_1937, %iota3A : vector<16xi32>
      %mul3A_1939 = arith.constant 2 : i32
      %mul3A_1940 = vector.broadcast %mul3A_1939 : i32 to vector<16xi32>
      %mul3A_1941 = arith.muli %mul3A_1940, %add3A_1938 : vector<16xi32>
      %gather3A_1942 = tpu.vector_load_idx %arg5[%mul3A_1941] : memref<65536xf32, #tpu.memory_space<vmem>>[vector<16xi32>], vector<16xf32>,
      %add3A_1943 = arith.constant 1 : i32
      %add3A_1944 = vector.broadcast %add3A_1943 : i32 to vector<16xi32>
      %add3A_1945 = arith.addi %mul3A_1941, %add3A_1944 : vector<16xi32>
      %gather3A_1946 = tpu.vector_load_idx %arg5[%add3A_1945] : memref<65536xf32, #tpu.memory_space<vmem>>[vector<16xi32>], vector<16xf32>,
      %mul3A_1947 = arith.constant 2.048000e+03 : f32
      %mul3A_1948 = vector.broadcast %mul3A_1947 : f32 to vector<16xf32>
      %mul3A_1949 = arith.mulf %gather3A_1942, %mul3A_1948 : vector<16xf32>
      %mul3A_1950 = arith.constant 2.048000e+03 : f32
      %mul3A_1951 = vector.broadcast %mul3A_1950 : f32 to vector<16xf32>
      %mul3A_1952 = arith.mulf %gather3A_1946, %mul3A_1951 : vector<16xf32>
      %convert_element_type3A_1953 = arith.fptosi %mul3A_1949 : vector<16xf32> to vector<16xi32>
      %convert_element_type3A_1954 = arith.fptosi %mul3A_1952 : vector<16xf32> to vector<16xi32>
      %convert_element_type3A_1955 = arith.sitofp %convert_element_type3A_1953 : vector<16xi32> to vector<16xf32>
      %sub3A_1956 = arith.subf %mul3A_1949, %convert_element_type3A_1955 : vector<16xf32>
      %convert_element_type3A_1957 = arith.sitofp %convert_element_type3A_1954 : vector<16xi32> to vector<16xf32>
      %sub3A_1958 = arith.subf %mul3A_1952, %convert_element_type3A_1957 : vector<16xf32>
      %max3A_1959 = arith.constant 0 : i32
      %max3A_1960 = vector.broadcast %max3A_1959 : i32 to vector<16xi32>
      %max3A_1961 = arith.maxsi %convert_element_type3A_1953, %max3A_1960 : vector<16xi32>
      %min3A_1962 = arith.constant 2047 : i32
      %min3A_1963 = vector.broadcast %min3A_1962 : i32 to vector<16xi32>
      %min3A_1964 = arith.minsi %max3A_1961, %min3A_1963 : vector<16xi32>
      %max3A_1965 = arith.constant 0 : i32
      %max3A_1966 = vector.broadcast %max3A_1965 : i32 to vector<16xi32>
      %max3A_1967 = arith.maxsi %convert_element_type3A_1954, %max3A_1966 : vector<16xi32>
      %min3A_1968 = arith.constant 2047 : i32
      %min3A_1969 = vector.broadcast %min3A_1968 : i32 to vector<16xi32>
      %min3A_1970 = arith.minsi %max3A_1967, %min3A_1969 : vector<16xi32>
      %add3A_1971 = arith.constant 1 : i32
      %add3A_1972 = vector.broadcast %add3A_1971 : i32 to vector<16xi32>
      %add3A_1973 = arith.addi %min3A_1970, %add3A_1972 : vector<16xi32>
      %min3A_1974 = arith.constant 2047 : i32
      %min3A_1975 = vector.broadcast %min3A_1974 : i32 to vector<16xi32>
      %min3A_1976 = arith.minsi %add3A_1973, %min3A_1975 : vector<16xi32>
      %ge3A_1977 = arith.constant 2047 : i32
      %ge3A_1978 = vector.broadcast %ge3A_1977 : i32 to vector<16xi32>
      %ge3A_1979 = arith.cmpi sge, %min3A_1964, %ge3A_1978 : vector<16xi32>
      %jit3A_1980 = arith.constant 0.000000e+00 : f32
      %broadcast_in_dim3A_1981 = vector.broadcast %jit3A_1980 : f32 to vector<16xf32>
      %select_n3A_1982 = arith.select %ge3A_1979, %broadcast_in_dim3A_1981, %sub3A_1956 : vector<16xi1>, vector<16xf32>
      %mul3A_1983 = arith.constant 2048 : i32
      %mul3A_1984 = vector.broadcast %mul3A_1983 : i32 to vector<16xi32>
      %mul3A_1985 = arith.muli %min3A_1970, %mul3A_1984 : vector<16xi32>
      %add3A_1986 = arith.addi %mul3A_1985, %min3A_1964 : vector<16xi32>
      %mul3A_1987 = arith.constant 2048 : i32
      %mul3A_1988 = vector.broadcast %mul3A_1987 : i32 to vector<16xi32>
      %mul3A_1989 = arith.muli %min3A_1976, %mul3A_1988 : vector<16xi32>
      %add3A_1990 = arith.addi %mul3A_1989, %min3A_1964 : vector<16xi32>
      %swap3A_1991 = arith.constant 0 : index
      %swap3A_1992 = tpu.vector_load %arg6[%swap3A_1991] {strides = array<i32>} : memref<128xi32, #tpu.memory_space<vmem>>, vector<16xi32>,
      tpu.vector_store %arg6[%swap3A_1991], %add3A_1986 {strides = array<i32>} : memref<128xi32, #tpu.memory_space<vmem>>, vector<16xi32>,
      %add3A_1993 = arith.constant 1 : i32
      %add3A_1994 = vector.broadcast %add3A_1993 : i32 to vector<16xi32>
      %add3A_1995 = arith.addi %add3A_1986, %add3A_1994 : vector<16xi32>
      %swap3A_1996 = arith.constant 0 : index
      %swap3A_1997 = tpu.vector_load %arg7[%swap3A_1996] {strides = array<i32>} : memref<128xi32, #tpu.memory_space<vmem>>, vector<16xi32>,
      tpu.vector_store %arg7[%swap3A_1996], %add3A_1995 {strides = array<i32>} : memref<128xi32, #tpu.memory_space<vmem>>, vector<16xi32>,
      %swap3A_1998 = arith.constant 0 : index
      %swap3A_1999 = tpu.vector_load %arg8[%swap3A_1998] {strides = array<i32>} : memref<128xi32, #tpu.memory_space<vmem>>, vector<16xi32>,
      tpu.vector_store %arg8[%swap3A_1998], %add3A_1990 {strides = array<i32>} : memref<128xi32, #tpu.memory_space<vmem>>, vector<16xi32>,
      %add3A_2000 = arith.constant 1 : i32
      %add3A_2001 = vector.broadcast %add3A_2000 : i32 to vector<16xi32>
      %add3A_2002 = arith.addi %add3A_1990, %add3A_2001 : vector<16xi32>
      %swap3A_2003 = arith.constant 0 : index
      %swap3A_2004 = tpu.vector_load %arg9[%swap3A_2003] {strides = array<i32>} : memref<128xi32, #tpu.memory_space<vmem>>, vector<16xi32>,
      tpu.vector_store %arg9[%swap3A_2003], %add3A_2002 {strides = array<i32>} : memref<128xi32, #tpu.memory_space<vmem>>, vector<16xi32>,
      %swap3A_2005 = arith.constant 0 : index
      %swap3A_2006 = tpu.vector_load %arg10[%swap3A_2005] {strides = array<i32>} : memref<128xf32, #tpu.memory_space<vmem>>, vector<16xf32>,
      tpu.vector_store %arg10[%swap3A_2005], %select_n3A_1982 {strides = array<i32>} : memref<128xf32, #tpu.memory_space<vmem>>, vector<16xf32>,
      %swap3A_2007 = arith.constant 0 : index
      %swap3A_2008 = tpu.vector_load %arg11[%swap3A_2007] {strides = array<i32>} : memref<128xf32, #tpu.memory_space<vmem>>, vector<16xf32>,
      tpu.vector_store %arg11[%swap3A_2007], %sub3A_1958 {strides = array<i32>} : memref<128xf32, #tpu.memory_space<vmem>>, vector<16xf32>,
      %mul3A_2009 = arith.constant 128 : i32
      %mul3A_2010 = arith.muli %select_n3A_1932, %mul3A_2009 : i32
      %add3A_2011 = arith.constant 16 : i32
      %add3A_2012 = arith.addi %mul3A_2010, %add3A_2011 : i32
      %add3A_2013 = vector.broadcast %add3A_2012 : i32 to vector<16xi32>
      %add3A_2014 = arith.addi %add3A_2013, %iota3A : vector<16xi32>
      %mul3A_2015 = arith.constant 2 : i32
      %mul3A_2016 = vector.broadcast %mul3A_2015 : i32 to vector<16xi32>
      %mul3A_2017 = arith.muli %mul3A_2016, %add3A_2014 : vector<16xi32>
      %gather3A_2018 = tpu.vector_load_idx %arg5[%mul3A_2017] : memref<65536xf32, #tpu.memory_space<vmem>>[vector<16xi32>], vector<16xf32>,
      %add3A_2019 = arith.constant 1 : i32
      %add3A_2020 = vector.broadcast %add3A_2019 : i32 to vector<16xi32>
      %add3A_2021 = arith.addi %mul3A_2017, %add3A_2020 : vector<16xi32>
      %gather3A_2022 = tpu.vector_load_idx %arg5[%add3A_2021] : memref<65536xf32, #tpu.memory_space<vmem>>[vector<16xi32>], vector<16xf32>,
      %mul3A_2023 = arith.constant 2.048000e+03 : f32
      %mul3A_2024 = vector.broadcast %mul3A_2023 : f32 to vector<16xf32>
      %mul3A_2025 = arith.mulf %gather3A_2018, %mul3A_2024 : vector<16xf32>
      %mul3A_2026 = arith.constant 2.048000e+03 : f32
      %mul3A_2027 = vector.broadcast %mul3A_2026 : f32 to vector<16xf32>
      %mul3A_2028 = arith.mulf %gather3A_2022, %mul3A_2027 : vector<16xf32>
      %convert_element_type3A_2029 = arith.fptosi %mul3A_2025 : vector<16xf32> to vector<16xi32>
      %convert_element_type3A_2030 = arith.fptosi %mul3A_2028 : vector<16xf32> to vector<16xi32>
      %convert_element_type3A_2031 = arith.sitofp %convert_element_type3A_2029 : vector<16xi32> to vector<16xf32>
      %sub3A_2032 = arith.subf %mul3A_2025, %convert_element_type3A_2031 : vector<16xf32>
      %convert_element_type3A_2033 = arith.sitofp %convert_element_type3A_2030 : vector<16xi32> to vector<16xf32>
      %sub3A_2034 = arith.subf %mul3A_2028, %convert_element_type3A_2033 : vector<16xf32>
      %max3A_2035 = arith.constant 0 : i32
      %max3A_2036 = vector.broadcast %max3A_2035 : i32 to vector<16xi32>
      %max3A_2037 = arith.maxsi %convert_element_type3A_2029, %max3A_2036 : vector<16xi32>
      %min3A_2038 = arith.constant 2047 : i32
      %min3A_2039 = vector.broadcast %min3A_2038 : i32 to vector<16xi32>
      %min3A_2040 = arith.minsi %max3A_2037, %min3A_2039 : vector<16xi32>
      %max3A_2041 = arith.constant 0 : i32
      %max3A_2042 = vector.broadcast %max3A_2041 : i32 to vector<16xi32>
      %max3A_2043 = arith.maxsi %convert_element_type3A_2030, %max3A_2042 : vector<16xi32>
      %min3A_2044 = arith.constant 2047 : i32
      %min3A_2045 = vector.broadcast %min3A_2044 : i32 to vector<16xi32>
      %min3A_2046 = arith.minsi %max3A_2043, %min3A_2045 : vector<16xi32>
      %add3A_2047 = arith.constant 1 : i32
      %add3A_2048 = vector.broadcast %add3A_2047 : i32 to vector<16xi32>
      %add3A_2049 = arith.addi %min3A_2046, %add3A_2048 : vector<16xi32>
      %min3A_2050 = arith.constant 2047 : i32
      %min3A_2051 = vector.broadcast %min3A_2050 : i32 to vector<16xi32>
      %min3A_2052 = arith.minsi %add3A_2049, %min3A_2051 : vector<16xi32>
      %ge3A_2053 = arith.constant 2047 : i32
      %ge3A_2054 = vector.broadcast %ge3A_2053 : i32 to vector<16xi32>
      %ge3A_2055 = arith.cmpi sge, %min3A_2040, %ge3A_2054 : vector<16xi32>
      %jit3A_2056 = arith.constant 0.000000e+00 : f32
      %broadcast_in_dim3A_2057 = vector.broadcast %jit3A_2056 : f32 to vector<16xf32>
      %select_n3A_2058 = arith.select %ge3A_2055, %broadcast_in_dim3A_2057, %sub3A_2032 : vector<16xi1>, vector<16xf32>
      %mul3A_2059 = arith.constant 2048 : i32
      %mul3A_2060 = vector.broadcast %mul3A_2059 : i32 to vector<16xi32>
      %mul3A_2061 = arith.muli %min3A_2046, %mul3A_2060 : vector<16xi32>
      %add3A_2062 = arith.addi %mul3A_2061, %min3A_2040 : vector<16xi32>
      %mul3A_2063 = arith.constant 2048 : i32
      %mul3A_2064 = vector.broadcast %mul3A_2063 : i32 to vector<16xi32>
      %mul3A_2065 = arith.muli %min3A_2052, %mul3A_2064 : vector<16xi32>
      %add3A_2066 = arith.addi %mul3A_2065, %min3A_2040 : vector<16xi32>
      %swap3A_2067 = arith.constant 16 : index
      %swap3A_2068 = tpu.vector_load %arg6[%swap3A_2067] {strides = array<i32>} : memref<128xi32, #tpu.memory_space<vmem>>, vector<16xi32>,
      tpu.vector_store %arg6[%swap3A_2067], %add3A_2062 {strides = array<i32>} : memref<128xi32, #tpu.memory_space<vmem>>, vector<16xi32>,
      %add3A_2069 = arith.constant 1 : i32
      %add3A_2070 = vector.broadcast %add3A_2069 : i32 to vector<16xi32>
      %add3A_2071 = arith.addi %add3A_2062, %add3A_2070 : vector<16xi32>
      %swap3A_2072 = arith.constant 16 : index
      %swap3A_2073 = tpu.vector_load %arg7[%swap3A_2072] {strides = array<i32>} : memref<128xi32, #tpu.memory_space<vmem>>, vector<16xi32>,
      tpu.vector_store %arg7[%swap3A_2072], %add3A_2071 {strides = array<i32>} : memref<128xi32, #tpu.memory_space<vmem>>, vector<16xi32>,
      %swap3A_2074 = arith.constant 16 : index
      %swap3A_2075 = tpu.vector_load %arg8[%swap3A_2074] {strides = array<i32>} : memref<128xi32, #tpu.memory_space<vmem>>, vector<16xi32>,
      tpu.vector_store %arg8[%swap3A_2074], %add3A_2066 {strides = array<i32>} : memref<128xi32, #tpu.memory_space<vmem>>, vector<16xi32>,
      %add3A_2076 = arith.constant 1 : i32
      %add3A_2077 = vector.broadcast %add3A_2076 : i32 to vector<16xi32>
      %add3A_2078 = arith.addi %add3A_2066, %add3A_2077 : vector<16xi32>
      %swap3A_2079 = arith.constant 16 : index
      %swap3A_2080 = tpu.vector_load %arg9[%swap3A_2079] {strides = array<i32>} : memref<128xi32, #tpu.memory_space<vmem>>, vector<16xi32>,
      tpu.vector_store %arg9[%swap3A_2079], %add3A_2078 {strides = array<i32>} : memref<128xi32, #tpu.memory_space<vmem>>, vector<16xi32>,
      %swap3A_2081 = arith.constant 16 : index
      %swap3A_2082 = tpu.vector_load %arg10[%swap3A_2081] {strides = array<i32>} : memref<128xf32, #tpu.memory_space<vmem>>, vector<16xf32>,
      tpu.vector_store %arg10[%swap3A_2081], %select_n3A_2058 {strides = array<i32>} : memref<128xf32, #tpu.memory_space<vmem>>, vector<16xf32>,
      %swap3A_2083 = arith.constant 16 : index
      %swap3A_2084 = tpu.vector_load %arg11[%swap3A_2083] {strides = array<i32>} : memref<128xf32, #tpu.memory_space<vmem>>, vector<16xf32>,
      tpu.vector_store %arg11[%swap3A_2083], %sub3A_2034 {strides = array<i32>} : memref<128xf32, #tpu.memory_space<vmem>>, vector<16xf32>,
      %mul3A_2085 = arith.constant 128 : i32
      %mul3A_2086 = arith.muli %select_n3A_1932, %mul3A_2085 : i32
      %add3A_2087 = arith.constant 32 : i32
      %add3A_2088 = arith.addi %mul3A_2086, %add3A_2087 : i32
      %add3A_2089 = vector.broadcast %add3A_2088 : i32 to vector<16xi32>
      %add3A_2090 = arith.addi %add3A_2089, %iota3A : vector<16xi32>
      %mul3A_2091 = arith.constant 2 : i32
      %mul3A_2092 = vector.broadcast %mul3A_2091 : i32 to vector<16xi32>
      %mul3A_2093 = arith.muli %mul3A_2092, %add3A_2090 : vector<16xi32>
      %gather3A_2094 = tpu.vector_load_idx %arg5[%mul3A_2093] : memref<65536xf32, #tpu.memory_space<vmem>>[vector<16xi32>], vector<16xf32>,
      %add3A_2095 = arith.constant 1 : i32
      %add3A_2096 = vector.broadcast %add3A_2095 : i32 to vector<16xi32>
      %add3A_2097 = arith.addi %mul3A_2093, %add3A_2096 : vector<16xi32>
      %gather3A_2098 = tpu.vector_load_idx %arg5[%add3A_2097] : memref<65536xf32, #tpu.memory_space<vmem>>[vector<16xi32>], vector<16xf32>,
      %mul3A_2099 = arith.constant 2.048000e+03 : f32
      %mul3A_2100 = vector.broadcast %mul3A_2099 : f32 to vector<16xf32>
      %mul3A_2101 = arith.mulf %gather3A_2094, %mul3A_2100 : vector<16xf32>
      %mul3A_2102 = arith.constant 2.048000e+03 : f32
      %mul3A_2103 = vector.broadcast %mul3A_2102 : f32 to vector<16xf32>
      %mul3A_2104 = arith.mulf %gather3A_2098, %mul3A_2103 : vector<16xf32>
      %convert_element_type3A_2105 = arith.fptosi %mul3A_2101 : vector<16xf32> to vector<16xi32>
      %convert_element_type3A_2106 = arith.fptosi %mul3A_2104 : vector<16xf32> to vector<16xi32>
      %convert_element_type3A_2107 = arith.sitofp %convert_element_type3A_2105 : vector<16xi32> to vector<16xf32>
      %sub3A_2108 = arith.subf %mul3A_2101, %convert_element_type3A_2107 : vector<16xf32>
      %convert_element_type3A_2109 = arith.sitofp %convert_element_type3A_2106 : vector<16xi32> to vector<16xf32>
      %sub3A_2110 = arith.subf %mul3A_2104, %convert_element_type3A_2109 : vector<16xf32>
      %max3A_2111 = arith.constant 0 : i32
      %max3A_2112 = vector.broadcast %max3A_2111 : i32 to vector<16xi32>
      %max3A_2113 = arith.maxsi %convert_element_type3A_2105, %max3A_2112 : vector<16xi32>
      %min3A_2114 = arith.constant 2047 : i32
      %min3A_2115 = vector.broadcast %min3A_2114 : i32 to vector<16xi32>
      %min3A_2116 = arith.minsi %max3A_2113, %min3A_2115 : vector<16xi32>
      %max3A_2117 = arith.constant 0 : i32
      %max3A_2118 = vector.broadcast %max3A_2117 : i32 to vector<16xi32>
      %max3A_2119 = arith.maxsi %convert_element_type3A_2106, %max3A_2118 : vector<16xi32>
      %min3A_2120 = arith.constant 2047 : i32
      %min3A_2121 = vector.broadcast %min3A_2120 : i32 to vector<16xi32>
      %min3A_2122 = arith.minsi %max3A_2119, %min3A_2121 : vector<16xi32>
      %add3A_2123 = arith.constant 1 : i32
      %add3A_2124 = vector.broadcast %add3A_2123 : i32 to vector<16xi32>
      %add3A_2125 = arith.addi %min3A_2122, %add3A_2124 : vector<16xi32>
      %min3A_2126 = arith.constant 2047 : i32
      %min3A_2127 = vector.broadcast %min3A_2126 : i32 to vector<16xi32>
      %min3A_2128 = arith.minsi %add3A_2125, %min3A_2127 : vector<16xi32>
      %ge3A_2129 = arith.constant 2047 : i32
      %ge3A_2130 = vector.broadcast %ge3A_2129 : i32 to vector<16xi32>
      %ge3A_2131 = arith.cmpi sge, %min3A_2116, %ge3A_2130 : vector<16xi32>
      %jit3A_2132 = arith.constant 0.000000e+00 : f32
      %broadcast_in_dim3A_2133 = vector.broadcast %jit3A_2132 : f32 to vector<16xf32>
      %select_n3A_2134 = arith.select %ge3A_2131, %broadcast_in_dim3A_2133, %sub3A_2108 : vector<16xi1>, vector<16xf32>
      %mul3A_2135 = arith.constant 2048 : i32
      %mul3A_2136 = vector.broadcast %mul3A_2135 : i32 to vector<16xi32>
      %mul3A_2137 = arith.muli %min3A_2122, %mul3A_2136 : vector<16xi32>
      %add3A_2138 = arith.addi %mul3A_2137, %min3A_2116 : vector<16xi32>
      %mul3A_2139 = arith.constant 2048 : i32
      %mul3A_2140 = vector.broadcast %mul3A_2139 : i32 to vector<16xi32>
      %mul3A_2141 = arith.muli %min3A_2128, %mul3A_2140 : vector<16xi32>
      %add3A_2142 = arith.addi %mul3A_2141, %min3A_2116 : vector<16xi32>
      %swap3A_2143 = arith.constant 32 : index
      %swap3A_2144 = tpu.vector_load %arg6[%swap3A_2143] {strides = array<i32>} : memref<128xi32, #tpu.memory_space<vmem>>, vector<16xi32>,
      tpu.vector_store %arg6[%swap3A_2143], %add3A_2138 {strides = array<i32>} : memref<128xi32, #tpu.memory_space<vmem>>, vector<16xi32>,
      %add3A_2145 = arith.constant 1 : i32
      %add3A_2146 = vector.broadcast %add3A_2145 : i32 to vector<16xi32>
      %add3A_2147 = arith.addi %add3A_2138, %add3A_2146 : vector<16xi32>
      %swap3A_2148 = arith.constant 32 : index
      %swap3A_2149 = tpu.vector_load %arg7[%swap3A_2148] {strides = array<i32>} : memref<128xi32, #tpu.memory_space<vmem>>, vector<16xi32>,
      tpu.vector_store %arg7[%swap3A_2148], %add3A_2147 {strides = array<i32>} : memref<128xi32, #tpu.memory_space<vmem>>, vector<16xi32>,
      %swap3A_2150 = arith.constant 32 : index
      %swap3A_2151 = tpu.vector_load %arg8[%swap3A_2150] {strides = array<i32>} : memref<128xi32, #tpu.memory_space<vmem>>, vector<16xi32>,
      tpu.vector_store %arg8[%swap3A_2150], %add3A_2142 {strides = array<i32>} : memref<128xi32, #tpu.memory_space<vmem>>, vector<16xi32>,
      %add3A_2152 = arith.constant 1 : i32
      %add3A_2153 = vector.broadcast %add3A_2152 : i32 to vector<16xi32>
      %add3A_2154 = arith.addi %add3A_2142, %add3A_2153 : vector<16xi32>
      %swap3A_2155 = arith.constant 32 : index
      %swap3A_2156 = tpu.vector_load %arg9[%swap3A_2155] {strides = array<i32>} : memref<128xi32, #tpu.memory_space<vmem>>, vector<16xi32>,
      tpu.vector_store %arg9[%swap3A_2155], %add3A_2154 {strides = array<i32>} : memref<128xi32, #tpu.memory_space<vmem>>, vector<16xi32>,
      %swap3A_2157 = arith.constant 32 : index
      %swap3A_2158 = tpu.vector_load %arg10[%swap3A_2157] {strides = array<i32>} : memref<128xf32, #tpu.memory_space<vmem>>, vector<16xf32>,
      tpu.vector_store %arg10[%swap3A_2157], %select_n3A_2134 {strides = array<i32>} : memref<128xf32, #tpu.memory_space<vmem>>, vector<16xf32>,
      %swap3A_2159 = arith.constant 32 : index
      %swap3A_2160 = tpu.vector_load %arg11[%swap3A_2159] {strides = array<i32>} : memref<128xf32, #tpu.memory_space<vmem>>, vector<16xf32>,
      tpu.vector_store %arg11[%swap3A_2159], %sub3A_2110 {strides = array<i32>} : memref<128xf32, #tpu.memory_space<vmem>>, vector<16xf32>,
      %mul3A_2161 = arith.constant 128 : i32
      %mul3A_2162 = arith.muli %select_n3A_1932, %mul3A_2161 : i32
      %add3A_2163 = arith.constant 48 : i32
      %add3A_2164 = arith.addi %mul3A_2162, %add3A_2163 : i32
      %add3A_2165 = vector.broadcast %add3A_2164 : i32 to vector<16xi32>
      %add3A_2166 = arith.addi %add3A_2165, %iota3A : vector<16xi32>
      %mul3A_2167 = arith.constant 2 : i32
      %mul3A_2168 = vector.broadcast %mul3A_2167 : i32 to vector<16xi32>
      %mul3A_2169 = arith.muli %mul3A_2168, %add3A_2166 : vector<16xi32>
      %gather3A_2170 = tpu.vector_load_idx %arg5[%mul3A_2169] : memref<65536xf32, #tpu.memory_space<vmem>>[vector<16xi32>], vector<16xf32>,
      %add3A_2171 = arith.constant 1 : i32
      %add3A_2172 = vector.broadcast %add3A_2171 : i32 to vector<16xi32>
      %add3A_2173 = arith.addi %mul3A_2169, %add3A_2172 : vector<16xi32>
      %gather3A_2174 = tpu.vector_load_idx %arg5[%add3A_2173] : memref<65536xf32, #tpu.memory_space<vmem>>[vector<16xi32>], vector<16xf32>,
      %mul3A_2175 = arith.constant 2.048000e+03 : f32
      %mul3A_2176 = vector.broadcast %mul3A_2175 : f32 to vector<16xf32>
      %mul3A_2177 = arith.mulf %gather3A_2170, %mul3A_2176 : vector<16xf32>
      %mul3A_2178 = arith.constant 2.048000e+03 : f32
      %mul3A_2179 = vector.broadcast %mul3A_2178 : f32 to vector<16xf32>
      %mul3A_2180 = arith.mulf %gather3A_2174, %mul3A_2179 : vector<16xf32>
      %convert_element_type3A_2181 = arith.fptosi %mul3A_2177 : vector<16xf32> to vector<16xi32>
      %convert_element_type3A_2182 = arith.fptosi %mul3A_2180 : vector<16xf32> to vector<16xi32>
      %convert_element_type3A_2183 = arith.sitofp %convert_element_type3A_2181 : vector<16xi32> to vector<16xf32>
      %sub3A_2184 = arith.subf %mul3A_2177, %convert_element_type3A_2183 : vector<16xf32>
      %convert_element_type3A_2185 = arith.sitofp %convert_element_type3A_2182 : vector<16xi32> to vector<16xf32>
      %sub3A_2186 = arith.subf %mul3A_2180, %convert_element_type3A_2185 : vector<16xf32>
      %max3A_2187 = arith.constant 0 : i32
      %max3A_2188 = vector.broadcast %max3A_2187 : i32 to vector<16xi32>
      %max3A_2189 = arith.maxsi %convert_element_type3A_2181, %max3A_2188 : vector<16xi32>
      %min3A_2190 = arith.constant 2047 : i32
      %min3A_2191 = vector.broadcast %min3A_2190 : i32 to vector<16xi32>
      %min3A_2192 = arith.minsi %max3A_2189, %min3A_2191 : vector<16xi32>
      %max3A_2193 = arith.constant 0 : i32
      %max3A_2194 = vector.broadcast %max3A_2193 : i32 to vector<16xi32>
      %max3A_2195 = arith.maxsi %convert_element_type3A_2182, %max3A_2194 : vector<16xi32>
      %min3A_2196 = arith.constant 2047 : i32
      %min3A_2197 = vector.broadcast %min3A_2196 : i32 to vector<16xi32>
      %min3A_2198 = arith.minsi %max3A_2195, %min3A_2197 : vector<16xi32>
      %add3A_2199 = arith.constant 1 : i32
      %add3A_2200 = vector.broadcast %add3A_2199 : i32 to vector<16xi32>
      %add3A_2201 = arith.addi %min3A_2198, %add3A_2200 : vector<16xi32>
      %min3A_2202 = arith.constant 2047 : i32
      %min3A_2203 = vector.broadcast %min3A_2202 : i32 to vector<16xi32>
      %min3A_2204 = arith.minsi %add3A_2201, %min3A_2203 : vector<16xi32>
      %ge3A_2205 = arith.constant 2047 : i32
      %ge3A_2206 = vector.broadcast %ge3A_2205 : i32 to vector<16xi32>
      %ge3A_2207 = arith.cmpi sge, %min3A_2192, %ge3A_2206 : vector<16xi32>
      %jit3A_2208 = arith.constant 0.000000e+00 : f32
      %broadcast_in_dim3A_2209 = vector.broadcast %jit3A_2208 : f32 to vector<16xf32>
      %select_n3A_2210 = arith.select %ge3A_2207, %broadcast_in_dim3A_2209, %sub3A_2184 : vector<16xi1>, vector<16xf32>
      %mul3A_2211 = arith.constant 2048 : i32
      %mul3A_2212 = vector.broadcast %mul3A_2211 : i32 to vector<16xi32>
      %mul3A_2213 = arith.muli %min3A_2198, %mul3A_2212 : vector<16xi32>
      %add3A_2214 = arith.addi %mul3A_2213, %min3A_2192 : vector<16xi32>
      %mul3A_2215 = arith.constant 2048 : i32
      %mul3A_2216 = vector.broadcast %mul3A_2215 : i32 to vector<16xi32>
      %mul3A_2217 = arith.muli %min3A_2204, %mul3A_2216 : vector<16xi32>
      %add3A_2218 = arith.addi %mul3A_2217, %min3A_2192 : vector<16xi32>
      %swap3A_2219 = arith.constant 48 : index
      %swap3A_2220 = tpu.vector_load %arg6[%swap3A_2219] {strides = array<i32>} : memref<128xi32, #tpu.memory_space<vmem>>, vector<16xi32>,
      tpu.vector_store %arg6[%swap3A_2219], %add3A_2214 {strides = array<i32>} : memref<128xi32, #tpu.memory_space<vmem>>, vector<16xi32>,
      %add3A_2221 = arith.constant 1 : i32
      %add3A_2222 = vector.broadcast %add3A_2221 : i32 to vector<16xi32>
      %add3A_2223 = arith.addi %add3A_2214, %add3A_2222 : vector<16xi32>
      %swap3A_2224 = arith.constant 48 : index
      %swap3A_2225 = tpu.vector_load %arg7[%swap3A_2224] {strides = array<i32>} : memref<128xi32, #tpu.memory_space<vmem>>, vector<16xi32>,
      tpu.vector_store %arg7[%swap3A_2224], %add3A_2223 {strides = array<i32>} : memref<128xi32, #tpu.memory_space<vmem>>, vector<16xi32>,
      %swap3A_2226 = arith.constant 48 : index
      %swap3A_2227 = tpu.vector_load %arg8[%swap3A_2226] {strides = array<i32>} : memref<128xi32, #tpu.memory_space<vmem>>, vector<16xi32>,
      tpu.vector_store %arg8[%swap3A_2226], %add3A_2218 {strides = array<i32>} : memref<128xi32, #tpu.memory_space<vmem>>, vector<16xi32>,
      %add3A_2228 = arith.constant 1 : i32
      %add3A_2229 = vector.broadcast %add3A_2228 : i32 to vector<16xi32>
      %add3A_2230 = arith.addi %add3A_2218, %add3A_2229 : vector<16xi32>
      %swap3A_2231 = arith.constant 48 : index
      %swap3A_2232 = tpu.vector_load %arg9[%swap3A_2231] {strides = array<i32>} : memref<128xi32, #tpu.memory_space<vmem>>, vector<16xi32>,
      tpu.vector_store %arg9[%swap3A_2231], %add3A_2230 {strides = array<i32>} : memref<128xi32, #tpu.memory_space<vmem>>, vector<16xi32>,
      %swap3A_2233 = arith.constant 48 : index
      %swap3A_2234 = tpu.vector_load %arg10[%swap3A_2233] {strides = array<i32>} : memref<128xf32, #tpu.memory_space<vmem>>, vector<16xf32>,
      tpu.vector_store %arg10[%swap3A_2233], %select_n3A_2210 {strides = array<i32>} : memref<128xf32, #tpu.memory_space<vmem>>, vector<16xf32>,
      %swap3A_2235 = arith.constant 48 : index
      %swap3A_2236 = tpu.vector_load %arg11[%swap3A_2235] {strides = array<i32>} : memref<128xf32, #tpu.memory_space<vmem>>, vector<16xf32>,
      tpu.vector_store %arg11[%swap3A_2235], %sub3A_2186 {strides = array<i32>} : memref<128xf32, #tpu.memory_space<vmem>>, vector<16xf32>,
      %mul3A_2237 = arith.constant 128 : i32
      %mul3A_2238 = arith.muli %select_n3A_1932, %mul3A_2237 : i32
      %add3A_2239 = arith.constant 64 : i32
      %add3A_2240 = arith.addi %mul3A_2238, %add3A_2239 : i32
      %add3A_2241 = vector.broadcast %add3A_2240 : i32 to vector<16xi32>
      %add3A_2242 = arith.addi %add3A_2241, %iota3A : vector<16xi32>
      %mul3A_2243 = arith.constant 2 : i32
      %mul3A_2244 = vector.broadcast %mul3A_2243 : i32 to vector<16xi32>
      %mul3A_2245 = arith.muli %mul3A_2244, %add3A_2242 : vector<16xi32>
      %gather3A_2246 = tpu.vector_load_idx %arg5[%mul3A_2245] : memref<65536xf32, #tpu.memory_space<vmem>>[vector<16xi32>], vector<16xf32>,
      %add3A_2247 = arith.constant 1 : i32
      %add3A_2248 = vector.broadcast %add3A_2247 : i32 to vector<16xi32>
      %add3A_2249 = arith.addi %mul3A_2245, %add3A_2248 : vector<16xi32>
      %gather3A_2250 = tpu.vector_load_idx %arg5[%add3A_2249] : memref<65536xf32, #tpu.memory_space<vmem>>[vector<16xi32>], vector<16xf32>,
      %mul3A_2251 = arith.constant 2.048000e+03 : f32
      %mul3A_2252 = vector.broadcast %mul3A_2251 : f32 to vector<16xf32>
      %mul3A_2253 = arith.mulf %gather3A_2246, %mul3A_2252 : vector<16xf32>
      %mul3A_2254 = arith.constant 2.048000e+03 : f32
      %mul3A_2255 = vector.broadcast %mul3A_2254 : f32 to vector<16xf32>
      %mul3A_2256 = arith.mulf %gather3A_2250, %mul3A_2255 : vector<16xf32>
      %convert_element_type3A_2257 = arith.fptosi %mul3A_2253 : vector<16xf32> to vector<16xi32>
      %convert_element_type3A_2258 = arith.fptosi %mul3A_2256 : vector<16xf32> to vector<16xi32>
      %convert_element_type3A_2259 = arith.sitofp %convert_element_type3A_2257 : vector<16xi32> to vector<16xf32>
      %sub3A_2260 = arith.subf %mul3A_2253, %convert_element_type3A_2259 : vector<16xf32>
      %convert_element_type3A_2261 = arith.sitofp %convert_element_type3A_2258 : vector<16xi32> to vector<16xf32>
      %sub3A_2262 = arith.subf %mul3A_2256, %convert_element_type3A_2261 : vector<16xf32>
      %max3A_2263 = arith.constant 0 : i32
      %max3A_2264 = vector.broadcast %max3A_2263 : i32 to vector<16xi32>
      %max3A_2265 = arith.maxsi %convert_element_type3A_2257, %max3A_2264 : vector<16xi32>
      %min3A_2266 = arith.constant 2047 : i32
      %min3A_2267 = vector.broadcast %min3A_2266 : i32 to vector<16xi32>
      %min3A_2268 = arith.minsi %max3A_2265, %min3A_2267 : vector<16xi32>
      %max3A_2269 = arith.constant 0 : i32
      %max3A_2270 = vector.broadcast %max3A_2269 : i32 to vector<16xi32>
      %max3A_2271 = arith.maxsi %convert_element_type3A_2258, %max3A_2270 : vector<16xi32>
      %min3A_2272 = arith.constant 2047 : i32
      %min3A_2273 = vector.broadcast %min3A_2272 : i32 to vector<16xi32>
      %min3A_2274 = arith.minsi %max3A_2271, %min3A_2273 : vector<16xi32>
      %add3A_2275 = arith.constant 1 : i32
      %add3A_2276 = vector.broadcast %add3A_2275 : i32 to vector<16xi32>
      %add3A_2277 = arith.addi %min3A_2274, %add3A_2276 : vector<16xi32>
      %min3A_2278 = arith.constant 2047 : i32
      %min3A_2279 = vector.broadcast %min3A_2278 : i32 to vector<16xi32>
      %min3A_2280 = arith.minsi %add3A_2277, %min3A_2279 : vector<16xi32>
      %ge3A_2281 = arith.constant 2047 : i32
      %ge3A_2282 = vector.broadcast %ge3A_2281 : i32 to vector<16xi32>
      %ge3A_2283 = arith.cmpi sge, %min3A_2268, %ge3A_2282 : vector<16xi32>
      %jit3A_2284 = arith.constant 0.000000e+00 : f32
      %broadcast_in_dim3A_2285 = vector.broadcast %jit3A_2284 : f32 to vector<16xf32>
      %select_n3A_2286 = arith.select %ge3A_2283, %broadcast_in_dim3A_2285, %sub3A_2260 : vector<16xi1>, vector<16xf32>
      %mul3A_2287 = arith.constant 2048 : i32
      %mul3A_2288 = vector.broadcast %mul3A_2287 : i32 to vector<16xi32>
      %mul3A_2289 = arith.muli %min3A_2274, %mul3A_2288 : vector<16xi32>
      %add3A_2290 = arith.addi %mul3A_2289, %min3A_2268 : vector<16xi32>
      %mul3A_2291 = arith.constant 2048 : i32
      %mul3A_2292 = vector.broadcast %mul3A_2291 : i32 to vector<16xi32>
      %mul3A_2293 = arith.muli %min3A_2280, %mul3A_2292 : vector<16xi32>
      %add3A_2294 = arith.addi %mul3A_2293, %min3A_2268 : vector<16xi32>
      %swap3A_2295 = arith.constant 64 : index
      %swap3A_2296 = tpu.vector_load %arg6[%swap3A_2295] {strides = array<i32>} : memref<128xi32, #tpu.memory_space<vmem>>, vector<16xi32>,
      tpu.vector_store %arg6[%swap3A_2295], %add3A_2290 {strides = array<i32>} : memref<128xi32, #tpu.memory_space<vmem>>, vector<16xi32>,
      %add3A_2297 = arith.constant 1 : i32
      %add3A_2298 = vector.broadcast %add3A_2297 : i32 to vector<16xi32>
      %add3A_2299 = arith.addi %add3A_2290, %add3A_2298 : vector<16xi32>
      %swap3A_2300 = arith.constant 64 : index
      %swap3A_2301 = tpu.vector_load %arg7[%swap3A_2300] {strides = array<i32>} : memref<128xi32, #tpu.memory_space<vmem>>, vector<16xi32>,
      tpu.vector_store %arg7[%swap3A_2300], %add3A_2299 {strides = array<i32>} : memref<128xi32, #tpu.memory_space<vmem>>, vector<16xi32>,
      %swap3A_2302 = arith.constant 64 : index
      %swap3A_2303 = tpu.vector_load %arg8[%swap3A_2302] {strides = array<i32>} : memref<128xi32, #tpu.memory_space<vmem>>, vector<16xi32>,
      tpu.vector_store %arg8[%swap3A_2302], %add3A_2294 {strides = array<i32>} : memref<128xi32, #tpu.memory_space<vmem>>, vector<16xi32>,
      %add3A_2304 = arith.constant 1 : i32
      %add3A_2305 = vector.broadcast %add3A_2304 : i32 to vector<16xi32>
      %add3A_2306 = arith.addi %add3A_2294, %add3A_2305 : vector<16xi32>
      %swap3A_2307 = arith.constant 64 : index
      %swap3A_2308 = tpu.vector_load %arg9[%swap3A_2307] {strides = array<i32>} : memref<128xi32, #tpu.memory_space<vmem>>, vector<16xi32>,
      tpu.vector_store %arg9[%swap3A_2307], %add3A_2306 {strides = array<i32>} : memref<128xi32, #tpu.memory_space<vmem>>, vector<16xi32>,
      %swap3A_2309 = arith.constant 64 : index
      %swap3A_2310 = tpu.vector_load %arg10[%swap3A_2309] {strides = array<i32>} : memref<128xf32, #tpu.memory_space<vmem>>, vector<16xf32>,
      tpu.vector_store %arg10[%swap3A_2309], %select_n3A_2286 {strides = array<i32>} : memref<128xf32, #tpu.memory_space<vmem>>, vector<16xf32>,
      %swap3A_2311 = arith.constant 64 : index
      %swap3A_2312 = tpu.vector_load %arg11[%swap3A_2311] {strides = array<i32>} : memref<128xf32, #tpu.memory_space<vmem>>, vector<16xf32>,
      tpu.vector_store %arg11[%swap3A_2311], %sub3A_2262 {strides = array<i32>} : memref<128xf32, #tpu.memory_space<vmem>>, vector<16xf32>,
      %mul3A_2313 = arith.constant 128 : i32
      %mul3A_2314 = arith.muli %select_n3A_1932, %mul3A_2313 : i32
      %add3A_2315 = arith.constant 80 : i32
      %add3A_2316 = arith.addi %mul3A_2314, %add3A_2315 : i32
      %add3A_2317 = vector.broadcast %add3A_2316 : i32 to vector<16xi32>
      %add3A_2318 = arith.addi %add3A_2317, %iota3A : vector<16xi32>
      %mul3A_2319 = arith.constant 2 : i32
      %mul3A_2320 = vector.broadcast %mul3A_2319 : i32 to vector<16xi32>
      %mul3A_2321 = arith.muli %mul3A_2320, %add3A_2318 : vector<16xi32>
      %gather3A_2322 = tpu.vector_load_idx %arg5[%mul3A_2321] : memref<65536xf32, #tpu.memory_space<vmem>>[vector<16xi32>], vector<16xf32>,
      %add3A_2323 = arith.constant 1 : i32
      %add3A_2324 = vector.broadcast %add3A_2323 : i32 to vector<16xi32>
      %add3A_2325 = arith.addi %mul3A_2321, %add3A_2324 : vector<16xi32>
      %gather3A_2326 = tpu.vector_load_idx %arg5[%add3A_2325] : memref<65536xf32, #tpu.memory_space<vmem>>[vector<16xi32>], vector<16xf32>,
      %mul3A_2327 = arith.constant 2.048000e+03 : f32
      %mul3A_2328 = vector.broadcast %mul3A_2327 : f32 to vector<16xf32>
      %mul3A_2329 = arith.mulf %gather3A_2322, %mul3A_2328 : vector<16xf32>
      %mul3A_2330 = arith.constant 2.048000e+03 : f32
      %mul3A_2331 = vector.broadcast %mul3A_2330 : f32 to vector<16xf32>
      %mul3A_2332 = arith.mulf %gather3A_2326, %mul3A_2331 : vector<16xf32>
      %convert_element_type3A_2333 = arith.fptosi %mul3A_2329 : vector<16xf32> to vector<16xi32>
      %convert_element_type3A_2334 = arith.fptosi %mul3A_2332 : vector<16xf32> to vector<16xi32>
      %convert_element_type3A_2335 = arith.sitofp %convert_element_type3A_2333 : vector<16xi32> to vector<16xf32>
      %sub3A_2336 = arith.subf %mul3A_2329, %convert_element_type3A_2335 : vector<16xf32>
      %convert_element_type3A_2337 = arith.sitofp %convert_element_type3A_2334 : vector<16xi32> to vector<16xf32>
      %sub3A_2338 = arith.subf %mul3A_2332, %convert_element_type3A_2337 : vector<16xf32>
      %max3A_2339 = arith.constant 0 : i32
      %max3A_2340 = vector.broadcast %max3A_2339 : i32 to vector<16xi32>
      %max3A_2341 = arith.maxsi %convert_element_type3A_2333, %max3A_2340 : vector<16xi32>
      %min3A_2342 = arith.constant 2047 : i32
      %min3A_2343 = vector.broadcast %min3A_2342 : i32 to vector<16xi32>
      %min3A_2344 = arith.minsi %max3A_2341, %min3A_2343 : vector<16xi32>
      %max3A_2345 = arith.constant 0 : i32
      %max3A_2346 = vector.broadcast %max3A_2345 : i32 to vector<16xi32>
      %max3A_2347 = arith.maxsi %convert_element_type3A_2334, %max3A_2346 : vector<16xi32>
      %min3A_2348 = arith.constant 2047 : i32
      %min3A_2349 = vector.broadcast %min3A_2348 : i32 to vector<16xi32>
      %min3A_2350 = arith.minsi %max3A_2347, %min3A_2349 : vector<16xi32>
      %add3A_2351 = arith.constant 1 : i32
      %add3A_2352 = vector.broadcast %add3A_2351 : i32 to vector<16xi32>
      %add3A_2353 = arith.addi %min3A_2350, %add3A_2352 : vector<16xi32>
      %min3A_2354 = arith.constant 2047 : i32
      %min3A_2355 = vector.broadcast %min3A_2354 : i32 to vector<16xi32>
      %min3A_2356 = arith.minsi %add3A_2353, %min3A_2355 : vector<16xi32>
      %ge3A_2357 = arith.constant 2047 : i32
      %ge3A_2358 = vector.broadcast %ge3A_2357 : i32 to vector<16xi32>
      %ge3A_2359 = arith.cmpi sge, %min3A_2344, %ge3A_2358 : vector<16xi32>
      %jit3A_2360 = arith.constant 0.000000e+00 : f32
      %broadcast_in_dim3A_2361 = vector.broadcast %jit3A_2360 : f32 to vector<16xf32>
      %select_n3A_2362 = arith.select %ge3A_2359, %broadcast_in_dim3A_2361, %sub3A_2336 : vector<16xi1>, vector<16xf32>
      %mul3A_2363 = arith.constant 2048 : i32
      %mul3A_2364 = vector.broadcast %mul3A_2363 : i32 to vector<16xi32>
      %mul3A_2365 = arith.muli %min3A_2350, %mul3A_2364 : vector<16xi32>
      %add3A_2366 = arith.addi %mul3A_2365, %min3A_2344 : vector<16xi32>
      %mul3A_2367 = arith.constant 2048 : i32
      %mul3A_2368 = vector.broadcast %mul3A_2367 : i32 to vector<16xi32>
      %mul3A_2369 = arith.muli %min3A_2356, %mul3A_2368 : vector<16xi32>
      %add3A_2370 = arith.addi %mul3A_2369, %min3A_2344 : vector<16xi32>
      %swap3A_2371 = arith.constant 80 : index
      %swap3A_2372 = tpu.vector_load %arg6[%swap3A_2371] {strides = array<i32>} : memref<128xi32, #tpu.memory_space<vmem>>, vector<16xi32>,
      tpu.vector_store %arg6[%swap3A_2371], %add3A_2366 {strides = array<i32>} : memref<128xi32, #tpu.memory_space<vmem>>, vector<16xi32>,
      %add3A_2373 = arith.constant 1 : i32
      %add3A_2374 = vector.broadcast %add3A_2373 : i32 to vector<16xi32>
      %add3A_2375 = arith.addi %add3A_2366, %add3A_2374 : vector<16xi32>
      %swap3A_2376 = arith.constant 80 : index
      %swap3A_2377 = tpu.vector_load %arg7[%swap3A_2376] {strides = array<i32>} : memref<128xi32, #tpu.memory_space<vmem>>, vector<16xi32>,
      tpu.vector_store %arg7[%swap3A_2376], %add3A_2375 {strides = array<i32>} : memref<128xi32, #tpu.memory_space<vmem>>, vector<16xi32>,
      %swap3A_2378 = arith.constant 80 : index
      %swap3A_2379 = tpu.vector_load %arg8[%swap3A_2378] {strides = array<i32>} : memref<128xi32, #tpu.memory_space<vmem>>, vector<16xi32>,
      tpu.vector_store %arg8[%swap3A_2378], %add3A_2370 {strides = array<i32>} : memref<128xi32, #tpu.memory_space<vmem>>, vector<16xi32>,
      %add3A_2380 = arith.constant 1 : i32
      %add3A_2381 = vector.broadcast %add3A_2380 : i32 to vector<16xi32>
      %add3A_2382 = arith.addi %add3A_2370, %add3A_2381 : vector<16xi32>
      %swap3A_2383 = arith.constant 80 : index
      %swap3A_2384 = tpu.vector_load %arg9[%swap3A_2383] {strides = array<i32>} : memref<128xi32, #tpu.memory_space<vmem>>, vector<16xi32>,
      tpu.vector_store %arg9[%swap3A_2383], %add3A_2382 {strides = array<i32>} : memref<128xi32, #tpu.memory_space<vmem>>, vector<16xi32>,
      %swap3A_2385 = arith.constant 80 : index
      %swap3A_2386 = tpu.vector_load %arg10[%swap3A_2385] {strides = array<i32>} : memref<128xf32, #tpu.memory_space<vmem>>, vector<16xf32>,
      tpu.vector_store %arg10[%swap3A_2385], %select_n3A_2362 {strides = array<i32>} : memref<128xf32, #tpu.memory_space<vmem>>, vector<16xf32>,
      %swap3A_2387 = arith.constant 80 : index
      %swap3A_2388 = tpu.vector_load %arg11[%swap3A_2387] {strides = array<i32>} : memref<128xf32, #tpu.memory_space<vmem>>, vector<16xf32>,
      tpu.vector_store %arg11[%swap3A_2387], %sub3A_2338 {strides = array<i32>} : memref<128xf32, #tpu.memory_space<vmem>>, vector<16xf32>,
      %mul3A_2389 = arith.constant 128 : i32
      %mul3A_2390 = arith.muli %select_n3A_1932, %mul3A_2389 : i32
      %add3A_2391 = arith.constant 96 : i32
      %add3A_2392 = arith.addi %mul3A_2390, %add3A_2391 : i32
      %add3A_2393 = vector.broadcast %add3A_2392 : i32 to vector<16xi32>
      %add3A_2394 = arith.addi %add3A_2393, %iota3A : vector<16xi32>
      %mul3A_2395 = arith.constant 2 : i32
      %mul3A_2396 = vector.broadcast %mul3A_2395 : i32 to vector<16xi32>
      %mul3A_2397 = arith.muli %mul3A_2396, %add3A_2394 : vector<16xi32>
      %gather3A_2398 = tpu.vector_load_idx %arg5[%mul3A_2397] : memref<65536xf32, #tpu.memory_space<vmem>>[vector<16xi32>], vector<16xf32>,
      %add3A_2399 = arith.constant 1 : i32
      %add3A_2400 = vector.broadcast %add3A_2399 : i32 to vector<16xi32>
      %add3A_2401 = arith.addi %mul3A_2397, %add3A_2400 : vector<16xi32>
      %gather3A_2402 = tpu.vector_load_idx %arg5[%add3A_2401] : memref<65536xf32, #tpu.memory_space<vmem>>[vector<16xi32>], vector<16xf32>,
      %mul3A_2403 = arith.constant 2.048000e+03 : f32
      %mul3A_2404 = vector.broadcast %mul3A_2403 : f32 to vector<16xf32>
      %mul3A_2405 = arith.mulf %gather3A_2398, %mul3A_2404 : vector<16xf32>
      %mul3A_2406 = arith.constant 2.048000e+03 : f32
      %mul3A_2407 = vector.broadcast %mul3A_2406 : f32 to vector<16xf32>
      %mul3A_2408 = arith.mulf %gather3A_2402, %mul3A_2407 : vector<16xf32>
      %convert_element_type3A_2409 = arith.fptosi %mul3A_2405 : vector<16xf32> to vector<16xi32>
      %convert_element_type3A_2410 = arith.fptosi %mul3A_2408 : vector<16xf32> to vector<16xi32>
      %convert_element_type3A_2411 = arith.sitofp %convert_element_type3A_2409 : vector<16xi32> to vector<16xf32>
      %sub3A_2412 = arith.subf %mul3A_2405, %convert_element_type3A_2411 : vector<16xf32>
      %convert_element_type3A_2413 = arith.sitofp %convert_element_type3A_2410 : vector<16xi32> to vector<16xf32>
      %sub3A_2414 = arith.subf %mul3A_2408, %convert_element_type3A_2413 : vector<16xf32>
      %max3A_2415 = arith.constant 0 : i32
      %max3A_2416 = vector.broadcast %max3A_2415 : i32 to vector<16xi32>
      %max3A_2417 = arith.maxsi %convert_element_type3A_2409, %max3A_2416 : vector<16xi32>
      %min3A_2418 = arith.constant 2047 : i32
      %min3A_2419 = vector.broadcast %min3A_2418 : i32 to vector<16xi32>
      %min3A_2420 = arith.minsi %max3A_2417, %min3A_2419 : vector<16xi32>
      %max3A_2421 = arith.constant 0 : i32
      %max3A_2422 = vector.broadcast %max3A_2421 : i32 to vector<16xi32>
      %max3A_2423 = arith.maxsi %convert_element_type3A_2410, %max3A_2422 : vector<16xi32>
      %min3A_2424 = arith.constant 2047 : i32
      %min3A_2425 = vector.broadcast %min3A_2424 : i32 to vector<16xi32>
      %min3A_2426 = arith.minsi %max3A_2423, %min3A_2425 : vector<16xi32>
      %add3A_2427 = arith.constant 1 : i32
      %add3A_2428 = vector.broadcast %add3A_2427 : i32 to vector<16xi32>
      %add3A_2429 = arith.addi %min3A_2426, %add3A_2428 : vector<16xi32>
      %min3A_2430 = arith.constant 2047 : i32
      %min3A_2431 = vector.broadcast %min3A_2430 : i32 to vector<16xi32>
      %min3A_2432 = arith.minsi %add3A_2429, %min3A_2431 : vector<16xi32>
      %ge3A_2433 = arith.constant 2047 : i32
      %ge3A_2434 = vector.broadcast %ge3A_2433 : i32 to vector<16xi32>
      %ge3A_2435 = arith.cmpi sge, %min3A_2420, %ge3A_2434 : vector<16xi32>
      %jit3A_2436 = arith.constant 0.000000e+00 : f32
      %broadcast_in_dim3A_2437 = vector.broadcast %jit3A_2436 : f32 to vector<16xf32>
      %select_n3A_2438 = arith.select %ge3A_2435, %broadcast_in_dim3A_2437, %sub3A_2412 : vector<16xi1>, vector<16xf32>
      %mul3A_2439 = arith.constant 2048 : i32
      %mul3A_2440 = vector.broadcast %mul3A_2439 : i32 to vector<16xi32>
      %mul3A_2441 = arith.muli %min3A_2426, %mul3A_2440 : vector<16xi32>
      %add3A_2442 = arith.addi %mul3A_2441, %min3A_2420 : vector<16xi32>
      %mul3A_2443 = arith.constant 2048 : i32
      %mul3A_2444 = vector.broadcast %mul3A_2443 : i32 to vector<16xi32>
      %mul3A_2445 = arith.muli %min3A_2432, %mul3A_2444 : vector<16xi32>
      %add3A_2446 = arith.addi %mul3A_2445, %min3A_2420 : vector<16xi32>
      %swap3A_2447 = arith.constant 96 : index
      %swap3A_2448 = tpu.vector_load %arg6[%swap3A_2447] {strides = array<i32>} : memref<128xi32, #tpu.memory_space<vmem>>, vector<16xi32>,
      tpu.vector_store %arg6[%swap3A_2447], %add3A_2442 {strides = array<i32>} : memref<128xi32, #tpu.memory_space<vmem>>, vector<16xi32>,
      %add3A_2449 = arith.constant 1 : i32
      %add3A_2450 = vector.broadcast %add3A_2449 : i32 to vector<16xi32>
      %add3A_2451 = arith.addi %add3A_2442, %add3A_2450 : vector<16xi32>
      %swap3A_2452 = arith.constant 96 : index
      %swap3A_2453 = tpu.vector_load %arg7[%swap3A_2452] {strides = array<i32>} : memref<128xi32, #tpu.memory_space<vmem>>, vector<16xi32>,
      tpu.vector_store %arg7[%swap3A_2452], %add3A_2451 {strides = array<i32>} : memref<128xi32, #tpu.memory_space<vmem>>, vector<16xi32>,
      %swap3A_2454 = arith.constant 96 : index
      %swap3A_2455 = tpu.vector_load %arg8[%swap3A_2454] {strides = array<i32>} : memref<128xi32, #tpu.memory_space<vmem>>, vector<16xi32>,
      tpu.vector_store %arg8[%swap3A_2454], %add3A_2446 {strides = array<i32>} : memref<128xi32, #tpu.memory_space<vmem>>, vector<16xi32>,
      %add3A_2456 = arith.constant 1 : i32
      %add3A_2457 = vector.broadcast %add3A_2456 : i32 to vector<16xi32>
      %add3A_2458 = arith.addi %add3A_2446, %add3A_2457 : vector<16xi32>
      %swap3A_2459 = arith.constant 96 : index
      %swap3A_2460 = tpu.vector_load %arg9[%swap3A_2459] {strides = array<i32>} : memref<128xi32, #tpu.memory_space<vmem>>, vector<16xi32>,
      tpu.vector_store %arg9[%swap3A_2459], %add3A_2458 {strides = array<i32>} : memref<128xi32, #tpu.memory_space<vmem>>, vector<16xi32>,
      %swap3A_2461 = arith.constant 96 : index
      %swap3A_2462 = tpu.vector_load %arg10[%swap3A_2461] {strides = array<i32>} : memref<128xf32, #tpu.memory_space<vmem>>, vector<16xf32>,
      tpu.vector_store %arg10[%swap3A_2461], %select_n3A_2438 {strides = array<i32>} : memref<128xf32, #tpu.memory_space<vmem>>, vector<16xf32>,
      %swap3A_2463 = arith.constant 96 : index
      %swap3A_2464 = tpu.vector_load %arg11[%swap3A_2463] {strides = array<i32>} : memref<128xf32, #tpu.memory_space<vmem>>, vector<16xf32>,
      tpu.vector_store %arg11[%swap3A_2463], %sub3A_2414 {strides = array<i32>} : memref<128xf32, #tpu.memory_space<vmem>>, vector<16xf32>,
      %mul3A_2465 = arith.constant 128 : i32
      %mul3A_2466 = arith.muli %select_n3A_1932, %mul3A_2465 : i32
      %add3A_2467 = arith.constant 112 : i32
      %add3A_2468 = arith.addi %mul3A_2466, %add3A_2467 : i32
      %add3A_2469 = vector.broadcast %add3A_2468 : i32 to vector<16xi32>
      %add3A_2470 = arith.addi %add3A_2469, %iota3A : vector<16xi32>
      %mul3A_2471 = arith.constant 2 : i32
      %mul3A_2472 = vector.broadcast %mul3A_2471 : i32 to vector<16xi32>
      %mul3A_2473 = arith.muli %mul3A_2472, %add3A_2470 : vector<16xi32>
      %gather3A_2474 = tpu.vector_load_idx %arg5[%mul3A_2473] : memref<65536xf32, #tpu.memory_space<vmem>>[vector<16xi32>], vector<16xf32>,
      %add3A_2475 = arith.constant 1 : i32
      %add3A_2476 = vector.broadcast %add3A_2475 : i32 to vector<16xi32>
      %add3A_2477 = arith.addi %mul3A_2473, %add3A_2476 : vector<16xi32>
      %gather3A_2478 = tpu.vector_load_idx %arg5[%add3A_2477] : memref<65536xf32, #tpu.memory_space<vmem>>[vector<16xi32>], vector<16xf32>,
      %mul3A_2479 = arith.constant 2.048000e+03 : f32
      %mul3A_2480 = vector.broadcast %mul3A_2479 : f32 to vector<16xf32>
      %mul3A_2481 = arith.mulf %gather3A_2474, %mul3A_2480 : vector<16xf32>
      %mul3A_2482 = arith.constant 2.048000e+03 : f32
      %mul3A_2483 = vector.broadcast %mul3A_2482 : f32 to vector<16xf32>
      %mul3A_2484 = arith.mulf %gather3A_2478, %mul3A_2483 : vector<16xf32>
      %convert_element_type3A_2485 = arith.fptosi %mul3A_2481 : vector<16xf32> to vector<16xi32>
      %convert_element_type3A_2486 = arith.fptosi %mul3A_2484 : vector<16xf32> to vector<16xi32>
      %convert_element_type3A_2487 = arith.sitofp %convert_element_type3A_2485 : vector<16xi32> to vector<16xf32>
      %sub3A_2488 = arith.subf %mul3A_2481, %convert_element_type3A_2487 : vector<16xf32>
      %convert_element_type3A_2489 = arith.sitofp %convert_element_type3A_2486 : vector<16xi32> to vector<16xf32>
      %sub3A_2490 = arith.subf %mul3A_2484, %convert_element_type3A_2489 : vector<16xf32>
      %max3A_2491 = arith.constant 0 : i32
      %max3A_2492 = vector.broadcast %max3A_2491 : i32 to vector<16xi32>
      %max3A_2493 = arith.maxsi %convert_element_type3A_2485, %max3A_2492 : vector<16xi32>
      %min3A_2494 = arith.constant 2047 : i32
      %min3A_2495 = vector.broadcast %min3A_2494 : i32 to vector<16xi32>
      %min3A_2496 = arith.minsi %max3A_2493, %min3A_2495 : vector<16xi32>
      %max3A_2497 = arith.constant 0 : i32
      %max3A_2498 = vector.broadcast %max3A_2497 : i32 to vector<16xi32>
      %max3A_2499 = arith.maxsi %convert_element_type3A_2486, %max3A_2498 : vector<16xi32>
      %min3A_2500 = arith.constant 2047 : i32
      %min3A_2501 = vector.broadcast %min3A_2500 : i32 to vector<16xi32>
      %min3A_2502 = arith.minsi %max3A_2499, %min3A_2501 : vector<16xi32>
      %add3A_2503 = arith.constant 1 : i32
      %add3A_2504 = vector.broadcast %add3A_2503 : i32 to vector<16xi32>
      %add3A_2505 = arith.addi %min3A_2502, %add3A_2504 : vector<16xi32>
      %min3A_2506 = arith.constant 2047 : i32
      %min3A_2507 = vector.broadcast %min3A_2506 : i32 to vector<16xi32>
      %min3A_2508 = arith.minsi %add3A_2505, %min3A_2507 : vector<16xi32>
      %ge3A_2509 = arith.constant 2047 : i32
      %ge3A_2510 = vector.broadcast %ge3A_2509 : i32 to vector<16xi32>
      %ge3A_2511 = arith.cmpi sge, %min3A_2496, %ge3A_2510 : vector<16xi32>
      %jit3A_2512 = arith.constant 0.000000e+00 : f32
      %broadcast_in_dim3A_2513 = vector.broadcast %jit3A_2512 : f32 to vector<16xf32>
      %select_n3A_2514 = arith.select %ge3A_2511, %broadcast_in_dim3A_2513, %sub3A_2488 : vector<16xi1>, vector<16xf32>
      %mul3A_2515 = arith.constant 2048 : i32
      %mul3A_2516 = vector.broadcast %mul3A_2515 : i32 to vector<16xi32>
      %mul3A_2517 = arith.muli %min3A_2502, %mul3A_2516 : vector<16xi32>
      %add3A_2518 = arith.addi %mul3A_2517, %min3A_2496 : vector<16xi32>
      %mul3A_2519 = arith.constant 2048 : i32
      %mul3A_2520 = vector.broadcast %mul3A_2519 : i32 to vector<16xi32>
      %mul3A_2521 = arith.muli %min3A_2508, %mul3A_2520 : vector<16xi32>
      %add3A_2522 = arith.addi %mul3A_2521, %min3A_2496 : vector<16xi32>
      %swap3A_2523 = arith.constant 112 : index
      %swap3A_2524 = tpu.vector_load %arg6[%swap3A_2523] {strides = array<i32>} : memref<128xi32, #tpu.memory_space<vmem>>, vector<16xi32>,
      tpu.vector_store %arg6[%swap3A_2523], %add3A_2518 {strides = array<i32>} : memref<128xi32, #tpu.memory_space<vmem>>, vector<16xi32>,
      %add3A_2525 = arith.constant 1 : i32
      %add3A_2526 = vector.broadcast %add3A_2525 : i32 to vector<16xi32>
      %add3A_2527 = arith.addi %add3A_2518, %add3A_2526 : vector<16xi32>
      %swap3A_2528 = arith.constant 112 : index
      %swap3A_2529 = tpu.vector_load %arg7[%swap3A_2528] {strides = array<i32>} : memref<128xi32, #tpu.memory_space<vmem>>, vector<16xi32>,
      tpu.vector_store %arg7[%swap3A_2528], %add3A_2527 {strides = array<i32>} : memref<128xi32, #tpu.memory_space<vmem>>, vector<16xi32>,
      %swap3A_2530 = arith.constant 112 : index
      %swap3A_2531 = tpu.vector_load %arg8[%swap3A_2530] {strides = array<i32>} : memref<128xi32, #tpu.memory_space<vmem>>, vector<16xi32>,
      tpu.vector_store %arg8[%swap3A_2530], %add3A_2522 {strides = array<i32>} : memref<128xi32, #tpu.memory_space<vmem>>, vector<16xi32>,
      %add3A_2532 = arith.constant 1 : i32
      %add3A_2533 = vector.broadcast %add3A_2532 : i32 to vector<16xi32>
      %add3A_2534 = arith.addi %add3A_2522, %add3A_2533 : vector<16xi32>
      %swap3A_2535 = arith.constant 112 : index
      %swap3A_2536 = tpu.vector_load %arg9[%swap3A_2535] {strides = array<i32>} : memref<128xi32, #tpu.memory_space<vmem>>, vector<16xi32>,
      tpu.vector_store %arg9[%swap3A_2535], %add3A_2534 {strides = array<i32>} : memref<128xi32, #tpu.memory_space<vmem>>, vector<16xi32>,
      %swap3A_2537 = arith.constant 112 : index
      %swap3A_2538 = tpu.vector_load %arg10[%swap3A_2537] {strides = array<i32>} : memref<128xf32, #tpu.memory_space<vmem>>, vector<16xf32>,
      tpu.vector_store %arg10[%swap3A_2537], %select_n3A_2514 {strides = array<i32>} : memref<128xf32, #tpu.memory_space<vmem>>, vector<16xf32>,
      %swap3A_2539 = arith.constant 112 : index
      %swap3A_2540 = tpu.vector_load %arg11[%swap3A_2539] {strides = array<i32>} : memref<128xf32, #tpu.memory_space<vmem>>, vector<16xf32>,
      tpu.vector_store %arg11[%swap3A_2539], %sub3A_2490 {strides = array<i32>} : memref<128xf32, #tpu.memory_space<vmem>>, vector<16xf32>,
      %dma_start3A_2541 = arith.constant 0 : i32
      %dma_start3A_2542 = arith.constant 0 : i32
      %dma_start3A_2543 = tpu.memref_slice %arg3[%dma_start3A_2541, %dma_start3A_2542] : memref<4194305x8xf32, #tpu.memory_space<hbm>> -> memref<4194305x8xf32, #tpu.memory_space<hbm>>
      tpu.enqueue_indirect_dma source(%dma_start3A_2543 : memref<4194305x8xf32, #tpu.memory_space<hbm>>) target(%arg12 : memref<128x8xf32, #tpu.memory_space<vmem>>) offsets(%arg6 : memref<128xi32, #tpu.memory_space<vmem>>) semaphore(%arg27 : memref<!tpu.dma_semaphore, #tpu.memory_space<semaphore_mem>>)
      %dma_start3A_2544 = arith.constant 0 : i32
      %dma_start3A_2545 = arith.constant 0 : i32
      %dma_start3A_2546 = tpu.memref_slice %arg3[%dma_start3A_2544, %dma_start3A_2545] : memref<4194305x8xf32, #tpu.memory_space<hbm>> -> memref<4194305x8xf32, #tpu.memory_space<hbm>>
      tpu.enqueue_indirect_dma source(%dma_start3A_2546 : memref<4194305x8xf32, #tpu.memory_space<hbm>>) target(%arg13 : memref<128x8xf32, #tpu.memory_space<vmem>>) offsets(%arg7 : memref<128xi32, #tpu.memory_space<vmem>>) semaphore(%arg27 : memref<!tpu.dma_semaphore, #tpu.memory_space<semaphore_mem>>)
      %dma_start3A_2547 = arith.constant 0 : i32
      %dma_start3A_2548 = arith.constant 0 : i32
      %dma_start3A_2549 = tpu.memref_slice %arg3[%dma_start3A_2547, %dma_start3A_2548] : memref<4194305x8xf32, #tpu.memory_space<hbm>> -> memref<4194305x8xf32, #tpu.memory_space<hbm>>
      tpu.enqueue_indirect_dma source(%dma_start3A_2549 : memref<4194305x8xf32, #tpu.memory_space<hbm>>) target(%arg14 : memref<128x8xf32, #tpu.memory_space<vmem>>) offsets(%arg8 : memref<128xi32, #tpu.memory_space<vmem>>) semaphore(%arg27 : memref<!tpu.dma_semaphore, #tpu.memory_space<semaphore_mem>>)
      %dma_start3A_2550 = arith.constant 0 : i32
      %dma_start3A_2551 = arith.constant 0 : i32
      %dma_start3A_2552 = tpu.memref_slice %arg3[%dma_start3A_2550, %dma_start3A_2551] : memref<4194305x8xf32, #tpu.memory_space<hbm>> -> memref<4194305x8xf32, #tpu.memory_space<hbm>>
      tpu.enqueue_indirect_dma source(%dma_start3A_2552 : memref<4194305x8xf32, #tpu.memory_space<hbm>>) target(%arg15 : memref<128x8xf32, #tpu.memory_space<vmem>>) offsets(%arg9 : memref<128xi32, #tpu.memory_space<vmem>>) semaphore(%arg27 : memref<!tpu.dma_semaphore, #tpu.memory_space<semaphore_mem>>)
      %mul3A_2553 = arith.constant 2 : i32
      %mul3A_2554 = arith.muli %mul3A_2553, %scan3A_1278 : i32
      %add3A_2555 = arith.constant 1 : i32
      %add3A_2556 = arith.addi %mul3A_2554, %add3A_2555 : i32
      %dma_wait3A_2557 = arith.constant 0 : i32
      %dma_wait3A_2558 = arith.constant 0 : i32
      %dma_wait3A_2559 = tpu.memref_slice %arg3[%dma_wait3A_2557, %dma_wait3A_2558] : memref<4194305x8xf32, #tpu.memory_space<hbm>> -> memref<4194305x8xf32, #tpu.memory_space<hbm>>
      tpu.wait_indirect_dma semaphore(%arg28 : memref<!tpu.dma_semaphore, #tpu.memory_space<semaphore_mem>>) src(%dma_wait3A_2559 : memref<4194305x8xf32, #tpu.memory_space<hbm>>) dst(%arg22 : memref<128x8xf32, #tpu.memory_space<vmem>>)
      %dma_wait3A_2560 = arith.constant 0 : i32
      %dma_wait3A_2561 = arith.constant 0 : i32
      %dma_wait3A_2562 = tpu.memref_slice %arg3[%dma_wait3A_2560, %dma_wait3A_2561] : memref<4194305x8xf32, #tpu.memory_space<hbm>> -> memref<4194305x8xf32, #tpu.memory_space<hbm>>
      tpu.wait_indirect_dma semaphore(%arg28 : memref<!tpu.dma_semaphore, #tpu.memory_space<semaphore_mem>>) src(%dma_wait3A_2562 : memref<4194305x8xf32, #tpu.memory_space<hbm>>) dst(%arg23 : memref<128x8xf32, #tpu.memory_space<vmem>>)
      %dma_wait3A_2563 = arith.constant 0 : i32
      %dma_wait3A_2564 = arith.constant 0 : i32
      %dma_wait3A_2565 = tpu.memref_slice %arg3[%dma_wait3A_2563, %dma_wait3A_2564] : memref<4194305x8xf32, #tpu.memory_space<hbm>> -> memref<4194305x8xf32, #tpu.memory_space<hbm>>
      tpu.wait_indirect_dma semaphore(%arg28 : memref<!tpu.dma_semaphore, #tpu.memory_space<semaphore_mem>>) src(%dma_wait3A_2565 : memref<4194305x8xf32, #tpu.memory_space<hbm>>) dst(%arg24 : memref<128x8xf32, #tpu.memory_space<vmem>>)
      %dma_wait3A_2566 = arith.constant 0 : i32
      %dma_wait3A_2567 = arith.constant 0 : i32
      %dma_wait3A_2568 = tpu.memref_slice %arg3[%dma_wait3A_2566, %dma_wait3A_2567] : memref<4194305x8xf32, #tpu.memory_space<hbm>> -> memref<4194305x8xf32, #tpu.memory_space<hbm>>
      tpu.wait_indirect_dma semaphore(%arg28 : memref<!tpu.dma_semaphore, #tpu.memory_space<semaphore_mem>>) src(%dma_wait3A_2568 : memref<4194305x8xf32, #tpu.memory_space<hbm>>) dst(%arg25 : memref<128x8xf32, #tpu.memory_space<vmem>>)
      %get3A_2569 = arith.constant 0 : index
      %get3A_2570 = tpu.vector_load %arg20[%get3A_2569] {strides = array<i32>} : memref<128xf32, #tpu.memory_space<vmem>>, vector<16xf32>,
      %get3A_2571 = arith.constant 0 : index
      %get3A_2572 = tpu.vector_load %arg21[%get3A_2571] {strides = array<i32>} : memref<128xf32, #tpu.memory_space<vmem>>, vector<16xf32>,
      %add3A_2573 = arith.constant 0 : i32
      %add3A_2574 = vector.broadcast %add3A_2573 : i32 to vector<16xi32>
      %add3A_2575 = arith.addi %add3A_2574, %iota3A : vector<16xi32>
      %broadcast_in_dim3A_2576 = arith.constant 0 : i32
      %broadcast_in_dim3A_2577 = vector.broadcast %broadcast_in_dim3A_2576 : i32 to vector<16xi32>
      %gather3A_2578 = tpu.vector_load_idx %arg22[%add3A_2575, %broadcast_in_dim3A_2577] : memref<128x8xf32, #tpu.memory_space<vmem>>[vector<16xi32>, vector<16xi32>], vector<16xf32>,
      %gather3A_2579 = tpu.vector_load_idx %arg23[%add3A_2575, %broadcast_in_dim3A_2577] : memref<128x8xf32, #tpu.memory_space<vmem>>[vector<16xi32>, vector<16xi32>], vector<16xf32>,
      %gather3A_2580 = tpu.vector_load_idx %arg24[%add3A_2575, %broadcast_in_dim3A_2577] : memref<128x8xf32, #tpu.memory_space<vmem>>[vector<16xi32>, vector<16xi32>], vector<16xf32>,
      %gather3A_2581 = tpu.vector_load_idx %arg25[%add3A_2575, %broadcast_in_dim3A_2577] : memref<128x8xf32, #tpu.memory_space<vmem>>[vector<16xi32>, vector<16xi32>], vector<16xf32>,
      %sub3A_2582 = arith.subf %gather3A_2579, %gather3A_2578 : vector<16xf32>
      %mul3A_2583 = arith.mulf %get3A_2570, %sub3A_2582 : vector<16xf32>
      %add3A_2584 = arith.addf %gather3A_2578, %mul3A_2583 : vector<16xf32>
      %sub3A_2585 = arith.subf %gather3A_2581, %gather3A_2580 : vector<16xf32>
      %mul3A_2586 = arith.mulf %get3A_2570, %sub3A_2585 : vector<16xf32>
      %add3A_2587 = arith.addf %gather3A_2580, %mul3A_2586 : vector<16xf32>
      %sub3A_2588 = arith.subf %add3A_2587, %add3A_2584 : vector<16xf32>
      %mul3A_2589 = arith.mulf %get3A_2572, %sub3A_2588 : vector<16xf32>
      %add3A_2590 = arith.addf %add3A_2584, %mul3A_2589 : vector<16xf32>
      %mul3A_2591 = arith.constant 3 : i32
      %mul3A_2592 = vector.broadcast %mul3A_2591 : i32 to vector<16xi32>
      %mul3A_2593 = arith.muli %mul3A_2592, %add3A_2575 : vector<16xi32>
      %add3A_2594 = arith.constant 384 : i32
      %add3A_2595 = vector.broadcast %add3A_2594 : i32 to vector<16xi32>
      %add3A_2596 = arith.addi %add3A_2595, %mul3A_2593 : vector<16xi32>
      %add3A_2597 = arith.constant 0 : i32
      %add3A_2598 = vector.broadcast %add3A_2597 : i32 to vector<16xi32>
      %add3A_2599 = arith.addi %add3A_2596, %add3A_2598 : vector<16xi32>
      tpu.vector_store_idx %arg26[%add3A_2599], %add3A_2590 : memref<768xf32, #tpu.memory_space<vmem>>[vector<16xi32>], vector<16xf32>,
      %broadcast_in_dim3A_2600 = arith.constant 1 : i32
      %broadcast_in_dim3A_2601 = vector.broadcast %broadcast_in_dim3A_2600 : i32 to vector<16xi32>
      %gather3A_2602 = tpu.vector_load_idx %arg22[%add3A_2575, %broadcast_in_dim3A_2601] : memref<128x8xf32, #tpu.memory_space<vmem>>[vector<16xi32>, vector<16xi32>], vector<16xf32>,
      %gather3A_2603 = tpu.vector_load_idx %arg23[%add3A_2575, %broadcast_in_dim3A_2601] : memref<128x8xf32, #tpu.memory_space<vmem>>[vector<16xi32>, vector<16xi32>], vector<16xf32>,
      %gather3A_2604 = tpu.vector_load_idx %arg24[%add3A_2575, %broadcast_in_dim3A_2601] : memref<128x8xf32, #tpu.memory_space<vmem>>[vector<16xi32>, vector<16xi32>], vector<16xf32>,
      %gather3A_2605 = tpu.vector_load_idx %arg25[%add3A_2575, %broadcast_in_dim3A_2601] : memref<128x8xf32, #tpu.memory_space<vmem>>[vector<16xi32>, vector<16xi32>], vector<16xf32>,
      %sub3A_2606 = arith.subf %gather3A_2603, %gather3A_2602 : vector<16xf32>
      %mul3A_2607 = arith.mulf %get3A_2570, %sub3A_2606 : vector<16xf32>
      %add3A_2608 = arith.addf %gather3A_2602, %mul3A_2607 : vector<16xf32>
      %sub3A_2609 = arith.subf %gather3A_2605, %gather3A_2604 : vector<16xf32>
      %mul3A_2610 = arith.mulf %get3A_2570, %sub3A_2609 : vector<16xf32>
      %add3A_2611 = arith.addf %gather3A_2604, %mul3A_2610 : vector<16xf32>
      %sub3A_2612 = arith.subf %add3A_2611, %add3A_2608 : vector<16xf32>
      %mul3A_2613 = arith.mulf %get3A_2572, %sub3A_2612 : vector<16xf32>
      %add3A_2614 = arith.addf %add3A_2608, %mul3A_2613 : vector<16xf32>
      %mul3A_2615 = arith.constant 3 : i32
      %mul3A_2616 = vector.broadcast %mul3A_2615 : i32 to vector<16xi32>
      %mul3A_2617 = arith.muli %mul3A_2616, %add3A_2575 : vector<16xi32>
      %add3A_2618 = arith.constant 384 : i32
      %add3A_2619 = vector.broadcast %add3A_2618 : i32 to vector<16xi32>
      %add3A_2620 = arith.addi %add3A_2619, %mul3A_2617 : vector<16xi32>
      %add3A_2621 = arith.constant 1 : i32
      %add3A_2622 = vector.broadcast %add3A_2621 : i32 to vector<16xi32>
      %add3A_2623 = arith.addi %add3A_2620, %add3A_2622 : vector<16xi32>
      tpu.vector_store_idx %arg26[%add3A_2623], %add3A_2614 : memref<768xf32, #tpu.memory_space<vmem>>[vector<16xi32>], vector<16xf32>,
      %broadcast_in_dim3A_2624 = arith.constant 2 : i32
      %broadcast_in_dim3A_2625 = vector.broadcast %broadcast_in_dim3A_2624 : i32 to vector<16xi32>
      %gather3A_2626 = tpu.vector_load_idx %arg22[%add3A_2575, %broadcast_in_dim3A_2625] : memref<128x8xf32, #tpu.memory_space<vmem>>[vector<16xi32>, vector<16xi32>], vector<16xf32>,
      %gather3A_2627 = tpu.vector_load_idx %arg23[%add3A_2575, %broadcast_in_dim3A_2625] : memref<128x8xf32, #tpu.memory_space<vmem>>[vector<16xi32>, vector<16xi32>], vector<16xf32>,
      %gather3A_2628 = tpu.vector_load_idx %arg24[%add3A_2575, %broadcast_in_dim3A_2625] : memref<128x8xf32, #tpu.memory_space<vmem>>[vector<16xi32>, vector<16xi32>], vector<16xf32>,
      %gather3A_2629 = tpu.vector_load_idx %arg25[%add3A_2575, %broadcast_in_dim3A_2625] : memref<128x8xf32, #tpu.memory_space<vmem>>[vector<16xi32>, vector<16xi32>], vector<16xf32>,
      %sub3A_2630 = arith.subf %gather3A_2627, %gather3A_2626 : vector<16xf32>
      %mul3A_2631 = arith.mulf %get3A_2570, %sub3A_2630 : vector<16xf32>
      %add3A_2632 = arith.addf %gather3A_2626, %mul3A_2631 : vector<16xf32>
      %sub3A_2633 = arith.subf %gather3A_2629, %gather3A_2628 : vector<16xf32>
      %mul3A_2634 = arith.mulf %get3A_2570, %sub3A_2633 : vector<16xf32>
      %add3A_2635 = arith.addf %gather3A_2628, %mul3A_2634 : vector<16xf32>
      %sub3A_2636 = arith.subf %add3A_2635, %add3A_2632 : vector<16xf32>
      %mul3A_2637 = arith.mulf %get3A_2572, %sub3A_2636 : vector<16xf32>
      %add3A_2638 = arith.addf %add3A_2632, %mul3A_2637 : vector<16xf32>
      %mul3A_2639 = arith.constant 3 : i32
      %mul3A_2640 = vector.broadcast %mul3A_2639 : i32 to vector<16xi32>
      %mul3A_2641 = arith.muli %mul3A_2640, %add3A_2575 : vector<16xi32>
      %add3A_2642 = arith.constant 384 : i32
      %add3A_2643 = vector.broadcast %add3A_2642 : i32 to vector<16xi32>
      %add3A_2644 = arith.addi %add3A_2643, %mul3A_2641 : vector<16xi32>
      %add3A_2645 = arith.constant 2 : i32
      %add3A_2646 = vector.broadcast %add3A_2645 : i32 to vector<16xi32>
      %add3A_2647 = arith.addi %add3A_2644, %add3A_2646 : vector<16xi32>
      tpu.vector_store_idx %arg26[%add3A_2647], %add3A_2638 : memref<768xf32, #tpu.memory_space<vmem>>[vector<16xi32>], vector<16xf32>,
      %get3A_2648 = arith.constant 16 : index
      %get3A_2649 = tpu.vector_load %arg20[%get3A_2648] {strides = array<i32>} : memref<128xf32, #tpu.memory_space<vmem>>, vector<16xf32>,
      %get3A_2650 = arith.constant 16 : index
      %get3A_2651 = tpu.vector_load %arg21[%get3A_2650] {strides = array<i32>} : memref<128xf32, #tpu.memory_space<vmem>>, vector<16xf32>,
      %add3A_2652 = arith.constant 16 : i32
      %add3A_2653 = vector.broadcast %add3A_2652 : i32 to vector<16xi32>
      %add3A_2654 = arith.addi %add3A_2653, %iota3A : vector<16xi32>
      %broadcast_in_dim3A_2655 = arith.constant 0 : i32
      %broadcast_in_dim3A_2656 = vector.broadcast %broadcast_in_dim3A_2655 : i32 to vector<16xi32>
      %gather3A_2657 = tpu.vector_load_idx %arg22[%add3A_2654, %broadcast_in_dim3A_2656] : memref<128x8xf32, #tpu.memory_space<vmem>>[vector<16xi32>, vector<16xi32>], vector<16xf32>,
      %gather3A_2658 = tpu.vector_load_idx %arg23[%add3A_2654, %broadcast_in_dim3A_2656] : memref<128x8xf32, #tpu.memory_space<vmem>>[vector<16xi32>, vector<16xi32>], vector<16xf32>,
      %gather3A_2659 = tpu.vector_load_idx %arg24[%add3A_2654, %broadcast_in_dim3A_2656] : memref<128x8xf32, #tpu.memory_space<vmem>>[vector<16xi32>, vector<16xi32>], vector<16xf32>,
      %gather3A_2660 = tpu.vector_load_idx %arg25[%add3A_2654, %broadcast_in_dim3A_2656] : memref<128x8xf32, #tpu.memory_space<vmem>>[vector<16xi32>, vector<16xi32>], vector<16xf32>,
      %sub3A_2661 = arith.subf %gather3A_2658, %gather3A_2657 : vector<16xf32>
      %mul3A_2662 = arith.mulf %get3A_2649, %sub3A_2661 : vector<16xf32>
      %add3A_2663 = arith.addf %gather3A_2657, %mul3A_2662 : vector<16xf32>
      %sub3A_2664 = arith.subf %gather3A_2660, %gather3A_2659 : vector<16xf32>
      %mul3A_2665 = arith.mulf %get3A_2649, %sub3A_2664 : vector<16xf32>
      %add3A_2666 = arith.addf %gather3A_2659, %mul3A_2665 : vector<16xf32>
      %sub3A_2667 = arith.subf %add3A_2666, %add3A_2663 : vector<16xf32>
      %mul3A_2668 = arith.mulf %get3A_2651, %sub3A_2667 : vector<16xf32>
      %add3A_2669 = arith.addf %add3A_2663, %mul3A_2668 : vector<16xf32>
      %mul3A_2670 = arith.constant 3 : i32
      %mul3A_2671 = vector.broadcast %mul3A_2670 : i32 to vector<16xi32>
      %mul3A_2672 = arith.muli %mul3A_2671, %add3A_2654 : vector<16xi32>
      %add3A_2673 = arith.constant 384 : i32
      %add3A_2674 = vector.broadcast %add3A_2673 : i32 to vector<16xi32>
      %add3A_2675 = arith.addi %add3A_2674, %mul3A_2672 : vector<16xi32>
      %add3A_2676 = arith.constant 0 : i32
      %add3A_2677 = vector.broadcast %add3A_2676 : i32 to vector<16xi32>
      %add3A_2678 = arith.addi %add3A_2675, %add3A_2677 : vector<16xi32>
      tpu.vector_store_idx %arg26[%add3A_2678], %add3A_2669 : memref<768xf32, #tpu.memory_space<vmem>>[vector<16xi32>], vector<16xf32>,
      %broadcast_in_dim3A_2679 = arith.constant 1 : i32
      %broadcast_in_dim3A_2680 = vector.broadcast %broadcast_in_dim3A_2679 : i32 to vector<16xi32>
      %gather3A_2681 = tpu.vector_load_idx %arg22[%add3A_2654, %broadcast_in_dim3A_2680] : memref<128x8xf32, #tpu.memory_space<vmem>>[vector<16xi32>, vector<16xi32>], vector<16xf32>,
      %gather3A_2682 = tpu.vector_load_idx %arg23[%add3A_2654, %broadcast_in_dim3A_2680] : memref<128x8xf32, #tpu.memory_space<vmem>>[vector<16xi32>, vector<16xi32>], vector<16xf32>,
      %gather3A_2683 = tpu.vector_load_idx %arg24[%add3A_2654, %broadcast_in_dim3A_2680] : memref<128x8xf32, #tpu.memory_space<vmem>>[vector<16xi32>, vector<16xi32>], vector<16xf32>,
      %gather3A_2684 = tpu.vector_load_idx %arg25[%add3A_2654, %broadcast_in_dim3A_2680] : memref<128x8xf32, #tpu.memory_space<vmem>>[vector<16xi32>, vector<16xi32>], vector<16xf32>,
      %sub3A_2685 = arith.subf %gather3A_2682, %gather3A_2681 : vector<16xf32>
      %mul3A_2686 = arith.mulf %get3A_2649, %sub3A_2685 : vector<16xf32>
      %add3A_2687 = arith.addf %gather3A_2681, %mul3A_2686 : vector<16xf32>
      %sub3A_2688 = arith.subf %gather3A_2684, %gather3A_2683 : vector<16xf32>
      %mul3A_2689 = arith.mulf %get3A_2649, %sub3A_2688 : vector<16xf32>
      %add3A_2690 = arith.addf %gather3A_2683, %mul3A_2689 : vector<16xf32>
      %sub3A_2691 = arith.subf %add3A_2690, %add3A_2687 : vector<16xf32>
      %mul3A_2692 = arith.mulf %get3A_2651, %sub3A_2691 : vector<16xf32>
      %add3A_2693 = arith.addf %add3A_2687, %mul3A_2692 : vector<16xf32>
      %mul3A_2694 = arith.constant 3 : i32
      %mul3A_2695 = vector.broadcast %mul3A_2694 : i32 to vector<16xi32>
      %mul3A_2696 = arith.muli %mul3A_2695, %add3A_2654 : vector<16xi32>
      %add3A_2697 = arith.constant 384 : i32
      %add3A_2698 = vector.broadcast %add3A_2697 : i32 to vector<16xi32>
      %add3A_2699 = arith.addi %add3A_2698, %mul3A_2696 : vector<16xi32>
      %add3A_2700 = arith.constant 1 : i32
      %add3A_2701 = vector.broadcast %add3A_2700 : i32 to vector<16xi32>
      %add3A_2702 = arith.addi %add3A_2699, %add3A_2701 : vector<16xi32>
      tpu.vector_store_idx %arg26[%add3A_2702], %add3A_2693 : memref<768xf32, #tpu.memory_space<vmem>>[vector<16xi32>], vector<16xf32>,
      %broadcast_in_dim3A_2703 = arith.constant 2 : i32
      %broadcast_in_dim3A_2704 = vector.broadcast %broadcast_in_dim3A_2703 : i32 to vector<16xi32>
      %gather3A_2705 = tpu.vector_load_idx %arg22[%add3A_2654, %broadcast_in_dim3A_2704] : memref<128x8xf32, #tpu.memory_space<vmem>>[vector<16xi32>, vector<16xi32>], vector<16xf32>,
      %gather3A_2706 = tpu.vector_load_idx %arg23[%add3A_2654, %broadcast_in_dim3A_2704] : memref<128x8xf32, #tpu.memory_space<vmem>>[vector<16xi32>, vector<16xi32>], vector<16xf32>,
      %gather3A_2707 = tpu.vector_load_idx %arg24[%add3A_2654, %broadcast_in_dim3A_2704] : memref<128x8xf32, #tpu.memory_space<vmem>>[vector<16xi32>, vector<16xi32>], vector<16xf32>,
      %gather3A_2708 = tpu.vector_load_idx %arg25[%add3A_2654, %broadcast_in_dim3A_2704] : memref<128x8xf32, #tpu.memory_space<vmem>>[vector<16xi32>, vector<16xi32>], vector<16xf32>,
      %sub3A_2709 = arith.subf %gather3A_2706, %gather3A_2705 : vector<16xf32>
      %mul3A_2710 = arith.mulf %get3A_2649, %sub3A_2709 : vector<16xf32>
      %add3A_2711 = arith.addf %gather3A_2705, %mul3A_2710 : vector<16xf32>
      %sub3A_2712 = arith.subf %gather3A_2708, %gather3A_2707 : vector<16xf32>
      %mul3A_2713 = arith.mulf %get3A_2649, %sub3A_2712 : vector<16xf32>
      %add3A_2714 = arith.addf %gather3A_2707, %mul3A_2713 : vector<16xf32>
      %sub3A_2715 = arith.subf %add3A_2714, %add3A_2711 : vector<16xf32>
      %mul3A_2716 = arith.mulf %get3A_2651, %sub3A_2715 : vector<16xf32>
      %add3A_2717 = arith.addf %add3A_2711, %mul3A_2716 : vector<16xf32>
      %mul3A_2718 = arith.constant 3 : i32
      %mul3A_2719 = vector.broadcast %mul3A_2718 : i32 to vector<16xi32>
      %mul3A_2720 = arith.muli %mul3A_2719, %add3A_2654 : vector<16xi32>
      %add3A_2721 = arith.constant 384 : i32
      %add3A_2722 = vector.broadcast %add3A_2721 : i32 to vector<16xi32>
      %add3A_2723 = arith.addi %add3A_2722, %mul3A_2720 : vector<16xi32>
      %add3A_2724 = arith.constant 2 : i32
      %add3A_2725 = vector.broadcast %add3A_2724 : i32 to vector<16xi32>
      %add3A_2726 = arith.addi %add3A_2723, %add3A_2725 : vector<16xi32>
      tpu.vector_store_idx %arg26[%add3A_2726], %add3A_2717 : memref<768xf32, #tpu.memory_space<vmem>>[vector<16xi32>], vector<16xf32>,
      %get3A_2727 = arith.constant 32 : index
      %get3A_2728 = tpu.vector_load %arg20[%get3A_2727] {strides = array<i32>} : memref<128xf32, #tpu.memory_space<vmem>>, vector<16xf32>,
      %get3A_2729 = arith.constant 32 : index
      %get3A_2730 = tpu.vector_load %arg21[%get3A_2729] {strides = array<i32>} : memref<128xf32, #tpu.memory_space<vmem>>, vector<16xf32>,
      %add3A_2731 = arith.constant 32 : i32
      %add3A_2732 = vector.broadcast %add3A_2731 : i32 to vector<16xi32>
      %add3A_2733 = arith.addi %add3A_2732, %iota3A : vector<16xi32>
      %broadcast_in_dim3A_2734 = arith.constant 0 : i32
      %broadcast_in_dim3A_2735 = vector.broadcast %broadcast_in_dim3A_2734 : i32 to vector<16xi32>
      %gather3A_2736 = tpu.vector_load_idx %arg22[%add3A_2733, %broadcast_in_dim3A_2735] : memref<128x8xf32, #tpu.memory_space<vmem>>[vector<16xi32>, vector<16xi32>], vector<16xf32>,
      %gather3A_2737 = tpu.vector_load_idx %arg23[%add3A_2733, %broadcast_in_dim3A_2735] : memref<128x8xf32, #tpu.memory_space<vmem>>[vector<16xi32>, vector<16xi32>], vector<16xf32>,
      %gather3A_2738 = tpu.vector_load_idx %arg24[%add3A_2733, %broadcast_in_dim3A_2735] : memref<128x8xf32, #tpu.memory_space<vmem>>[vector<16xi32>, vector<16xi32>], vector<16xf32>,
      %gather3A_2739 = tpu.vector_load_idx %arg25[%add3A_2733, %broadcast_in_dim3A_2735] : memref<128x8xf32, #tpu.memory_space<vmem>>[vector<16xi32>, vector<16xi32>], vector<16xf32>,
      %sub3A_2740 = arith.subf %gather3A_2737, %gather3A_2736 : vector<16xf32>
      %mul3A_2741 = arith.mulf %get3A_2728, %sub3A_2740 : vector<16xf32>
      %add3A_2742 = arith.addf %gather3A_2736, %mul3A_2741 : vector<16xf32>
      %sub3A_2743 = arith.subf %gather3A_2739, %gather3A_2738 : vector<16xf32>
      %mul3A_2744 = arith.mulf %get3A_2728, %sub3A_2743 : vector<16xf32>
      %add3A_2745 = arith.addf %gather3A_2738, %mul3A_2744 : vector<16xf32>
      %sub3A_2746 = arith.subf %add3A_2745, %add3A_2742 : vector<16xf32>
      %mul3A_2747 = arith.mulf %get3A_2730, %sub3A_2746 : vector<16xf32>
      %add3A_2748 = arith.addf %add3A_2742, %mul3A_2747 : vector<16xf32>
      %mul3A_2749 = arith.constant 3 : i32
      %mul3A_2750 = vector.broadcast %mul3A_2749 : i32 to vector<16xi32>
      %mul3A_2751 = arith.muli %mul3A_2750, %add3A_2733 : vector<16xi32>
      %add3A_2752 = arith.constant 384 : i32
      %add3A_2753 = vector.broadcast %add3A_2752 : i32 to vector<16xi32>
      %add3A_2754 = arith.addi %add3A_2753, %mul3A_2751 : vector<16xi32>
      %add3A_2755 = arith.constant 0 : i32
      %add3A_2756 = vector.broadcast %add3A_2755 : i32 to vector<16xi32>
      %add3A_2757 = arith.addi %add3A_2754, %add3A_2756 : vector<16xi32>
      tpu.vector_store_idx %arg26[%add3A_2757], %add3A_2748 : memref<768xf32, #tpu.memory_space<vmem>>[vector<16xi32>], vector<16xf32>,
      %broadcast_in_dim3A_2758 = arith.constant 1 : i32
      %broadcast_in_dim3A_2759 = vector.broadcast %broadcast_in_dim3A_2758 : i32 to vector<16xi32>
      %gather3A_2760 = tpu.vector_load_idx %arg22[%add3A_2733, %broadcast_in_dim3A_2759] : memref<128x8xf32, #tpu.memory_space<vmem>>[vector<16xi32>, vector<16xi32>], vector<16xf32>,
      %gather3A_2761 = tpu.vector_load_idx %arg23[%add3A_2733, %broadcast_in_dim3A_2759] : memref<128x8xf32, #tpu.memory_space<vmem>>[vector<16xi32>, vector<16xi32>], vector<16xf32>,
      %gather3A_2762 = tpu.vector_load_idx %arg24[%add3A_2733, %broadcast_in_dim3A_2759] : memref<128x8xf32, #tpu.memory_space<vmem>>[vector<16xi32>, vector<16xi32>], vector<16xf32>,
      %gather3A_2763 = tpu.vector_load_idx %arg25[%add3A_2733, %broadcast_in_dim3A_2759] : memref<128x8xf32, #tpu.memory_space<vmem>>[vector<16xi32>, vector<16xi32>], vector<16xf32>,
      %sub3A_2764 = arith.subf %gather3A_2761, %gather3A_2760 : vector<16xf32>
      %mul3A_2765 = arith.mulf %get3A_2728, %sub3A_2764 : vector<16xf32>
      %add3A_2766 = arith.addf %gather3A_2760, %mul3A_2765 : vector<16xf32>
      %sub3A_2767 = arith.subf %gather3A_2763, %gather3A_2762 : vector<16xf32>
      %mul3A_2768 = arith.mulf %get3A_2728, %sub3A_2767 : vector<16xf32>
      %add3A_2769 = arith.addf %gather3A_2762, %mul3A_2768 : vector<16xf32>
      %sub3A_2770 = arith.subf %add3A_2769, %add3A_2766 : vector<16xf32>
      %mul3A_2771 = arith.mulf %get3A_2730, %sub3A_2770 : vector<16xf32>
      %add3A_2772 = arith.addf %add3A_2766, %mul3A_2771 : vector<16xf32>
      %mul3A_2773 = arith.constant 3 : i32
      %mul3A_2774 = vector.broadcast %mul3A_2773 : i32 to vector<16xi32>
      %mul3A_2775 = arith.muli %mul3A_2774, %add3A_2733 : vector<16xi32>
      %add3A_2776 = arith.constant 384 : i32
      %add3A_2777 = vector.broadcast %add3A_2776 : i32 to vector<16xi32>
      %add3A_2778 = arith.addi %add3A_2777, %mul3A_2775 : vector<16xi32>
      %add3A_2779 = arith.constant 1 : i32
      %add3A_2780 = vector.broadcast %add3A_2779 : i32 to vector<16xi32>
      %add3A_2781 = arith.addi %add3A_2778, %add3A_2780 : vector<16xi32>
      tpu.vector_store_idx %arg26[%add3A_2781], %add3A_2772 : memref<768xf32, #tpu.memory_space<vmem>>[vector<16xi32>], vector<16xf32>,
      %broadcast_in_dim3A_2782 = arith.constant 2 : i32
      %broadcast_in_dim3A_2783 = vector.broadcast %broadcast_in_dim3A_2782 : i32 to vector<16xi32>
      %gather3A_2784 = tpu.vector_load_idx %arg22[%add3A_2733, %broadcast_in_dim3A_2783] : memref<128x8xf32, #tpu.memory_space<vmem>>[vector<16xi32>, vector<16xi32>], vector<16xf32>,
      %gather3A_2785 = tpu.vector_load_idx %arg23[%add3A_2733, %broadcast_in_dim3A_2783] : memref<128x8xf32, #tpu.memory_space<vmem>>[vector<16xi32>, vector<16xi32>], vector<16xf32>,
      %gather3A_2786 = tpu.vector_load_idx %arg24[%add3A_2733, %broadcast_in_dim3A_2783] : memref<128x8xf32, #tpu.memory_space<vmem>>[vector<16xi32>, vector<16xi32>], vector<16xf32>,
      %gather3A_2787 = tpu.vector_load_idx %arg25[%add3A_2733, %broadcast_in_dim3A_2783] : memref<128x8xf32, #tpu.memory_space<vmem>>[vector<16xi32>, vector<16xi32>], vector<16xf32>,
      %sub3A_2788 = arith.subf %gather3A_2785, %gather3A_2784 : vector<16xf32>
      %mul3A_2789 = arith.mulf %get3A_2728, %sub3A_2788 : vector<16xf32>
      %add3A_2790 = arith.addf %gather3A_2784, %mul3A_2789 : vector<16xf32>
      %sub3A_2791 = arith.subf %gather3A_2787, %gather3A_2786 : vector<16xf32>
      %mul3A_2792 = arith.mulf %get3A_2728, %sub3A_2791 : vector<16xf32>
      %add3A_2793 = arith.addf %gather3A_2786, %mul3A_2792 : vector<16xf32>
      %sub3A_2794 = arith.subf %add3A_2793, %add3A_2790 : vector<16xf32>
      %mul3A_2795 = arith.mulf %get3A_2730, %sub3A_2794 : vector<16xf32>
      %add3A_2796 = arith.addf %add3A_2790, %mul3A_2795 : vector<16xf32>
      %mul3A_2797 = arith.constant 3 : i32
      %mul3A_2798 = vector.broadcast %mul3A_2797 : i32 to vector<16xi32>
      %mul3A_2799 = arith.muli %mul3A_2798, %add3A_2733 : vector<16xi32>
      %add3A_2800 = arith.constant 384 : i32
      %add3A_2801 = vector.broadcast %add3A_2800 : i32 to vector<16xi32>
      %add3A_2802 = arith.addi %add3A_2801, %mul3A_2799 : vector<16xi32>
      %add3A_2803 = arith.constant 2 : i32
      %add3A_2804 = vector.broadcast %add3A_2803 : i32 to vector<16xi32>
      %add3A_2805 = arith.addi %add3A_2802, %add3A_2804 : vector<16xi32>
      tpu.vector_store_idx %arg26[%add3A_2805], %add3A_2796 : memref<768xf32, #tpu.memory_space<vmem>>[vector<16xi32>], vector<16xf32>,
      %get3A_2806 = arith.constant 48 : index
      %get3A_2807 = tpu.vector_load %arg20[%get3A_2806] {strides = array<i32>} : memref<128xf32, #tpu.memory_space<vmem>>, vector<16xf32>,
      %get3A_2808 = arith.constant 48 : index
      %get3A_2809 = tpu.vector_load %arg21[%get3A_2808] {strides = array<i32>} : memref<128xf32, #tpu.memory_space<vmem>>, vector<16xf32>,
      %add3A_2810 = arith.constant 48 : i32
      %add3A_2811 = vector.broadcast %add3A_2810 : i32 to vector<16xi32>
      %add3A_2812 = arith.addi %add3A_2811, %iota3A : vector<16xi32>
      %broadcast_in_dim3A_2813 = arith.constant 0 : i32
      %broadcast_in_dim3A_2814 = vector.broadcast %broadcast_in_dim3A_2813 : i32 to vector<16xi32>
      %gather3A_2815 = tpu.vector_load_idx %arg22[%add3A_2812, %broadcast_in_dim3A_2814] : memref<128x8xf32, #tpu.memory_space<vmem>>[vector<16xi32>, vector<16xi32>], vector<16xf32>,
      %gather3A_2816 = tpu.vector_load_idx %arg23[%add3A_2812, %broadcast_in_dim3A_2814] : memref<128x8xf32, #tpu.memory_space<vmem>>[vector<16xi32>, vector<16xi32>], vector<16xf32>,
      %gather3A_2817 = tpu.vector_load_idx %arg24[%add3A_2812, %broadcast_in_dim3A_2814] : memref<128x8xf32, #tpu.memory_space<vmem>>[vector<16xi32>, vector<16xi32>], vector<16xf32>,
      %gather3A_2818 = tpu.vector_load_idx %arg25[%add3A_2812, %broadcast_in_dim3A_2814] : memref<128x8xf32, #tpu.memory_space<vmem>>[vector<16xi32>, vector<16xi32>], vector<16xf32>,
      %sub3A_2819 = arith.subf %gather3A_2816, %gather3A_2815 : vector<16xf32>
      %mul3A_2820 = arith.mulf %get3A_2807, %sub3A_2819 : vector<16xf32>
      %add3A_2821 = arith.addf %gather3A_2815, %mul3A_2820 : vector<16xf32>
      %sub3A_2822 = arith.subf %gather3A_2818, %gather3A_2817 : vector<16xf32>
      %mul3A_2823 = arith.mulf %get3A_2807, %sub3A_2822 : vector<16xf32>
      %add3A_2824 = arith.addf %gather3A_2817, %mul3A_2823 : vector<16xf32>
      %sub3A_2825 = arith.subf %add3A_2824, %add3A_2821 : vector<16xf32>
      %mul3A_2826 = arith.mulf %get3A_2809, %sub3A_2825 : vector<16xf32>
      %add3A_2827 = arith.addf %add3A_2821, %mul3A_2826 : vector<16xf32>
      %mul3A_2828 = arith.constant 3 : i32
      %mul3A_2829 = vector.broadcast %mul3A_2828 : i32 to vector<16xi32>
      %mul3A_2830 = arith.muli %mul3A_2829, %add3A_2812 : vector<16xi32>
      %add3A_2831 = arith.constant 384 : i32
      %add3A_2832 = vector.broadcast %add3A_2831 : i32 to vector<16xi32>
      %add3A_2833 = arith.addi %add3A_2832, %mul3A_2830 : vector<16xi32>
      %add3A_2834 = arith.constant 0 : i32
      %add3A_2835 = vector.broadcast %add3A_2834 : i32 to vector<16xi32>
      %add3A_2836 = arith.addi %add3A_2833, %add3A_2835 : vector<16xi32>
      tpu.vector_store_idx %arg26[%add3A_2836], %add3A_2827 : memref<768xf32, #tpu.memory_space<vmem>>[vector<16xi32>], vector<16xf32>,
      %broadcast_in_dim3A_2837 = arith.constant 1 : i32
      %broadcast_in_dim3A_2838 = vector.broadcast %broadcast_in_dim3A_2837 : i32 to vector<16xi32>
      %gather3A_2839 = tpu.vector_load_idx %arg22[%add3A_2812, %broadcast_in_dim3A_2838] : memref<128x8xf32, #tpu.memory_space<vmem>>[vector<16xi32>, vector<16xi32>], vector<16xf32>,
      %gather3A_2840 = tpu.vector_load_idx %arg23[%add3A_2812, %broadcast_in_dim3A_2838] : memref<128x8xf32, #tpu.memory_space<vmem>>[vector<16xi32>, vector<16xi32>], vector<16xf32>,
      %gather3A_2841 = tpu.vector_load_idx %arg24[%add3A_2812, %broadcast_in_dim3A_2838] : memref<128x8xf32, #tpu.memory_space<vmem>>[vector<16xi32>, vector<16xi32>], vector<16xf32>,
      %gather3A_2842 = tpu.vector_load_idx %arg25[%add3A_2812, %broadcast_in_dim3A_2838] : memref<128x8xf32, #tpu.memory_space<vmem>>[vector<16xi32>, vector<16xi32>], vector<16xf32>,
      %sub3A_2843 = arith.subf %gather3A_2840, %gather3A_2839 : vector<16xf32>
      %mul3A_2844 = arith.mulf %get3A_2807, %sub3A_2843 : vector<16xf32>
      %add3A_2845 = arith.addf %gather3A_2839, %mul3A_2844 : vector<16xf32>
      %sub3A_2846 = arith.subf %gather3A_2842, %gather3A_2841 : vector<16xf32>
      %mul3A_2847 = arith.mulf %get3A_2807, %sub3A_2846 : vector<16xf32>
      %add3A_2848 = arith.addf %gather3A_2841, %mul3A_2847 : vector<16xf32>
      %sub3A_2849 = arith.subf %add3A_2848, %add3A_2845 : vector<16xf32>
      %mul3A_2850 = arith.mulf %get3A_2809, %sub3A_2849 : vector<16xf32>
      %add3A_2851 = arith.addf %add3A_2845, %mul3A_2850 : vector<16xf32>
      %mul3A_2852 = arith.constant 3 : i32
      %mul3A_2853 = vector.broadcast %mul3A_2852 : i32 to vector<16xi32>
      %mul3A_2854 = arith.muli %mul3A_2853, %add3A_2812 : vector<16xi32>
      %add3A_2855 = arith.constant 384 : i32
      %add3A_2856 = vector.broadcast %add3A_2855 : i32 to vector<16xi32>
      %add3A_2857 = arith.addi %add3A_2856, %mul3A_2854 : vector<16xi32>
      %add3A_2858 = arith.constant 1 : i32
      %add3A_2859 = vector.broadcast %add3A_2858 : i32 to vector<16xi32>
      %add3A_2860 = arith.addi %add3A_2857, %add3A_2859 : vector<16xi32>
      tpu.vector_store_idx %arg26[%add3A_2860], %add3A_2851 : memref<768xf32, #tpu.memory_space<vmem>>[vector<16xi32>], vector<16xf32>,
      %broadcast_in_dim3A_2861 = arith.constant 2 : i32
      %broadcast_in_dim3A_2862 = vector.broadcast %broadcast_in_dim3A_2861 : i32 to vector<16xi32>
      %gather3A_2863 = tpu.vector_load_idx %arg22[%add3A_2812, %broadcast_in_dim3A_2862] : memref<128x8xf32, #tpu.memory_space<vmem>>[vector<16xi32>, vector<16xi32>], vector<16xf32>,
      %gather3A_2864 = tpu.vector_load_idx %arg23[%add3A_2812, %broadcast_in_dim3A_2862] : memref<128x8xf32, #tpu.memory_space<vmem>>[vector<16xi32>, vector<16xi32>], vector<16xf32>,
      %gather3A_2865 = tpu.vector_load_idx %arg24[%add3A_2812, %broadcast_in_dim3A_2862] : memref<128x8xf32, #tpu.memory_space<vmem>>[vector<16xi32>, vector<16xi32>], vector<16xf32>,
      %gather3A_2866 = tpu.vector_load_idx %arg25[%add3A_2812, %broadcast_in_dim3A_2862] : memref<128x8xf32, #tpu.memory_space<vmem>>[vector<16xi32>, vector<16xi32>], vector<16xf32>,
      %sub3A_2867 = arith.subf %gather3A_2864, %gather3A_2863 : vector<16xf32>
      %mul3A_2868 = arith.mulf %get3A_2807, %sub3A_2867 : vector<16xf32>
      %add3A_2869 = arith.addf %gather3A_2863, %mul3A_2868 : vector<16xf32>
      %sub3A_2870 = arith.subf %gather3A_2866, %gather3A_2865 : vector<16xf32>
      %mul3A_2871 = arith.mulf %get3A_2807, %sub3A_2870 : vector<16xf32>
      %add3A_2872 = arith.addf %gather3A_2865, %mul3A_2871 : vector<16xf32>
      %sub3A_2873 = arith.subf %add3A_2872, %add3A_2869 : vector<16xf32>
      %mul3A_2874 = arith.mulf %get3A_2809, %sub3A_2873 : vector<16xf32>
      %add3A_2875 = arith.addf %add3A_2869, %mul3A_2874 : vector<16xf32>
      %mul3A_2876 = arith.constant 3 : i32
      %mul3A_2877 = vector.broadcast %mul3A_2876 : i32 to vector<16xi32>
      %mul3A_2878 = arith.muli %mul3A_2877, %add3A_2812 : vector<16xi32>
      %add3A_2879 = arith.constant 384 : i32
      %add3A_2880 = vector.broadcast %add3A_2879 : i32 to vector<16xi32>
      %add3A_2881 = arith.addi %add3A_2880, %mul3A_2878 : vector<16xi32>
      %add3A_2882 = arith.constant 2 : i32
      %add3A_2883 = vector.broadcast %add3A_2882 : i32 to vector<16xi32>
      %add3A_2884 = arith.addi %add3A_2881, %add3A_2883 : vector<16xi32>
      tpu.vector_store_idx %arg26[%add3A_2884], %add3A_2875 : memref<768xf32, #tpu.memory_space<vmem>>[vector<16xi32>], vector<16xf32>,
      %get3A_2885 = arith.constant 64 : index
      %get3A_2886 = tpu.vector_load %arg20[%get3A_2885] {strides = array<i32>} : memref<128xf32, #tpu.memory_space<vmem>>, vector<16xf32>,
      %get3A_2887 = arith.constant 64 : index
      %get3A_2888 = tpu.vector_load %arg21[%get3A_2887] {strides = array<i32>} : memref<128xf32, #tpu.memory_space<vmem>>, vector<16xf32>,
      %add3A_2889 = arith.constant 64 : i32
      %add3A_2890 = vector.broadcast %add3A_2889 : i32 to vector<16xi32>
      %add3A_2891 = arith.addi %add3A_2890, %iota3A : vector<16xi32>
      %broadcast_in_dim3A_2892 = arith.constant 0 : i32
      %broadcast_in_dim3A_2893 = vector.broadcast %broadcast_in_dim3A_2892 : i32 to vector<16xi32>
      %gather3A_2894 = tpu.vector_load_idx %arg22[%add3A_2891, %broadcast_in_dim3A_2893] : memref<128x8xf32, #tpu.memory_space<vmem>>[vector<16xi32>, vector<16xi32>], vector<16xf32>,
      %gather3A_2895 = tpu.vector_load_idx %arg23[%add3A_2891, %broadcast_in_dim3A_2893] : memref<128x8xf32, #tpu.memory_space<vmem>>[vector<16xi32>, vector<16xi32>], vector<16xf32>,
      %gather3A_2896 = tpu.vector_load_idx %arg24[%add3A_2891, %broadcast_in_dim3A_2893] : memref<128x8xf32, #tpu.memory_space<vmem>>[vector<16xi32>, vector<16xi32>], vector<16xf32>,
      %gather3A_2897 = tpu.vector_load_idx %arg25[%add3A_2891, %broadcast_in_dim3A_2893] : memref<128x8xf32, #tpu.memory_space<vmem>>[vector<16xi32>, vector<16xi32>], vector<16xf32>,
      %sub3A_2898 = arith.subf %gather3A_2895, %gather3A_2894 : vector<16xf32>
      %mul3A_2899 = arith.mulf %get3A_2886, %sub3A_2898 : vector<16xf32>
      %add3A_2900 = arith.addf %gather3A_2894, %mul3A_2899 : vector<16xf32>
      %sub3A_2901 = arith.subf %gather3A_2897, %gather3A_2896 : vector<16xf32>
      %mul3A_2902 = arith.mulf %get3A_2886, %sub3A_2901 : vector<16xf32>
      %add3A_2903 = arith.addf %gather3A_2896, %mul3A_2902 : vector<16xf32>
      %sub3A_2904 = arith.subf %add3A_2903, %add3A_2900 : vector<16xf32>
      %mul3A_2905 = arith.mulf %get3A_2888, %sub3A_2904 : vector<16xf32>
      %add3A_2906 = arith.addf %add3A_2900, %mul3A_2905 : vector<16xf32>
      %mul3A_2907 = arith.constant 3 : i32
      %mul3A_2908 = vector.broadcast %mul3A_2907 : i32 to vector<16xi32>
      %mul3A_2909 = arith.muli %mul3A_2908, %add3A_2891 : vector<16xi32>
      %add3A_2910 = arith.constant 384 : i32
      %add3A_2911 = vector.broadcast %add3A_2910 : i32 to vector<16xi32>
      %add3A_2912 = arith.addi %add3A_2911, %mul3A_2909 : vector<16xi32>
      %add3A_2913 = arith.constant 0 : i32
      %add3A_2914 = vector.broadcast %add3A_2913 : i32 to vector<16xi32>
      %add3A_2915 = arith.addi %add3A_2912, %add3A_2914 : vector<16xi32>
      tpu.vector_store_idx %arg26[%add3A_2915], %add3A_2906 : memref<768xf32, #tpu.memory_space<vmem>>[vector<16xi32>], vector<16xf32>,
      %broadcast_in_dim3A_2916 = arith.constant 1 : i32
      %broadcast_in_dim3A_2917 = vector.broadcast %broadcast_in_dim3A_2916 : i32 to vector<16xi32>
      %gather3A_2918 = tpu.vector_load_idx %arg22[%add3A_2891, %broadcast_in_dim3A_2917] : memref<128x8xf32, #tpu.memory_space<vmem>>[vector<16xi32>, vector<16xi32>], vector<16xf32>,
      %gather3A_2919 = tpu.vector_load_idx %arg23[%add3A_2891, %broadcast_in_dim3A_2917] : memref<128x8xf32, #tpu.memory_space<vmem>>[vector<16xi32>, vector<16xi32>], vector<16xf32>,
      %gather3A_2920 = tpu.vector_load_idx %arg24[%add3A_2891, %broadcast_in_dim3A_2917] : memref<128x8xf32, #tpu.memory_space<vmem>>[vector<16xi32>, vector<16xi32>], vector<16xf32>,
      %gather3A_2921 = tpu.vector_load_idx %arg25[%add3A_2891, %broadcast_in_dim3A_2917] : memref<128x8xf32, #tpu.memory_space<vmem>>[vector<16xi32>, vector<16xi32>], vector<16xf32>,
      %sub3A_2922 = arith.subf %gather3A_2919, %gather3A_2918 : vector<16xf32>
      %mul3A_2923 = arith.mulf %get3A_2886, %sub3A_2922 : vector<16xf32>
      %add3A_2924 = arith.addf %gather3A_2918, %mul3A_2923 : vector<16xf32>
      %sub3A_2925 = arith.subf %gather3A_2921, %gather3A_2920 : vector<16xf32>
      %mul3A_2926 = arith.mulf %get3A_2886, %sub3A_2925 : vector<16xf32>
      %add3A_2927 = arith.addf %gather3A_2920, %mul3A_2926 : vector<16xf32>
      %sub3A_2928 = arith.subf %add3A_2927, %add3A_2924 : vector<16xf32>
      %mul3A_2929 = arith.mulf %get3A_2888, %sub3A_2928 : vector<16xf32>
      %add3A_2930 = arith.addf %add3A_2924, %mul3A_2929 : vector<16xf32>
      %mul3A_2931 = arith.constant 3 : i32
      %mul3A_2932 = vector.broadcast %mul3A_2931 : i32 to vector<16xi32>
      %mul3A_2933 = arith.muli %mul3A_2932, %add3A_2891 : vector<16xi32>
      %add3A_2934 = arith.constant 384 : i32
      %add3A_2935 = vector.broadcast %add3A_2934 : i32 to vector<16xi32>
      %add3A_2936 = arith.addi %add3A_2935, %mul3A_2933 : vector<16xi32>
      %add3A_2937 = arith.constant 1 : i32
      %add3A_2938 = vector.broadcast %add3A_2937 : i32 to vector<16xi32>
      %add3A_2939 = arith.addi %add3A_2936, %add3A_2938 : vector<16xi32>
      tpu.vector_store_idx %arg26[%add3A_2939], %add3A_2930 : memref<768xf32, #tpu.memory_space<vmem>>[vector<16xi32>], vector<16xf32>,
      %broadcast_in_dim3A_2940 = arith.constant 2 : i32
      %broadcast_in_dim3A_2941 = vector.broadcast %broadcast_in_dim3A_2940 : i32 to vector<16xi32>
      %gather3A_2942 = tpu.vector_load_idx %arg22[%add3A_2891, %broadcast_in_dim3A_2941] : memref<128x8xf32, #tpu.memory_space<vmem>>[vector<16xi32>, vector<16xi32>], vector<16xf32>,
      %gather3A_2943 = tpu.vector_load_idx %arg23[%add3A_2891, %broadcast_in_dim3A_2941] : memref<128x8xf32, #tpu.memory_space<vmem>>[vector<16xi32>, vector<16xi32>], vector<16xf32>,
      %gather3A_2944 = tpu.vector_load_idx %arg24[%add3A_2891, %broadcast_in_dim3A_2941] : memref<128x8xf32, #tpu.memory_space<vmem>>[vector<16xi32>, vector<16xi32>], vector<16xf32>,
      %gather3A_2945 = tpu.vector_load_idx %arg25[%add3A_2891, %broadcast_in_dim3A_2941] : memref<128x8xf32, #tpu.memory_space<vmem>>[vector<16xi32>, vector<16xi32>], vector<16xf32>,
      %sub3A_2946 = arith.subf %gather3A_2943, %gather3A_2942 : vector<16xf32>
      %mul3A_2947 = arith.mulf %get3A_2886, %sub3A_2946 : vector<16xf32>
      %add3A_2948 = arith.addf %gather3A_2942, %mul3A_2947 : vector<16xf32>
      %sub3A_2949 = arith.subf %gather3A_2945, %gather3A_2944 : vector<16xf32>
      %mul3A_2950 = arith.mulf %get3A_2886, %sub3A_2949 : vector<16xf32>
      %add3A_2951 = arith.addf %gather3A_2944, %mul3A_2950 : vector<16xf32>
      %sub3A_2952 = arith.subf %add3A_2951, %add3A_2948 : vector<16xf32>
      %mul3A_2953 = arith.mulf %get3A_2888, %sub3A_2952 : vector<16xf32>
      %add3A_2954 = arith.addf %add3A_2948, %mul3A_2953 : vector<16xf32>
      %mul3A_2955 = arith.constant 3 : i32
      %mul3A_2956 = vector.broadcast %mul3A_2955 : i32 to vector<16xi32>
      %mul3A_2957 = arith.muli %mul3A_2956, %add3A_2891 : vector<16xi32>
      %add3A_2958 = arith.constant 384 : i32
      %add3A_2959 = vector.broadcast %add3A_2958 : i32 to vector<16xi32>
      %add3A_2960 = arith.addi %add3A_2959, %mul3A_2957 : vector<16xi32>
      %add3A_2961 = arith.constant 2 : i32
      %add3A_2962 = vector.broadcast %add3A_2961 : i32 to vector<16xi32>
      %add3A_2963 = arith.addi %add3A_2960, %add3A_2962 : vector<16xi32>
      tpu.vector_store_idx %arg26[%add3A_2963], %add3A_2954 : memref<768xf32, #tpu.memory_space<vmem>>[vector<16xi32>], vector<16xf32>,
      %get3A_2964 = arith.constant 80 : index
      %get3A_2965 = tpu.vector_load %arg20[%get3A_2964] {strides = array<i32>} : memref<128xf32, #tpu.memory_space<vmem>>, vector<16xf32>,
      %get3A_2966 = arith.constant 80 : index
      %get3A_2967 = tpu.vector_load %arg21[%get3A_2966] {strides = array<i32>} : memref<128xf32, #tpu.memory_space<vmem>>, vector<16xf32>,
      %add3A_2968 = arith.constant 80 : i32
      %add3A_2969 = vector.broadcast %add3A_2968 : i32 to vector<16xi32>
      %add3A_2970 = arith.addi %add3A_2969, %iota3A : vector<16xi32>
      %broadcast_in_dim3A_2971 = arith.constant 0 : i32
      %broadcast_in_dim3A_2972 = vector.broadcast %broadcast_in_dim3A_2971 : i32 to vector<16xi32>
      %gather3A_2973 = tpu.vector_load_idx %arg22[%add3A_2970, %broadcast_in_dim3A_2972] : memref<128x8xf32, #tpu.memory_space<vmem>>[vector<16xi32>, vector<16xi32>], vector<16xf32>,
      %gather3A_2974 = tpu.vector_load_idx %arg23[%add3A_2970, %broadcast_in_dim3A_2972] : memref<128x8xf32, #tpu.memory_space<vmem>>[vector<16xi32>, vector<16xi32>], vector<16xf32>,
      %gather3A_2975 = tpu.vector_load_idx %arg24[%add3A_2970, %broadcast_in_dim3A_2972] : memref<128x8xf32, #tpu.memory_space<vmem>>[vector<16xi32>, vector<16xi32>], vector<16xf32>,
      %gather3A_2976 = tpu.vector_load_idx %arg25[%add3A_2970, %broadcast_in_dim3A_2972] : memref<128x8xf32, #tpu.memory_space<vmem>>[vector<16xi32>, vector<16xi32>], vector<16xf32>,
      %sub3A_2977 = arith.subf %gather3A_2974, %gather3A_2973 : vector<16xf32>
      %mul3A_2978 = arith.mulf %get3A_2965, %sub3A_2977 : vector<16xf32>
      %add3A_2979 = arith.addf %gather3A_2973, %mul3A_2978 : vector<16xf32>
      %sub3A_2980 = arith.subf %gather3A_2976, %gather3A_2975 : vector<16xf32>
      %mul3A_2981 = arith.mulf %get3A_2965, %sub3A_2980 : vector<16xf32>
      %add3A_2982 = arith.addf %gather3A_2975, %mul3A_2981 : vector<16xf32>
      %sub3A_2983 = arith.subf %add3A_2982, %add3A_2979 : vector<16xf32>
      %mul3A_2984 = arith.mulf %get3A_2967, %sub3A_2983 : vector<16xf32>
      %add3A_2985 = arith.addf %add3A_2979, %mul3A_2984 : vector<16xf32>
      %mul3A_2986 = arith.constant 3 : i32
      %mul3A_2987 = vector.broadcast %mul3A_2986 : i32 to vector<16xi32>
      %mul3A_2988 = arith.muli %mul3A_2987, %add3A_2970 : vector<16xi32>
      %add3A_2989 = arith.constant 384 : i32
      %add3A_2990 = vector.broadcast %add3A_2989 : i32 to vector<16xi32>
      %add3A_2991 = arith.addi %add3A_2990, %mul3A_2988 : vector<16xi32>
      %add3A_2992 = arith.constant 0 : i32
      %add3A_2993 = vector.broadcast %add3A_2992 : i32 to vector<16xi32>
      %add3A_2994 = arith.addi %add3A_2991, %add3A_2993 : vector<16xi32>
      tpu.vector_store_idx %arg26[%add3A_2994], %add3A_2985 : memref<768xf32, #tpu.memory_space<vmem>>[vector<16xi32>], vector<16xf32>,
      %broadcast_in_dim3A_2995 = arith.constant 1 : i32
      %broadcast_in_dim3A_2996 = vector.broadcast %broadcast_in_dim3A_2995 : i32 to vector<16xi32>
      %gather3A_2997 = tpu.vector_load_idx %arg22[%add3A_2970, %broadcast_in_dim3A_2996] : memref<128x8xf32, #tpu.memory_space<vmem>>[vector<16xi32>, vector<16xi32>], vector<16xf32>,
      %gather3A_2998 = tpu.vector_load_idx %arg23[%add3A_2970, %broadcast_in_dim3A_2996] : memref<128x8xf32, #tpu.memory_space<vmem>>[vector<16xi32>, vector<16xi32>], vector<16xf32>,
      %gather3A_2999 = tpu.vector_load_idx %arg24[%add3A_2970, %broadcast_in_dim3A_2996] : memref<128x8xf32, #tpu.memory_space<vmem>>[vector<16xi32>, vector<16xi32>], vector<16xf32>,
      %gather3A_3000 = tpu.vector_load_idx %arg25[%add3A_2970, %broadcast_in_dim3A_2996] : memref<128x8xf32, #tpu.memory_space<vmem>>[vector<16xi32>, vector<16xi32>], vector<16xf32>,
      %sub3A_3001 = arith.subf %gather3A_2998, %gather3A_2997 : vector<16xf32>
      %mul3A_3002 = arith.mulf %get3A_2965, %sub3A_3001 : vector<16xf32>
      %add3A_3003 = arith.addf %gather3A_2997, %mul3A_3002 : vector<16xf32>
      %sub3A_3004 = arith.subf %gather3A_3000, %gather3A_2999 : vector<16xf32>
      %mul3A_3005 = arith.mulf %get3A_2965, %sub3A_3004 : vector<16xf32>
      %add3A_3006 = arith.addf %gather3A_2999, %mul3A_3005 : vector<16xf32>
      %sub3A_3007 = arith.subf %add3A_3006, %add3A_3003 : vector<16xf32>
      %mul3A_3008 = arith.mulf %get3A_2967, %sub3A_3007 : vector<16xf32>
      %add3A_3009 = arith.addf %add3A_3003, %mul3A_3008 : vector<16xf32>
      %mul3A_3010 = arith.constant 3 : i32
      %mul3A_3011 = vector.broadcast %mul3A_3010 : i32 to vector<16xi32>
      %mul3A_3012 = arith.muli %mul3A_3011, %add3A_2970 : vector<16xi32>
      %add3A_3013 = arith.constant 384 : i32
      %add3A_3014 = vector.broadcast %add3A_3013 : i32 to vector<16xi32>
      %add3A_3015 = arith.addi %add3A_3014, %mul3A_3012 : vector<16xi32>
      %add3A_3016 = arith.constant 1 : i32
      %add3A_3017 = vector.broadcast %add3A_3016 : i32 to vector<16xi32>
      %add3A_3018 = arith.addi %add3A_3015, %add3A_3017 : vector<16xi32>
      tpu.vector_store_idx %arg26[%add3A_3018], %add3A_3009 : memref<768xf32, #tpu.memory_space<vmem>>[vector<16xi32>], vector<16xf32>,
      %broadcast_in_dim3A_3019 = arith.constant 2 : i32
      %broadcast_in_dim3A_3020 = vector.broadcast %broadcast_in_dim3A_3019 : i32 to vector<16xi32>
      %gather3A_3021 = tpu.vector_load_idx %arg22[%add3A_2970, %broadcast_in_dim3A_3020] : memref<128x8xf32, #tpu.memory_space<vmem>>[vector<16xi32>, vector<16xi32>], vector<16xf32>,
      %gather3A_3022 = tpu.vector_load_idx %arg23[%add3A_2970, %broadcast_in_dim3A_3020] : memref<128x8xf32, #tpu.memory_space<vmem>>[vector<16xi32>, vector<16xi32>], vector<16xf32>,
      %gather3A_3023 = tpu.vector_load_idx %arg24[%add3A_2970, %broadcast_in_dim3A_3020] : memref<128x8xf32, #tpu.memory_space<vmem>>[vector<16xi32>, vector<16xi32>], vector<16xf32>,
      %gather3A_3024 = tpu.vector_load_idx %arg25[%add3A_2970, %broadcast_in_dim3A_3020] : memref<128x8xf32, #tpu.memory_space<vmem>>[vector<16xi32>, vector<16xi32>], vector<16xf32>,
      %sub3A_3025 = arith.subf %gather3A_3022, %gather3A_3021 : vector<16xf32>
      %mul3A_3026 = arith.mulf %get3A_2965, %sub3A_3025 : vector<16xf32>
      %add3A_3027 = arith.addf %gather3A_3021, %mul3A_3026 : vector<16xf32>
      %sub3A_3028 = arith.subf %gather3A_3024, %gather3A_3023 : vector<16xf32>
      %mul3A_3029 = arith.mulf %get3A_2965, %sub3A_3028 : vector<16xf32>
      %add3A_3030 = arith.addf %gather3A_3023, %mul3A_3029 : vector<16xf32>
      %sub3A_3031 = arith.subf %add3A_3030, %add3A_3027 : vector<16xf32>
      %mul3A_3032 = arith.mulf %get3A_2967, %sub3A_3031 : vector<16xf32>
      %add3A_3033 = arith.addf %add3A_3027, %mul3A_3032 : vector<16xf32>
      %mul3A_3034 = arith.constant 3 : i32
      %mul3A_3035 = vector.broadcast %mul3A_3034 : i32 to vector<16xi32>
      %mul3A_3036 = arith.muli %mul3A_3035, %add3A_2970 : vector<16xi32>
      %add3A_3037 = arith.constant 384 : i32
      %add3A_3038 = vector.broadcast %add3A_3037 : i32 to vector<16xi32>
      %add3A_3039 = arith.addi %add3A_3038, %mul3A_3036 : vector<16xi32>
      %add3A_3040 = arith.constant 2 : i32
      %add3A_3041 = vector.broadcast %add3A_3040 : i32 to vector<16xi32>
      %add3A_3042 = arith.addi %add3A_3039, %add3A_3041 : vector<16xi32>
      tpu.vector_store_idx %arg26[%add3A_3042], %add3A_3033 : memref<768xf32, #tpu.memory_space<vmem>>[vector<16xi32>], vector<16xf32>,
      %get3A_3043 = arith.constant 96 : index
      %get3A_3044 = tpu.vector_load %arg20[%get3A_3043] {strides = array<i32>} : memref<128xf32, #tpu.memory_space<vmem>>, vector<16xf32>,
      %get3A_3045 = arith.constant 96 : index
      %get3A_3046 = tpu.vector_load %arg21[%get3A_3045] {strides = array<i32>} : memref<128xf32, #tpu.memory_space<vmem>>, vector<16xf32>,
      %add3A_3047 = arith.constant 96 : i32
      %add3A_3048 = vector.broadcast %add3A_3047 : i32 to vector<16xi32>
      %add3A_3049 = arith.addi %add3A_3048, %iota3A : vector<16xi32>
      %broadcast_in_dim3A_3050 = arith.constant 0 : i32
      %broadcast_in_dim3A_3051 = vector.broadcast %broadcast_in_dim3A_3050 : i32 to vector<16xi32>
      %gather3A_3052 = tpu.vector_load_idx %arg22[%add3A_3049, %broadcast_in_dim3A_3051] : memref<128x8xf32, #tpu.memory_space<vmem>>[vector<16xi32>, vector<16xi32>], vector<16xf32>,
      %gather3A_3053 = tpu.vector_load_idx %arg23[%add3A_3049, %broadcast_in_dim3A_3051] : memref<128x8xf32, #tpu.memory_space<vmem>>[vector<16xi32>, vector<16xi32>], vector<16xf32>,
      %gather3A_3054 = tpu.vector_load_idx %arg24[%add3A_3049, %broadcast_in_dim3A_3051] : memref<128x8xf32, #tpu.memory_space<vmem>>[vector<16xi32>, vector<16xi32>], vector<16xf32>,
      %gather3A_3055 = tpu.vector_load_idx %arg25[%add3A_3049, %broadcast_in_dim3A_3051] : memref<128x8xf32, #tpu.memory_space<vmem>>[vector<16xi32>, vector<16xi32>], vector<16xf32>,
      %sub3A_3056 = arith.subf %gather3A_3053, %gather3A_3052 : vector<16xf32>
      %mul3A_3057 = arith.mulf %get3A_3044, %sub3A_3056 : vector<16xf32>
      %add3A_3058 = arith.addf %gather3A_3052, %mul3A_3057 : vector<16xf32>
      %sub3A_3059 = arith.subf %gather3A_3055, %gather3A_3054 : vector<16xf32>
      %mul3A_3060 = arith.mulf %get3A_3044, %sub3A_3059 : vector<16xf32>
      %add3A_3061 = arith.addf %gather3A_3054, %mul3A_3060 : vector<16xf32>
      %sub3A_3062 = arith.subf %add3A_3061, %add3A_3058 : vector<16xf32>
      %mul3A_3063 = arith.mulf %get3A_3046, %sub3A_3062 : vector<16xf32>
      %add3A_3064 = arith.addf %add3A_3058, %mul3A_3063 : vector<16xf32>
      %mul3A_3065 = arith.constant 3 : i32
      %mul3A_3066 = vector.broadcast %mul3A_3065 : i32 to vector<16xi32>
      %mul3A_3067 = arith.muli %mul3A_3066, %add3A_3049 : vector<16xi32>
      %add3A_3068 = arith.constant 384 : i32
      %add3A_3069 = vector.broadcast %add3A_3068 : i32 to vector<16xi32>
      %add3A_3070 = arith.addi %add3A_3069, %mul3A_3067 : vector<16xi32>
      %add3A_3071 = arith.constant 0 : i32
      %add3A_3072 = vector.broadcast %add3A_3071 : i32 to vector<16xi32>
      %add3A_3073 = arith.addi %add3A_3070, %add3A_3072 : vector<16xi32>
      tpu.vector_store_idx %arg26[%add3A_3073], %add3A_3064 : memref<768xf32, #tpu.memory_space<vmem>>[vector<16xi32>], vector<16xf32>,
      %broadcast_in_dim3A_3074 = arith.constant 1 : i32
      %broadcast_in_dim3A_3075 = vector.broadcast %broadcast_in_dim3A_3074 : i32 to vector<16xi32>
      %gather3A_3076 = tpu.vector_load_idx %arg22[%add3A_3049, %broadcast_in_dim3A_3075] : memref<128x8xf32, #tpu.memory_space<vmem>>[vector<16xi32>, vector<16xi32>], vector<16xf32>,
      %gather3A_3077 = tpu.vector_load_idx %arg23[%add3A_3049, %broadcast_in_dim3A_3075] : memref<128x8xf32, #tpu.memory_space<vmem>>[vector<16xi32>, vector<16xi32>], vector<16xf32>,
      %gather3A_3078 = tpu.vector_load_idx %arg24[%add3A_3049, %broadcast_in_dim3A_3075] : memref<128x8xf32, #tpu.memory_space<vmem>>[vector<16xi32>, vector<16xi32>], vector<16xf32>,
      %gather3A_3079 = tpu.vector_load_idx %arg25[%add3A_3049, %broadcast_in_dim3A_3075] : memref<128x8xf32, #tpu.memory_space<vmem>>[vector<16xi32>, vector<16xi32>], vector<16xf32>,
      %sub3A_3080 = arith.subf %gather3A_3077, %gather3A_3076 : vector<16xf32>
      %mul3A_3081 = arith.mulf %get3A_3044, %sub3A_3080 : vector<16xf32>
      %add3A_3082 = arith.addf %gather3A_3076, %mul3A_3081 : vector<16xf32>
      %sub3A_3083 = arith.subf %gather3A_3079, %gather3A_3078 : vector<16xf32>
      %mul3A_3084 = arith.mulf %get3A_3044, %sub3A_3083 : vector<16xf32>
      %add3A_3085 = arith.addf %gather3A_3078, %mul3A_3084 : vector<16xf32>
      %sub3A_3086 = arith.subf %add3A_3085, %add3A_3082 : vector<16xf32>
      %mul3A_3087 = arith.mulf %get3A_3046, %sub3A_3086 : vector<16xf32>
      %add3A_3088 = arith.addf %add3A_3082, %mul3A_3087 : vector<16xf32>
      %mul3A_3089 = arith.constant 3 : i32
      %mul3A_3090 = vector.broadcast %mul3A_3089 : i32 to vector<16xi32>
      %mul3A_3091 = arith.muli %mul3A_3090, %add3A_3049 : vector<16xi32>
      %add3A_3092 = arith.constant 384 : i32
      %add3A_3093 = vector.broadcast %add3A_3092 : i32 to vector<16xi32>
      %add3A_3094 = arith.addi %add3A_3093, %mul3A_3091 : vector<16xi32>
      %add3A_3095 = arith.constant 1 : i32
      %add3A_3096 = vector.broadcast %add3A_3095 : i32 to vector<16xi32>
      %add3A_3097 = arith.addi %add3A_3094, %add3A_3096 : vector<16xi32>
      tpu.vector_store_idx %arg26[%add3A_3097], %add3A_3088 : memref<768xf32, #tpu.memory_space<vmem>>[vector<16xi32>], vector<16xf32>,
      %broadcast_in_dim3A_3098 = arith.constant 2 : i32
      %broadcast_in_dim3A_3099 = vector.broadcast %broadcast_in_dim3A_3098 : i32 to vector<16xi32>
      %gather3A_3100 = tpu.vector_load_idx %arg22[%add3A_3049, %broadcast_in_dim3A_3099] : memref<128x8xf32, #tpu.memory_space<vmem>>[vector<16xi32>, vector<16xi32>], vector<16xf32>,
      %gather3A_3101 = tpu.vector_load_idx %arg23[%add3A_3049, %broadcast_in_dim3A_3099] : memref<128x8xf32, #tpu.memory_space<vmem>>[vector<16xi32>, vector<16xi32>], vector<16xf32>,
      %gather3A_3102 = tpu.vector_load_idx %arg24[%add3A_3049, %broadcast_in_dim3A_3099] : memref<128x8xf32, #tpu.memory_space<vmem>>[vector<16xi32>, vector<16xi32>], vector<16xf32>,
      %gather3A_3103 = tpu.vector_load_idx %arg25[%add3A_3049, %broadcast_in_dim3A_3099] : memref<128x8xf32, #tpu.memory_space<vmem>>[vector<16xi32>, vector<16xi32>], vector<16xf32>,
      %sub3A_3104 = arith.subf %gather3A_3101, %gather3A_3100 : vector<16xf32>
      %mul3A_3105 = arith.mulf %get3A_3044, %sub3A_3104 : vector<16xf32>
      %add3A_3106 = arith.addf %gather3A_3100, %mul3A_3105 : vector<16xf32>
      %sub3A_3107 = arith.subf %gather3A_3103, %gather3A_3102 : vector<16xf32>
      %mul3A_3108 = arith.mulf %get3A_3044, %sub3A_3107 : vector<16xf32>
      %add3A_3109 = arith.addf %gather3A_3102, %mul3A_3108 : vector<16xf32>
      %sub3A_3110 = arith.subf %add3A_3109, %add3A_3106 : vector<16xf32>
      %mul3A_3111 = arith.mulf %get3A_3046, %sub3A_3110 : vector<16xf32>
      %add3A_3112 = arith.addf %add3A_3106, %mul3A_3111 : vector<16xf32>
      %mul3A_3113 = arith.constant 3 : i32
      %mul3A_3114 = vector.broadcast %mul3A_3113 : i32 to vector<16xi32>
      %mul3A_3115 = arith.muli %mul3A_3114, %add3A_3049 : vector<16xi32>
      %add3A_3116 = arith.constant 384 : i32
      %add3A_3117 = vector.broadcast %add3A_3116 : i32 to vector<16xi32>
      %add3A_3118 = arith.addi %add3A_3117, %mul3A_3115 : vector<16xi32>
      %add3A_3119 = arith.constant 2 : i32
      %add3A_3120 = vector.broadcast %add3A_3119 : i32 to vector<16xi32>
      %add3A_3121 = arith.addi %add3A_3118, %add3A_3120 : vector<16xi32>
      tpu.vector_store_idx %arg26[%add3A_3121], %add3A_3112 : memref<768xf32, #tpu.memory_space<vmem>>[vector<16xi32>], vector<16xf32>,
      %get3A_3122 = arith.constant 112 : index
      %get3A_3123 = tpu.vector_load %arg20[%get3A_3122] {strides = array<i32>} : memref<128xf32, #tpu.memory_space<vmem>>, vector<16xf32>,
      %get3A_3124 = arith.constant 112 : index
      %get3A_3125 = tpu.vector_load %arg21[%get3A_3124] {strides = array<i32>} : memref<128xf32, #tpu.memory_space<vmem>>, vector<16xf32>,
      %add3A_3126 = arith.constant 112 : i32
      %add3A_3127 = vector.broadcast %add3A_3126 : i32 to vector<16xi32>
      %add3A_3128 = arith.addi %add3A_3127, %iota3A : vector<16xi32>
      %broadcast_in_dim3A_3129 = arith.constant 0 : i32
      %broadcast_in_dim3A_3130 = vector.broadcast %broadcast_in_dim3A_3129 : i32 to vector<16xi32>
      %gather3A_3131 = tpu.vector_load_idx %arg22[%add3A_3128, %broadcast_in_dim3A_3130] : memref<128x8xf32, #tpu.memory_space<vmem>>[vector<16xi32>, vector<16xi32>], vector<16xf32>,
      %gather3A_3132 = tpu.vector_load_idx %arg23[%add3A_3128, %broadcast_in_dim3A_3130] : memref<128x8xf32, #tpu.memory_space<vmem>>[vector<16xi32>, vector<16xi32>], vector<16xf32>,
      %gather3A_3133 = tpu.vector_load_idx %arg24[%add3A_3128, %broadcast_in_dim3A_3130] : memref<128x8xf32, #tpu.memory_space<vmem>>[vector<16xi32>, vector<16xi32>], vector<16xf32>,
      %gather3A_3134 = tpu.vector_load_idx %arg25[%add3A_3128, %broadcast_in_dim3A_3130] : memref<128x8xf32, #tpu.memory_space<vmem>>[vector<16xi32>, vector<16xi32>], vector<16xf32>,
      %sub3A_3135 = arith.subf %gather3A_3132, %gather3A_3131 : vector<16xf32>
      %mul3A_3136 = arith.mulf %get3A_3123, %sub3A_3135 : vector<16xf32>
      %add3A_3137 = arith.addf %gather3A_3131, %mul3A_3136 : vector<16xf32>
      %sub3A_3138 = arith.subf %gather3A_3134, %gather3A_3133 : vector<16xf32>
      %mul3A_3139 = arith.mulf %get3A_3123, %sub3A_3138 : vector<16xf32>
      %add3A_3140 = arith.addf %gather3A_3133, %mul3A_3139 : vector<16xf32>
      %sub3A_3141 = arith.subf %add3A_3140, %add3A_3137 : vector<16xf32>
      %mul3A_3142 = arith.mulf %get3A_3125, %sub3A_3141 : vector<16xf32>
      %add3A_3143 = arith.addf %add3A_3137, %mul3A_3142 : vector<16xf32>
      %mul3A_3144 = arith.constant 3 : i32
      %mul3A_3145 = vector.broadcast %mul3A_3144 : i32 to vector<16xi32>
      %mul3A_3146 = arith.muli %mul3A_3145, %add3A_3128 : vector<16xi32>
      %add3A_3147 = arith.constant 384 : i32
      %add3A_3148 = vector.broadcast %add3A_3147 : i32 to vector<16xi32>
      %add3A_3149 = arith.addi %add3A_3148, %mul3A_3146 : vector<16xi32>
      %add3A_3150 = arith.constant 0 : i32
      %add3A_3151 = vector.broadcast %add3A_3150 : i32 to vector<16xi32>
      %add3A_3152 = arith.addi %add3A_3149, %add3A_3151 : vector<16xi32>
      tpu.vector_store_idx %arg26[%add3A_3152], %add3A_3143 : memref<768xf32, #tpu.memory_space<vmem>>[vector<16xi32>], vector<16xf32>,
      %broadcast_in_dim3A_3153 = arith.constant 1 : i32
      %broadcast_in_dim3A_3154 = vector.broadcast %broadcast_in_dim3A_3153 : i32 to vector<16xi32>
      %gather3A_3155 = tpu.vector_load_idx %arg22[%add3A_3128, %broadcast_in_dim3A_3154] : memref<128x8xf32, #tpu.memory_space<vmem>>[vector<16xi32>, vector<16xi32>], vector<16xf32>,
      %gather3A_3156 = tpu.vector_load_idx %arg23[%add3A_3128, %broadcast_in_dim3A_3154] : memref<128x8xf32, #tpu.memory_space<vmem>>[vector<16xi32>, vector<16xi32>], vector<16xf32>,
      %gather3A_3157 = tpu.vector_load_idx %arg24[%add3A_3128, %broadcast_in_dim3A_3154] : memref<128x8xf32, #tpu.memory_space<vmem>>[vector<16xi32>, vector<16xi32>], vector<16xf32>,
      %gather3A_3158 = tpu.vector_load_idx %arg25[%add3A_3128, %broadcast_in_dim3A_3154] : memref<128x8xf32, #tpu.memory_space<vmem>>[vector<16xi32>, vector<16xi32>], vector<16xf32>,
      %sub3A_3159 = arith.subf %gather3A_3156, %gather3A_3155 : vector<16xf32>
      %mul3A_3160 = arith.mulf %get3A_3123, %sub3A_3159 : vector<16xf32>
      %add3A_3161 = arith.addf %gather3A_3155, %mul3A_3160 : vector<16xf32>
      %sub3A_3162 = arith.subf %gather3A_3158, %gather3A_3157 : vector<16xf32>
      %mul3A_3163 = arith.mulf %get3A_3123, %sub3A_3162 : vector<16xf32>
      %add3A_3164 = arith.addf %gather3A_3157, %mul3A_3163 : vector<16xf32>
      %sub3A_3165 = arith.subf %add3A_3164, %add3A_3161 : vector<16xf32>
      %mul3A_3166 = arith.mulf %get3A_3125, %sub3A_3165 : vector<16xf32>
      %add3A_3167 = arith.addf %add3A_3161, %mul3A_3166 : vector<16xf32>
      %mul3A_3168 = arith.constant 3 : i32
      %mul3A_3169 = vector.broadcast %mul3A_3168 : i32 to vector<16xi32>
      %mul3A_3170 = arith.muli %mul3A_3169, %add3A_3128 : vector<16xi32>
      %add3A_3171 = arith.constant 384 : i32
      %add3A_3172 = vector.broadcast %add3A_3171 : i32 to vector<16xi32>
      %add3A_3173 = arith.addi %add3A_3172, %mul3A_3170 : vector<16xi32>
      %add3A_3174 = arith.constant 1 : i32
      %add3A_3175 = vector.broadcast %add3A_3174 : i32 to vector<16xi32>
      %add3A_3176 = arith.addi %add3A_3173, %add3A_3175 : vector<16xi32>
      tpu.vector_store_idx %arg26[%add3A_3176], %add3A_3167 : memref<768xf32, #tpu.memory_space<vmem>>[vector<16xi32>], vector<16xf32>,
      %broadcast_in_dim3A_3177 = arith.constant 2 : i32
      %broadcast_in_dim3A_3178 = vector.broadcast %broadcast_in_dim3A_3177 : i32 to vector<16xi32>
      %gather3A_3179 = tpu.vector_load_idx %arg22[%add3A_3128, %broadcast_in_dim3A_3178] : memref<128x8xf32, #tpu.memory_space<vmem>>[vector<16xi32>, vector<16xi32>], vector<16xf32>,
      %gather3A_3180 = tpu.vector_load_idx %arg23[%add3A_3128, %broadcast_in_dim3A_3178] : memref<128x8xf32, #tpu.memory_space<vmem>>[vector<16xi32>, vector<16xi32>], vector<16xf32>,
      %gather3A_3181 = tpu.vector_load_idx %arg24[%add3A_3128, %broadcast_in_dim3A_3178] : memref<128x8xf32, #tpu.memory_space<vmem>>[vector<16xi32>, vector<16xi32>], vector<16xf32>,
      %gather3A_3182 = tpu.vector_load_idx %arg25[%add3A_3128, %broadcast_in_dim3A_3178] : memref<128x8xf32, #tpu.memory_space<vmem>>[vector<16xi32>, vector<16xi32>], vector<16xf32>,
      %sub3A_3183 = arith.subf %gather3A_3180, %gather3A_3179 : vector<16xf32>
      %mul3A_3184 = arith.mulf %get3A_3123, %sub3A_3183 : vector<16xf32>
      %add3A_3185 = arith.addf %gather3A_3179, %mul3A_3184 : vector<16xf32>
      %sub3A_3186 = arith.subf %gather3A_3182, %gather3A_3181 : vector<16xf32>
      %mul3A_3187 = arith.mulf %get3A_3123, %sub3A_3186 : vector<16xf32>
      %add3A_3188 = arith.addf %gather3A_3181, %mul3A_3187 : vector<16xf32>
      %sub3A_3189 = arith.subf %add3A_3188, %add3A_3185 : vector<16xf32>
      %mul3A_3190 = arith.mulf %get3A_3125, %sub3A_3189 : vector<16xf32>
      %add3A_3191 = arith.addf %add3A_3185, %mul3A_3190 : vector<16xf32>
      %mul3A_3192 = arith.constant 3 : i32
      %mul3A_3193 = vector.broadcast %mul3A_3192 : i32 to vector<16xi32>
      %mul3A_3194 = arith.muli %mul3A_3193, %add3A_3128 : vector<16xi32>
      %add3A_3195 = arith.constant 384 : i32
      %add3A_3196 = vector.broadcast %add3A_3195 : i32 to vector<16xi32>
      %add3A_3197 = arith.addi %add3A_3196, %mul3A_3194 : vector<16xi32>
      %add3A_3198 = arith.constant 2 : i32
      %add3A_3199 = vector.broadcast %add3A_3198 : i32 to vector<16xi32>
      %add3A_3200 = arith.addi %add3A_3197, %add3A_3199 : vector<16xi32>
      tpu.vector_store_idx %arg26[%add3A_3200], %add3A_3191 : memref<768xf32, #tpu.memory_space<vmem>>[vector<16xi32>], vector<16xf32>,
      %add3A_3201 = arith.constant 2 : i32
      %add3A_3202 = arith.addi %add3A_2556, %add3A_3201 : i32
      %ge3A_3203 = arith.constant 256 : i32
      %ge3A_3204 = arith.cmpi sge, %add3A_3202, %ge3A_3203 : i32
      %sub3A_3205 = arith.constant 256 : i32
      %sub3A_3206 = arith.subi %add3A_3202, %sub3A_3205 : i32
      %select_n3A_3207 = arith.select %ge3A_3204, %sub3A_3206, %add3A_3202 : i32
      %mul3A_3208 = arith.constant 128 : i32
      %mul3A_3209 = arith.muli %select_n3A_3207, %mul3A_3208 : i32
      %add3A_3210 = arith.constant 0 : i32
      %add3A_3211 = arith.addi %mul3A_3209, %add3A_3210 : i32
      %add3A_3212 = vector.broadcast %add3A_3211 : i32 to vector<16xi32>
      %add3A_3213 = arith.addi %add3A_3212, %iota3A : vector<16xi32>
      %mul3A_3214 = arith.constant 2 : i32
      %mul3A_3215 = vector.broadcast %mul3A_3214 : i32 to vector<16xi32>
      %mul3A_3216 = arith.muli %mul3A_3215, %add3A_3213 : vector<16xi32>
      %gather3A_3217 = tpu.vector_load_idx %arg5[%mul3A_3216] : memref<65536xf32, #tpu.memory_space<vmem>>[vector<16xi32>], vector<16xf32>,
      %add3A_3218 = arith.constant 1 : i32
      %add3A_3219 = vector.broadcast %add3A_3218 : i32 to vector<16xi32>
      %add3A_3220 = arith.addi %mul3A_3216, %add3A_3219 : vector<16xi32>
      %gather3A_3221 = tpu.vector_load_idx %arg5[%add3A_3220] : memref<65536xf32, #tpu.memory_space<vmem>>[vector<16xi32>], vector<16xf32>,
      %mul3A_3222 = arith.constant 2.048000e+03 : f32
      %mul3A_3223 = vector.broadcast %mul3A_3222 : f32 to vector<16xf32>
      %mul3A_3224 = arith.mulf %gather3A_3217, %mul3A_3223 : vector<16xf32>
      %mul3A_3225 = arith.constant 2.048000e+03 : f32
      %mul3A_3226 = vector.broadcast %mul3A_3225 : f32 to vector<16xf32>
      %mul3A_3227 = arith.mulf %gather3A_3221, %mul3A_3226 : vector<16xf32>
      %convert_element_type3A_3228 = arith.fptosi %mul3A_3224 : vector<16xf32> to vector<16xi32>
      %convert_element_type3A_3229 = arith.fptosi %mul3A_3227 : vector<16xf32> to vector<16xi32>
      %convert_element_type3A_3230 = arith.sitofp %convert_element_type3A_3228 : vector<16xi32> to vector<16xf32>
      %sub3A_3231 = arith.subf %mul3A_3224, %convert_element_type3A_3230 : vector<16xf32>
      %convert_element_type3A_3232 = arith.sitofp %convert_element_type3A_3229 : vector<16xi32> to vector<16xf32>
      %sub3A_3233 = arith.subf %mul3A_3227, %convert_element_type3A_3232 : vector<16xf32>
      %max3A_3234 = arith.constant 0 : i32
      %max3A_3235 = vector.broadcast %max3A_3234 : i32 to vector<16xi32>
      %max3A_3236 = arith.maxsi %convert_element_type3A_3228, %max3A_3235 : vector<16xi32>
      %min3A_3237 = arith.constant 2047 : i32
      %min3A_3238 = vector.broadcast %min3A_3237 : i32 to vector<16xi32>
      %min3A_3239 = arith.minsi %max3A_3236, %min3A_3238 : vector<16xi32>
      %max3A_3240 = arith.constant 0 : i32
      %max3A_3241 = vector.broadcast %max3A_3240 : i32 to vector<16xi32>
      %max3A_3242 = arith.maxsi %convert_element_type3A_3229, %max3A_3241 : vector<16xi32>
      %min3A_3243 = arith.constant 2047 : i32
      %min3A_3244 = vector.broadcast %min3A_3243 : i32 to vector<16xi32>
      %min3A_3245 = arith.minsi %max3A_3242, %min3A_3244 : vector<16xi32>
      %add3A_3246 = arith.constant 1 : i32
      %add3A_3247 = vector.broadcast %add3A_3246 : i32 to vector<16xi32>
      %add3A_3248 = arith.addi %min3A_3245, %add3A_3247 : vector<16xi32>
      %min3A_3249 = arith.constant 2047 : i32
      %min3A_3250 = vector.broadcast %min3A_3249 : i32 to vector<16xi32>
      %min3A_3251 = arith.minsi %add3A_3248, %min3A_3250 : vector<16xi32>
      %ge3A_3252 = arith.constant 2047 : i32
      %ge3A_3253 = vector.broadcast %ge3A_3252 : i32 to vector<16xi32>
      %ge3A_3254 = arith.cmpi sge, %min3A_3239, %ge3A_3253 : vector<16xi32>
      %jit3A_3255 = arith.constant 0.000000e+00 : f32
      %broadcast_in_dim3A_3256 = vector.broadcast %jit3A_3255 : f32 to vector<16xf32>
      %select_n3A_3257 = arith.select %ge3A_3254, %broadcast_in_dim3A_3256, %sub3A_3231 : vector<16xi1>, vector<16xf32>
      %mul3A_3258 = arith.constant 2048 : i32
      %mul3A_3259 = vector.broadcast %mul3A_3258 : i32 to vector<16xi32>
      %mul3A_3260 = arith.muli %min3A_3245, %mul3A_3259 : vector<16xi32>
      %add3A_3261 = arith.addi %mul3A_3260, %min3A_3239 : vector<16xi32>
      %mul3A_3262 = arith.constant 2048 : i32
      %mul3A_3263 = vector.broadcast %mul3A_3262 : i32 to vector<16xi32>
      %mul3A_3264 = arith.muli %min3A_3251, %mul3A_3263 : vector<16xi32>
      %add3A_3265 = arith.addi %mul3A_3264, %min3A_3239 : vector<16xi32>
      %swap3A_3266 = arith.constant 0 : index
      %swap3A_3267 = tpu.vector_load %arg16[%swap3A_3266] {strides = array<i32>} : memref<128xi32, #tpu.memory_space<vmem>>, vector<16xi32>,
      tpu.vector_store %arg16[%swap3A_3266], %add3A_3261 {strides = array<i32>} : memref<128xi32, #tpu.memory_space<vmem>>, vector<16xi32>,
      %add3A_3268 = arith.constant 1 : i32
      %add3A_3269 = vector.broadcast %add3A_3268 : i32 to vector<16xi32>
      %add3A_3270 = arith.addi %add3A_3261, %add3A_3269 : vector<16xi32>
      %swap3A_3271 = arith.constant 0 : index
      %swap3A_3272 = tpu.vector_load %arg17[%swap3A_3271] {strides = array<i32>} : memref<128xi32, #tpu.memory_space<vmem>>, vector<16xi32>,
      tpu.vector_store %arg17[%swap3A_3271], %add3A_3270 {strides = array<i32>} : memref<128xi32, #tpu.memory_space<vmem>>, vector<16xi32>,
      %swap3A_3273 = arith.constant 0 : index
      %swap3A_3274 = tpu.vector_load %arg18[%swap3A_3273] {strides = array<i32>} : memref<128xi32, #tpu.memory_space<vmem>>, vector<16xi32>,
      tpu.vector_store %arg18[%swap3A_3273], %add3A_3265 {strides = array<i32>} : memref<128xi32, #tpu.memory_space<vmem>>, vector<16xi32>,
      %add3A_3275 = arith.constant 1 : i32
      %add3A_3276 = vector.broadcast %add3A_3275 : i32 to vector<16xi32>
      %add3A_3277 = arith.addi %add3A_3265, %add3A_3276 : vector<16xi32>
      %swap3A_3278 = arith.constant 0 : index
      %swap3A_3279 = tpu.vector_load %arg19[%swap3A_3278] {strides = array<i32>} : memref<128xi32, #tpu.memory_space<vmem>>, vector<16xi32>,
      tpu.vector_store %arg19[%swap3A_3278], %add3A_3277 {strides = array<i32>} : memref<128xi32, #tpu.memory_space<vmem>>, vector<16xi32>,
      %swap3A_3280 = arith.constant 0 : index
      %swap3A_3281 = tpu.vector_load %arg20[%swap3A_3280] {strides = array<i32>} : memref<128xf32, #tpu.memory_space<vmem>>, vector<16xf32>,
      tpu.vector_store %arg20[%swap3A_3280], %select_n3A_3257 {strides = array<i32>} : memref<128xf32, #tpu.memory_space<vmem>>, vector<16xf32>,
      %swap3A_3282 = arith.constant 0 : index
      %swap3A_3283 = tpu.vector_load %arg21[%swap3A_3282] {strides = array<i32>} : memref<128xf32, #tpu.memory_space<vmem>>, vector<16xf32>,
      tpu.vector_store %arg21[%swap3A_3282], %sub3A_3233 {strides = array<i32>} : memref<128xf32, #tpu.memory_space<vmem>>, vector<16xf32>,
      %mul3A_3284 = arith.constant 128 : i32
      %mul3A_3285 = arith.muli %select_n3A_3207, %mul3A_3284 : i32
      %add3A_3286 = arith.constant 16 : i32
      %add3A_3287 = arith.addi %mul3A_3285, %add3A_3286 : i32
      %add3A_3288 = vector.broadcast %add3A_3287 : i32 to vector<16xi32>
      %add3A_3289 = arith.addi %add3A_3288, %iota3A : vector<16xi32>
      %mul3A_3290 = arith.constant 2 : i32
      %mul3A_3291 = vector.broadcast %mul3A_3290 : i32 to vector<16xi32>
      %mul3A_3292 = arith.muli %mul3A_3291, %add3A_3289 : vector<16xi32>
      %gather3A_3293 = tpu.vector_load_idx %arg5[%mul3A_3292] : memref<65536xf32, #tpu.memory_space<vmem>>[vector<16xi32>], vector<16xf32>,
      %add3A_3294 = arith.constant 1 : i32
      %add3A_3295 = vector.broadcast %add3A_3294 : i32 to vector<16xi32>
      %add3A_3296 = arith.addi %mul3A_3292, %add3A_3295 : vector<16xi32>
      %gather3A_3297 = tpu.vector_load_idx %arg5[%add3A_3296] : memref<65536xf32, #tpu.memory_space<vmem>>[vector<16xi32>], vector<16xf32>,
      %mul3A_3298 = arith.constant 2.048000e+03 : f32
      %mul3A_3299 = vector.broadcast %mul3A_3298 : f32 to vector<16xf32>
      %mul3A_3300 = arith.mulf %gather3A_3293, %mul3A_3299 : vector<16xf32>
      %mul3A_3301 = arith.constant 2.048000e+03 : f32
      %mul3A_3302 = vector.broadcast %mul3A_3301 : f32 to vector<16xf32>
      %mul3A_3303 = arith.mulf %gather3A_3297, %mul3A_3302 : vector<16xf32>
      %convert_element_type3A_3304 = arith.fptosi %mul3A_3300 : vector<16xf32> to vector<16xi32>
      %convert_element_type3A_3305 = arith.fptosi %mul3A_3303 : vector<16xf32> to vector<16xi32>
      %convert_element_type3A_3306 = arith.sitofp %convert_element_type3A_3304 : vector<16xi32> to vector<16xf32>
      %sub3A_3307 = arith.subf %mul3A_3300, %convert_element_type3A_3306 : vector<16xf32>
      %convert_element_type3A_3308 = arith.sitofp %convert_element_type3A_3305 : vector<16xi32> to vector<16xf32>
      %sub3A_3309 = arith.subf %mul3A_3303, %convert_element_type3A_3308 : vector<16xf32>
      %max3A_3310 = arith.constant 0 : i32
      %max3A_3311 = vector.broadcast %max3A_3310 : i32 to vector<16xi32>
      %max3A_3312 = arith.maxsi %convert_element_type3A_3304, %max3A_3311 : vector<16xi32>
      %min3A_3313 = arith.constant 2047 : i32
      %min3A_3314 = vector.broadcast %min3A_3313 : i32 to vector<16xi32>
      %min3A_3315 = arith.minsi %max3A_3312, %min3A_3314 : vector<16xi32>
      %max3A_3316 = arith.constant 0 : i32
      %max3A_3317 = vector.broadcast %max3A_3316 : i32 to vector<16xi32>
      %max3A_3318 = arith.maxsi %convert_element_type3A_3305, %max3A_3317 : vector<16xi32>
      %min3A_3319 = arith.constant 2047 : i32
      %min3A_3320 = vector.broadcast %min3A_3319 : i32 to vector<16xi32>
      %min3A_3321 = arith.minsi %max3A_3318, %min3A_3320 : vector<16xi32>
      %add3A_3322 = arith.constant 1 : i32
      %add3A_3323 = vector.broadcast %add3A_3322 : i32 to vector<16xi32>
      %add3A_3324 = arith.addi %min3A_3321, %add3A_3323 : vector<16xi32>
      %min3A_3325 = arith.constant 2047 : i32
      %min3A_3326 = vector.broadcast %min3A_3325 : i32 to vector<16xi32>
      %min3A_3327 = arith.minsi %add3A_3324, %min3A_3326 : vector<16xi32>
      %ge3A_3328 = arith.constant 2047 : i32
      %ge3A_3329 = vector.broadcast %ge3A_3328 : i32 to vector<16xi32>
      %ge3A_3330 = arith.cmpi sge, %min3A_3315, %ge3A_3329 : vector<16xi32>
      %jit3A_3331 = arith.constant 0.000000e+00 : f32
      %broadcast_in_dim3A_3332 = vector.broadcast %jit3A_3331 : f32 to vector<16xf32>
      %select_n3A_3333 = arith.select %ge3A_3330, %broadcast_in_dim3A_3332, %sub3A_3307 : vector<16xi1>, vector<16xf32>
      %mul3A_3334 = arith.constant 2048 : i32
      %mul3A_3335 = vector.broadcast %mul3A_3334 : i32 to vector<16xi32>
      %mul3A_3336 = arith.muli %min3A_3321, %mul3A_3335 : vector<16xi32>
      %add3A_3337 = arith.addi %mul3A_3336, %min3A_3315 : vector<16xi32>
      %mul3A_3338 = arith.constant 2048 : i32
      %mul3A_3339 = vector.broadcast %mul3A_3338 : i32 to vector<16xi32>
      %mul3A_3340 = arith.muli %min3A_3327, %mul3A_3339 : vector<16xi32>
      %add3A_3341 = arith.addi %mul3A_3340, %min3A_3315 : vector<16xi32>
      %swap3A_3342 = arith.constant 16 : index
      %swap3A_3343 = tpu.vector_load %arg16[%swap3A_3342] {strides = array<i32>} : memref<128xi32, #tpu.memory_space<vmem>>, vector<16xi32>,
      tpu.vector_store %arg16[%swap3A_3342], %add3A_3337 {strides = array<i32>} : memref<128xi32, #tpu.memory_space<vmem>>, vector<16xi32>,
      %add3A_3344 = arith.constant 1 : i32
      %add3A_3345 = vector.broadcast %add3A_3344 : i32 to vector<16xi32>
      %add3A_3346 = arith.addi %add3A_3337, %add3A_3345 : vector<16xi32>
      %swap3A_3347 = arith.constant 16 : index
      %swap3A_3348 = tpu.vector_load %arg17[%swap3A_3347] {strides = array<i32>} : memref<128xi32, #tpu.memory_space<vmem>>, vector<16xi32>,
      tpu.vector_store %arg17[%swap3A_3347], %add3A_3346 {strides = array<i32>} : memref<128xi32, #tpu.memory_space<vmem>>, vector<16xi32>,
      %swap3A_3349 = arith.constant 16 : index
      %swap3A_3350 = tpu.vector_load %arg18[%swap3A_3349] {strides = array<i32>} : memref<128xi32, #tpu.memory_space<vmem>>, vector<16xi32>,
      tpu.vector_store %arg18[%swap3A_3349], %add3A_3341 {strides = array<i32>} : memref<128xi32, #tpu.memory_space<vmem>>, vector<16xi32>,
      %add3A_3351 = arith.constant 1 : i32
      %add3A_3352 = vector.broadcast %add3A_3351 : i32 to vector<16xi32>
      %add3A_3353 = arith.addi %add3A_3341, %add3A_3352 : vector<16xi32>
      %swap3A_3354 = arith.constant 16 : index
      %swap3A_3355 = tpu.vector_load %arg19[%swap3A_3354] {strides = array<i32>} : memref<128xi32, #tpu.memory_space<vmem>>, vector<16xi32>,
      tpu.vector_store %arg19[%swap3A_3354], %add3A_3353 {strides = array<i32>} : memref<128xi32, #tpu.memory_space<vmem>>, vector<16xi32>,
      %swap3A_3356 = arith.constant 16 : index
      %swap3A_3357 = tpu.vector_load %arg20[%swap3A_3356] {strides = array<i32>} : memref<128xf32, #tpu.memory_space<vmem>>, vector<16xf32>,
      tpu.vector_store %arg20[%swap3A_3356], %select_n3A_3333 {strides = array<i32>} : memref<128xf32, #tpu.memory_space<vmem>>, vector<16xf32>,
      %swap3A_3358 = arith.constant 16 : index
      %swap3A_3359 = tpu.vector_load %arg21[%swap3A_3358] {strides = array<i32>} : memref<128xf32, #tpu.memory_space<vmem>>, vector<16xf32>,
      tpu.vector_store %arg21[%swap3A_3358], %sub3A_3309 {strides = array<i32>} : memref<128xf32, #tpu.memory_space<vmem>>, vector<16xf32>,
      %mul3A_3360 = arith.constant 128 : i32
      %mul3A_3361 = arith.muli %select_n3A_3207, %mul3A_3360 : i32
      %add3A_3362 = arith.constant 32 : i32
      %add3A_3363 = arith.addi %mul3A_3361, %add3A_3362 : i32
      %add3A_3364 = vector.broadcast %add3A_3363 : i32 to vector<16xi32>
      %add3A_3365 = arith.addi %add3A_3364, %iota3A : vector<16xi32>
      %mul3A_3366 = arith.constant 2 : i32
      %mul3A_3367 = vector.broadcast %mul3A_3366 : i32 to vector<16xi32>
      %mul3A_3368 = arith.muli %mul3A_3367, %add3A_3365 : vector<16xi32>
      %gather3A_3369 = tpu.vector_load_idx %arg5[%mul3A_3368] : memref<65536xf32, #tpu.memory_space<vmem>>[vector<16xi32>], vector<16xf32>,
      %add3A_3370 = arith.constant 1 : i32
      %add3A_3371 = vector.broadcast %add3A_3370 : i32 to vector<16xi32>
      %add3A_3372 = arith.addi %mul3A_3368, %add3A_3371 : vector<16xi32>
      %gather3A_3373 = tpu.vector_load_idx %arg5[%add3A_3372] : memref<65536xf32, #tpu.memory_space<vmem>>[vector<16xi32>], vector<16xf32>,
      %mul3A_3374 = arith.constant 2.048000e+03 : f32
      %mul3A_3375 = vector.broadcast %mul3A_3374 : f32 to vector<16xf32>
      %mul3A_3376 = arith.mulf %gather3A_3369, %mul3A_3375 : vector<16xf32>
      %mul3A_3377 = arith.constant 2.048000e+03 : f32
      %mul3A_3378 = vector.broadcast %mul3A_3377 : f32 to vector<16xf32>
      %mul3A_3379 = arith.mulf %gather3A_3373, %mul3A_3378 : vector<16xf32>
      %convert_element_type3A_3380 = arith.fptosi %mul3A_3376 : vector<16xf32> to vector<16xi32>
      %convert_element_type3A_3381 = arith.fptosi %mul3A_3379 : vector<16xf32> to vector<16xi32>
      %convert_element_type3A_3382 = arith.sitofp %convert_element_type3A_3380 : vector<16xi32> to vector<16xf32>
      %sub3A_3383 = arith.subf %mul3A_3376, %convert_element_type3A_3382 : vector<16xf32>
      %convert_element_type3A_3384 = arith.sitofp %convert_element_type3A_3381 : vector<16xi32> to vector<16xf32>
      %sub3A_3385 = arith.subf %mul3A_3379, %convert_element_type3A_3384 : vector<16xf32>
      %max3A_3386 = arith.constant 0 : i32
      %max3A_3387 = vector.broadcast %max3A_3386 : i32 to vector<16xi32>
      %max3A_3388 = arith.maxsi %convert_element_type3A_3380, %max3A_3387 : vector<16xi32>
      %min3A_3389 = arith.constant 2047 : i32
      %min3A_3390 = vector.broadcast %min3A_3389 : i32 to vector<16xi32>
      %min3A_3391 = arith.minsi %max3A_3388, %min3A_3390 : vector<16xi32>
      %max3A_3392 = arith.constant 0 : i32
      %max3A_3393 = vector.broadcast %max3A_3392 : i32 to vector<16xi32>
      %max3A_3394 = arith.maxsi %convert_element_type3A_3381, %max3A_3393 : vector<16xi32>
      %min3A_3395 = arith.constant 2047 : i32
      %min3A_3396 = vector.broadcast %min3A_3395 : i32 to vector<16xi32>
      %min3A_3397 = arith.minsi %max3A_3394, %min3A_3396 : vector<16xi32>
      %add3A_3398 = arith.constant 1 : i32
      %add3A_3399 = vector.broadcast %add3A_3398 : i32 to vector<16xi32>
      %add3A_3400 = arith.addi %min3A_3397, %add3A_3399 : vector<16xi32>
      %min3A_3401 = arith.constant 2047 : i32
      %min3A_3402 = vector.broadcast %min3A_3401 : i32 to vector<16xi32>
      %min3A_3403 = arith.minsi %add3A_3400, %min3A_3402 : vector<16xi32>
      %ge3A_3404 = arith.constant 2047 : i32
      %ge3A_3405 = vector.broadcast %ge3A_3404 : i32 to vector<16xi32>
      %ge3A_3406 = arith.cmpi sge, %min3A_3391, %ge3A_3405 : vector<16xi32>
      %jit3A_3407 = arith.constant 0.000000e+00 : f32
      %broadcast_in_dim3A_3408 = vector.broadcast %jit3A_3407 : f32 to vector<16xf32>
      %select_n3A_3409 = arith.select %ge3A_3406, %broadcast_in_dim3A_3408, %sub3A_3383 : vector<16xi1>, vector<16xf32>
      %mul3A_3410 = arith.constant 2048 : i32
      %mul3A_3411 = vector.broadcast %mul3A_3410 : i32 to vector<16xi32>
      %mul3A_3412 = arith.muli %min3A_3397, %mul3A_3411 : vector<16xi32>
      %add3A_3413 = arith.addi %mul3A_3412, %min3A_3391 : vector<16xi32>
      %mul3A_3414 = arith.constant 2048 : i32
      %mul3A_3415 = vector.broadcast %mul3A_3414 : i32 to vector<16xi32>
      %mul3A_3416 = arith.muli %min3A_3403, %mul3A_3415 : vector<16xi32>
      %add3A_3417 = arith.addi %mul3A_3416, %min3A_3391 : vector<16xi32>
      %swap3A_3418 = arith.constant 32 : index
      %swap3A_3419 = tpu.vector_load %arg16[%swap3A_3418] {strides = array<i32>} : memref<128xi32, #tpu.memory_space<vmem>>, vector<16xi32>,
      tpu.vector_store %arg16[%swap3A_3418], %add3A_3413 {strides = array<i32>} : memref<128xi32, #tpu.memory_space<vmem>>, vector<16xi32>,
      %add3A_3420 = arith.constant 1 : i32
      %add3A_3421 = vector.broadcast %add3A_3420 : i32 to vector<16xi32>
      %add3A_3422 = arith.addi %add3A_3413, %add3A_3421 : vector<16xi32>
      %swap3A_3423 = arith.constant 32 : index
      %swap3A_3424 = tpu.vector_load %arg17[%swap3A_3423] {strides = array<i32>} : memref<128xi32, #tpu.memory_space<vmem>>, vector<16xi32>,
      tpu.vector_store %arg17[%swap3A_3423], %add3A_3422 {strides = array<i32>} : memref<128xi32, #tpu.memory_space<vmem>>, vector<16xi32>,
      %swap3A_3425 = arith.constant 32 : index
      %swap3A_3426 = tpu.vector_load %arg18[%swap3A_3425] {strides = array<i32>} : memref<128xi32, #tpu.memory_space<vmem>>, vector<16xi32>,
      tpu.vector_store %arg18[%swap3A_3425], %add3A_3417 {strides = array<i32>} : memref<128xi32, #tpu.memory_space<vmem>>, vector<16xi32>,
      %add3A_3427 = arith.constant 1 : i32
      %add3A_3428 = vector.broadcast %add3A_3427 : i32 to vector<16xi32>
      %add3A_3429 = arith.addi %add3A_3417, %add3A_3428 : vector<16xi32>
      %swap3A_3430 = arith.constant 32 : index
      %swap3A_3431 = tpu.vector_load %arg19[%swap3A_3430] {strides = array<i32>} : memref<128xi32, #tpu.memory_space<vmem>>, vector<16xi32>,
      tpu.vector_store %arg19[%swap3A_3430], %add3A_3429 {strides = array<i32>} : memref<128xi32, #tpu.memory_space<vmem>>, vector<16xi32>,
      %swap3A_3432 = arith.constant 32 : index
      %swap3A_3433 = tpu.vector_load %arg20[%swap3A_3432] {strides = array<i32>} : memref<128xf32, #tpu.memory_space<vmem>>, vector<16xf32>,
      tpu.vector_store %arg20[%swap3A_3432], %select_n3A_3409 {strides = array<i32>} : memref<128xf32, #tpu.memory_space<vmem>>, vector<16xf32>,
      %swap3A_3434 = arith.constant 32 : index
      %swap3A_3435 = tpu.vector_load %arg21[%swap3A_3434] {strides = array<i32>} : memref<128xf32, #tpu.memory_space<vmem>>, vector<16xf32>,
      tpu.vector_store %arg21[%swap3A_3434], %sub3A_3385 {strides = array<i32>} : memref<128xf32, #tpu.memory_space<vmem>>, vector<16xf32>,
      %mul3A_3436 = arith.constant 128 : i32
      %mul3A_3437 = arith.muli %select_n3A_3207, %mul3A_3436 : i32
      %add3A_3438 = arith.constant 48 : i32
      %add3A_3439 = arith.addi %mul3A_3437, %add3A_3438 : i32
      %add3A_3440 = vector.broadcast %add3A_3439 : i32 to vector<16xi32>
      %add3A_3441 = arith.addi %add3A_3440, %iota3A : vector<16xi32>
      %mul3A_3442 = arith.constant 2 : i32
      %mul3A_3443 = vector.broadcast %mul3A_3442 : i32 to vector<16xi32>
      %mul3A_3444 = arith.muli %mul3A_3443, %add3A_3441 : vector<16xi32>
      %gather3A_3445 = tpu.vector_load_idx %arg5[%mul3A_3444] : memref<65536xf32, #tpu.memory_space<vmem>>[vector<16xi32>], vector<16xf32>,
      %add3A_3446 = arith.constant 1 : i32
      %add3A_3447 = vector.broadcast %add3A_3446 : i32 to vector<16xi32>
      %add3A_3448 = arith.addi %mul3A_3444, %add3A_3447 : vector<16xi32>
      %gather3A_3449 = tpu.vector_load_idx %arg5[%add3A_3448] : memref<65536xf32, #tpu.memory_space<vmem>>[vector<16xi32>], vector<16xf32>,
      %mul3A_3450 = arith.constant 2.048000e+03 : f32
      %mul3A_3451 = vector.broadcast %mul3A_3450 : f32 to vector<16xf32>
      %mul3A_3452 = arith.mulf %gather3A_3445, %mul3A_3451 : vector<16xf32>
      %mul3A_3453 = arith.constant 2.048000e+03 : f32
      %mul3A_3454 = vector.broadcast %mul3A_3453 : f32 to vector<16xf32>
      %mul3A_3455 = arith.mulf %gather3A_3449, %mul3A_3454 : vector<16xf32>
      %convert_element_type3A_3456 = arith.fptosi %mul3A_3452 : vector<16xf32> to vector<16xi32>
      %convert_element_type3A_3457 = arith.fptosi %mul3A_3455 : vector<16xf32> to vector<16xi32>
      %convert_element_type3A_3458 = arith.sitofp %convert_element_type3A_3456 : vector<16xi32> to vector<16xf32>
      %sub3A_3459 = arith.subf %mul3A_3452, %convert_element_type3A_3458 : vector<16xf32>
      %convert_element_type3A_3460 = arith.sitofp %convert_element_type3A_3457 : vector<16xi32> to vector<16xf32>
      %sub3A_3461 = arith.subf %mul3A_3455, %convert_element_type3A_3460 : vector<16xf32>
      %max3A_3462 = arith.constant 0 : i32
      %max3A_3463 = vector.broadcast %max3A_3462 : i32 to vector<16xi32>
      %max3A_3464 = arith.maxsi %convert_element_type3A_3456, %max3A_3463 : vector<16xi32>
      %min3A_3465 = arith.constant 2047 : i32
      %min3A_3466 = vector.broadcast %min3A_3465 : i32 to vector<16xi32>
      %min3A_3467 = arith.minsi %max3A_3464, %min3A_3466 : vector<16xi32>
      %max3A_3468 = arith.constant 0 : i32
      %max3A_3469 = vector.broadcast %max3A_3468 : i32 to vector<16xi32>
      %max3A_3470 = arith.maxsi %convert_element_type3A_3457, %max3A_3469 : vector<16xi32>
      %min3A_3471 = arith.constant 2047 : i32
      %min3A_3472 = vector.broadcast %min3A_3471 : i32 to vector<16xi32>
      %min3A_3473 = arith.minsi %max3A_3470, %min3A_3472 : vector<16xi32>
      %add3A_3474 = arith.constant 1 : i32
      %add3A_3475 = vector.broadcast %add3A_3474 : i32 to vector<16xi32>
      %add3A_3476 = arith.addi %min3A_3473, %add3A_3475 : vector<16xi32>
      %min3A_3477 = arith.constant 2047 : i32
      %min3A_3478 = vector.broadcast %min3A_3477 : i32 to vector<16xi32>
      %min3A_3479 = arith.minsi %add3A_3476, %min3A_3478 : vector<16xi32>
      %ge3A_3480 = arith.constant 2047 : i32
      %ge3A_3481 = vector.broadcast %ge3A_3480 : i32 to vector<16xi32>
      %ge3A_3482 = arith.cmpi sge, %min3A_3467, %ge3A_3481 : vector<16xi32>
      %jit3A_3483 = arith.constant 0.000000e+00 : f32
      %broadcast_in_dim3A_3484 = vector.broadcast %jit3A_3483 : f32 to vector<16xf32>
      %select_n3A_3485 = arith.select %ge3A_3482, %broadcast_in_dim3A_3484, %sub3A_3459 : vector<16xi1>, vector<16xf32>
      %mul3A_3486 = arith.constant 2048 : i32
      %mul3A_3487 = vector.broadcast %mul3A_3486 : i32 to vector<16xi32>
      %mul3A_3488 = arith.muli %min3A_3473, %mul3A_3487 : vector<16xi32>
      %add3A_3489 = arith.addi %mul3A_3488, %min3A_3467 : vector<16xi32>
      %mul3A_3490 = arith.constant 2048 : i32
      %mul3A_3491 = vector.broadcast %mul3A_3490 : i32 to vector<16xi32>
      %mul3A_3492 = arith.muli %min3A_3479, %mul3A_3491 : vector<16xi32>
      %add3A_3493 = arith.addi %mul3A_3492, %min3A_3467 : vector<16xi32>
      %swap3A_3494 = arith.constant 48 : index
      %swap3A_3495 = tpu.vector_load %arg16[%swap3A_3494] {strides = array<i32>} : memref<128xi32, #tpu.memory_space<vmem>>, vector<16xi32>,
      tpu.vector_store %arg16[%swap3A_3494], %add3A_3489 {strides = array<i32>} : memref<128xi32, #tpu.memory_space<vmem>>, vector<16xi32>,
      %add3A_3496 = arith.constant 1 : i32
      %add3A_3497 = vector.broadcast %add3A_3496 : i32 to vector<16xi32>
      %add3A_3498 = arith.addi %add3A_3489, %add3A_3497 : vector<16xi32>
      %swap3A_3499 = arith.constant 48 : index
      %swap3A_3500 = tpu.vector_load %arg17[%swap3A_3499] {strides = array<i32>} : memref<128xi32, #tpu.memory_space<vmem>>, vector<16xi32>,
      tpu.vector_store %arg17[%swap3A_3499], %add3A_3498 {strides = array<i32>} : memref<128xi32, #tpu.memory_space<vmem>>, vector<16xi32>,
      %swap3A_3501 = arith.constant 48 : index
      %swap3A_3502 = tpu.vector_load %arg18[%swap3A_3501] {strides = array<i32>} : memref<128xi32, #tpu.memory_space<vmem>>, vector<16xi32>,
      tpu.vector_store %arg18[%swap3A_3501], %add3A_3493 {strides = array<i32>} : memref<128xi32, #tpu.memory_space<vmem>>, vector<16xi32>,
      %add3A_3503 = arith.constant 1 : i32
      %add3A_3504 = vector.broadcast %add3A_3503 : i32 to vector<16xi32>
      %add3A_3505 = arith.addi %add3A_3493, %add3A_3504 : vector<16xi32>
      %swap3A_3506 = arith.constant 48 : index
      %swap3A_3507 = tpu.vector_load %arg19[%swap3A_3506] {strides = array<i32>} : memref<128xi32, #tpu.memory_space<vmem>>, vector<16xi32>,
      tpu.vector_store %arg19[%swap3A_3506], %add3A_3505 {strides = array<i32>} : memref<128xi32, #tpu.memory_space<vmem>>, vector<16xi32>,
      %swap3A_3508 = arith.constant 48 : index
      %swap3A_3509 = tpu.vector_load %arg20[%swap3A_3508] {strides = array<i32>} : memref<128xf32, #tpu.memory_space<vmem>>, vector<16xf32>,
      tpu.vector_store %arg20[%swap3A_3508], %select_n3A_3485 {strides = array<i32>} : memref<128xf32, #tpu.memory_space<vmem>>, vector<16xf32>,
      %swap3A_3510 = arith.constant 48 : index
      %swap3A_3511 = tpu.vector_load %arg21[%swap3A_3510] {strides = array<i32>} : memref<128xf32, #tpu.memory_space<vmem>>, vector<16xf32>,
      tpu.vector_store %arg21[%swap3A_3510], %sub3A_3461 {strides = array<i32>} : memref<128xf32, #tpu.memory_space<vmem>>, vector<16xf32>,
      %mul3A_3512 = arith.constant 128 : i32
      %mul3A_3513 = arith.muli %select_n3A_3207, %mul3A_3512 : i32
      %add3A_3514 = arith.constant 64 : i32
      %add3A_3515 = arith.addi %mul3A_3513, %add3A_3514 : i32
      %add3A_3516 = vector.broadcast %add3A_3515 : i32 to vector<16xi32>
      %add3A_3517 = arith.addi %add3A_3516, %iota3A : vector<16xi32>
      %mul3A_3518 = arith.constant 2 : i32
      %mul3A_3519 = vector.broadcast %mul3A_3518 : i32 to vector<16xi32>
      %mul3A_3520 = arith.muli %mul3A_3519, %add3A_3517 : vector<16xi32>
      %gather3A_3521 = tpu.vector_load_idx %arg5[%mul3A_3520] : memref<65536xf32, #tpu.memory_space<vmem>>[vector<16xi32>], vector<16xf32>,
      %add3A_3522 = arith.constant 1 : i32
      %add3A_3523 = vector.broadcast %add3A_3522 : i32 to vector<16xi32>
      %add3A_3524 = arith.addi %mul3A_3520, %add3A_3523 : vector<16xi32>
      %gather3A_3525 = tpu.vector_load_idx %arg5[%add3A_3524] : memref<65536xf32, #tpu.memory_space<vmem>>[vector<16xi32>], vector<16xf32>,
      %mul3A_3526 = arith.constant 2.048000e+03 : f32
      %mul3A_3527 = vector.broadcast %mul3A_3526 : f32 to vector<16xf32>
      %mul3A_3528 = arith.mulf %gather3A_3521, %mul3A_3527 : vector<16xf32>
      %mul3A_3529 = arith.constant 2.048000e+03 : f32
      %mul3A_3530 = vector.broadcast %mul3A_3529 : f32 to vector<16xf32>
      %mul3A_3531 = arith.mulf %gather3A_3525, %mul3A_3530 : vector<16xf32>
      %convert_element_type3A_3532 = arith.fptosi %mul3A_3528 : vector<16xf32> to vector<16xi32>
      %convert_element_type3A_3533 = arith.fptosi %mul3A_3531 : vector<16xf32> to vector<16xi32>
      %convert_element_type3A_3534 = arith.sitofp %convert_element_type3A_3532 : vector<16xi32> to vector<16xf32>
      %sub3A_3535 = arith.subf %mul3A_3528, %convert_element_type3A_3534 : vector<16xf32>
      %convert_element_type3A_3536 = arith.sitofp %convert_element_type3A_3533 : vector<16xi32> to vector<16xf32>
      %sub3A_3537 = arith.subf %mul3A_3531, %convert_element_type3A_3536 : vector<16xf32>
      %max3A_3538 = arith.constant 0 : i32
      %max3A_3539 = vector.broadcast %max3A_3538 : i32 to vector<16xi32>
      %max3A_3540 = arith.maxsi %convert_element_type3A_3532, %max3A_3539 : vector<16xi32>
      %min3A_3541 = arith.constant 2047 : i32
      %min3A_3542 = vector.broadcast %min3A_3541 : i32 to vector<16xi32>
      %min3A_3543 = arith.minsi %max3A_3540, %min3A_3542 : vector<16xi32>
      %max3A_3544 = arith.constant 0 : i32
      %max3A_3545 = vector.broadcast %max3A_3544 : i32 to vector<16xi32>
      %max3A_3546 = arith.maxsi %convert_element_type3A_3533, %max3A_3545 : vector<16xi32>
      %min3A_3547 = arith.constant 2047 : i32
      %min3A_3548 = vector.broadcast %min3A_3547 : i32 to vector<16xi32>
      %min3A_3549 = arith.minsi %max3A_3546, %min3A_3548 : vector<16xi32>
      %add3A_3550 = arith.constant 1 : i32
      %add3A_3551 = vector.broadcast %add3A_3550 : i32 to vector<16xi32>
      %add3A_3552 = arith.addi %min3A_3549, %add3A_3551 : vector<16xi32>
      %min3A_3553 = arith.constant 2047 : i32
      %min3A_3554 = vector.broadcast %min3A_3553 : i32 to vector<16xi32>
      %min3A_3555 = arith.minsi %add3A_3552, %min3A_3554 : vector<16xi32>
      %ge3A_3556 = arith.constant 2047 : i32
      %ge3A_3557 = vector.broadcast %ge3A_3556 : i32 to vector<16xi32>
      %ge3A_3558 = arith.cmpi sge, %min3A_3543, %ge3A_3557 : vector<16xi32>
      %jit3A_3559 = arith.constant 0.000000e+00 : f32
      %broadcast_in_dim3A_3560 = vector.broadcast %jit3A_3559 : f32 to vector<16xf32>
      %select_n3A_3561 = arith.select %ge3A_3558, %broadcast_in_dim3A_3560, %sub3A_3535 : vector<16xi1>, vector<16xf32>
      %mul3A_3562 = arith.constant 2048 : i32
      %mul3A_3563 = vector.broadcast %mul3A_3562 : i32 to vector<16xi32>
      %mul3A_3564 = arith.muli %min3A_3549, %mul3A_3563 : vector<16xi32>
      %add3A_3565 = arith.addi %mul3A_3564, %min3A_3543 : vector<16xi32>
      %mul3A_3566 = arith.constant 2048 : i32
      %mul3A_3567 = vector.broadcast %mul3A_3566 : i32 to vector<16xi32>
      %mul3A_3568 = arith.muli %min3A_3555, %mul3A_3567 : vector<16xi32>
      %add3A_3569 = arith.addi %mul3A_3568, %min3A_3543 : vector<16xi32>
      %swap3A_3570 = arith.constant 64 : index
      %swap3A_3571 = tpu.vector_load %arg16[%swap3A_3570] {strides = array<i32>} : memref<128xi32, #tpu.memory_space<vmem>>, vector<16xi32>,
      tpu.vector_store %arg16[%swap3A_3570], %add3A_3565 {strides = array<i32>} : memref<128xi32, #tpu.memory_space<vmem>>, vector<16xi32>,
      %add3A_3572 = arith.constant 1 : i32
      %add3A_3573 = vector.broadcast %add3A_3572 : i32 to vector<16xi32>
      %add3A_3574 = arith.addi %add3A_3565, %add3A_3573 : vector<16xi32>
      %swap3A_3575 = arith.constant 64 : index
      %swap3A_3576 = tpu.vector_load %arg17[%swap3A_3575] {strides = array<i32>} : memref<128xi32, #tpu.memory_space<vmem>>, vector<16xi32>,
      tpu.vector_store %arg17[%swap3A_3575], %add3A_3574 {strides = array<i32>} : memref<128xi32, #tpu.memory_space<vmem>>, vector<16xi32>,
      %swap3A_3577 = arith.constant 64 : index
      %swap3A_3578 = tpu.vector_load %arg18[%swap3A_3577] {strides = array<i32>} : memref<128xi32, #tpu.memory_space<vmem>>, vector<16xi32>,
      tpu.vector_store %arg18[%swap3A_3577], %add3A_3569 {strides = array<i32>} : memref<128xi32, #tpu.memory_space<vmem>>, vector<16xi32>,
      %add3A_3579 = arith.constant 1 : i32
      %add3A_3580 = vector.broadcast %add3A_3579 : i32 to vector<16xi32>
      %add3A_3581 = arith.addi %add3A_3569, %add3A_3580 : vector<16xi32>
      %swap3A_3582 = arith.constant 64 : index
      %swap3A_3583 = tpu.vector_load %arg19[%swap3A_3582] {strides = array<i32>} : memref<128xi32, #tpu.memory_space<vmem>>, vector<16xi32>,
      tpu.vector_store %arg19[%swap3A_3582], %add3A_3581 {strides = array<i32>} : memref<128xi32, #tpu.memory_space<vmem>>, vector<16xi32>,
      %swap3A_3584 = arith.constant 64 : index
      %swap3A_3585 = tpu.vector_load %arg20[%swap3A_3584] {strides = array<i32>} : memref<128xf32, #tpu.memory_space<vmem>>, vector<16xf32>,
      tpu.vector_store %arg20[%swap3A_3584], %select_n3A_3561 {strides = array<i32>} : memref<128xf32, #tpu.memory_space<vmem>>, vector<16xf32>,
      %swap3A_3586 = arith.constant 64 : index
      %swap3A_3587 = tpu.vector_load %arg21[%swap3A_3586] {strides = array<i32>} : memref<128xf32, #tpu.memory_space<vmem>>, vector<16xf32>,
      tpu.vector_store %arg21[%swap3A_3586], %sub3A_3537 {strides = array<i32>} : memref<128xf32, #tpu.memory_space<vmem>>, vector<16xf32>,
      %mul3A_3588 = arith.constant 128 : i32
      %mul3A_3589 = arith.muli %select_n3A_3207, %mul3A_3588 : i32
      %add3A_3590 = arith.constant 80 : i32
      %add3A_3591 = arith.addi %mul3A_3589, %add3A_3590 : i32
      %add3A_3592 = vector.broadcast %add3A_3591 : i32 to vector<16xi32>
      %add3A_3593 = arith.addi %add3A_3592, %iota3A : vector<16xi32>
      %mul3A_3594 = arith.constant 2 : i32
      %mul3A_3595 = vector.broadcast %mul3A_3594 : i32 to vector<16xi32>
      %mul3A_3596 = arith.muli %mul3A_3595, %add3A_3593 : vector<16xi32>
      %gather3A_3597 = tpu.vector_load_idx %arg5[%mul3A_3596] : memref<65536xf32, #tpu.memory_space<vmem>>[vector<16xi32>], vector<16xf32>,
      %add3A_3598 = arith.constant 1 : i32
      %add3A_3599 = vector.broadcast %add3A_3598 : i32 to vector<16xi32>
      %add3A_3600 = arith.addi %mul3A_3596, %add3A_3599 : vector<16xi32>
      %gather3A_3601 = tpu.vector_load_idx %arg5[%add3A_3600] : memref<65536xf32, #tpu.memory_space<vmem>>[vector<16xi32>], vector<16xf32>,
      %mul3A_3602 = arith.constant 2.048000e+03 : f32
      %mul3A_3603 = vector.broadcast %mul3A_3602 : f32 to vector<16xf32>
      %mul3A_3604 = arith.mulf %gather3A_3597, %mul3A_3603 : vector<16xf32>
      %mul3A_3605 = arith.constant 2.048000e+03 : f32
      %mul3A_3606 = vector.broadcast %mul3A_3605 : f32 to vector<16xf32>
      %mul3A_3607 = arith.mulf %gather3A_3601, %mul3A_3606 : vector<16xf32>
      %convert_element_type3A_3608 = arith.fptosi %mul3A_3604 : vector<16xf32> to vector<16xi32>
      %convert_element_type3A_3609 = arith.fptosi %mul3A_3607 : vector<16xf32> to vector<16xi32>
      %convert_element_type3A_3610 = arith.sitofp %convert_element_type3A_3608 : vector<16xi32> to vector<16xf32>
      %sub3A_3611 = arith.subf %mul3A_3604, %convert_element_type3A_3610 : vector<16xf32>
      %convert_element_type3A_3612 = arith.sitofp %convert_element_type3A_3609 : vector<16xi32> to vector<16xf32>
      %sub3A_3613 = arith.subf %mul3A_3607, %convert_element_type3A_3612 : vector<16xf32>
      %max3A_3614 = arith.constant 0 : i32
      %max3A_3615 = vector.broadcast %max3A_3614 : i32 to vector<16xi32>
      %max3A_3616 = arith.maxsi %convert_element_type3A_3608, %max3A_3615 : vector<16xi32>
      %min3A_3617 = arith.constant 2047 : i32
      %min3A_3618 = vector.broadcast %min3A_3617 : i32 to vector<16xi32>
      %min3A_3619 = arith.minsi %max3A_3616, %min3A_3618 : vector<16xi32>
      %max3A_3620 = arith.constant 0 : i32
      %max3A_3621 = vector.broadcast %max3A_3620 : i32 to vector<16xi32>
      %max3A_3622 = arith.maxsi %convert_element_type3A_3609, %max3A_3621 : vector<16xi32>
      %min3A_3623 = arith.constant 2047 : i32
      %min3A_3624 = vector.broadcast %min3A_3623 : i32 to vector<16xi32>
      %min3A_3625 = arith.minsi %max3A_3622, %min3A_3624 : vector<16xi32>
      %add3A_3626 = arith.constant 1 : i32
      %add3A_3627 = vector.broadcast %add3A_3626 : i32 to vector<16xi32>
      %add3A_3628 = arith.addi %min3A_3625, %add3A_3627 : vector<16xi32>
      %min3A_3629 = arith.constant 2047 : i32
      %min3A_3630 = vector.broadcast %min3A_3629 : i32 to vector<16xi32>
      %min3A_3631 = arith.minsi %add3A_3628, %min3A_3630 : vector<16xi32>
      %ge3A_3632 = arith.constant 2047 : i32
      %ge3A_3633 = vector.broadcast %ge3A_3632 : i32 to vector<16xi32>
      %ge3A_3634 = arith.cmpi sge, %min3A_3619, %ge3A_3633 : vector<16xi32>
      %jit3A_3635 = arith.constant 0.000000e+00 : f32
      %broadcast_in_dim3A_3636 = vector.broadcast %jit3A_3635 : f32 to vector<16xf32>
      %select_n3A_3637 = arith.select %ge3A_3634, %broadcast_in_dim3A_3636, %sub3A_3611 : vector<16xi1>, vector<16xf32>
      %mul3A_3638 = arith.constant 2048 : i32
      %mul3A_3639 = vector.broadcast %mul3A_3638 : i32 to vector<16xi32>
      %mul3A_3640 = arith.muli %min3A_3625, %mul3A_3639 : vector<16xi32>
      %add3A_3641 = arith.addi %mul3A_3640, %min3A_3619 : vector<16xi32>
      %mul3A_3642 = arith.constant 2048 : i32
      %mul3A_3643 = vector.broadcast %mul3A_3642 : i32 to vector<16xi32>
      %mul3A_3644 = arith.muli %min3A_3631, %mul3A_3643 : vector<16xi32>
      %add3A_3645 = arith.addi %mul3A_3644, %min3A_3619 : vector<16xi32>
      %swap3A_3646 = arith.constant 80 : index
      %swap3A_3647 = tpu.vector_load %arg16[%swap3A_3646] {strides = array<i32>} : memref<128xi32, #tpu.memory_space<vmem>>, vector<16xi32>,
      tpu.vector_store %arg16[%swap3A_3646], %add3A_3641 {strides = array<i32>} : memref<128xi32, #tpu.memory_space<vmem>>, vector<16xi32>,
      %add3A_3648 = arith.constant 1 : i32
      %add3A_3649 = vector.broadcast %add3A_3648 : i32 to vector<16xi32>
      %add3A_3650 = arith.addi %add3A_3641, %add3A_3649 : vector<16xi32>
      %swap3A_3651 = arith.constant 80 : index
      %swap3A_3652 = tpu.vector_load %arg17[%swap3A_3651] {strides = array<i32>} : memref<128xi32, #tpu.memory_space<vmem>>, vector<16xi32>,
      tpu.vector_store %arg17[%swap3A_3651], %add3A_3650 {strides = array<i32>} : memref<128xi32, #tpu.memory_space<vmem>>, vector<16xi32>,
      %swap3A_3653 = arith.constant 80 : index
      %swap3A_3654 = tpu.vector_load %arg18[%swap3A_3653] {strides = array<i32>} : memref<128xi32, #tpu.memory_space<vmem>>, vector<16xi32>,
      tpu.vector_store %arg18[%swap3A_3653], %add3A_3645 {strides = array<i32>} : memref<128xi32, #tpu.memory_space<vmem>>, vector<16xi32>,
      %add3A_3655 = arith.constant 1 : i32
      %add3A_3656 = vector.broadcast %add3A_3655 : i32 to vector<16xi32>
      %add3A_3657 = arith.addi %add3A_3645, %add3A_3656 : vector<16xi32>
      %swap3A_3658 = arith.constant 80 : index
      %swap3A_3659 = tpu.vector_load %arg19[%swap3A_3658] {strides = array<i32>} : memref<128xi32, #tpu.memory_space<vmem>>, vector<16xi32>,
      tpu.vector_store %arg19[%swap3A_3658], %add3A_3657 {strides = array<i32>} : memref<128xi32, #tpu.memory_space<vmem>>, vector<16xi32>,
      %swap3A_3660 = arith.constant 80 : index
      %swap3A_3661 = tpu.vector_load %arg20[%swap3A_3660] {strides = array<i32>} : memref<128xf32, #tpu.memory_space<vmem>>, vector<16xf32>,
      tpu.vector_store %arg20[%swap3A_3660], %select_n3A_3637 {strides = array<i32>} : memref<128xf32, #tpu.memory_space<vmem>>, vector<16xf32>,
      %swap3A_3662 = arith.constant 80 : index
      %swap3A_3663 = tpu.vector_load %arg21[%swap3A_3662] {strides = array<i32>} : memref<128xf32, #tpu.memory_space<vmem>>, vector<16xf32>,
      tpu.vector_store %arg21[%swap3A_3662], %sub3A_3613 {strides = array<i32>} : memref<128xf32, #tpu.memory_space<vmem>>, vector<16xf32>,
      %mul3A_3664 = arith.constant 128 : i32
      %mul3A_3665 = arith.muli %select_n3A_3207, %mul3A_3664 : i32
      %add3A_3666 = arith.constant 96 : i32
      %add3A_3667 = arith.addi %mul3A_3665, %add3A_3666 : i32
      %add3A_3668 = vector.broadcast %add3A_3667 : i32 to vector<16xi32>
      %add3A_3669 = arith.addi %add3A_3668, %iota3A : vector<16xi32>
      %mul3A_3670 = arith.constant 2 : i32
      %mul3A_3671 = vector.broadcast %mul3A_3670 : i32 to vector<16xi32>
      %mul3A_3672 = arith.muli %mul3A_3671, %add3A_3669 : vector<16xi32>
      %gather3A_3673 = tpu.vector_load_idx %arg5[%mul3A_3672] : memref<65536xf32, #tpu.memory_space<vmem>>[vector<16xi32>], vector<16xf32>,
      %add3A_3674 = arith.constant 1 : i32
      %add3A_3675 = vector.broadcast %add3A_3674 : i32 to vector<16xi32>
      %add3A_3676 = arith.addi %mul3A_3672, %add3A_3675 : vector<16xi32>
      %gather3A_3677 = tpu.vector_load_idx %arg5[%add3A_3676] : memref<65536xf32, #tpu.memory_space<vmem>>[vector<16xi32>], vector<16xf32>,
      %mul3A_3678 = arith.constant 2.048000e+03 : f32
      %mul3A_3679 = vector.broadcast %mul3A_3678 : f32 to vector<16xf32>
      %mul3A_3680 = arith.mulf %gather3A_3673, %mul3A_3679 : vector<16xf32>
      %mul3A_3681 = arith.constant 2.048000e+03 : f32
      %mul3A_3682 = vector.broadcast %mul3A_3681 : f32 to vector<16xf32>
      %mul3A_3683 = arith.mulf %gather3A_3677, %mul3A_3682 : vector<16xf32>
      %convert_element_type3A_3684 = arith.fptosi %mul3A_3680 : vector<16xf32> to vector<16xi32>
      %convert_element_type3A_3685 = arith.fptosi %mul3A_3683 : vector<16xf32> to vector<16xi32>
      %convert_element_type3A_3686 = arith.sitofp %convert_element_type3A_3684 : vector<16xi32> to vector<16xf32>
      %sub3A_3687 = arith.subf %mul3A_3680, %convert_element_type3A_3686 : vector<16xf32>
      %convert_element_type3A_3688 = arith.sitofp %convert_element_type3A_3685 : vector<16xi32> to vector<16xf32>
      %sub3A_3689 = arith.subf %mul3A_3683, %convert_element_type3A_3688 : vector<16xf32>
      %max3A_3690 = arith.constant 0 : i32
      %max3A_3691 = vector.broadcast %max3A_3690 : i32 to vector<16xi32>
      %max3A_3692 = arith.maxsi %convert_element_type3A_3684, %max3A_3691 : vector<16xi32>
      %min3A_3693 = arith.constant 2047 : i32
      %min3A_3694 = vector.broadcast %min3A_3693 : i32 to vector<16xi32>
      %min3A_3695 = arith.minsi %max3A_3692, %min3A_3694 : vector<16xi32>
      %max3A_3696 = arith.constant 0 : i32
      %max3A_3697 = vector.broadcast %max3A_3696 : i32 to vector<16xi32>
      %max3A_3698 = arith.maxsi %convert_element_type3A_3685, %max3A_3697 : vector<16xi32>
      %min3A_3699 = arith.constant 2047 : i32
      %min3A_3700 = vector.broadcast %min3A_3699 : i32 to vector<16xi32>
      %min3A_3701 = arith.minsi %max3A_3698, %min3A_3700 : vector<16xi32>
      %add3A_3702 = arith.constant 1 : i32
      %add3A_3703 = vector.broadcast %add3A_3702 : i32 to vector<16xi32>
      %add3A_3704 = arith.addi %min3A_3701, %add3A_3703 : vector<16xi32>
      %min3A_3705 = arith.constant 2047 : i32
      %min3A_3706 = vector.broadcast %min3A_3705 : i32 to vector<16xi32>
      %min3A_3707 = arith.minsi %add3A_3704, %min3A_3706 : vector<16xi32>
      %ge3A_3708 = arith.constant 2047 : i32
      %ge3A_3709 = vector.broadcast %ge3A_3708 : i32 to vector<16xi32>
      %ge3A_3710 = arith.cmpi sge, %min3A_3695, %ge3A_3709 : vector<16xi32>
      %jit3A_3711 = arith.constant 0.000000e+00 : f32
      %broadcast_in_dim3A_3712 = vector.broadcast %jit3A_3711 : f32 to vector<16xf32>
      %select_n3A_3713 = arith.select %ge3A_3710, %broadcast_in_dim3A_3712, %sub3A_3687 : vector<16xi1>, vector<16xf32>
      %mul3A_3714 = arith.constant 2048 : i32
      %mul3A_3715 = vector.broadcast %mul3A_3714 : i32 to vector<16xi32>
      %mul3A_3716 = arith.muli %min3A_3701, %mul3A_3715 : vector<16xi32>
      %add3A_3717 = arith.addi %mul3A_3716, %min3A_3695 : vector<16xi32>
      %mul3A_3718 = arith.constant 2048 : i32
      %mul3A_3719 = vector.broadcast %mul3A_3718 : i32 to vector<16xi32>
      %mul3A_3720 = arith.muli %min3A_3707, %mul3A_3719 : vector<16xi32>
      %add3A_3721 = arith.addi %mul3A_3720, %min3A_3695 : vector<16xi32>
      %swap3A_3722 = arith.constant 96 : index
      %swap3A_3723 = tpu.vector_load %arg16[%swap3A_3722] {strides = array<i32>} : memref<128xi32, #tpu.memory_space<vmem>>, vector<16xi32>,
      tpu.vector_store %arg16[%swap3A_3722], %add3A_3717 {strides = array<i32>} : memref<128xi32, #tpu.memory_space<vmem>>, vector<16xi32>,
      %add3A_3724 = arith.constant 1 : i32
      %add3A_3725 = vector.broadcast %add3A_3724 : i32 to vector<16xi32>
      %add3A_3726 = arith.addi %add3A_3717, %add3A_3725 : vector<16xi32>
      %swap3A_3727 = arith.constant 96 : index
      %swap3A_3728 = tpu.vector_load %arg17[%swap3A_3727] {strides = array<i32>} : memref<128xi32, #tpu.memory_space<vmem>>, vector<16xi32>,
      tpu.vector_store %arg17[%swap3A_3727], %add3A_3726 {strides = array<i32>} : memref<128xi32, #tpu.memory_space<vmem>>, vector<16xi32>,
      %swap3A_3729 = arith.constant 96 : index
      %swap3A_3730 = tpu.vector_load %arg18[%swap3A_3729] {strides = array<i32>} : memref<128xi32, #tpu.memory_space<vmem>>, vector<16xi32>,
      tpu.vector_store %arg18[%swap3A_3729], %add3A_3721 {strides = array<i32>} : memref<128xi32, #tpu.memory_space<vmem>>, vector<16xi32>,
      %add3A_3731 = arith.constant 1 : i32
      %add3A_3732 = vector.broadcast %add3A_3731 : i32 to vector<16xi32>
      %add3A_3733 = arith.addi %add3A_3721, %add3A_3732 : vector<16xi32>
      %swap3A_3734 = arith.constant 96 : index
      %swap3A_3735 = tpu.vector_load %arg19[%swap3A_3734] {strides = array<i32>} : memref<128xi32, #tpu.memory_space<vmem>>, vector<16xi32>,
      tpu.vector_store %arg19[%swap3A_3734], %add3A_3733 {strides = array<i32>} : memref<128xi32, #tpu.memory_space<vmem>>, vector<16xi32>,
      %swap3A_3736 = arith.constant 96 : index
      %swap3A_3737 = tpu.vector_load %arg20[%swap3A_3736] {strides = array<i32>} : memref<128xf32, #tpu.memory_space<vmem>>, vector<16xf32>,
      tpu.vector_store %arg20[%swap3A_3736], %select_n3A_3713 {strides = array<i32>} : memref<128xf32, #tpu.memory_space<vmem>>, vector<16xf32>,
      %swap3A_3738 = arith.constant 96 : index
      %swap3A_3739 = tpu.vector_load %arg21[%swap3A_3738] {strides = array<i32>} : memref<128xf32, #tpu.memory_space<vmem>>, vector<16xf32>,
      tpu.vector_store %arg21[%swap3A_3738], %sub3A_3689 {strides = array<i32>} : memref<128xf32, #tpu.memory_space<vmem>>, vector<16xf32>,
      %mul3A_3740 = arith.constant 128 : i32
      %mul3A_3741 = arith.muli %select_n3A_3207, %mul3A_3740 : i32
      %add3A_3742 = arith.constant 112 : i32
      %add3A_3743 = arith.addi %mul3A_3741, %add3A_3742 : i32
      %add3A_3744 = vector.broadcast %add3A_3743 : i32 to vector<16xi32>
      %add3A_3745 = arith.addi %add3A_3744, %iota3A : vector<16xi32>
      %mul3A_3746 = arith.constant 2 : i32
      %mul3A_3747 = vector.broadcast %mul3A_3746 : i32 to vector<16xi32>
      %mul3A_3748 = arith.muli %mul3A_3747, %add3A_3745 : vector<16xi32>
      %gather3A_3749 = tpu.vector_load_idx %arg5[%mul3A_3748] : memref<65536xf32, #tpu.memory_space<vmem>>[vector<16xi32>], vector<16xf32>,
      %add3A_3750 = arith.constant 1 : i32
      %add3A_3751 = vector.broadcast %add3A_3750 : i32 to vector<16xi32>
      %add3A_3752 = arith.addi %mul3A_3748, %add3A_3751 : vector<16xi32>
      %gather3A_3753 = tpu.vector_load_idx %arg5[%add3A_3752] : memref<65536xf32, #tpu.memory_space<vmem>>[vector<16xi32>], vector<16xf32>,
      %mul3A_3754 = arith.constant 2.048000e+03 : f32
      %mul3A_3755 = vector.broadcast %mul3A_3754 : f32 to vector<16xf32>
      %mul3A_3756 = arith.mulf %gather3A_3749, %mul3A_3755 : vector<16xf32>
      %mul3A_3757 = arith.constant 2.048000e+03 : f32
      %mul3A_3758 = vector.broadcast %mul3A_3757 : f32 to vector<16xf32>
      %mul3A_3759 = arith.mulf %gather3A_3753, %mul3A_3758 : vector<16xf32>
      %convert_element_type3A_3760 = arith.fptosi %mul3A_3756 : vector<16xf32> to vector<16xi32>
      %convert_element_type3A_3761 = arith.fptosi %mul3A_3759 : vector<16xf32> to vector<16xi32>
      %convert_element_type3A_3762 = arith.sitofp %convert_element_type3A_3760 : vector<16xi32> to vector<16xf32>
      %sub3A_3763 = arith.subf %mul3A_3756, %convert_element_type3A_3762 : vector<16xf32>
      %convert_element_type3A_3764 = arith.sitofp %convert_element_type3A_3761 : vector<16xi32> to vector<16xf32>
      %sub3A_3765 = arith.subf %mul3A_3759, %convert_element_type3A_3764 : vector<16xf32>
      %max3A_3766 = arith.constant 0 : i32
      %max3A_3767 = vector.broadcast %max3A_3766 : i32 to vector<16xi32>
      %max3A_3768 = arith.maxsi %convert_element_type3A_3760, %max3A_3767 : vector<16xi32>
      %min3A_3769 = arith.constant 2047 : i32
      %min3A_3770 = vector.broadcast %min3A_3769 : i32 to vector<16xi32>
      %min3A_3771 = arith.minsi %max3A_3768, %min3A_3770 : vector<16xi32>
      %max3A_3772 = arith.constant 0 : i32
      %max3A_3773 = vector.broadcast %max3A_3772 : i32 to vector<16xi32>
      %max3A_3774 = arith.maxsi %convert_element_type3A_3761, %max3A_3773 : vector<16xi32>
      %min3A_3775 = arith.constant 2047 : i32
      %min3A_3776 = vector.broadcast %min3A_3775 : i32 to vector<16xi32>
      %min3A_3777 = arith.minsi %max3A_3774, %min3A_3776 : vector<16xi32>
      %add3A_3778 = arith.constant 1 : i32
      %add3A_3779 = vector.broadcast %add3A_3778 : i32 to vector<16xi32>
      %add3A_3780 = arith.addi %min3A_3777, %add3A_3779 : vector<16xi32>
      %min3A_3781 = arith.constant 2047 : i32
      %min3A_3782 = vector.broadcast %min3A_3781 : i32 to vector<16xi32>
      %min3A_3783 = arith.minsi %add3A_3780, %min3A_3782 : vector<16xi32>
      %ge3A_3784 = arith.constant 2047 : i32
      %ge3A_3785 = vector.broadcast %ge3A_3784 : i32 to vector<16xi32>
      %ge3A_3786 = arith.cmpi sge, %min3A_3771, %ge3A_3785 : vector<16xi32>
      %jit3A_3787 = arith.constant 0.000000e+00 : f32
      %broadcast_in_dim3A_3788 = vector.broadcast %jit3A_3787 : f32 to vector<16xf32>
      %select_n3A_3789 = arith.select %ge3A_3786, %broadcast_in_dim3A_3788, %sub3A_3763 : vector<16xi1>, vector<16xf32>
      %mul3A_3790 = arith.constant 2048 : i32
      %mul3A_3791 = vector.broadcast %mul3A_3790 : i32 to vector<16xi32>
      %mul3A_3792 = arith.muli %min3A_3777, %mul3A_3791 : vector<16xi32>
      %add3A_3793 = arith.addi %mul3A_3792, %min3A_3771 : vector<16xi32>
      %mul3A_3794 = arith.constant 2048 : i32
      %mul3A_3795 = vector.broadcast %mul3A_3794 : i32 to vector<16xi32>
      %mul3A_3796 = arith.muli %min3A_3783, %mul3A_3795 : vector<16xi32>
      %add3A_3797 = arith.addi %mul3A_3796, %min3A_3771 : vector<16xi32>
      %swap3A_3798 = arith.constant 112 : index
      %swap3A_3799 = tpu.vector_load %arg16[%swap3A_3798] {strides = array<i32>} : memref<128xi32, #tpu.memory_space<vmem>>, vector<16xi32>,
      tpu.vector_store %arg16[%swap3A_3798], %add3A_3793 {strides = array<i32>} : memref<128xi32, #tpu.memory_space<vmem>>, vector<16xi32>,
      %add3A_3800 = arith.constant 1 : i32
      %add3A_3801 = vector.broadcast %add3A_3800 : i32 to vector<16xi32>
      %add3A_3802 = arith.addi %add3A_3793, %add3A_3801 : vector<16xi32>
      %swap3A_3803 = arith.constant 112 : index
      %swap3A_3804 = tpu.vector_load %arg17[%swap3A_3803] {strides = array<i32>} : memref<128xi32, #tpu.memory_space<vmem>>, vector<16xi32>,
      tpu.vector_store %arg17[%swap3A_3803], %add3A_3802 {strides = array<i32>} : memref<128xi32, #tpu.memory_space<vmem>>, vector<16xi32>,
      %swap3A_3805 = arith.constant 112 : index
      %swap3A_3806 = tpu.vector_load %arg18[%swap3A_3805] {strides = array<i32>} : memref<128xi32, #tpu.memory_space<vmem>>, vector<16xi32>,
      tpu.vector_store %arg18[%swap3A_3805], %add3A_3797 {strides = array<i32>} : memref<128xi32, #tpu.memory_space<vmem>>, vector<16xi32>,
      %add3A_3807 = arith.constant 1 : i32
      %add3A_3808 = vector.broadcast %add3A_3807 : i32 to vector<16xi32>
      %add3A_3809 = arith.addi %add3A_3797, %add3A_3808 : vector<16xi32>
      %swap3A_3810 = arith.constant 112 : index
      %swap3A_3811 = tpu.vector_load %arg19[%swap3A_3810] {strides = array<i32>} : memref<128xi32, #tpu.memory_space<vmem>>, vector<16xi32>,
      tpu.vector_store %arg19[%swap3A_3810], %add3A_3809 {strides = array<i32>} : memref<128xi32, #tpu.memory_space<vmem>>, vector<16xi32>,
      %swap3A_3812 = arith.constant 112 : index
      %swap3A_3813 = tpu.vector_load %arg20[%swap3A_3812] {strides = array<i32>} : memref<128xf32, #tpu.memory_space<vmem>>, vector<16xf32>,
      tpu.vector_store %arg20[%swap3A_3812], %select_n3A_3789 {strides = array<i32>} : memref<128xf32, #tpu.memory_space<vmem>>, vector<16xf32>,
      %swap3A_3814 = arith.constant 112 : index
      %swap3A_3815 = tpu.vector_load %arg21[%swap3A_3814] {strides = array<i32>} : memref<128xf32, #tpu.memory_space<vmem>>, vector<16xf32>,
      tpu.vector_store %arg21[%swap3A_3814], %sub3A_3765 {strides = array<i32>} : memref<128xf32, #tpu.memory_space<vmem>>, vector<16xf32>,
      %dma_start3A_3816 = arith.constant 0 : i32
      %dma_start3A_3817 = arith.constant 0 : i32
      %dma_start3A_3818 = tpu.memref_slice %arg3[%dma_start3A_3816, %dma_start3A_3817] : memref<4194305x8xf32, #tpu.memory_space<hbm>> -> memref<4194305x8xf32, #tpu.memory_space<hbm>>
      tpu.enqueue_indirect_dma source(%dma_start3A_3818 : memref<4194305x8xf32, #tpu.memory_space<hbm>>) target(%arg22 : memref<128x8xf32, #tpu.memory_space<vmem>>) offsets(%arg16 : memref<128xi32, #tpu.memory_space<vmem>>) semaphore(%arg28 : memref<!tpu.dma_semaphore, #tpu.memory_space<semaphore_mem>>)
      %dma_start3A_3819 = arith.constant 0 : i32
      %dma_start3A_3820 = arith.constant 0 : i32
      %dma_start3A_3821 = tpu.memref_slice %arg3[%dma_start3A_3819, %dma_start3A_3820] : memref<4194305x8xf32, #tpu.memory_space<hbm>> -> memref<4194305x8xf32, #tpu.memory_space<hbm>>
      tpu.enqueue_indirect_dma source(%dma_start3A_3821 : memref<4194305x8xf32, #tpu.memory_space<hbm>>) target(%arg23 : memref<128x8xf32, #tpu.memory_space<vmem>>) offsets(%arg17 : memref<128xi32, #tpu.memory_space<vmem>>) semaphore(%arg28 : memref<!tpu.dma_semaphore, #tpu.memory_space<semaphore_mem>>)
      %dma_start3A_3822 = arith.constant 0 : i32
      %dma_start3A_3823 = arith.constant 0 : i32
      %dma_start3A_3824 = tpu.memref_slice %arg3[%dma_start3A_3822, %dma_start3A_3823] : memref<4194305x8xf32, #tpu.memory_space<hbm>> -> memref<4194305x8xf32, #tpu.memory_space<hbm>>
      tpu.enqueue_indirect_dma source(%dma_start3A_3824 : memref<4194305x8xf32, #tpu.memory_space<hbm>>) target(%arg24 : memref<128x8xf32, #tpu.memory_space<vmem>>) offsets(%arg18 : memref<128xi32, #tpu.memory_space<vmem>>) semaphore(%arg28 : memref<!tpu.dma_semaphore, #tpu.memory_space<semaphore_mem>>)
      %dma_start3A_3825 = arith.constant 0 : i32
      %dma_start3A_3826 = arith.constant 0 : i32
      %dma_start3A_3827 = tpu.memref_slice %arg3[%dma_start3A_3825, %dma_start3A_3826] : memref<4194305x8xf32, #tpu.memory_space<hbm>> -> memref<4194305x8xf32, #tpu.memory_space<hbm>>
      tpu.enqueue_indirect_dma source(%dma_start3A_3827 : memref<4194305x8xf32, #tpu.memory_space<hbm>>) target(%arg25 : memref<128x8xf32, #tpu.memory_space<vmem>>) offsets(%arg19 : memref<128xi32, #tpu.memory_space<vmem>>) semaphore(%arg28 : memref<!tpu.dma_semaphore, #tpu.memory_space<semaphore_mem>>)
      %mul3A_3828 = arith.constant 32768 : i32
      %mul3A_3829 = arith.muli %add3A, %mul3A_3828 : i32
      %mul3A_3830 = arith.constant 2 : i32
      %mul3A_3831 = arith.muli %mul3A_3830, %scan3A_1278 : i32
      %mul3A_3832 = arith.constant 128 : i32
      %mul3A_3833 = arith.muli %mul3A_3831, %mul3A_3832 : i32
      %add3A_3834 = arith.addi %mul3A_3829, %mul3A_3833 : i32
      %mul3A_3835 = arith.constant 3 : i32
      %mul3A_3836 = arith.muli %mul3A_3835, %add3A_3834 : i32
      "tpu.region"() ({
        %run_scoped3A = tpu.sem_alloc : memref<!tpu.dma_semaphore, #tpu.memory_space<semaphore_mem>>
        %dma_start3A_3837 = tpu.memref_slice %arg4[%mul3A_3836] : memref<3145728xf32, #tpu.memory_space<hbm>> -> memref<768xf32, #tpu.memory_space<hbm>>
        %dma_start3A_3838 = tpu.memref_slice %arg4[%mul3A_3836] : memref<3145728xf32, #tpu.memory_space<hbm>> -> memref<768xf32, #tpu.memory_space<hbm>>
        tpu.enqueue_dma source(%arg26 : memref<768xf32, #tpu.memory_space<vmem>>) target(%dma_start3A_3838 : memref<768xf32, #tpu.memory_space<hbm>>) target_semaphore(%run_scoped3A : memref<!tpu.dma_semaphore, #tpu.memory_space<semaphore_mem>>)
        %dma_wait3A_3839 = tpu.memref_slice %arg4[%mul3A_3836] : memref<3145728xf32, #tpu.memory_space<hbm>> -> memref<768xf32, #tpu.memory_space<hbm>>
        %dma_wait3A_3840 = tpu.memref_slice %arg4[%mul3A_3836] : memref<3145728xf32, #tpu.memory_space<hbm>> -> memref<768xf32, #tpu.memory_space<hbm>>
        tpu.wait_dma2 semaphore(%run_scoped3A : memref<!tpu.dma_semaphore, #tpu.memory_space<semaphore_mem>>) src(%arg26 : memref<768xf32, #tpu.memory_space<vmem>>) dst(%dma_wait3A_3840 : memref<768xf32, #tpu.memory_space<hbm>>)
        tpu.yield
      }) : () -> ()
    }
    %scan3A_1254 = arith.constant 128 : i32
    %dma_wait3A = arith.constant 0 : i32
    %dma_wait3A_1255 = arith.constant 0 : i32
    %dma_wait3A_1256 = tpu.memref_slice %arg3[%dma_wait3A, %dma_wait3A_1255] : memref<4194305x8xf32, #tpu.memory_space<hbm>> -> memref<4194305x8xf32, #tpu.memory_space<hbm>>
    tpu.wait_indirect_dma semaphore(%arg27 : memref<!tpu.dma_semaphore, #tpu.memory_space<semaphore_mem>>) src(%dma_wait3A_1256 : memref<4194305x8xf32, #tpu.memory_space<hbm>>) dst(%arg12 : memref<128x8xf32, #tpu.memory_space<vmem>>)
    %dma_wait3A_1257 = arith.constant 0 : i32
    %dma_wait3A_1258 = arith.constant 0 : i32
    %dma_wait3A_1259 = tpu.memref_slice %arg3[%dma_wait3A_1257, %dma_wait3A_1258] : memref<4194305x8xf32, #tpu.memory_space<hbm>> -> memref<4194305x8xf32, #tpu.memory_space<hbm>>
    tpu.wait_indirect_dma semaphore(%arg27 : memref<!tpu.dma_semaphore, #tpu.memory_space<semaphore_mem>>) src(%dma_wait3A_1259 : memref<4194305x8xf32, #tpu.memory_space<hbm>>) dst(%arg13 : memref<128x8xf32, #tpu.memory_space<vmem>>)
    %dma_wait3A_1260 = arith.constant 0 : i32
    %dma_wait3A_1261 = arith.constant 0 : i32
    %dma_wait3A_1262 = tpu.memref_slice %arg3[%dma_wait3A_1260, %dma_wait3A_1261] : memref<4194305x8xf32, #tpu.memory_space<hbm>> -> memref<4194305x8xf32, #tpu.memory_space<hbm>>
    tpu.wait_indirect_dma semaphore(%arg27 : memref<!tpu.dma_semaphore, #tpu.memory_space<semaphore_mem>>) src(%dma_wait3A_1262 : memref<4194305x8xf32, #tpu.memory_space<hbm>>) dst(%arg14 : memref<128x8xf32, #tpu.memory_space<vmem>>)
    %dma_wait3A_1263 = arith.constant 0 : i32
    %dma_wait3A_1264 = arith.constant 0 : i32
    %dma_wait3A_1265 = tpu.memref_slice %arg3[%dma_wait3A_1263, %dma_wait3A_1264] : memref<4194305x8xf32, #tpu.memory_space<hbm>> -> memref<4194305x8xf32, #tpu.memory_space<hbm>>
    tpu.wait_indirect_dma semaphore(%arg27 : memref<!tpu.dma_semaphore, #tpu.memory_space<semaphore_mem>>) src(%dma_wait3A_1265 : memref<4194305x8xf32, #tpu.memory_space<hbm>>) dst(%arg15 : memref<128x8xf32, #tpu.memory_space<vmem>>)
    %dma_wait3A_1266 = arith.constant 0 : i32
    %dma_wait3A_1267 = arith.constant 0 : i32
    %dma_wait3A_1268 = tpu.memref_slice %arg3[%dma_wait3A_1266, %dma_wait3A_1267] : memref<4194305x8xf32, #tpu.memory_space<hbm>> -> memref<4194305x8xf32, #tpu.memory_space<hbm>>
    tpu.wait_indirect_dma semaphore(%arg28 : memref<!tpu.dma_semaphore, #tpu.memory_space<semaphore_mem>>) src(%dma_wait3A_1268 : memref<4194305x8xf32, #tpu.memory_space<hbm>>) dst(%arg22 : memref<128x8xf32, #tpu.memory_space<vmem>>)
    %dma_wait3A_1269 = arith.constant 0 : i32
    %dma_wait3A_1270 = arith.constant 0 : i32
    %dma_wait3A_1271 = tpu.memref_slice %arg3[%dma_wait3A_1269, %dma_wait3A_1270] : memref<4194305x8xf32, #tpu.memory_space<hbm>> -> memref<4194305x8xf32, #tpu.memory_space<hbm>>
    tpu.wait_indirect_dma semaphore(%arg28 : memref<!tpu.dma_semaphore, #tpu.memory_space<semaphore_mem>>) src(%dma_wait3A_1271 : memref<4194305x8xf32, #tpu.memory_space<hbm>>) dst(%arg23 : memref<128x8xf32, #tpu.memory_space<vmem>>)
    %dma_wait3A_1272 = arith.constant 0 : i32
    %dma_wait3A_1273 = arith.constant 0 : i32
    %dma_wait3A_1274 = tpu.memref_slice %arg3[%dma_wait3A_1272, %dma_wait3A_1273] : memref<4194305x8xf32, #tpu.memory_space<hbm>> -> memref<4194305x8xf32, #tpu.memory_space<hbm>>
    tpu.wait_indirect_dma semaphore(%arg28 : memref<!tpu.dma_semaphore, #tpu.memory_space<semaphore_mem>>) src(%dma_wait3A_1274 : memref<4194305x8xf32, #tpu.memory_space<hbm>>) dst(%arg24 : memref<128x8xf32, #tpu.memory_space<vmem>>)
    %dma_wait3A_1275 = arith.constant 0 : i32
    %dma_wait3A_1276 = arith.constant 0 : i32
    %dma_wait3A_1277 = tpu.memref_slice %arg3[%dma_wait3A_1275, %dma_wait3A_1276] : memref<4194305x8xf32, #tpu.memory_space<hbm>> -> memref<4194305x8xf32, #tpu.memory_space<hbm>>
    tpu.wait_indirect_dma semaphore(%arg28 : memref<!tpu.dma_semaphore, #tpu.memory_space<semaphore_mem>>) src(%dma_wait3A_1277 : memref<4194305x8xf32, #tpu.memory_space<hbm>>) dst(%arg25 : memref<128x8xf32, #tpu.memory_space<vmem>>)
    return
  }
}

</mosaic_0001>

<sc_bundles>
// kernel: _run.3.cloned.1.call-start
scs
__scs_entry_jumppad:
0x0: {  	(pc) =	sbr.rel $0x88, $3  }
0x1: {  	(tag) =	ssettag $0x0;
	lr =	simm.s32 $0x1  }
0x2: {  	[smem:$0x3F9F] =	sst lr;
	_ =	strace $0xD0000000  }
0x3: {  	_ = 	snop  }
0x4: {  	_ = 	snop  }
0x5: {  	_ = 	snop  }
0x6: {  	_ = 	snop  }
0x7: {  	_ = 	snop  }
__scs_overlays_trampoline_lowered:
0x8: {  	[smem:$0x3FAE] =	sst s0  }
0x9: {  	[smem:$0x3FAF] =	sst s1  }
0xa: {  	[smem:$0x3FB0] =	sst s2  }
0xb: {  	[smem:$0x3FB1] =	sst s3  }
0xc: {  	[smem:$0x3FB2] =	sst s4  }
0xd: {  	[smem:$0x3FB3] =	sst s5  }
0xe: {  	[smem:$0x3FB4] =	sst s6  }
0xf: {  	[smem:$0x3FB5] =	sst s7  }
0x10: {  	[smem:$0x3FB6] =	sst s8  }
0x11: {  	[smem:$0x3FB7] =	sst s9;
	s0 =	simm.s32 @!p0 $0x0  }
0x12: {  	s1 =	sld [smem:$0x3F9D];
	s0 =	simm.s32 @p0 $0x1  }
0x13: {  	[smem:$0x3FB8] =	sst s0;
	s0 =	simm.s32 @!p1 $0x0  }
0x14: {  	s2 =	sld [smem:$0x3F9C];
	s0 =	simm.s32 @p1 $0x1  }
0x15: {  	[smem:$0x3FB9] =	sst s0;
	s0 =	simm.s32 @!p2 $0x0  }
0x16: {  	s3 =	sld [smem:$0x3FDB];
	s0 =	simm.s32 @p2 $0x1  }
0x17: {  	s4 =	simm.s32 $0x1BF5;
	[smem:$0x3FBB] =	sst s0  }
0x18: {  	s0 =	sld [smem:$0x3F9E];
	_ =	swait.ge [sflag:s4], $0x0  }
0x19: {  	s7 =	sld [smem:$0x3F9F]  }
0x1a: {  	s8 =	sadd.s32 $0xFFFFE003, lr  }
0x1b: {  	s9 =	sadd.s32 $0xFFFFFEF7, lr;
	s5 =	simm.s32 $0xFFFFFFFF;
	p2 =	slt.u32 s8, $0xFFFFF086  }
0x1c: {  	p1 =	slt.u32 s9, $0xF7A;
	s5 =	simm.s32 @!p2 $0x0  }
0x1d: {  	s5 =	simm.s32 @p1 $0x1;
	p0 =	seq.s32 s7, s2  }
0x1e: {  	s7 =	smul.u32 @!p0 $0xF7A, s2;
	p2 =	seq.s32 @!p0 s5, $0x0  }
0x1f: {  	s9 =	smul.u32 $0xF7A, s1;
	s8 =	simm.s32 @!p0 $0x1BF5;
	p2 =	por !p2, p0  }
0x20: {  	[sflag:s8] =	ssyncset.s32 @!p0 $0xFFFFF086;
	s6 =	sadd.s32 @!p0 s3, s7;
	s7 =	simm.s32 @!p0 $0x108  }
0x21: {  	s3 =	sadd.s32 s3, s9;
	s6 =	sadd.s32 @!p0 $0x88, s6;
	s7 =	simm.s32 @p2 $0x1082  }
0x22: {  	[simem:s7], [sflag:s8] =	dma.local @!p0 [hbm:s6], $0xF7A  }
0x23: {  	s9 =	sor.u32 $0xD0000000, s2;
	s6 =	simm.s32 $0x108;
	_ =	swait.ge @!p0 [sflag:s8], $0x0  }
0x24: {  	s3 =	sadd.s32 $0x88, s3;
	s6 =	simm.s32 @!p1 $0x1082;
	[sflag:s4] =	ssyncset.s32 $0xFFFFF086  }
0x25: {  	[simem:s6], [sflag:s4] =	dma.local [hbm:s3], $0xF7A  }
0x26: {  	[smem:$0x3F9F] =	sst s1;
	(tag) =	ssettag s2;
	_ =	strace s9  }
0x27: {  	s1 =	sld [smem:$0x3FAF]  }
0x28: {  	s2 =	sld [smem:$0x3FB0]  }
0x29: {  	s4 =	sld [smem:$0x3FB2]  }
0x2a: {  	p0 =	seq.s32 s5, $0x0;
	s5 =	sld [smem:$0x3FB3]  }
0x2b: {  	s6 =	sld [smem:$0x3FB4]  }
0x2c: {  	s7 =	sld [smem:$0x3FB5]  }
0x2d: {  	s3 =	simm.s32 $0x108;
	s8 =	sld [smem:$0x3FB6]  }
0x2e: {  	s3 =	simm.s32 @!p0 $0x1082;
	s9 =	sld [smem:$0x3FB7]  }
0x2f: {  	lr =	sadd.s32 s0, s3;
	s0 =	sld [smem:$0x3FAE]  }
0x30: {  	s3 =	sld [smem:$0x3FB1]  }
0x31: {  	[smem:$0x3FBA] =	sst s10  }
0x32: {  	s10 =	sld [smem:$0x3FB8];
	_ =	sdelay $0x3  }
0x33: {  	p0 =	seq.s32 s10, $0x1;
	s10 =	sld [smem:$0x3FBA];
	_ =	sdelay $0x3  }
0x34: {  	[smem:$0x3FBA] =	sst s10  }
0x35: {  	s10 =	sld [smem:$0x3FB9];
	_ =	sdelay $0x3  }
0x36: {  	p1 =	seq.s32 s10, $0x1;
	s10 =	sld [smem:$0x3FBA];
	_ =	sdelay $0x3  }
0x37: {  	[smem:$0x3FBA] =	sst s10  }
0x38: {  	s10 =	sld [smem:$0x3FBB]  }
0x39: {  	_ = 	snop;
	(pc) =	sbr.ind lr, $3  }
0x3a: {  	_ = 	snop  }
0x3b: {  	_ = 	snop  }
0x3c: {  	p2 =	seq.s32 s10, $0x1;
	s10 =	sld [smem:$0x3FBA]  }
0x3d: {  	_ =	shalt  }
0x3e: {  	_ =	shalt  }
0x3f: {  	_ =	shalt  }
0x40: {  	_ =	shalt  }
0x41: {  	_ =	shalt  }
0x42: {  	_ =	shalt  }
0x43: {  	_ =	shalt  }
0x44: {  	_ =	shalt  }
0x45: {  	_ =	shalt  }
0x46: {  	_ =	shalt  }
0x47: {  	_ =	shalt  }
0x48: {  	_ =	shalt  }
0x49: {  	_ =	shalt  }
0x4a: {  	_ =	shalt  }
0x4b: {  	_ =	shalt  }
0x4c: {  	_ =	shalt  }
0x4d: {  	_ =	shalt  }
0x4e: {  	_ =	shalt  }
0x4f: {  	_ =	shalt  }
0x50: {  	_ =	shalt  }
0x51: {  	_ =	shalt  }
0x52: {  	_ =	shalt  }
0x53: {  	_ =	shalt  }
0x54: {  	_ =	shalt  }
0x55: {  	_ =	shalt  }
0x56: {  	_ =	shalt  }
0x57: {  	_ =	shalt  }
0x58: {  	_ =	shalt  }
0x59: {  	_ =	shalt  }
0x5a: {  	_ =	shalt  }
0x5b: {  	_ =	shalt  }
0x5c: {  	_ =	shalt  }
0x5d: {  	_ =	shalt  }
0x5e: {  	_ =	shalt  }
0x5f: {  	_ =	shalt  }
0x60: {  	_ =	shalt  }
0x61: {  	_ =	shalt  }
0x62: {  	_ =	shalt  }
0x63: {  	_ =	shalt  }
0x64: {  	_ =	shalt  }
0x65: {  	_ =	shalt  }
0x66: {  	_ =	shalt  }
0x67: {  	_ =	shalt  }
0x68: {  	_ =	shalt  }
0x69: {  	_ =	shalt  }
0x6a: {  	_ =	shalt  }
0x6b: {  	_ =	shalt  }
0x6c: {  	_ =	shalt  }
0x6d: {  	_ =	shalt  }
0x6e: {  	_ =	shalt  }
0x6f: {  	_ =	shalt  }
0x70: {  	_ =	shalt  }
0x71: {  	_ =	shalt  }
0x72: {  	_ =	shalt  }
0x73: {  	_ =	shalt  }
0x74: {  	_ =	shalt  }
0x75: {  	_ =	shalt  }
0x76: {  	_ =	shalt  }
0x77: {  	_ =	shalt  }
0x78: {  	_ =	shalt  }
0x79: {  	_ =	shalt  }
0x7a: {  	_ =	shalt  }
0x7b: {  	_ =	shalt  }
0x7c: {  	_ =	shalt  }
0x7d: {  	_ =	shalt  }
0x7e: {  	_ =	shalt  }
0x7f: {  	_ =	shalt  }
0x80: {  	_ =	shalt  }
0x81: {  	_ =	shalt  }
0x82: {  	_ =	shalt  }
0x83: {  	_ =	shalt  }
0x84: {  	_ =	shalt  }
0x85: {  	_ =	shalt  }
0x86: {  	_ =	shalt  }
0x87: {  	_ =	shalt  }
.Lfunc_end0:
.L_simem_size_0:
called_computation_lowered:
.L_overlay_start_0:
0x88: {  	s2 =	sld [smem:$0x3FD9]  }
0x89: {  	s3 =	sld [smem:$0x3FFE];
	_ =	sdelay $0x1  }
0x8a: {  	s1 =	srdreg.scid  }
0x8b: {  	s0 =	sand.u32 $0x1, s1  }
0x8c: {  	s17 =	sshll.u32 s0, $0xA;
	s2 =	sadd.s32 s3, s2  }
0x8d: {  	s2 =	sadd.s32 s2, s17  }
0x8e: {  	[smem:$0x3FC6] =	sst s2  }
0x8f: {  	_ = 	snop  }
0x90: {  	s2 =	sld [smem:$0x3FC9]  }
0x91: {  	s18 =	sld [smem:$0x3FD0];
	(tm) =	ssettm $0x1  }
0x92: {  	s4 =	sld [smem:$0x3FFB];
	_ =	sdelay $0x3  }
0x93: {  	_ =	strace s4  }
0x94: {  	s4 =	sld [smem:$0x3FFC];
	_ =	sdelay $0x3  }
0x95: {  	_ =	strace s4  }
0x96: {  	s4 =	sld [smem:$0x3FFD];
	_ =	sdelay $0x3  }
0x97: {  	_ =	strace s4  }
0x98: {  	_ =	strace $0x8FFFFFFF  }
0x99: {  	s19 =	sld [smem:$0x3FDB];
	_ =	sdelay $0x1  }
0x9a: {  	s5 =	simm.s32 $_scs_section_size  }
0x9b: {  	s6 =	simm.s32 $_size__tile_overlayer_lowered;
	s7 =	simm.s32 $_tile_overlayer_lowered  }
0x9c: {  	s22 =	simm.s32 $0x1BFF;
	s21 =	sshll.u32 s7, $0x1;
	s4 =	sadd.s32 s5, s19  }
0x9d: {  	s8 =	simm.s32 $0x0;
	s20 =	sshll.u32 s6, $0x1;
	s6 =	sadd.s32 s21, s4  }
0x9e: {  	[timem:s8], [sflag:s22] =	dma.local [hbm:s6], s20  }
0x9f: {  	_ =	swait.ge [sflag:s22], s20  }
0xa0: {  	s5 =	ssub.s32 $0x0, s20;
	[sflag:s22] =	ssyncset.done $0x0  }
0xa1: {  	[sflag:s22] =	ssyncadd.s32 s5;
	_ =	sdelay $0x1  }
0xa2: {  	s23 =	simm.s32 $0x1B8B  }
0xa3: {  	_ =	swait.ge [sflag:s23], $0x1  }
0xa4: {  	[sflag:s23] =	ssyncset.done $0x0  }
0xa5: {  	s25 =	simm.s32 $0x1B8E;
	s24 =	sld [smem:$0x3FFE];
	[sflag:s23] =	ssyncadd.s32 $0xFFFFFFFF  }
0xa6: {  	s26 =	simm.s32 $execute0_lowered;
	[smem:$0x3FD2] =	sst s25  }
0xa7: {  	s6 =	sshll.u32 s26, $0x1;
	_ =	strace $0x80000046;
	[dreg:$0x1] =	wrdreg $0xFFFFFFFF  }
0xa8: {  	s28 =	simm.s32 $_size_execute0_lowered;
	s4 =	sadd.s32 s4, s6;
	[dreg:$0x0] =	wrdreg $0x0  }
0xa9: {  	s6 =	sshll.u32 s28, $0x1;
	[dreg:$0x2] =	wrdreg s4  }
0xaa: {  	[dreg:$0x3] =	wrdreg s6  }
0xab: {  	[dreg:$0x4] =	wrdreg $0xC0  }
0xac: {  	_ =	task [dreg:s8], $0x5FFFF  }
0xad: {  	[dreg:$0x1] =	wrdreg $0xFFFFFFFF  }
0xae: {  	[dreg:$0x0] =	wrdreg $0x60  }
0xaf: {  	[dreg:$0x2] =	wrdreg s2  }
0xb0: {  	[dreg:$0x3] =	wrdreg s24  }
0xb1: {  	[dreg:$0x4] =	wrdreg s18  }
0xb2: {  	[dreg:$0x5] =	wrdreg $0x9  }
0xb3: {  	_ =	task.clear_ibuf [dreg:s8], $0x6FFFF;
	_ =	strace $0x90000046  }
0xb4: {  	s29 =	simm.s32 $0x9;
	_ =	strace $0x80000048  }
0xb5: {  	_ =	swait.ge [sflag:s29], $0x1  }
0xb6: {  	[sflag:s29] =	ssyncadd.s32 $0xFFFFFFFF  }
0xb7: {  	_ =	strace $0x90000048  }
0xb8: {  	_ =	sfence  }
0xb9: {  	s30 =	sld [smem:$0x0];
	_ =	sdelay $0x2  }
0xba: {  	s31 =	sshll.u32 s1, $0xD;
	s1 =	sshrl.u32 s1, $0x2  }
0xbb: {  	s3 =	sand.u32 $0x4000, s31;
	s1 =	sadd.s32 s1, s30  }
0xbc: {  	s0 =	sor.u32 s3, s0;
	s1 =	sshll.u32 s1, $0x11  }
0xbd: {  	s0 =	sor.u32 s1, s0  }
0xbe: {  	s0 =	sadd.s32 $0x8F2B, s0  }
0xbf: {  	[sflag:s0] =	ssyncadd.remote.s32 $0x1  }
0xc0: {  	_ =	sfence.sel $0xFFFF  }
0xc1: {  	[dreg:$0x0] =	wrdreg $0xFFFFFFFF;
	(pc) =	sbr.abs _section_cstart, $3  }
0xc2: {  	[dreg:$0x1] =	wrdreg $0xFFFFFFFF  }
0xc3: {  	_ =	task.clear_ibuf [dreg:s8], $0x2FFFF;
	_ =	strace $0x9FFFFFFF  }
0xc4: {  	(tm) =	ssettm $0x7FFFFFFF  }
0xc5: {  	_ =	shalt  }
tec
execute0_lowered:
.L_overlay_start_1:
0x0: {  	(tag) =	ssettag $0x1  }
0x1: {  	s0 =	rddreg [dreg:$0x0]  }
0x2: {  	s3 =	rddreg [dreg:$0x1]  }
0x3: {  	s6 =	rddreg [dreg:$0x2]  }
0x4: {  	s2 =	simm.s32 $0x0;
	s4 =	srdreg.scid;
	s1 =	stileid.u32;
	v0 =	vlaneseq.u32  }
0x5: {  	s11 =	simm.s32 $0x10080;
	s12 =	simm.s32 $0x10700;
	s13 =	simm.s32 $0x10100;
	v1 =	vmul.u32 $0x2, v0  }
0x6: {  	s14 =	simm.s32 $0x10B00;
	s15 =	simm.s32 $0x10180;
	s16 =	simm.s32 $0x10F00  }
0x7: {  	s17 =	simm.s32 $0x11300;
	s18 =	simm.s32 $0x11600;
	s19 =	simm.s32 $0x11380;
	v2 =	vor.u32 $0x1, v1  }
0x8: {  	s20 =	simm.s32 $0x11A00;
	s21 =	simm.s32 $0x11400;
	s22 =	simm.s32 $0x11E00;
	v4 =	vor.u32 $0x21, v1;
	v5 =	vor.u32 $0x40, v1;
	v6 =	vor.u32 $0x41, v1  }
0x9: {  	s23 =	simm.s32 $0x11480;
	s24 =	simm.s32 $0x12200;
	s25 =	simm.s32 $0x1;
	v7 =	vor.u32 $0x60, v1;
	v8 =	vor.u32 $0x61, v1;
	v9 =	vor.u32 $0x80, v1  }
0xa: {  	s26 =	simm.s32 $0x12600;
	s28 =	simm.s32 $0x2;
	[smem:$0x7FF] =	sst s2;
	v10 =	vor.u32 $0x81, v1;
	v11 =	vor.u32 $0xA0, v1;
	v12 =	vor.u32 $0xA1, v1  }
0xb: {  	s29 =	simm.s32 $0x0;
	s5 =	smul.u32 $0x30000, s1;
	s3 =	sadd.s32 $0x4000600, s3;
	v13 =	vor.u32 $0xC0, v1;
	v14 =	vor.u32 $0xC1, v1;
	v15 =	vor.u32 $0xE0, v1  }
0xc: {  	s4 =	sand.u32 $0x1, s4;
	s9 =	sshll.u32 s1, $0xE;
	_ =	strace $0x80000047;
	v16 =	vor.u32 $0xE1, v1;
	v17 =	vor.u32 $0x100, v1;
	v18 =	vor.u32 $0x101, v1  }
0xd: {  	s7 =	smul.u32 $0x18000, s4;
	s8 =	ssub.s32 $0x2, s4;
	s4 =	sshll.u32 s4, $0xD;
	v19 =	vor.u32 $0x120, v1;
	v20 =	vor.u32 $0x121, v1;
	v21 =	vor.u32 $0x140, v1  }
0xe: {  	s10 =	sshrl.u32 s8, $0x1;
	s4 =	sor.u32 s4, s9;
	s9 =	simm.s32 $0x10000;
	v22 =	vor.u32 $0x141, v1;
	v23 =	vor.u32 $0x160, v1;
	v24 =	vor.u32 $0x161, v1  }
0xf: {  	v25 =	vor.u32 $0x180, v1;
	v26 =	vor.u32 $0x181, v1;
	v27 =	vor.u32 $0x1A0, v1;
	s5 =	sadd.s32 s7, s5;
	s30 =	ssub.s32 s8, s10;
	s4 =	sadd.s32 s0, s4  }
0x10: {  	v28 =	vor.u32 $0x1A1, v1;
	v29 =	vor.u32 $0x1C0, v1;
	[tilespmem:$0x1FFE0] =	vst v2;
	v2 =	vor.u32 $0x20, v1;
	s7 =	simm.s32 $0x3;
	s8 =	simm.s32 $0x80;
	s31 =	sshrl.u32 s5, $0x3  }
0x11: {  	v30 =	vor.u32 $0x1C1, v1;
	v31 =	vor.u32 $0x1E0, v1;
	v32 =	vor.u32 $0x1E1, v1;
	s10 =	simm.s32 $0x10300;
	[tilespmem:$0x1FFF0] =	vst v2;
	s5 =	smax.u32 s30, $0x1;
	s6 =	sadd.s32 s31, s6  }
.LBB2_1:
0x12: {  	[tilespmem:s2], [sflag:$0x3] =	stream.linear.gather [hbm4b:s4+s2], $0x10000, $0x38;
	[tilespmem:$0x12900] =	vst v63  }
0x13: {  	_ =	swait.ge [sflag:s7], $0x10000  }
0x14: {  	v2 =	vld [tilespmem:$0x1FFE0];
	_ =	sdelay $0x4  }
0x15: {  	[sflag:s7] =	ssyncset.done $0x0  }
0x16: {  	[sflag:s7] =	ssyncadd.s32 $0xFFFF0000  }
0x17: {  	v34 =	vld.idx.msk [tilespmem:v1+s2+$0x0], $0xffff  }
0x18: {  	v33 =	vld.idx.msk [tilespmem:v2+s2+$0x0], $0xffff;
	_ =	sdelay $0x3  }
0x19: {  	v34 =	vmul.f32 $2.048000000e+03, v34  }
0x1a: {  	v33 =	vmul.f32 $2.048000000e+03, v33  }
0x1b: {  	v36 =	vtrunc.f32 v34  }
0x1c: {  	v36 =	vcvt.f32.s32 v36;
	v35 =	vtrunc.f32 v33  }
0x1d: {  	v35 =	vcvt.f32.s32 v35  }
0x1e: {  	v40 =	vcvt.s32.f32 v36  }
0x1f: {  	vm5 =	vgt.s32 v36, $0x0;
	vm0 =	vgt.s32 v35, $0x0  }
0x20: {  	vm6 =	vgt.s32 v36, $0x7FE;
	v34 =	vsub.f32 v34, v40;
	v37 =	vnsel vm0, $0x0, v35  }
0x21: {  	v38 =	vnsel vm5, $0x0, v36;
	v35 =	vcvt.s32.f32 v35;
	v39 =	vmin.u32 v37, $0x7FF  }
0x22: {  	v2 =	vld [tilespmem:$0x1FFF0];
	v38 =	vmin.u32 v38, $0x7FF;
	v34 =	vsel vm6, $0x0, v34;
	v39 =	vshll.u32 v39, $0xB  }
0x23: {  	[tilespmem:$0x10200] =	vst v34;
	v37 =	vmin.u32 v37, $0x7FE;
	v33 =	vsub.f32 v33, v35;
	v39 =	vor.u32 v38, v39  }
0x24: {  	v37 =	vshll.u32 v37, $0xB;
	[tilespmem:$0x10000] =	vst v39  }
0x25: {  	v37 =	vor.u32 v38, v37;
	v62 =	vadd.s32 $0x1, v39;
	[tilespmem:$0x10280] =	vst v33  }
0x26: {  	v37 =	vadd.s32 $0x800, v37;
	[tilespmem:$0x10080] =	vst v62  }
0x27: {  	[tilespmem:$0x10100] =	vst v37;
	v63 =	vadd.s32 $0x1, v37  }
0x28: {  	[tilespmem:$0x10180] =	vst v63  }
0x29: {  	v33 =	vld.idx.msk [tilespmem:v4+s2+$0x0], $0xffff  }
0x2a: {  	v34 =	vld.idx.msk [tilespmem:v2+s2+$0x0], $0xffff;
	_ =	sdelay $0x3  }
0x2b: {  	v33 =	vmul.f32 $2.048000000e+03, v33  }
0x2c: {  	v34 =	vmul.f32 $2.048000000e+03, v34  }
0x2d: {  	v40 =	vtrunc.f32 v33  }
0x2e: {  	v41 =	vtrunc.f32 v34;
	v35 =	vcvt.f32.s32 v40  }
0x2f: {  	v36 =	vcvt.f32.s32 v41  }
0x30: {  	vm7 =	vgt.s32 v35, $0x0  }
0x31: {  	vm8 =	vgt.s32 v36, $0x0;
	v45 =	vcvt.s32.f32 v36;
	v42 =	vnsel vm7, $0x0, v35  }
0x32: {  	v43 =	vnsel vm8, $0x0, v36;
	v35 =	vcvt.s32.f32 v35;
	v44 =	vmin.u32 v42, $0x7FF  }
0x33: {  	v38 =	vmin.u32 v43, $0x7FF;
	v34 =	vsub.f32 v34, v45;
	v39 =	vshll.u32 v44, $0xB  }
0x34: {  	vm9 =	vgt.s32 v36, $0x7FE;
	v39 =	vor.u32 v38, v39  }
0x35: {  	v37 =	vmin.u32 v42, $0x7FE;
	v33 =	vsub.f32 v33, v35;
	v34 =	vsel vm9, $0x0, v34;
	[tilespmem:$0x10010] =	vst v39  }
0x36: {  	v37 =	vshll.u32 v37, $0xB;
	[tilespmem:$0x10210] =	vst v34  }
0x37: {  	v37 =	vor.u32 v38, v37;
	v46 =	vadd.s32 $0x1, v39;
	[tilespmem:$0x10290] =	vst v33  }
0x38: {  	v47 =	vadd.s32 $0x800, v37;
	[tilespmem:$0x10090] =	vst v46  }
0x39: {  	v48 =	vadd.s32 $0x801, v37;
	[tilespmem:$0x10110] =	vst v47  }
0x3a: {  	[tilespmem:$0x10190] =	vst v48  }
0x3b: {  	v33 =	vld.idx.msk [tilespmem:v6+s2+$0x0], $0xffff  }
0x3c: {  	v34 =	vld.idx.msk [tilespmem:v5+s2+$0x0], $0xffff;
	_ =	sdelay $0x3  }
0x3d: {  	v33 =	vmul.f32 $2.048000000e+03, v33  }
0x3e: {  	v34 =	vmul.f32 $2.048000000e+03, v34  }
0x3f: {  	v49 =	vtrunc.f32 v33  }
0x40: {  	v50 =	vtrunc.f32 v34;
	v35 =	vcvt.f32.s32 v49  }
0x41: {  	v36 =	vcvt.f32.s32 v50  }
0x42: {  	vm10 =	vgt.s32 v35, $0x0  }
0x43: {  	vm11 =	vgt.s32 v36, $0x0;
	v54 =	vcvt.s32.f32 v36;
	v51 =	vnsel vm10, $0x0, v35  }
0x44: {  	v52 =	vnsel vm11, $0x0, v36;
	v35 =	vcvt.s32.f32 v35;
	v53 =	vmin.u32 v51, $0x7FF  }
0x45: {  	v38 =	vmin.u32 v52, $0x7FF;
	v34 =	vsub.f32 v34, v54;
	v39 =	vshll.u32 v53, $0xB  }
0x46: {  	vm12 =	vgt.s32 v36, $0x7FE;
	v39 =	vor.u32 v38, v39  }
0x47: {  	v37 =	vmin.u32 v51, $0x7FE;
	v33 =	vsub.f32 v33, v35;
	v34 =	vsel vm12, $0x0, v34;
	[tilespmem:$0x10020] =	vst v39  }
0x48: {  	v37 =	vshll.u32 v37, $0xB;
	[tilespmem:$0x10220] =	vst v34  }
0x49: {  	v37 =	vor.u32 v38, v37;
	v55 =	vadd.s32 $0x1, v39;
	[tilespmem:$0x102A0] =	vst v33  }
0x4a: {  	v56 =	vadd.s32 $0x800, v37;
	[tilespmem:$0x100A0] =	vst v55  }
0x4b: {  	v57 =	vadd.s32 $0x801, v37;
	[tilespmem:$0x10120] =	vst v56  }
0x4c: {  	[tilespmem:$0x101A0] =	vst v57  }
0x4d: {  	v33 =	vld.idx.msk [tilespmem:v8+s2+$0x0], $0xffff  }
0x4e: {  	v34 =	vld.idx.msk [tilespmem:v7+s2+$0x0], $0xffff;
	_ =	sdelay $0x3  }
0x4f: {  	v33 =	vmul.f32 $2.048000000e+03, v33  }
0x50: {  	v34 =	vmul.f32 $2.048000000e+03, v34  }
0x51: {  	v58 =	vtrunc.f32 v33  }
0x52: {  	v59 =	vtrunc.f32 v34;
	v35 =	vcvt.f32.s32 v58  }
0x53: {  	v36 =	vcvt.f32.s32 v59  }
0x54: {  	vm13 =	vgt.s32 v35, $0x0  }
0x55: {  	vm14 =	vgt.s32 v36, $0x0;
	v63 =	vcvt.s32.f32 v36;
	v60 =	vnsel vm13, $0x0, v35  }
0x56: {  	v61 =	vnsel vm14, $0x0, v36;
	v35 =	vcvt.s32.f32 v35;
	v62 =	vmin.u32 v60, $0x7FF  }
0x57: {  	v38 =	vmin.u32 v61, $0x7FF;
	v34 =	vsub.f32 v34, v63;
	v39 =	vshll.u32 v62, $0xB  }
0x58: {  	vm15 =	vgt.s32 v36, $0x7FE;
	v39 =	vor.u32 v38, v39  }
0x59: {  	v37 =	vmin.u32 v60, $0x7FE;
	v33 =	vsub.f32 v33, v35;
	v34 =	vsel vm15, $0x0, v34;
	[tilespmem:$0x10030] =	vst v39  }
0x5a: {  	v37 =	vshll.u32 v37, $0xB;
	[tilespmem:$0x10230] =	vst v34  }
0x5b: {  	v37 =	vor.u32 v38, v37;
	v43 =	vadd.s32 $0x1, v39;
	[tilespmem:$0x102B0] =	vst v33  }
0x5c: {  	v44 =	vadd.s32 $0x800, v37;
	[tilespmem:$0x100B0] =	vst v43  }
0x5d: {  	v45 =	vadd.s32 $0x801, v37;
	[tilespmem:$0x10130] =	vst v44  }
0x5e: {  	[tilespmem:$0x101B0] =	vst v45  }
0x5f: {  	v33 =	vld.idx.msk [tilespmem:v10+s2+$0x0], $0xffff  }
0x60: {  	v34 =	vld.idx.msk [tilespmem:v9+s2+$0x0], $0xffff;
	_ =	sdelay $0x3  }
0x61: {  	v33 =	vmul.f32 $2.048000000e+03, v33  }
0x62: {  	v34 =	vmul.f32 $2.048000000e+03, v34  }
0x63: {  	v46 =	vtrunc.f32 v33  }
0x64: {  	v47 =	vtrunc.f32 v34;
	v35 =	vcvt.f32.s32 v46  }
0x65: {  	v36 =	vcvt.f32.s32 v47  }
0x66: {  	vm4 =	vgt.s32 v35, $0x0  }
0x67: {  	vm5 =	vgt.s32 v36, $0x0;
	v51 =	vcvt.s32.f32 v36;
	v48 =	vnsel vm4, $0x0, v35  }
0x68: {  	v49 =	vnsel vm5, $0x0, v36;
	v35 =	vcvt.s32.f32 v35;
	v50 =	vmin.u32 v48, $0x7FF  }
0x69: {  	v38 =	vmin.u32 v49, $0x7FF;
	v34 =	vsub.f32 v34, v51;
	v39 =	vshll.u32 v50, $0xB  }
0x6a: {  	vm6 =	vgt.s32 v36, $0x7FE;
	v39 =	vor.u32 v38, v39  }
0x6b: {  	v37 =	vmin.u32 v48, $0x7FE;
	v33 =	vsub.f32 v33, v35;
	v34 =	vsel vm6, $0x0, v34;
	[tilespmem:$0x10040] =	vst v39  }
0x6c: {  	v37 =	vshll.u32 v37, $0xB;
	[tilespmem:$0x10240] =	vst v34  }
0x6d: {  	v37 =	vor.u32 v38, v37;
	v52 =	vadd.s32 $0x1, v39;
	[tilespmem:$0x102C0] =	vst v33  }
0x6e: {  	v53 =	vadd.s32 $0x800, v37;
	[tilespmem:$0x100C0] =	vst v52  }
0x6f: {  	v54 =	vadd.s32 $0x801, v37;
	[tilespmem:$0x10140] =	vst v53  }
0x70: {  	[tilespmem:$0x101C0] =	vst v54  }
0x71: {  	v33 =	vld.idx.msk [tilespmem:v12+s2+$0x0], $0xffff  }
0x72: {  	v34 =	vld.idx.msk [tilespmem:v11+s2+$0x0], $0xffff;
	_ =	sdelay $0x3  }
0x73: {  	v33 =	vmul.f32 $2.048000000e+03, v33  }
0x74: {  	v34 =	vmul.f32 $2.048000000e+03, v34  }
0x75: {  	v55 =	vtrunc.f32 v33  }
0x76: {  	v56 =	vtrunc.f32 v34;
	v35 =	vcvt.f32.s32 v55  }
0x77: {  	v36 =	vcvt.f32.s32 v56  }
0x78: {  	vm7 =	vgt.s32 v35, $0x0  }
0x79: {  	vm8 =	vgt.s32 v36, $0x0;
	v60 =	vcvt.s32.f32 v36;
	v57 =	vnsel vm7, $0x0, v35  }
0x7a: {  	v58 =	vnsel vm8, $0x0, v36;
	v35 =	vcvt.s32.f32 v35;
	v59 =	vmin.u32 v57, $0x7FF  }
0x7b: {  	v38 =	vmin.u32 v58, $0x7FF;
	v34 =	vsub.f32 v34, v60;
	v39 =	vshll.u32 v59, $0xB  }
0x7c: {  	vm9 =	vgt.s32 v36, $0x7FE;
	v39 =	vor.u32 v38, v39  }
0x7d: {  	v37 =	vmin.u32 v57, $0x7FE;
	v33 =	vsub.f32 v33, v35;
	v34 =	vsel vm9, $0x0, v34;
	[tilespmem:$0x10050] =	vst v39  }
0x7e: {  	v37 =	vshll.u32 v37, $0xB;
	[tilespmem:$0x10250] =	vst v34  }
0x7f: {  	v37 =	vor.u32 v38, v37;
	v61 =	vadd.s32 $0x1, v39;
	[tilespmem:$0x102D0] =	vst v33  }
0x80: {  	v62 =	vadd.s32 $0x800, v37;
	[tilespmem:$0x100D0] =	vst v61  }
0x81: {  	v63 =	vadd.s32 $0x801, v37;
	[tilespmem:$0x10150] =	vst v62  }
0x82: {  	[tilespmem:$0x101D0] =	vst v63  }
0x83: {  	v33 =	vld.idx.msk [tilespmem:v14+s2+$0x0], $0xffff  }
0x84: {  	v34 =	vld.idx.msk [tilespmem:v13+s2+$0x0], $0xffff;
	_ =	sdelay $0x3  }
0x85: {  	v33 =	vmul.f32 $2.048000000e+03, v33  }
0x86: {  	v34 =	vmul.f32 $2.048000000e+03, v34  }
0x87: {  	v40 =	vtrunc.f32 v33  }
0x88: {  	v41 =	vtrunc.f32 v34;
	v35 =	vcvt.f32.s32 v40  }
0x89: {  	v36 =	vcvt.f32.s32 v41  }
0x8a: {  	vm10 =	vgt.s32 v35, $0x0  }
0x8b: {  	vm11 =	vgt.s32 v36, $0x0;
	v45 =	vcvt.s32.f32 v36;
	v42 =	vnsel vm10, $0x0, v35  }
0x8c: {  	v43 =	vnsel vm11, $0x0, v36;
	v35 =	vcvt.s32.f32 v35;
	v44 =	vmin.u32 v42, $0x7FF  }
0x8d: {  	v38 =	vmin.u32 v43, $0x7FF;
	v34 =	vsub.f32 v34, v45;
	v39 =	vshll.u32 v44, $0xB  }
0x8e: {  	vm12 =	vgt.s32 v36, $0x7FE;
	v39 =	vor.u32 v38, v39  }
0x8f: {  	v37 =	vmin.u32 v42, $0x7FE;
	v33 =	vsub.f32 v33, v35;
	v34 =	vsel vm12, $0x0, v34;
	[tilespmem:$0x10060] =	vst v39  }
0x90: {  	v37 =	vshll.u32 v37, $0xB;
	[tilespmem:$0x10260] =	vst v34  }
0x91: {  	v37 =	vor.u32 v38, v37;
	v46 =	vadd.s32 $0x1, v39;
	[tilespmem:$0x102E0] =	vst v33  }
0x92: {  	v47 =	vadd.s32 $0x800, v37;
	[tilespmem:$0x100E0] =	vst v46  }
0x93: {  	v48 =	vadd.s32 $0x801, v37;
	[tilespmem:$0x10160] =	vst v47  }
0x94: {  	[tilespmem:$0x101E0] =	vst v48  }
0x95: {  	v33 =	vld.idx.msk [tilespmem:v16+s2+$0x0], $0xffff  }
0x96: {  	v34 =	vld.idx.msk [tilespmem:v15+s2+$0x0], $0xffff;
	_ =	sdelay $0x3  }
0x97: {  	v33 =	vmul.f32 $2.048000000e+03, v33  }
0x98: {  	v34 =	vmul.f32 $2.048000000e+03, v34  }
0x99: {  	v49 =	vtrunc.f32 v33  }
0x9a: {  	v50 =	vtrunc.f32 v34;
	v35 =	vcvt.f32.s32 v49  }
0x9b: {  	v36 =	vcvt.f32.s32 v50  }
0x9c: {  	vm13 =	vgt.s32 v35, $0x0  }
0x9d: {  	vm14 =	vgt.s32 v36, $0x0;
	v54 =	vcvt.s32.f32 v36;
	v51 =	vnsel vm13, $0x0, v35  }
0x9e: {  	v52 =	vnsel vm14, $0x0, v36;
	v35 =	vcvt.s32.f32 v35;
	v53 =	vmin.u32 v51, $0x7FF  }
0x9f: {  	v38 =	vmin.u32 v52, $0x7FF;
	v34 =	vsub.f32 v34, v54;
	v39 =	vshll.u32 v53, $0xB  }
0xa0: {  	vm15 =	vgt.s32 v36, $0x7FE;
	v39 =	vor.u32 v38, v39  }
0xa1: {  	v37 =	vmin.u32 v51, $0x7FE;
	v33 =	vsub.f32 v33, v35;
	v34 =	vsel vm15, $0x0, v34;
	[tilespmem:$0x10070] =	vst v39  }
0xa2: {  	v37 =	vshll.u32 v37, $0xB;
	[tilespmem:$0x10270] =	vst v34  }
0xa3: {  	v37 =	vor.u32 v38, v37;
	v55 =	vadd.s32 $0x1, v39;
	[tilespmem:$0x102F0] =	vst v33  }
0xa4: {  	v56 =	vadd.s32 $0x800, v37;
	[tilespmem:$0x100F0] =	vst v55  }
0xa5: {  	v57 =	vadd.s32 $0x801, v37;
	[tilespmem:$0x10170] =	vst v56  }
0xa6: {  	[tilespmem:$0x101F0] =	vst v57  }
0xa7: {  	[tilespmem:s10], [sflag:$0x1] =	stream.indirect.gather [hbm4b:s3+s8], $0x8, s9, s8, $0xb8;
	[tilespmem:$0x12900] =	vst v63  }
0xa8: {  	_ = 	snop  }
0xa9: {  	[tilespmem:s12], [sflag:$0x1] =	stream.indirect.gather [hbm4b:s3+s8], $0x8, s11, s8, $0xb8;
	[tilespmem:$0x12900] =	vst v63  }
0xaa: {  	_ = 	snop  }
0xab: {  	[tilespmem:s14], [sflag:$0x1] =	stream.indirect.gather [hbm4b:s3+s8], $0x8, s13, s8, $0xb8;
	[tilespmem:$0x12900] =	vst v63  }
0xac: {  	_ = 	snop  }
0xad: {  	[tilespmem:s16], [sflag:$0x1] =	stream.indirect.gather [hbm4b:s3+s8], $0x8, s15, s8, $0xb8;
	[tilespmem:$0x12900] =	vst v63  }
0xae: {  	v33 =	vld.idx.msk [tilespmem:v18+s2+$0x0], $0xffff  }
0xaf: {  	v34 =	vld.idx.msk [tilespmem:v17+s2+$0x0], $0xffff;
	_ =	sdelay $0x3  }
0xb0: {  	v33 =	vmul.f32 $2.048000000e+03, v33  }
0xb1: {  	v34 =	vmul.f32 $2.048000000e+03, v34  }
0xb2: {  	v58 =	vtrunc.f32 v33  }
0xb3: {  	v59 =	vtrunc.f32 v34;
	v35 =	vcvt.f32.s32 v58  }
0xb4: {  	v36 =	vcvt.f32.s32 v59  }
0xb5: {  	vm4 =	vgt.s32 v35, $0x0  }
0xb6: {  	vm5 =	vgt.s32 v36, $0x0;
	v63 =	vcvt.s32.f32 v36;
	v60 =	vnsel vm4, $0x0, v35  }
0xb7: {  	v61 =	vnsel vm5, $0x0, v36;
	v35 =	vcvt.s32.f32 v35;
	v62 =	vmin.u32 v60, $0x7FF  }
0xb8: {  	v38 =	vmin.u32 v61, $0x7FF;
	v34 =	vsub.f32 v34, v63;
	v39 =	vshll.u32 v62, $0xB  }
0xb9: {  	vm6 =	vgt.s32 v36, $0x7FE;
	v39 =	vor.u32 v38, v39  }
0xba: {  	v37 =	vmin.u32 v60, $0x7FE;
	v33 =	vsub.f32 v33, v35;
	v34 =	vsel vm6, $0x0, v34;
	[tilespmem:$0x11300] =	vst v39  }
0xbb: {  	v37 =	vshll.u32 v37, $0xB;
	[tilespmem:$0x11500] =	vst v34  }
0xbc: {  	v37 =	vor.u32 v38, v37;
	v43 =	vadd.s32 $0x1, v39;
	[tilespmem:$0x11580] =	vst v33  }
0xbd: {  	v44 =	vadd.s32 $0x800, v37;
	[tilespmem:$0x11380] =	vst v43  }
0xbe: {  	v45 =	vadd.s32 $0x801, v37;
	[tilespmem:$0x11400] =	vst v44  }
0xbf: {  	[tilespmem:$0x11480] =	vst v45  }
0xc0: {  	v33 =	vld.idx.msk [tilespmem:v20+s2+$0x0], $0xffff  }
0xc1: {  	v34 =	vld.idx.msk [tilespmem:v19+s2+$0x0], $0xffff;
	_ =	sdelay $0x3  }
0xc2: {  	v33 =	vmul.f32 $2.048000000e+03, v33  }
0xc3: {  	v34 =	vmul.f32 $2.048000000e+03, v34  }
0xc4: {  	v46 =	vtrunc.f32 v33  }
0xc5: {  	v47 =	vtrunc.f32 v34;
	v35 =	vcvt.f32.s32 v46  }
0xc6: {  	v36 =	vcvt.f32.s32 v47  }
0xc7: {  	vm7 =	vgt.s32 v35, $0x0  }
0xc8: {  	vm8 =	vgt.s32 v36, $0x0;
	v51 =	vcvt.s32.f32 v36;
	v48 =	vnsel vm7, $0x0, v35  }
0xc9: {  	v49 =	vnsel vm8, $0x0, v36;
	v35 =	vcvt.s32.f32 v35;
	v50 =	vmin.u32 v48, $0x7FF  }
0xca: {  	v38 =	vmin.u32 v49, $0x7FF;
	v34 =	vsub.f32 v34, v51;
	v39 =	vshll.u32 v50, $0xB  }
0xcb: {  	vm9 =	vgt.s32 v36, $0x7FE;
	v39 =	vor.u32 v38, v39  }
0xcc: {  	v37 =	vmin.u32 v48, $0x7FE;
	v33 =	vsub.f32 v33, v35;
	v34 =	vsel vm9, $0x0, v34;
	[tilespmem:$0x11310] =	vst v39  }
0xcd: {  	v37 =	vshll.u32 v37, $0xB;
	[tilespmem:$0x11510] =	vst v34  }
0xce: {  	v37 =	vor.u32 v38, v37;
	v52 =	vadd.s32 $0x1, v39;
	[tilespmem:$0x11590] =	vst v33  }
0xcf: {  	v53 =	vadd.s32 $0x800, v37;
	[tilespmem:$0x11390] =	vst v52  }
0xd0: {  	v54 =	vadd.s32 $0x801, v37;
	[tilespmem:$0x11410] =	vst v53  }
0xd1: {  	[tilespmem:$0x11490] =	vst v54  }
0xd2: {  	v33 =	vld.idx.msk [tilespmem:v22+s2+$0x0], $0xffff  }
0xd3: {  	v34 =	vld.idx.msk [tilespmem:v21+s2+$0x0], $0xffff;
	_ =	sdelay $0x3  }
0xd4: {  	v33 =	vmul.f32 $2.048000000e+03, v33  }
0xd5: {  	v34 =	vmul.f32 $2.048000000e+03, v34  }
0xd6: {  	v55 =	vtrunc.f32 v33  }
0xd7: {  	v56 =	vtrunc.f32 v34;
	v35 =	vcvt.f32.s32 v55  }
0xd8: {  	v36 =	vcvt.f32.s32 v56  }
0xd9: {  	vm10 =	vgt.s32 v35, $0x0  }
0xda: {  	vm11 =	vgt.s32 v36, $0x0;
	v60 =	vcvt.s32.f32 v36;
	v57 =	vnsel vm10, $0x0, v35  }
0xdb: {  	v58 =	vnsel vm11, $0x0, v36;
	v35 =	vcvt.s32.f32 v35;
	v59 =	vmin.u32 v57, $0x7FF  }
0xdc: {  	v38 =	vmin.u32 v58, $0x7FF;
	v34 =	vsub.f32 v34, v60;
	v39 =	vshll.u32 v59, $0xB  }
0xdd: {  	vm12 =	vgt.s32 v36, $0x7FE;
	v39 =	vor.u32 v38, v39  }
0xde: {  	v37 =	vmin.u32 v57, $0x7FE;
	v33 =	vsub.f32 v33, v35;
	v34 =	vsel vm12, $0x0, v34;
	[tilespmem:$0x11320] =	vst v39  }
0xdf: {  	v37 =	vshll.u32 v37, $0xB;
	[tilespmem:$0x11520] =	vst v34  }
0xe0: {  	v37 =	vor.u32 v38, v37;
	v61 =	vadd.s32 $0x1, v39;
	[tilespmem:$0x115A0] =	vst v33  }
0xe1: {  	v62 =	vadd.s32 $0x800, v37;
	[tilespmem:$0x113A0] =	vst v61  }
0xe2: {  	v63 =	vadd.s32 $0x801, v37;
	[tilespmem:$0x11420] =	vst v62  }
0xe3: {  	[tilespmem:$0x114A0] =	vst v63  }
0xe4: {  	v33 =	vld.idx.msk [tilespmem:v24+s2+$0x0], $0xffff  }
0xe5: {  	v34 =	vld.idx.msk [tilespmem:v23+s2+$0x0], $0xffff;
	_ =	sdelay $0x3  }
0xe6: {  	v33 =	vmul.f32 $2.048000000e+03, v33  }
0xe7: {  	v34 =	vmul.f32 $2.048000000e+03, v34  }
0xe8: {  	v40 =	vtrunc.f32 v33  }
0xe9: {  	v41 =	vtrunc.f32 v34;
	v35 =	vcvt.f32.s32 v40  }
0xea: {  	v36 =	vcvt.f32.s32 v41  }
0xeb: {  	vm13 =	vgt.s32 v35, $0x0  }
0xec: {  	vm14 =	vgt.s32 v36, $0x0;
	v45 =	vcvt.s32.f32 v36;
	v42 =	vnsel vm13, $0x0, v35  }
0xed: {  	v43 =	vnsel vm14, $0x0, v36;
	v35 =	vcvt.s32.f32 v35;
	v44 =	vmin.u32 v42, $0x7FF  }
0xee: {  	v38 =	vmin.u32 v43, $0x7FF;
	v34 =	vsub.f32 v34, v45;
	v39 =	vshll.u32 v44, $0xB  }
0xef: {  	vm15 =	vgt.s32 v36, $0x7FE;
	v39 =	vor.u32 v38, v39  }
0xf0: {  	v37 =	vmin.u32 v42, $0x7FE;
	v33 =	vsub.f32 v33, v35;
	v34 =	vsel vm15, $0x0, v34;
	[tilespmem:$0x11330] =	vst v39  }
0xf1: {  	v37 =	vshll.u32 v37, $0xB;
	[tilespmem:$0x11530] =	vst v34  }
0xf2: {  	v37 =	vor.u32 v38, v37;
	v46 =	vadd.s32 $0x1, v39;
	[tilespmem:$0x115B0] =	vst v33  }
0xf3: {  	v47 =	vadd.s32 $0x800, v37;
	[tilespmem:$0x113B0] =	vst v46  }
0xf4: {  	v48 =	vadd.s32 $0x801, v37;
	[tilespmem:$0x11430] =	vst v47  }
0xf5: {  	[tilespmem:$0x114B0] =	vst v48  }
0xf6: {  	v33 =	vld.idx.msk [tilespmem:v26+s2+$0x0], $0xffff  }
0xf7: {  	v34 =	vld.idx.msk [tilespmem:v25+s2+$0x0], $0xffff;
	_ =	sdelay $0x3  }
0xf8: {  	v33 =	vmul.f32 $2.048000000e+03, v33  }
0xf9: {  	v34 =	vmul.f32 $2.048000000e+03, v34  }
0xfa: {  	v49 =	vtrunc.f32 v33  }
0xfb: {  	v50 =	vtrunc.f32 v34;
	v35 =	vcvt.f32.s32 v49  }
0xfc: {  	v36 =	vcvt.f32.s32 v50  }
0xfd: {  	vm4 =	vgt.s32 v35, $0x0  }
0xfe: {  	vm5 =	vgt.s32 v36, $0x0;
	v54 =	vcvt.s32.f32 v36;
	v51 =	vnsel vm4, $0x0, v35  }
0xff: {  	v52 =	vnsel vm5, $0x0, v36;
	v35 =	vcvt.s32.f32 v35;
	v53 =	vmin.u32 v51, $0x7FF  }
0x100: {  	v38 =	vmin.u32 v52, $0x7FF;
	v34 =	vsub.f32 v34, v54;
	v39 =	vshll.u32 v53, $0xB  }
0x101: {  	vm6 =	vgt.s32 v36, $0x7FE;
	v39 =	vor.u32 v38, v39  }
0x102: {  	v37 =	vmin.u32 v51, $0x7FE;
	v33 =	vsub.f32 v33, v35;
	v34 =	vsel vm6, $0x0, v34;
	[tilespmem:$0x11340] =	vst v39  }
0x103: {  	v37 =	vshll.u32 v37, $0xB;
	[tilespmem:$0x11540] =	vst v34  }
0x104: {  	v37 =	vor.u32 v38, v37;
	v55 =	vadd.s32 $0x1, v39;
	[tilespmem:$0x115C0] =	vst v33  }
0x105: {  	v56 =	vadd.s32 $0x800, v37;
	[tilespmem:$0x113C0] =	vst v55  }
0x106: {  	v57 =	vadd.s32 $0x801, v37;
	[tilespmem:$0x11440] =	vst v56  }
0x107: {  	[tilespmem:$0x114C0] =	vst v57  }
0x108: {  	v33 =	vld.idx.msk [tilespmem:v28+s2+$0x0], $0xffff  }
0x109: {  	v34 =	vld.idx.msk [tilespmem:v27+s2+$0x0], $0xffff;
	_ =	sdelay $0x3  }
0x10a: {  	v33 =	vmul.f32 $2.048000000e+03, v33  }
0x10b: {  	v34 =	vmul.f32 $2.048000000e+03, v34  }
0x10c: {  	v58 =	vtrunc.f32 v33  }
0x10d: {  	v59 =	vtrunc.f32 v34;
	v35 =	vcvt.f32.s32 v58  }
0x10e: {  	v36 =	vcvt.f32.s32 v59  }
0x10f: {  	vm7 =	vgt.s32 v35, $0x0  }
0x110: {  	vm8 =	vgt.s32 v36, $0x0;
	v63 =	vcvt.s32.f32 v36;
	v60 =	vnsel vm7, $0x0, v35  }
0x111: {  	v61 =	vnsel vm8, $0x0, v36;
	v35 =	vcvt.s32.f32 v35;
	v62 =	vmin.u32 v60, $0x7FF  }
0x112: {  	v38 =	vmin.u32 v61, $0x7FF;
	v34 =	vsub.f32 v34, v63;
	v39 =	vshll.u32 v62, $0xB  }
0x113: {  	vm9 =	vgt.s32 v36, $0x7FE;
	v39 =	vor.u32 v38, v39  }
0x114: {  	v37 =	vmin.u32 v60, $0x7FE;
	v33 =	vsub.f32 v33, v35;
	v34 =	vsel vm9, $0x0, v34;
	[tilespmem:$0x11350] =	vst v39  }
0x115: {  	v37 =	vshll.u32 v37, $0xB;
	[tilespmem:$0x11550] =	vst v34  }
0x116: {  	v37 =	vor.u32 v38, v37;
	v43 =	vadd.s32 $0x1, v39;
	[tilespmem:$0x115D0] =	vst v33  }
0x117: {  	v44 =	vadd.s32 $0x800, v37;
	[tilespmem:$0x113D0] =	vst v43  }
0x118: {  	v45 =	vadd.s32 $0x801, v37;
	[tilespmem:$0x11450] =	vst v44  }
0x119: {  	[tilespmem:$0x114D0] =	vst v45  }
0x11a: {  	v33 =	vld.idx.msk [tilespmem:v30+s2+$0x0], $0xffff  }
0x11b: {  	v34 =	vld.idx.msk [tilespmem:v29+s2+$0x0], $0xffff;
	_ =	sdelay $0x3  }
0x11c: {  	v33 =	vmul.f32 $2.048000000e+03, v33  }
0x11d: {  	v34 =	vmul.f32 $2.048000000e+03, v34  }
0x11e: {  	v46 =	vtrunc.f32 v33  }
0x11f: {  	v47 =	vtrunc.f32 v34;
	v35 =	vcvt.f32.s32 v46  }
0x120: {  	v36 =	vcvt.f32.s32 v47  }
0x121: {  	vm10 =	vgt.s32 v35, $0x0  }
0x122: {  	vm11 =	vgt.s32 v36, $0x0;
	v51 =	vcvt.s32.f32 v36;
	v48 =	vnsel vm10, $0x0, v35  }
0x123: {  	v49 =	vnsel vm11, $0x0, v36;
	v35 =	vcvt.s32.f32 v35;
	v50 =	vmin.u32 v48, $0x7FF  }
0x124: {  	v38 =	vmin.u32 v49, $0x7FF;
	v34 =	vsub.f32 v34, v51;
	v39 =	vshll.u32 v50, $0xB  }
0x125: {  	vm12 =	vgt.s32 v36, $0x7FE;
	v39 =	vor.u32 v38, v39  }
0x126: {  	v37 =	vmin.u32 v48, $0x7FE;
	v33 =	vsub.f32 v33, v35;
	v34 =	vsel vm12, $0x0, v34;
	[tilespmem:$0x11360] =	vst v39  }
0x127: {  	v37 =	vshll.u32 v37, $0xB;
	[tilespmem:$0x11560] =	vst v34  }
0x128: {  	v37 =	vor.u32 v38, v37;
	v52 =	vadd.s32 $0x1, v39;
	[tilespmem:$0x115E0] =	vst v33  }
0x129: {  	v53 =	vadd.s32 $0x800, v37;
	[tilespmem:$0x113E0] =	vst v52  }
0x12a: {  	v54 =	vadd.s32 $0x801, v37;
	[tilespmem:$0x11460] =	vst v53  }
0x12b: {  	[tilespmem:$0x114E0] =	vst v54  }
0x12c: {  	v33 =	vld.idx.msk [tilespmem:v32+s2+$0x0], $0xffff  }
0x12d: {  	v34 =	vld.idx.msk [tilespmem:v31+s2+$0x0], $0xffff;
	_ =	sdelay $0x3  }
0x12e: {  	v33 =	vmul.f32 $2.048000000e+03, v33  }
0x12f: {  	v34 =	vmul.f32 $2.048000000e+03, v34  }
0x130: {  	v55 =	vtrunc.f32 v33  }
0x131: {  	v56 =	vtrunc.f32 v34;
	v35 =	vcvt.f32.s32 v55  }
0x132: {  	v36 =	vcvt.f32.s32 v56  }
0x133: {  	vm13 =	vgt.s32 v35, $0x0  }
0x134: {  	vm14 =	vgt.s32 v36, $0x0;
	v60 =	vcvt.s32.f32 v36;
	v57 =	vnsel vm13, $0x0, v35  }
0x135: {  	v58 =	vnsel vm14, $0x0, v36;
	v35 =	vcvt.s32.f32 v35;
	v59 =	vmin.u32 v57, $0x7FF  }
0x136: {  	v38 =	vmin.u32 v58, $0x7FF;
	v34 =	vsub.f32 v34, v60;
	v39 =	vshll.u32 v59, $0xB  }
0x137: {  	vm15 =	vgt.s32 v36, $0x7FE;
	v39 =	vor.u32 v38, v39  }
0x138: {  	v37 =	vmin.u32 v57, $0x7FE;
	v33 =	vsub.f32 v33, v35;
	v34 =	vsel vm15, $0x0, v34;
	[tilespmem:$0x11370] =	vst v39  }
0x139: {  	v37 =	vshll.u32 v37, $0xB;
	[tilespmem:$0x11570] =	vst v34  }
0x13a: {  	v37 =	vor.u32 v38, v37;
	v61 =	vadd.s32 $0x1, v39;
	[tilespmem:$0x115F0] =	vst v33  }
0x13b: {  	v62 =	vadd.s32 $0x800, v37;
	[tilespmem:$0x113F0] =	vst v61  }
0x13c: {  	v63 =	vadd.s32 $0x801, v37;
	[tilespmem:$0x11470] =	vst v62  }
0x13d: {  	[tilespmem:$0x114F0] =	vst v63  }
0x13e: {  	[tilespmem:s18], [sflag:$0x2] =	stream.indirect.gather [hbm4b:s3+s8], $0x8, s17, s8, $0xb8;
	[tilespmem:$0x12900] =	vst v63  }
0x13f: {  	_ = 	snop  }
0x140: {  	[tilespmem:s20], [sflag:$0x2] =	stream.indirect.gather [hbm4b:s3+s8], $0x8, s19, s8, $0xb8;
	[tilespmem:$0x12900] =	vst v63  }
0x141: {  	_ = 	snop  }
0x142: {  	[tilespmem:s22], [sflag:$0x2] =	stream.indirect.gather [hbm4b:s3+s8], $0x8, s21, s8, $0xb8;
	[tilespmem:$0x12900] =	vst v63  }
0x143: {  	s30 =	simm.s32 $0x180;
	s31 =	smov.u32 s6  }
0x144: {  	[tilespmem:s24], [sflag:$0x2] =	stream.indirect.gather [hbm4b:s3+s8], $0x8, s23, s8, $0xb8;
	[tilespmem:$0x12900] =	vst v63  }
.LBB2_2:
0x145: {  	_ =	swait.ge [sflag:s25], $0x400  }
0x146: {  	[sflag:s25] =	ssyncset.done $0x0  }
0x147: {  	[sflag:s25] =	ssyncadd.s32 $0xFFFFFC00  }
0x148: {  	_ =	swait.ge [sflag:s25], $0x400  }
0x149: {  	[sflag:s25] =	ssyncset.done $0x0  }
0x14a: {  	[sflag:s25] =	ssyncadd.s32 $0xFFFFFC00  }
0x14b: {  	v34 =	vmul.u32 $0x8, v0;
	_ =	swait.ge [sflag:s25], $0x400  }
0x14c: {  	[sflag:s25] =	ssyncset.done $0x0  }
0x14d: {  	[sflag:s25] =	ssyncadd.s32 $0xFFFFFC00  }
0x14e: {  	_ =	swait.ge [sflag:s25], $0x400  }
0x14f: {  	[sflag:s25] =	ssyncset.done $0x0  }
0x150: {  	[sflag:s25] =	ssyncadd.s32 $0xFFFFFC00  }
0x151: {  	v33 =	vld.idx.msk [tilespmem:v34+s10+$0x0], $0xffff  }
0x152: {  	v35 =	vld.idx.msk [tilespmem:v34+s12+$0x0], $0xffff  }
0x153: {  	v36 =	vld.idx.msk [tilespmem:v34+s14+$0x0], $0xffff  }
0x154: {  	v37 =	vld.idx.msk [tilespmem:v34+s16+$0x0], $0xffff;
	_ =	sdelay $0x1  }
0x155: {  	v38 =	vld [tilespmem:$0x10200];
	_ =	sdelay $0x2  }
0x156: {  	v35 =	vsub.f32 v35, v33;
	v37 =	vsub.f32 v37, v36;
	_ =	sdelay $0x1  }
0x157: {  	v35 =	vmul.f32 v35, v38;
	v37 =	vmul.f32 v37, v38  }
0x158: {  	v39 =	vld [tilespmem:$0x10280]  }
0x159: {  	v40 =	vadd.f32 v35, v33;
	v58 =	vadd.f32 v37, v36;
	_ =	sdelay $0x1  }
0x15a: {  	v33 =	vmul.u32 $0x3, v0;
	v35 =	vsub.f32 v58, v40;
	_ =	sdelay $0x1  }
0x15b: {  	v59 =	vmul.f32 v35, v39;
	v35 =	vor.u32 $0x1, v34;
	_ =	sdelay $0x1  }
0x15c: {  	v36 =	vadd.f32 v59, v40;
	_ =	sdelay $0x1  }
0x15d: {  	[tilespmem:v33+s26+$0x0] =	vst.idx.msk $0xffff, v36  }
0x15e: {  	v36 =	vld.idx.msk [tilespmem:v35+s10+$0x0], $0xffff  }
0x15f: {  	v60 =	vld.idx.msk [tilespmem:v35+s12+$0x0], $0xffff  }
0x160: {  	v61 =	vld.idx.msk [tilespmem:v35+s14+$0x0], $0xffff  }
0x161: {  	v41 =	vld.idx.msk [tilespmem:v35+s16+$0x0], $0xffff;
	_ =	sdelay $0x4  }
0x162: {  	v37 =	vsub.f32 v60, v36;
	v41 =	vsub.f32 v41, v61;
	_ =	sdelay $0x1  }
0x163: {  	v37 =	vmul.f32 v37, v38;
	v41 =	vmul.f32 v41, v38;
	_ =	sdelay $0x1  }
0x164: {  	v37 =	vadd.f32 v37, v36;
	v62 =	vadd.f32 v41, v61;
	_ =	sdelay $0x1  }
0x165: {  	v36 =	vsub.f32 v62, v37  }
0x166: {  	v63 =	vadd.s32 $0x1, v33  }
0x167: {  	v44 =	vmul.f32 v36, v39;
	v36 =	vor.u32 $0x2, v34;
	_ =	sdelay $0x1  }
0x168: {  	v37 =	vadd.f32 v44, v37;
	_ =	sdelay $0x1  }
0x169: {  	[tilespmem:v63+s26+$0x0] =	vst.idx.msk $0xffff, v37  }
0x16a: {  	v37 =	vld.idx.msk [tilespmem:v36+s10+$0x0], $0xffff  }
0x16b: {  	v40 =	vld.idx.msk [tilespmem:v36+s12+$0x0], $0xffff  }
0x16c: {  	v45 =	vld.idx.msk [tilespmem:v36+s14+$0x0], $0xffff  }
0x16d: {  	v42 =	vld.idx.msk [tilespmem:v36+s16+$0x0], $0xffff;
	_ =	sdelay $0x4  }
0x16e: {  	v40 =	vsub.f32 v40, v37;
	v42 =	vsub.f32 v42, v45;
	_ =	sdelay $0x1  }
0x16f: {  	v40 =	vmul.f32 v40, v38;
	v38 =	vmul.f32 v42, v38;
	_ =	sdelay $0x1  }
0x170: {  	v40 =	vadd.f32 v40, v37;
	v46 =	vadd.f32 v38, v45;
	_ =	sdelay $0x1  }
0x171: {  	v37 =	vsub.f32 v46, v40  }
0x172: {  	v47 =	vadd.s32 $0x2, v33  }
0x173: {  	v39 =	vmul.f32 v37, v39;
	v37 =	vor.u32 $0x80, v34;
	_ =	sdelay $0x1  }
0x174: {  	v39 =	vadd.f32 v39, v40;
	_ =	sdelay $0x1  }
0x175: {  	[tilespmem:v47+s26+$0x0] =	vst.idx.msk $0xffff, v39  }
0x176: {  	v38 =	vld.idx.msk [tilespmem:v37+s10+$0x0], $0xffff  }
0x177: {  	v39 =	vld.idx.msk [tilespmem:v37+s12+$0x0], $0xffff  }
0x178: {  	v48 =	vld.idx.msk [tilespmem:v37+s14+$0x0], $0xffff  }
0x179: {  	v49 =	vld.idx.msk [tilespmem:v37+s16+$0x0], $0xffff;
	_ =	sdelay $0x1  }
0x17a: {  	v50 =	vld [tilespmem:$0x10210];
	_ =	sdelay $0x2  }
0x17b: {  	v39 =	vsub.f32 v39, v38;
	v41 =	vsub.f32 v49, v48;
	_ =	sdelay $0x1  }
0x17c: {  	v39 =	vmul.f32 v39, v50;
	v41 =	vmul.f32 v41, v50  }
0x17d: {  	v43 =	vld [tilespmem:$0x10290]  }
0x17e: {  	v39 =	vadd.f32 v39, v38;
	v51 =	vadd.f32 v41, v48;
	_ =	sdelay $0x1  }
0x17f: {  	v38 =	vsub.f32 v51, v39  }
0x180: {  	v52 =	vadd.s32 $0x30, v33  }
0x181: {  	v53 =	vmul.f32 v38, v43;
	v38 =	vor.u32 $0x81, v34;
	_ =	sdelay $0x1  }
0x182: {  	v39 =	vadd.f32 v53, v39;
	_ =	sdelay $0x1  }
0x183: {  	[tilespmem:v52+s26+$0x0] =	vst.idx.msk $0xffff, v39  }
0x184: {  	v39 =	vld.idx.msk [tilespmem:v38+s10+$0x0], $0xffff  }
0x185: {  	v40 =	vld.idx.msk [tilespmem:v38+s12+$0x0], $0xffff  }
0x186: {  	v54 =	vld.idx.msk [tilespmem:v38+s14+$0x0], $0xffff  }
0x187: {  	v44 =	vld.idx.msk [tilespmem:v38+s16+$0x0], $0xffff;
	_ =	sdelay $0x4  }
0x188: {  	v40 =	vsub.f32 v40, v39;
	v44 =	vsub.f32 v44, v54;
	_ =	sdelay $0x1  }
0x189: {  	v40 =	vmul.f32 v40, v50;
	v44 =	vmul.f32 v44, v50;
	_ =	sdelay $0x1  }
0x18a: {  	v40 =	vadd.f32 v40, v39;
	v55 =	vadd.f32 v44, v54;
	_ =	sdelay $0x1  }
0x18b: {  	v39 =	vsub.f32 v55, v40  }
0x18c: {  	v56 =	vadd.s32 $0x31, v33  }
0x18d: {  	v57 =	vmul.f32 v39, v43;
	v39 =	vor.u32 $0x82, v34;
	_ =	sdelay $0x1  }
0x18e: {  	v40 =	vadd.f32 v57, v40;
	_ =	sdelay $0x1  }
0x18f: {  	[tilespmem:v56+s26+$0x0] =	vst.idx.msk $0xffff, v40  }
0x190: {  	v40 =	vld.idx.msk [tilespmem:v39+s10+$0x0], $0xffff  }
0x191: {  	v41 =	vld.idx.msk [tilespmem:v39+s12+$0x0], $0xffff  }
0x192: {  	v58 =	vld.idx.msk [tilespmem:v39+s14+$0x0], $0xffff  }
0x193: {  	v45 =	vld.idx.msk [tilespmem:v39+s16+$0x0], $0xffff;
	_ =	sdelay $0x4  }
0x194: {  	v41 =	vsub.f32 v41, v40;
	v45 =	vsub.f32 v45, v58;
	_ =	sdelay $0x1  }
0x195: {  	v41 =	vmul.f32 v41, v50;
	v42 =	vmul.f32 v45, v50;
	_ =	sdelay $0x1  }
0x196: {  	v41 =	vadd.f32 v41, v40;
	v59 =	vadd.f32 v42, v58;
	_ =	sdelay $0x1  }
0x197: {  	v40 =	vsub.f32 v59, v41  }
0x198: {  	v60 =	vadd.s32 $0x32, v33  }
0x199: {  	v43 =	vmul.f32 v40, v43;
	v40 =	vor.u32 $0x100, v34;
	_ =	sdelay $0x1  }
0x19a: {  	v41 =	vadd.f32 v43, v41;
	_ =	sdelay $0x1  }
0x19b: {  	[tilespmem:v60+s26+$0x0] =	vst.idx.msk $0xffff, v41  }
0x19c: {  	v41 =	vld.idx.msk [tilespmem:v40+s10+$0x0], $0xffff  }
0x19d: {  	v42 =	vld.idx.msk [tilespmem:v40+s12+$0x0], $0xffff  }
0x19e: {  	v61 =	vld.idx.msk [tilespmem:v40+s14+$0x0], $0xffff  }
0x19f: {  	v62 =	vld.idx.msk [tilespmem:v40+s16+$0x0], $0xffff;
	_ =	sdelay $0x1  }
0x1a0: {  	v63 =	vld [tilespmem:$0x10220];
	_ =	sdelay $0x2  }
0x1a1: {  	v42 =	vsub.f32 v42, v41;
	v44 =	vsub.f32 v62, v61;
	_ =	sdelay $0x1  }
0x1a2: {  	v42 =	vmul.f32 v42, v63;
	v44 =	vmul.f32 v44, v63  }
0x1a3: {  	v46 =	vld [tilespmem:$0x102A0]  }
0x1a4: {  	v42 =	vadd.f32 v42, v41;
	v47 =	vadd.f32 v44, v61;
	_ =	sdelay $0x1  }
0x1a5: {  	v41 =	vsub.f32 v47, v42  }
0x1a6: {  	v48 =	vadd.s32 $0x60, v33  }
0x1a7: {  	v49 =	vmul.f32 v41, v46;
	v41 =	vor.u32 $0x101, v34;
	_ =	sdelay $0x1  }
0x1a8: {  	v42 =	vadd.f32 v49, v42;
	_ =	sdelay $0x1  }
0x1a9: {  	[tilespmem:v48+s26+$0x0] =	vst.idx.msk $0xffff, v42  }
0x1aa: {  	v42 =	vld.idx.msk [tilespmem:v41+s10+$0x0], $0xffff  }
0x1ab: {  	v43 =	vld.idx.msk [tilespmem:v41+s12+$0x0], $0xffff  }
0x1ac: {  	v50 =	vld.idx.msk [tilespmem:v41+s14+$0x0], $0xffff  }
0x1ad: {  	v47 =	vld.idx.msk [tilespmem:v41+s16+$0x0], $0xffff;
	_ =	sdelay $0x4  }
0x1ae: {  	v43 =	vsub.f32 v43, v42;
	v47 =	vsub.f32 v47, v50;
	_ =	sdelay $0x1  }
0x1af: {  	v43 =	vmul.f32 v43, v63;
	v47 =	vmul.f32 v47, v63;
	_ =	sdelay $0x1  }
0x1b0: {  	v43 =	vadd.f32 v43, v42;
	v51 =	vadd.f32 v47, v50;
	_ =	sdelay $0x1  }
0x1b1: {  	v42 =	vsub.f32 v51, v43  }
0x1b2: {  	v52 =	vadd.s32 $0x61, v33  }
0x1b3: {  	v53 =	vmul.f32 v42, v46;
	v42 =	vor.u32 $0x102, v34;
	_ =	sdelay $0x1  }
0x1b4: {  	v43 =	vadd.f32 v53, v43;
	_ =	sdelay $0x1  }
0x1b5: {  	[tilespmem:v52+s26+$0x0] =	vst.idx.msk $0xffff, v43  }
0x1b6: {  	v43 =	vld.idx.msk [tilespmem:v42+s10+$0x0], $0xffff  }
0x1b7: {  	v44 =	vld.idx.msk [tilespmem:v42+s12+$0x0], $0xffff  }
0x1b8: {  	v54 =	vld.idx.msk [tilespmem:v42+s14+$0x0], $0xffff  }
0x1b9: {  	v48 =	vld.idx.msk [tilespmem:v42+s16+$0x0], $0xffff;
	_ =	sdelay $0x4  }
0x1ba: {  	v44 =	vsub.f32 v44, v43;
	v48 =	vsub.f32 v48, v54;
	_ =	sdelay $0x1  }
0x1bb: {  	v44 =	vmul.f32 v44, v63;
	v45 =	vmul.f32 v48, v63;
	_ =	sdelay $0x1  }
0x1bc: {  	v44 =	vadd.f32 v44, v43;
	v55 =	vadd.f32 v45, v54;
	_ =	sdelay $0x1  }
0x1bd: {  	v43 =	vsub.f32 v55, v44  }
0x1be: {  	v56 =	vadd.s32 $0x62, v33  }
0x1bf: {  	v46 =	vmul.f32 v43, v46;
	v43 =	vor.u32 $0x180, v34;
	_ =	sdelay $0x1  }
0x1c0: {  	v44 =	vadd.f32 v46, v44;
	_ =	sdelay $0x1  }
0x1c1: {  	[tilespmem:v56+s26+$0x0] =	vst.idx.msk $0xffff, v44  }
0x1c2: {  	v44 =	vld.idx.msk [tilespmem:v43+s10+$0x0], $0xffff  }
0x1c3: {  	v45 =	vld.idx.msk [tilespmem:v43+s12+$0x0], $0xffff  }
0x1c4: {  	v57 =	vld.idx.msk [tilespmem:v43+s14+$0x0], $0xffff  }
0x1c5: {  	v58 =	vld.idx.msk [tilespmem:v43+s16+$0x0], $0xffff;
	_ =	sdelay $0x1  }
0x1c6: {  	v59 =	vld [tilespmem:$0x10230];
	_ =	sdelay $0x2  }
0x1c7: {  	v45 =	vsub.f32 v45, v44;
	v47 =	vsub.f32 v58, v57;
	_ =	sdelay $0x1  }
0x1c8: {  	v45 =	vmul.f32 v45, v59;
	v47 =	vmul.f32 v47, v59  }
0x1c9: {  	v49 =	vld [tilespmem:$0x102B0]  }
0x1ca: {  	v45 =	vadd.f32 v45, v44;
	v60 =	vadd.f32 v47, v57;
	_ =	sdelay $0x1  }
0x1cb: {  	v44 =	vsub.f32 v60, v45  }
0x1cc: {  	v61 =	vadd.s32 $0x90, v33  }
0x1cd: {  	v62 =	vmul.f32 v44, v49;
	v44 =	vor.u32 $0x181, v34;
	_ =	sdelay $0x1  }
0x1ce: {  	v45 =	vadd.f32 v62, v45;
	_ =	sdelay $0x1  }
0x1cf: {  	[tilespmem:v61+s26+$0x0] =	vst.idx.msk $0xffff, v45  }
0x1d0: {  	v45 =	vld.idx.msk [tilespmem:v44+s10+$0x0], $0xffff  }
0x1d1: {  	v46 =	vld.idx.msk [tilespmem:v44+s12+$0x0], $0xffff  }
0x1d2: {  	v63 =	vld.idx.msk [tilespmem:v44+s14+$0x0], $0xffff  }
0x1d3: {  	v50 =	vld.idx.msk [tilespmem:v44+s16+$0x0], $0xffff;
	_ =	sdelay $0x4  }
0x1d4: {  	v46 =	vsub.f32 v46, v45;
	v50 =	vsub.f32 v50, v63;
	_ =	sdelay $0x1  }
0x1d5: {  	v46 =	vmul.f32 v46, v59;
	v50 =	vmul.f32 v50, v59;
	_ =	sdelay $0x1  }
0x1d6: {  	v46 =	vadd.f32 v46, v45;
	v52 =	vadd.f32 v50, v63;
	_ =	sdelay $0x1  }
0x1d7: {  	v45 =	vsub.f32 v52, v46  }
0x1d8: {  	v53 =	vadd.s32 $0x91, v33  }
0x1d9: {  	v54 =	vmul.f32 v45, v49;
	v45 =	vor.u32 $0x182, v34;
	_ =	sdelay $0x1  }
0x1da: {  	v46 =	vadd.f32 v54, v46;
	_ =	sdelay $0x1  }
0x1db: {  	[tilespmem:v53+s26+$0x0] =	vst.idx.msk $0xffff, v46  }
0x1dc: {  	v46 =	vld.idx.msk [tilespmem:v45+s10+$0x0], $0xffff  }
0x1dd: {  	v47 =	vld.idx.msk [tilespmem:v45+s12+$0x0], $0xffff  }
0x1de: {  	v55 =	vld.idx.msk [tilespmem:v45+s14+$0x0], $0xffff  }
0x1df: {  	v51 =	vld.idx.msk [tilespmem:v45+s16+$0x0], $0xffff;
	_ =	sdelay $0x4  }
0x1e0: {  	v47 =	vsub.f32 v47, v46;
	v51 =	vsub.f32 v51, v55;
	_ =	sdelay $0x1  }
0x1e1: {  	v47 =	vmul.f32 v47, v59;
	v48 =	vmul.f32 v51, v59;
	_ =	sdelay $0x1  }
0x1e2: {  	v47 =	vadd.f32 v47, v46;
	v56 =	vadd.f32 v48, v55;
	_ =	sdelay $0x1  }
0x1e3: {  	v46 =	vsub.f32 v56, v47  }
0x1e4: {  	v57 =	vadd.s32 $0x92, v33  }
0x1e5: {  	v49 =	vmul.f32 v46, v49;
	v46 =	vor.u32 $0x200, v34;
	_ =	sdelay $0x1  }
0x1e6: {  	v47 =	vadd.f32 v49, v47;
	_ =	sdelay $0x1  }
0x1e7: {  	[tilespmem:v57+s26+$0x0] =	vst.idx.msk $0xffff, v47  }
0x1e8: {  	v47 =	vld.idx.msk [tilespmem:v46+s10+$0x0], $0xffff  }
0x1e9: {  	v48 =	vld.idx.msk [tilespmem:v46+s12+$0x0], $0xffff  }
0x1ea: {  	v58 =	vld.idx.msk [tilespmem:v46+s14+$0x0], $0xffff  }
0x1eb: {  	v59 =	vld.idx.msk [tilespmem:v46+s16+$0x0], $0xffff;
	_ =	sdelay $0x1  }
0x1ec: {  	v51 =	vld [tilespmem:$0x10240];
	_ =	sdelay $0x2  }
0x1ed: {  	v48 =	vsub.f32 v48, v47;
	v50 =	vsub.f32 v59, v58;
	_ =	sdelay $0x1  }
0x1ee: {  	v48 =	vmul.f32 v48, v51;
	v50 =	vmul.f32 v50, v51  }
0x1ef: {  	v52 =	vld [tilespmem:$0x102C0]  }
0x1f0: {  	v48 =	vadd.f32 v48, v47;
	v60 =	vadd.f32 v50, v58;
	_ =	sdelay $0x1  }
0x1f1: {  	v47 =	vsub.f32 v60, v48  }
0x1f2: {  	v61 =	vor.u32 $0xC0, v33  }
0x1f3: {  	v62 =	vmul.f32 v47, v52;
	v47 =	vor.u32 $0x201, v34;
	_ =	sdelay $0x1  }
0x1f4: {  	v48 =	vadd.f32 v62, v48;
	_ =	sdelay $0x1  }
0x1f5: {  	[tilespmem:v61+s26+$0x0] =	vst.idx.msk $0xffff, v48  }
0x1f6: {  	v48 =	vld.idx.msk [tilespmem:v47+s10+$0x0], $0xffff  }
0x1f7: {  	v49 =	vld.idx.msk [tilespmem:v47+s12+$0x0], $0xffff  }
0x1f8: {  	v63 =	vld.idx.msk [tilespmem:v47+s14+$0x0], $0xffff  }
0x1f9: {  	v53 =	vld.idx.msk [tilespmem:v47+s16+$0x0], $0xffff;
	_ =	sdelay $0x4  }
0x1fa: {  	v49 =	vsub.f32 v49, v48;
	v53 =	vsub.f32 v53, v63;
	_ =	sdelay $0x1  }
0x1fb: {  	v49 =	vmul.f32 v49, v51;
	v53 =	vmul.f32 v53, v51;
	_ =	sdelay $0x1  }
0x1fc: {  	v49 =	vadd.f32 v49, v48;
	v56 =	vadd.f32 v53, v63;
	_ =	sdelay $0x1  }
0x1fd: {  	v48 =	vsub.f32 v56, v49  }
0x1fe: {  	v57 =	vadd.s32 $0xC1, v33  }
0x1ff: {  	v58 =	vmul.f32 v48, v52;
	v48 =	vor.u32 $0x202, v34;
	_ =	sdelay $0x1  }
0x200: {  	v49 =	vadd.f32 v58, v49;
	_ =	sdelay $0x1  }
0x201: {  	[tilespmem:v57+s26+$0x0] =	vst.idx.msk $0xffff, v49  }
0x202: {  	v49 =	vld.idx.msk [tilespmem:v48+s10+$0x0], $0xffff  }
0x203: {  	v50 =	vld.idx.msk [tilespmem:v48+s12+$0x0], $0xffff  }
0x204: {  	v59 =	vld.idx.msk [tilespmem:v48+s14+$0x0], $0xffff  }
0x205: {  	v54 =	vld.idx.msk [tilespmem:v48+s16+$0x0], $0xffff;
	_ =	sdelay $0x4  }
0x206: {  	v50 =	vsub.f32 v50, v49;
	v54 =	vsub.f32 v54, v59;
	_ =	sdelay $0x1  }
0x207: {  	v50 =	vmul.f32 v50, v51;
	v51 =	vmul.f32 v54, v51;
	_ =	sdelay $0x1  }
0x208: {  	v50 =	vadd.f32 v50, v49;
	v60 =	vadd.f32 v51, v59;
	_ =	sdelay $0x1  }
0x209: {  	v49 =	vsub.f32 v60, v50  }
0x20a: {  	v61 =	vadd.s32 $0xC2, v33  }
0x20b: {  	v52 =	vmul.f32 v49, v52;
	v49 =	vor.u32 $0x280, v34;
	_ =	sdelay $0x1  }
0x20c: {  	v50 =	vadd.f32 v52, v50;
	_ =	sdelay $0x1  }
0x20d: {  	[tilespmem:v61+s26+$0x0] =	vst.idx.msk $0xffff, v50  }
0x20e: {  	v50 =	vld.idx.msk [tilespmem:v49+s10+$0x0], $0xffff  }
0x20f: {  	v51 =	vld.idx.msk [tilespmem:v49+s12+$0x0], $0xffff  }
0x210: {  	v62 =	vld.idx.msk [tilespmem:v49+s14+$0x0], $0xffff  }
0x211: {  	v63 =	vld.idx.msk [tilespmem:v49+s16+$0x0], $0xffff;
	_ =	sdelay $0x1  }
0x212: {  	v54 =	vld [tilespmem:$0x10250];
	_ =	sdelay $0x2  }
0x213: {  	v51 =	vsub.f32 v51, v50;
	v53 =	vsub.f32 v63, v62;
	_ =	sdelay $0x1  }
0x214: {  	v51 =	vmul.f32 v51, v54;
	v53 =	vmul.f32 v53, v54  }
0x215: {  	v55 =	vld [tilespmem:$0x102D0]  }
0x216: {  	v51 =	vadd.f32 v51, v50;
	v57 =	vadd.f32 v53, v62;
	_ =	sdelay $0x1  }
0x217: {  	v50 =	vsub.f32 v57, v51  }
0x218: {  	v58 =	vadd.s32 $0xF0, v33  }
0x219: {  	v59 =	vmul.f32 v50, v55;
	v50 =	vor.u32 $0x281, v34;
	_ =	sdelay $0x1  }
0x21a: {  	v51 =	vadd.f32 v59, v51;
	_ =	sdelay $0x1  }
0x21b: {  	[tilespmem:v58+s26+$0x0] =	vst.idx.msk $0xffff, v51  }
0x21c: {  	v51 =	vld.idx.msk [tilespmem:v50+s10+$0x0], $0xffff  }
0x21d: {  	v52 =	vld.idx.msk [tilespmem:v50+s12+$0x0], $0xffff  }
0x21e: {  	v60 =	vld.idx.msk [tilespmem:v50+s14+$0x0], $0xffff  }
0x21f: {  	v56 =	vld.idx.msk [tilespmem:v50+s16+$0x0], $0xffff;
	_ =	sdelay $0x4  }
0x220: {  	v52 =	vsub.f32 v52, v51;
	v56 =	vsub.f32 v56, v60;
	_ =	sdelay $0x1  }
0x221: {  	v52 =	vmul.f32 v52, v54;
	v56 =	vmul.f32 v56, v54;
	_ =	sdelay $0x1  }
0x222: {  	v52 =	vadd.f32 v52, v51;
	v61 =	vadd.f32 v56, v60;
	_ =	sdelay $0x1  }
0x223: {  	v51 =	vsub.f32 v61, v52  }
0x224: {  	v62 =	vadd.s32 $0xF1, v33  }
0x225: {  	v63 =	vmul.f32 v51, v55;
	v51 =	vor.u32 $0x282, v34;
	_ =	sdelay $0x1  }
0x226: {  	v52 =	vadd.f32 v63, v52;
	_ =	sdelay $0x1  }
0x227: {  	[tilespmem:v62+s26+$0x0] =	vst.idx.msk $0xffff, v52  }
0x228: {  	v52 =	vld.idx.msk [tilespmem:v51+s10+$0x0], $0xffff  }
0x229: {  	v53 =	vld.idx.msk [tilespmem:v51+s12+$0x0], $0xffff  }
0x22a: {  	v60 =	vld.idx.msk [tilespmem:v51+s14+$0x0], $0xffff  }
0x22b: {  	v57 =	vld.idx.msk [tilespmem:v51+s16+$0x0], $0xffff;
	_ =	sdelay $0x4  }
0x22c: {  	v53 =	vsub.f32 v53, v52;
	v57 =	vsub.f32 v57, v60;
	_ =	sdelay $0x1  }
0x22d: {  	v53 =	vmul.f32 v53, v54;
	v54 =	vmul.f32 v57, v54;
	_ =	sdelay $0x1  }
0x22e: {  	v53 =	vadd.f32 v53, v52;
	v61 =	vadd.f32 v54, v60;
	_ =	sdelay $0x1  }
0x22f: {  	v52 =	vsub.f32 v61, v53  }
0x230: {  	v62 =	vadd.s32 $0xF2, v33  }
0x231: {  	v55 =	vmul.f32 v52, v55;
	v52 =	vor.u32 $0x300, v34;
	_ =	sdelay $0x1  }
0x232: {  	v53 =	vadd.f32 v55, v53;
	_ =	sdelay $0x1  }
0x233: {  	[tilespmem:v62+s26+$0x0] =	vst.idx.msk $0xffff, v53  }
0x234: {  	v53 =	vld.idx.msk [tilespmem:v52+s10+$0x0], $0xffff  }
0x235: {  	v54 =	vld.idx.msk [tilespmem:v52+s12+$0x0], $0xffff  }
0x236: {  	v63 =	vld.idx.msk [tilespmem:v52+s14+$0x0], $0xffff  }
0x237: {  	v60 =	vld.idx.msk [tilespmem:v52+s16+$0x0], $0xffff;
	_ =	sdelay $0x1  }
0x238: {  	v57 =	vld [tilespmem:$0x10260];
	_ =	sdelay $0x2  }
0x239: {  	v54 =	vsub.f32 v54, v53;
	v56 =	vsub.f32 v60, v63;
	_ =	sdelay $0x1  }
0x23a: {  	v54 =	vmul.f32 v54, v57;
	v56 =	vmul.f32 v56, v57  }
0x23b: {  	v58 =	vld [tilespmem:$0x102E0]  }
0x23c: {  	v54 =	vadd.f32 v54, v53;
	v61 =	vadd.f32 v56, v63;
	_ =	sdelay $0x1  }
0x23d: {  	v53 =	vsub.f32 v61, v54  }
0x23e: {  	v62 =	vadd.s32 $0x120, v33  }
0x23f: {  	v63 =	vmul.f32 v53, v58;
	v53 =	vor.u32 $0x301, v34;
	_ =	sdelay $0x1  }
0x240: {  	v54 =	vadd.f32 v63, v54;
	_ =	sdelay $0x1  }
0x241: {  	[tilespmem:v62+s26+$0x0] =	vst.idx.msk $0xffff, v54  }
0x242: {  	v54 =	vld.idx.msk [tilespmem:v53+s10+$0x0], $0xffff  }
0x243: {  	v55 =	vld.idx.msk [tilespmem:v53+s12+$0x0], $0xffff  }
0x244: {  	v60 =	vld.idx.msk [tilespmem:v53+s14+$0x0], $0xffff  }
0x245: {  	v59 =	vld.idx.msk [tilespmem:v53+s16+$0x0], $0xffff;
	_ =	sdelay $0x4  }
0x246: {  	v55 =	vsub.f32 v55, v54;
	v59 =	vsub.f32 v59, v60;
	_ =	sdelay $0x1  }
0x247: {  	v55 =	vmul.f32 v55, v57;
	v59 =	vmul.f32 v59, v57;
	_ =	sdelay $0x1  }
0x248: {  	v55 =	vadd.f32 v55, v54;
	v61 =	vadd.f32 v59, v60;
	_ =	sdelay $0x1  }
0x249: {  	v54 =	vsub.f32 v61, v55  }
0x24a: {  	v62 =	vadd.s32 $0x121, v33  }
0x24b: {  	v63 =	vmul.f32 v54, v58;
	v54 =	vor.u32 $0x302, v34;
	_ =	sdelay $0x1  }
0x24c: {  	v55 =	vadd.f32 v63, v55;
	_ =	sdelay $0x1  }
0x24d: {  	[tilespmem:v62+s26+$0x0] =	vst.idx.msk $0xffff, v55  }
0x24e: {  	v55 =	vld.idx.msk [tilespmem:v54+s10+$0x0], $0xffff  }
0x24f: {  	v56 =	vld.idx.msk [tilespmem:v54+s12+$0x0], $0xffff  }
0x250: {  	v59 =	vld.idx.msk [tilespmem:v54+s14+$0x0], $0xffff  }
0x251: {  	v60 =	vld.idx.msk [tilespmem:v54+s16+$0x0], $0xffff;
	_ =	sdelay $0x4  }
0x252: {  	v56 =	vsub.f32 v56, v55;
	v60 =	vsub.f32 v60, v59;
	_ =	sdelay $0x1  }
0x253: {  	v56 =	vmul.f32 v56, v57;
	v57 =	vmul.f32 v60, v57;
	_ =	sdelay $0x1  }
0x254: {  	v56 =	vadd.f32 v56, v55;
	v60 =	vadd.f32 v57, v59;
	_ =	sdelay $0x1  }
0x255: {  	v55 =	vsub.f32 v60, v56  }
0x256: {  	v61 =	vadd.s32 $0x122, v33  }
0x257: {  	v58 =	vmul.f32 v55, v58;
	v55 =	vor.u32 $0x380, v34;
	_ =	sdelay $0x1  }
0x258: {  	v56 =	vadd.f32 v58, v56;
	_ =	sdelay $0x1  }
0x259: {  	[tilespmem:v61+s26+$0x0] =	vst.idx.msk $0xffff, v56  }
0x25a: {  	v56 =	vld.idx.msk [tilespmem:v55+s10+$0x0], $0xffff  }
0x25b: {  	v57 =	vld.idx.msk [tilespmem:v55+s12+$0x0], $0xffff  }
0x25c: {  	v58 =	vld.idx.msk [tilespmem:v55+s14+$0x0], $0xffff  }
0x25d: {  	v59 =	vld.idx.msk [tilespmem:v55+s16+$0x0], $0xffff;
	_ =	sdelay $0x1  }
0x25e: {  	v60 =	vld [tilespmem:$0x10270];
	_ =	sdelay $0x2  }
0x25f: {  	v57 =	vsub.f32 v57, v56;
	v59 =	vsub.f32 v59, v58;
	_ =	sdelay $0x1  }
0x260: {  	v57 =	vmul.f32 v57, v60;
	v59 =	vmul.f32 v59, v60  }
0x261: {  	v61 =	vld [tilespmem:$0x102F0]  }
0x262: {  	v57 =	vadd.f32 v57, v56;
	v62 =	vadd.f32 v59, v58;
	_ =	sdelay $0x1  }
0x263: {  	v56 =	vsub.f32 v62, v57  }
0x264: {  	v63 =	vadd.s32 $0x150, v33  }
0x265: {  	v62 =	vmul.f32 v56, v61;
	v56 =	vor.u32 $0x381, v34;
	_ =	sdelay $0x1  }
0x266: {  	v57 =	vadd.f32 v62, v57;
	_ =	sdelay $0x1  }
0x267: {  	[tilespmem:v63+s26+$0x0] =	vst.idx.msk $0xffff, v57  }
0x268: {  	v57 =	vld.idx.msk [tilespmem:v56+s10+$0x0], $0xffff  }
0x269: {  	v58 =	vld.idx.msk [tilespmem:v56+s12+$0x0], $0xffff  }
0x26a: {  	v59 =	vld.idx.msk [tilespmem:v56+s14+$0x0], $0xffff  }
0x26b: {  	v62 =	vld.idx.msk [tilespmem:v56+s16+$0x0], $0xffff;
	_ =	sdelay $0x4  }
0x26c: {  	v58 =	vsub.f32 v58, v57;
	v62 =	vsub.f32 v62, v59;
	_ =	sdelay $0x1  }
0x26d: {  	v58 =	vmul.f32 v58, v60;
	v62 =	vmul.f32 v62, v60;
	_ =	sdelay $0x1  }
0x26e: {  	v58 =	vadd.f32 v58, v57;
	v63 =	vadd.f32 v62, v59;
	_ =	sdelay $0x1  }
0x26f: {  	v57 =	vsub.f32 v63, v58  }
0x270: {  	v59 =	vadd.s32 $0x151, v33  }
0x271: {  	v62 =	vmul.f32 v57, v61;
	v57 =	vor.u32 $0x382, v34;
	_ =	sdelay $0x1  }
0x272: {  	v58 =	vadd.f32 v62, v58;
	_ =	sdelay $0x1  }
0x273: {  	[tilespmem:v59+s26+$0x0] =	vst.idx.msk $0xffff, v58  }
0x274: {  	v58 =	vld.idx.msk [tilespmem:v57+s10+$0x0], $0xffff  }
0x275: {  	v59 =	vld.idx.msk [tilespmem:v57+s12+$0x0], $0xffff  }
0x276: {  	v62 =	vld.idx.msk [tilespmem:v57+s14+$0x0], $0xffff  }
0x277: {  	v63 =	vld.idx.msk [tilespmem:v57+s16+$0x0], $0xffff;
	_ =	sdelay $0x4  }
0x278: {  	v59 =	vsub.f32 v59, v58;
	v63 =	vsub.f32 v63, v62;
	_ =	sdelay $0x1  }
0x279: {  	v59 =	vmul.f32 v59, v60;
	v60 =	vmul.f32 v63, v60;
	_ =	sdelay $0x1  }
0x27a: {  	p0 =	seq.s32 s30, $0x8080;
	s0 =	sadd.s32 $0xFFFFFF80, s30;
	v58 =	vadd.f32 v59, v58;
	v62 =	vadd.f32 v60, v62  }
0x27b: {  	s0 =	simm.s32 @p0 $0x0  }
0x27c: {  	v60 =	vmov s0;
	v59 =	vsub.f32 v62, v58  }
0x27d: {  	v60 =	vshll.u32 v60, $0x1;
	v62 =	vadd.s32 $0x152, v33  }
0x27e: {  	v60 =	vor.u32 v1, v60;
	v59 =	vmul.f32 v59, v61  }
0x27f: {  	v61 =	vor.u32 $0x1, v60  }
0x280: {  	v58 =	vadd.f32 v59, v58;
	_ =	sdelay $0x1  }
0x281: {  	[tilespmem:v62+s26+$0x0] =	vst.idx.msk $0xffff, v58  }
0x282: {  	v58 =	vld.idx.msk [tilespmem:v60+s2+$0x0], $0xffff  }
0x283: {  	v63 =	vld.idx.msk [tilespmem:v61+s2+$0x0], $0xffff;
	_ =	sdelay $0x4  }
0x284: {  	v58 =	vmul.f32 $2.048000000e+03, v58;
	v59 =	vmul.f32 $2.048000000e+03, v63;
	_ =	sdelay $0x1  }
0x285: {  	v60 =	vtrunc.f32 v58;
	v61 =	vtrunc.f32 v59  }
0x286: {  	v60 =	vcvt.f32.s32 v60;
	v61 =	vcvt.f32.s32 v61;
	_ =	sdelay $0x1  }
0x287: {  	s1 =	sor.u32 $0x10, s0;
	v62 =	vcvt.s32.f32 v60;
	vm0 =	vgt.s32 v61, $0x0  }
0x288: {  	v3 =	vmov s1;
	vm1 =	vgt.s32 v60, $0x0;
	v63 =	vnsel vm0, $0x0, v61  }
0x289: {  	v58 =	vsub.f32 v58, v62;
	v62 =	vnsel vm1, $0x0, v60;
	v2 =	vmin.u32 v63, $0x7FF  }
0x28a: {  	v3 =	vshll.u32 v3, $0x1;
	v62 =	vmin.u32 v62, $0x7FF;
	v2 =	vshll.u32 v2, $0xB  }
0x28b: {  	v61 =	vcvt.s32.f32 v61;
	v63 =	vmin.u32 v63, $0x7FE;
	v2 =	vor.u32 v62, v2  }
0x28c: {  	vm6 =	vgt.s32 v60, $0x7FE;
	v63 =	vshll.u32 v63, $0xB;
	[tilespmem:$0x10000] =	vst v2;
	v2 =	vadd.s32 $0x1, v2  }
0x28d: {  	v59 =	vsub.f32 v59, v61;
	v58 =	vsel vm6, $0x0, v58;
	[tilespmem:$0x10080] =	vst v2;
	v2 =	vor.u32 v1, v3  }
0x28e: {  	v62 =	vor.u32 v62, v63;
	[tilespmem:$0x10200] =	vst v58;
	v60 =	vor.u32 $0x1, v2  }
0x28f: {  	v63 =	vadd.s32 $0x800, v62;
	[tilespmem:$0x10280] =	vst v59  }
0x290: {  	[tilespmem:$0x10100] =	vst v63;
	v3 =	vadd.s32 $0x801, v62  }
0x291: {  	[tilespmem:$0x10180] =	vst v3  }
0x292: {  	v2 =	vld.idx.msk [tilespmem:v2+s2+$0x0], $0xffff  }
0x293: {  	v3 =	vld.idx.msk [tilespmem:v60+s2+$0x0], $0xffff;
	_ =	sdelay $0x4  }
0x294: {  	v2 =	vmul.f32 $2.048000000e+03, v2;
	v3 =	vmul.f32 $2.048000000e+03, v3;
	_ =	sdelay $0x1  }
0x295: {  	v60 =	vtrunc.f32 v2;
	v61 =	vtrunc.f32 v3  }
0x296: {  	v58 =	vcvt.f32.s32 v60;
	v59 =	vcvt.f32.s32 v61  }
0x297: {  	s1 =	sor.u32 $0x20, s0  }
0x298: {  	v63 =	vmov s1;
	v60 =	vcvt.s32.f32 v58;
	vm7 =	vgt.s32 v59, $0x0  }
0x299: {  	vm8 =	vgt.s32 v58, $0x0;
	vm9 =	vgt.s32 v58, $0x7FE;
	v61 =	vnsel vm7, $0x0, v59  }
0x29a: {  	v2 =	vsub.f32 v2, v60;
	v60 =	vnsel vm8, $0x0, v58;
	v62 =	vmin.u32 v61, $0x7FF  }
0x29b: {  	v60 =	vmin.u32 v60, $0x7FF;
	v61 =	vmin.u32 v61, $0x7FE;
	v62 =	vshll.u32 v62, $0xB  }
0x29c: {  	v59 =	vcvt.s32.f32 v59;
	v61 =	vshll.u32 v61, $0xB;
	v62 =	vor.u32 v60, v62  }
0x29d: {  	v60 =	vor.u32 v60, v61;
	[tilespmem:$0x10010] =	vst v62;
	v61 =	vadd.s32 $0x1, v62;
	v62 =	vshll.u32 v63, $0x1  }
0x29e: {  	v3 =	vsub.f32 v3, v59;
	v2 =	vsel vm9, $0x0, v2;
	[tilespmem:$0x10090] =	vst v61;
	v61 =	vor.u32 v1, v62  }
0x29f: {  	[tilespmem:$0x10210] =	vst v2;
	v63 =	vadd.s32 $0x800, v60;
	v58 =	vadd.s32 $0x801, v60;
	v60 =	vor.u32 $0x1, v61  }
0x2a0: {  	[tilespmem:$0x10290] =	vst v3  }
0x2a1: {  	[tilespmem:$0x10110] =	vst v63  }
0x2a2: {  	[tilespmem:$0x10190] =	vst v58  }
0x2a3: {  	v2 =	vld.idx.msk [tilespmem:v61+s2+$0x0], $0xffff  }
0x2a4: {  	v3 =	vld.idx.msk [tilespmem:v60+s2+$0x0], $0xffff;
	_ =	sdelay $0x4  }
0x2a5: {  	v2 =	vmul.f32 $2.048000000e+03, v2;
	v3 =	vmul.f32 $2.048000000e+03, v3;
	_ =	sdelay $0x1  }
0x2a6: {  	v62 =	vtrunc.f32 v2;
	v63 =	vtrunc.f32 v3  }
0x2a7: {  	v58 =	vcvt.f32.s32 v62;
	v59 =	vcvt.f32.s32 v63  }
0x2a8: {  	s1 =	sor.u32 $0x30, s0  }
0x2a9: {  	v63 =	vmov s1;
	v60 =	vcvt.s32.f32 v58;
	vm10 =	vgt.s32 v59, $0x0  }
0x2aa: {  	vm11 =	vgt.s32 v58, $0x0;
	vm12 =	vgt.s32 v58, $0x7FE;
	v61 =	vnsel vm10, $0x0, v59  }
0x2ab: {  	v2 =	vsub.f32 v2, v60;
	v60 =	vnsel vm11, $0x0, v58;
	v62 =	vmin.u32 v61, $0x7FF  }
0x2ac: {  	v60 =	vmin.u32 v60, $0x7FF;
	v61 =	vmin.u32 v61, $0x7FE;
	v62 =	vshll.u32 v62, $0xB  }
0x2ad: {  	v59 =	vcvt.s32.f32 v59;
	v61 =	vshll.u32 v61, $0xB;
	v62 =	vor.u32 v60, v62  }
0x2ae: {  	v60 =	vor.u32 v60, v61;
	[tilespmem:$0x10020] =	vst v62;
	v61 =	vadd.s32 $0x1, v62;
	v62 =	vshll.u32 v63, $0x1  }
0x2af: {  	v3 =	vsub.f32 v3, v59;
	v2 =	vsel vm12, $0x0, v2;
	[tilespmem:$0x100A0] =	vst v61;
	v61 =	vor.u32 v1, v62  }
0x2b0: {  	[tilespmem:$0x10220] =	vst v2;
	v63 =	vadd.s32 $0x800, v60;
	v58 =	vadd.s32 $0x801, v60;
	v60 =	vor.u32 $0x1, v61  }
0x2b1: {  	[tilespmem:$0x102A0] =	vst v3  }
0x2b2: {  	[tilespmem:$0x10120] =	vst v63  }
0x2b3: {  	[tilespmem:$0x101A0] =	vst v58  }
0x2b4: {  	v2 =	vld.idx.msk [tilespmem:v61+s2+$0x0], $0xffff  }
0x2b5: {  	v3 =	vld.idx.msk [tilespmem:v60+s2+$0x0], $0xffff;
	_ =	sdelay $0x4  }
0x2b6: {  	v2 =	vmul.f32 $2.048000000e+03, v2;
	v3 =	vmul.f32 $2.048000000e+03, v3;
	_ =	sdelay $0x1  }
0x2b7: {  	v60 =	vtrunc.f32 v2;
	v61 =	vtrunc.f32 v3  }
0x2b8: {  	v58 =	vcvt.f32.s32 v60;
	v59 =	vcvt.f32.s32 v61  }
0x2b9: {  	s1 =	sor.u32 $0x40, s0  }
0x2ba: {  	v63 =	vmov s1;
	v60 =	vcvt.s32.f32 v58;
	vm13 =	vgt.s32 v59, $0x0  }
0x2bb: {  	vm14 =	vgt.s32 v58, $0x0;
	vm15 =	vgt.s32 v58, $0x7FE;
	v61 =	vnsel vm13, $0x0, v59  }
0x2bc: {  	v2 =	vsub.f32 v2, v60;
	v60 =	vnsel vm14, $0x0, v58;
	v62 =	vmin.u32 v61, $0x7FF  }
0x2bd: {  	v60 =	vmin.u32 v60, $0x7FF;
	v61 =	vmin.u32 v61, $0x7FE;
	v62 =	vshll.u32 v62, $0xB  }
0x2be: {  	v59 =	vcvt.s32.f32 v59;
	v61 =	vshll.u32 v61, $0xB;
	v62 =	vor.u32 v60, v62  }
0x2bf: {  	v60 =	vor.u32 v60, v61;
	[tilespmem:$0x10030] =	vst v62;
	v61 =	vadd.s32 $0x1, v62;
	v62 =	vshll.u32 v63, $0x1  }
0x2c0: {  	v3 =	vsub.f32 v3, v59;
	v2 =	vsel vm15, $0x0, v2;
	[tilespmem:$0x100B0] =	vst v61;
	v61 =	vor.u32 v1, v62  }
0x2c1: {  	[tilespmem:$0x10230] =	vst v2;
	v63 =	vadd.s32 $0x800, v60;
	v58 =	vadd.s32 $0x801, v60;
	v60 =	vor.u32 $0x1, v61  }
0x2c2: {  	[tilespmem:$0x102B0] =	vst v3  }
0x2c3: {  	[tilespmem:$0x10130] =	vst v63  }
0x2c4: {  	[tilespmem:$0x101B0] =	vst v58  }
0x2c5: {  	v2 =	vld.idx.msk [tilespmem:v61+s2+$0x0], $0xffff  }
0x2c6: {  	v3 =	vld.idx.msk [tilespmem:v60+s2+$0x0], $0xffff;
	_ =	sdelay $0x4  }
0x2c7: {  	v2 =	vmul.f32 $2.048000000e+03, v2;
	v3 =	vmul.f32 $2.048000000e+03, v3;
	_ =	sdelay $0x1  }
0x2c8: {  	v62 =	vtrunc.f32 v2;
	v63 =	vtrunc.f32 v3  }
0x2c9: {  	v58 =	vcvt.f32.s32 v62;
	v59 =	vcvt.f32.s32 v63  }
0x2ca: {  	s1 =	sor.u32 $0x50, s0  }
0x2cb: {  	v63 =	vmov s1;
	v60 =	vcvt.s32.f32 v58;
	vm4 =	vgt.s32 v59, $0x0  }
0x2cc: {  	vm5 =	vgt.s32 v58, $0x0;
	vm6 =	vgt.s32 v58, $0x7FE;
	v61 =	vnsel vm4, $0x0, v59  }
0x2cd: {  	v2 =	vsub.f32 v2, v60;
	v60 =	vnsel vm5, $0x0, v58;
	v62 =	vmin.u32 v61, $0x7FF  }
0x2ce: {  	v60 =	vmin.u32 v60, $0x7FF;
	v61 =	vmin.u32 v61, $0x7FE;
	v62 =	vshll.u32 v62, $0xB  }
0x2cf: {  	v59 =	vcvt.s32.f32 v59;
	v61 =	vshll.u32 v61, $0xB;
	v62 =	vor.u32 v60, v62  }
0x2d0: {  	v60 =	vor.u32 v60, v61;
	[tilespmem:$0x10040] =	vst v62;
	v61 =	vadd.s32 $0x1, v62;
	v62 =	vshll.u32 v63, $0x1  }
0x2d1: {  	v3 =	vsub.f32 v3, v59;
	v2 =	vsel vm6, $0x0, v2;
	[tilespmem:$0x100C0] =	vst v61;
	v61 =	vor.u32 v1, v62  }
0x2d2: {  	[tilespmem:$0x10240] =	vst v2;
	v63 =	vadd.s32 $0x800, v60;
	v58 =	vadd.s32 $0x801, v60;
	v60 =	vor.u32 $0x1, v61  }
0x2d3: {  	[tilespmem:$0x102C0] =	vst v3  }
0x2d4: {  	[tilespmem:$0x10140] =	vst v63  }
0x2d5: {  	[tilespmem:$0x101C0] =	vst v58  }
0x2d6: {  	v2 =	vld.idx.msk [tilespmem:v61+s2+$0x0], $0xffff  }
0x2d7: {  	v3 =	vld.idx.msk [tilespmem:v60+s2+$0x0], $0xffff;
	_ =	sdelay $0x4  }
0x2d8: {  	v2 =	vmul.f32 $2.048000000e+03, v2;
	v3 =	vmul.f32 $2.048000000e+03, v3;
	_ =	sdelay $0x1  }
0x2d9: {  	v60 =	vtrunc.f32 v2;
	v61 =	vtrunc.f32 v3  }
0x2da: {  	v58 =	vcvt.f32.s32 v60;
	v59 =	vcvt.f32.s32 v61  }
0x2db: {  	s1 =	sor.u32 $0x60, s0  }
0x2dc: {  	v63 =	vmov s1;
	v60 =	vcvt.s32.f32 v58;
	vm7 =	vgt.s32 v59, $0x0  }
0x2dd: {  	vm8 =	vgt.s32 v58, $0x0;
	vm9 =	vgt.s32 v58, $0x7FE;
	v61 =	vnsel vm7, $0x0, v59  }
0x2de: {  	v2 =	vsub.f32 v2, v60;
	v60 =	vnsel vm8, $0x0, v58;
	v62 =	vmin.u32 v61, $0x7FF  }
0x2df: {  	v60 =	vmin.u32 v60, $0x7FF;
	v61 =	vmin.u32 v61, $0x7FE;
	v62 =	vshll.u32 v62, $0xB  }
0x2e0: {  	v59 =	vcvt.s32.f32 v59;
	v61 =	vshll.u32 v61, $0xB;
	v62 =	vor.u32 v60, v62  }
0x2e1: {  	v60 =	vor.u32 v60, v61;
	[tilespmem:$0x10050] =	vst v62;
	v61 =	vadd.s32 $0x1, v62;
	v62 =	vshll.u32 v63, $0x1  }
0x2e2: {  	v3 =	vsub.f32 v3, v59;
	v2 =	vsel vm9, $0x0, v2;
	[tilespmem:$0x100D0] =	vst v61;
	v61 =	vor.u32 v1, v62  }
0x2e3: {  	[tilespmem:$0x10250] =	vst v2;
	v63 =	vadd.s32 $0x800, v60;
	v58 =	vadd.s32 $0x801, v60;
	v60 =	vor.u32 $0x1, v61  }
0x2e4: {  	[tilespmem:$0x102D0] =	vst v3  }
0x2e5: {  	[tilespmem:$0x10150] =	vst v63  }
0x2e6: {  	[tilespmem:$0x101D0] =	vst v58  }
0x2e7: {  	v2 =	vld.idx.msk [tilespmem:v61+s2+$0x0], $0xffff  }
0x2e8: {  	v3 =	vld.idx.msk [tilespmem:v60+s2+$0x0], $0xffff;
	_ =	sdelay $0x3  }
0x2e9: {  	v2 =	vmul.f32 $2.048000000e+03, v2  }
0x2ea: {  	v3 =	vmul.f32 $2.048000000e+03, v3  }
0x2eb: {  	v62 =	vtrunc.f32 v2  }
0x2ec: {  	v63 =	vtrunc.f32 v3;
	v58 =	vcvt.f32.s32 v62  }
0x2ed: {  	s0 =	sor.u32 $0x70, s0;
	v59 =	vcvt.f32.s32 v63  }
0x2ee: {  	v63 =	vmov s0;
	v60 =	vcvt.s32.f32 v58;
	vm10 =	vgt.s32 v58, $0x0  }
0x2ef: {  	v63 =	vshll.u32 v63, $0x1;
	vm12 =	vgt.s32 v58, $0x7FE;
	vm11 =	vgt.s32 v59, $0x0  }
0x2f0: {  	v61 =	vnsel vm10, $0x0, v58;
	v62 =	vnsel vm11, $0x0, v59;
	v2 =	vsub.f32 v2, v60  }
0x2f1: {  	v60 =	vmin.u32 v61, $0x7FF;
	v59 =	vcvt.s32.f32 v59;
	v61 =	vmin.u32 v62, $0x7FF  }
0x2f2: {  	v62 =	vmin.u32 v62, $0x7FE;
	v61 =	vshll.u32 v61, $0xB;
	v2 =	vsel vm12, $0x0, v2  }
0x2f3: {  	v62 =	vshll.u32 v62, $0xB;
	v3 =	vsub.f32 v3, v59;
	v61 =	vor.u32 v60, v61;
	[tilespmem:$0x10260] =	vst v2  }
0x2f4: {  	v60 =	vor.u32 v60, v62;
	v62 =	vor.u32 v1, v63;
	[tilespmem:$0x10060] =	vst v61;
	v61 =	vadd.s32 $0x1, v61  }
0x2f5: {  	[tilespmem:$0x100E0] =	vst v61;
	v61 =	vor.u32 $0x1, v62  }
0x2f6: {  	v63 =	vadd.s32 $0x800, v60;
	[tilespmem:$0x102E0] =	vst v3  }
0x2f7: {  	v60 =	vadd.s32 $0x801, v60;
	[tilespmem:$0x10160] =	vst v63  }
0x2f8: {  	[tilespmem:$0x101E0] =	vst v60  }
0x2f9: {  	v3 =	vld.idx.msk [tilespmem:v62+s2+$0x0], $0xffff  }
0x2fa: {  	v2 =	vld.idx.msk [tilespmem:v61+s2+$0x0], $0xffff;
	_ =	sdelay $0x3  }
0x2fb: {  	v3 =	vmul.f32 $2.048000000e+03, v3  }
0x2fc: {  	v2 =	vmul.f32 $2.048000000e+03, v2  }
0x2fd: {  	v60 =	vtrunc.f32 v3  }
0x2fe: {  	v59 =	vcvt.f32.s32 v60;
	v63 =	vtrunc.f32 v2  }
0x2ff: {  	v58 =	vcvt.f32.s32 v63  }
0x300: {  	v63 =	vcvt.s32.f32 v59  }
0x301: {  	vm14 =	vgt.s32 v59, $0x0;
	vm13 =	vgt.s32 v58, $0x0  }
0x302: {  	vm15 =	vgt.s32 v59, $0x7FE;
	v3 =	vsub.f32 v3, v63;
	v60 =	vnsel vm13, $0x0, v58  }
0x303: {  	v61 =	vnsel vm14, $0x0, v59;
	v58 =	vcvt.s32.f32 v58;
	v62 =	vmin.u32 v60, $0x7FF  }
0x304: {  	v61 =	vmin.u32 v61, $0x7FF;
	v3 =	vsel vm15, $0x0, v3;
	v62 =	vshll.u32 v62, $0xB  }
0x305: {  	v60 =	vmin.u32 v60, $0x7FE;
	v2 =	vsub.f32 v2, v58;
	[tilespmem:$0x10270] =	vst v3;
	v62 =	vor.u32 v61, v62  }
0x306: {  	v60 =	vshll.u32 v60, $0xB;
	[tilespmem:$0x10070] =	vst v62  }
0x307: {  	v60 =	vor.u32 v61, v60;
	v61 =	vadd.s32 $0x1, v62;
	[tilespmem:$0x102F0] =	vst v2  }
0x308: {  	[tilespmem:$0x100F0] =	vst v61;
	v61 =	vadd.s32 $0x800, v60  }
0x309: {  	[tilespmem:$0x10170] =	vst v61;
	v61 =	vadd.s32 $0x801, v60  }
0x30a: {  	[tilespmem:$0x101F0] =	vst v61  }
0x30b: {  	[tilespmem:s10], [sflag:$0x1] =	stream.indirect.gather [hbm4b:s3+s8], $0x8, s9, s8, $0xb8;
	[tilespmem:$0x12900] =	vst v63  }
0x30c: {  	_ = 	snop  }
0x30d: {  	[tilespmem:s12], [sflag:$0x1] =	stream.indirect.gather [hbm4b:s3+s8], $0x8, s11, s8, $0xb8;
	[tilespmem:$0x12900] =	vst v63  }
0x30e: {  	_ = 	snop  }
0x30f: {  	[tilespmem:s14], [sflag:$0x1] =	stream.indirect.gather [hbm4b:s3+s8], $0x8, s13, s8, $0xb8;
	[tilespmem:$0x12900] =	vst v63  }
0x310: {  	_ = 	snop  }
0x311: {  	[tilespmem:s16], [sflag:$0x1] =	stream.indirect.gather [hbm4b:s3+s8], $0x8, s15, s8, $0xb8;
	[tilespmem:$0x12900] =	vst v63  }
0x312: {  	_ =	swait.ge [sflag:s28], $0x400  }
0x313: {  	[sflag:s28] =	ssyncset.done $0x0  }
0x314: {  	[sflag:s28] =	ssyncadd.s32 $0xFFFFFC00  }
0x315: {  	_ =	swait.ge [sflag:s28], $0x400  }
0x316: {  	[sflag:s28] =	ssyncset.done $0x0  }
0x317: {  	[sflag:s28] =	ssyncadd.s32 $0xFFFFFC00  }
0x318: {  	_ =	swait.ge [sflag:s28], $0x400  }
0x319: {  	[sflag:s28] =	ssyncset.done $0x0  }
0x31a: {  	[sflag:s28] =	ssyncadd.s32 $0xFFFFFC00  }
0x31b: {  	_ =	swait.ge [sflag:s28], $0x400  }
0x31c: {  	[sflag:s28] =	ssyncset.done $0x0  }
0x31d: {  	[sflag:s28] =	ssyncadd.s32 $0xFFFFFC00  }
0x31e: {  	v2 =	vld.idx.msk [tilespmem:v34+s18+$0x0], $0xffff  }
0x31f: {  	v3 =	vld.idx.msk [tilespmem:v34+s20+$0x0], $0xffff  }
0x320: {  	v58 =	vld.idx.msk [tilespmem:v34+s22+$0x0], $0xffff  }
0x321: {  	v34 =	vld.idx.msk [tilespmem:v34+s24+$0x0], $0xffff;
	_ =	sdelay $0x1  }
0x322: {  	v59 =	vld [tilespmem:$0x11500];
	_ =	sdelay $0x2  }
0x323: {  	v3 =	vsub.f32 v3, v2;
	v34 =	vsub.f32 v34, v58;
	_ =	sdelay $0x1  }
0x324: {  	v3 =	vmul.f32 v3, v59;
	v34 =	vmul.f32 v34, v59  }
0x325: {  	v60 =	vld [tilespmem:$0x11580]  }
0x326: {  	v2 =	vadd.f32 v3, v2;
	v3 =	vadd.f32 v34, v58;
	_ =	sdelay $0x1  }
0x327: {  	v3 =	vsub.f32 v3, v2  }
0x328: {  	v62 =	vor.u32 $0x180, v33  }
0x329: {  	v3 =	vmul.f32 v3, v60;
	_ =	sdelay $0x1  }
0x32a: {  	v2 =	vadd.f32 v3, v2;
	_ =	sdelay $0x1  }
0x32b: {  	[tilespmem:v62+s26+$0x0] =	vst.idx.msk $0xffff, v2  }
0x32c: {  	v2 =	vld.idx.msk [tilespmem:v35+s18+$0x0], $0xffff  }
0x32d: {  	v3 =	vld.idx.msk [tilespmem:v35+s20+$0x0], $0xffff  }
0x32e: {  	v34 =	vld.idx.msk [tilespmem:v35+s22+$0x0], $0xffff  }
0x32f: {  	v35 =	vld.idx.msk [tilespmem:v35+s24+$0x0], $0xffff;
	_ =	sdelay $0x4  }
0x330: {  	v3 =	vsub.f32 v3, v2;
	v35 =	vsub.f32 v35, v34;
	_ =	sdelay $0x1  }
0x331: {  	v3 =	vmul.f32 v3, v59;
	v35 =	vmul.f32 v35, v59;
	_ =	sdelay $0x1  }
0x332: {  	v2 =	vadd.f32 v3, v2;
	v3 =	vadd.f32 v35, v34;
	_ =	sdelay $0x1  }
0x333: {  	v3 =	vsub.f32 v3, v2  }
0x334: {  	v63 =	vadd.s32 $0x181, v33  }
0x335: {  	v3 =	vmul.f32 v3, v60;
	_ =	sdelay $0x1  }
0x336: {  	v2 =	vadd.f32 v3, v2;
	_ =	sdelay $0x1  }
0x337: {  	[tilespmem:v63+s26+$0x0] =	vst.idx.msk $0xffff, v2  }
0x338: {  	v2 =	vld.idx.msk [tilespmem:v36+s18+$0x0], $0xffff  }
0x339: {  	v3 =	vld.idx.msk [tilespmem:v36+s20+$0x0], $0xffff  }
0x33a: {  	v34 =	vld.idx.msk [tilespmem:v36+s22+$0x0], $0xffff  }
0x33b: {  	v58 =	vld.idx.msk [tilespmem:v36+s24+$0x0], $0xffff;
	_ =	sdelay $0x4  }
0x33c: {  	v3 =	vsub.f32 v3, v2;
	v35 =	vsub.f32 v58, v34;
	_ =	sdelay $0x1  }
0x33d: {  	v3 =	vmul.f32 v3, v59;
	v35 =	vmul.f32 v35, v59;
	_ =	sdelay $0x1  }
0x33e: {  	v2 =	vadd.f32 v3, v2;
	v3 =	vadd.f32 v35, v34;
	_ =	sdelay $0x1  }
0x33f: {  	v3 =	vsub.f32 v3, v2  }
0x340: {  	v59 =	vadd.s32 $0x182, v33  }
0x341: {  	v3 =	vmul.f32 v3, v60;
	_ =	sdelay $0x1  }
0x342: {  	v2 =	vadd.f32 v3, v2;
	_ =	sdelay $0x1  }
0x343: {  	[tilespmem:v59+s26+$0x0] =	vst.idx.msk $0xffff, v2  }
0x344: {  	v2 =	vld.idx.msk [tilespmem:v37+s18+$0x0], $0xffff  }
0x345: {  	v3 =	vld.idx.msk [tilespmem:v37+s20+$0x0], $0xffff  }
0x346: {  	v34 =	vld.idx.msk [tilespmem:v37+s22+$0x0], $0xffff  }
0x347: {  	v60 =	vld.idx.msk [tilespmem:v37+s24+$0x0], $0xffff;
	_ =	sdelay $0x1  }
0x348: {  	v61 =	vld [tilespmem:$0x11510];
	_ =	sdelay $0x2  }
0x349: {  	v3 =	vsub.f32 v3, v2;
	v35 =	vsub.f32 v60, v34;
	_ =	sdelay $0x1  }
0x34a: {  	v3 =	vmul.f32 v3, v61;
	v35 =	vmul.f32 v35, v61  }
0x34b: {  	v62 =	vld [tilespmem:$0x11590]  }
0x34c: {  	v2 =	vadd.f32 v3, v2;
	v3 =	vadd.f32 v35, v34;
	_ =	sdelay $0x1  }
0x34d: {  	v3 =	vsub.f32 v3, v2  }
0x34e: {  	v63 =	vadd.s32 $0x1B0, v33  }
0x34f: {  	v3 =	vmul.f32 v3, v62;
	_ =	sdelay $0x1  }
0x350: {  	v2 =	vadd.f32 v3, v2;
	_ =	sdelay $0x1  }
0x351: {  	[tilespmem:v63+s26+$0x0] =	vst.idx.msk $0xffff, v2  }
0x352: {  	v2 =	vld.idx.msk [tilespmem:v38+s18+$0x0], $0xffff  }
0x353: {  	v3 =	vld.idx.msk [tilespmem:v38+s20+$0x0], $0xffff  }
0x354: {  	v34 =	vld.idx.msk [tilespmem:v38+s22+$0x0], $0xffff  }
0x355: {  	v38 =	vld.idx.msk [tilespmem:v38+s24+$0x0], $0xffff;
	_ =	sdelay $0x4  }
0x356: {  	v3 =	vsub.f32 v3, v2;
	v35 =	vsub.f32 v38, v34;
	_ =	sdelay $0x1  }
0x357: {  	v3 =	vmul.f32 v3, v61;
	v35 =	vmul.f32 v35, v61;
	_ =	sdelay $0x1  }
0x358: {  	v2 =	vadd.f32 v3, v2;
	v3 =	vadd.f32 v35, v34;
	_ =	sdelay $0x1  }
0x359: {  	v3 =	vsub.f32 v3, v2  }
0x35a: {  	v58 =	vadd.s32 $0x1B1, v33  }
0x35b: {  	v3 =	vmul.f32 v3, v62;
	_ =	sdelay $0x1  }
0x35c: {  	v2 =	vadd.f32 v3, v2;
	_ =	sdelay $0x1  }
0x35d: {  	[tilespmem:v58+s26+$0x0] =	vst.idx.msk $0xffff, v2  }
0x35e: {  	v2 =	vld.idx.msk [tilespmem:v39+s18+$0x0], $0xffff  }
0x35f: {  	v3 =	vld.idx.msk [tilespmem:v39+s20+$0x0], $0xffff  }
0x360: {  	v34 =	vld.idx.msk [tilespmem:v39+s22+$0x0], $0xffff  }
0x361: {  	v59 =	vld.idx.msk [tilespmem:v39+s24+$0x0], $0xffff;
	_ =	sdelay $0x4  }
0x362: {  	v3 =	vsub.f32 v3, v2;
	v35 =	vsub.f32 v59, v34;
	_ =	sdelay $0x1  }
0x363: {  	v3 =	vmul.f32 v3, v61;
	v35 =	vmul.f32 v35, v61;
	_ =	sdelay $0x1  }
0x364: {  	v2 =	vadd.f32 v3, v2;
	v3 =	vadd.f32 v35, v34;
	_ =	sdelay $0x1  }
0x365: {  	v3 =	vsub.f32 v3, v2  }
0x366: {  	v60 =	vadd.s32 $0x1B2, v33  }
0x367: {  	v3 =	vmul.f32 v3, v62;
	_ =	sdelay $0x1  }
0x368: {  	v2 =	vadd.f32 v3, v2;
	_ =	sdelay $0x1  }
0x369: {  	[tilespmem:v60+s26+$0x0] =	vst.idx.msk $0xffff, v2  }
0x36a: {  	v2 =	vld.idx.msk [tilespmem:v40+s18+$0x0], $0xffff  }
0x36b: {  	v3 =	vld.idx.msk [tilespmem:v40+s20+$0x0], $0xffff  }
0x36c: {  	v34 =	vld.idx.msk [tilespmem:v40+s22+$0x0], $0xffff  }
0x36d: {  	v61 =	vld.idx.msk [tilespmem:v40+s24+$0x0], $0xffff;
	_ =	sdelay $0x1  }
0x36e: {  	v62 =	vld [tilespmem:$0x11520];
	_ =	sdelay $0x2  }
0x36f: {  	v3 =	vsub.f32 v3, v2;
	v35 =	vsub.f32 v61, v34;
	_ =	sdelay $0x1  }
0x370: {  	v3 =	vmul.f32 v3, v62;
	v35 =	vmul.f32 v35, v62  }
0x371: {  	v63 =	vld [tilespmem:$0x115A0]  }
0x372: {  	v2 =	vadd.f32 v3, v2;
	v3 =	vadd.f32 v35, v34;
	_ =	sdelay $0x1  }
0x373: {  	v3 =	vsub.f32 v3, v2  }
0x374: {  	v40 =	vadd.s32 $0x1E0, v33  }
0x375: {  	v3 =	vmul.f32 v3, v63;
	_ =	sdelay $0x1  }
0x376: {  	v2 =	vadd.f32 v3, v2;
	_ =	sdelay $0x1  }
0x377: {  	[tilespmem:v40+s26+$0x0] =	vst.idx.msk $0xffff, v2  }
0x378: {  	v2 =	vld.idx.msk [tilespmem:v41+s18+$0x0], $0xffff  }
0x379: {  	v3 =	vld.idx.msk [tilespmem:v41+s20+$0x0], $0xffff  }
0x37a: {  	v34 =	vld.idx.msk [tilespmem:v41+s22+$0x0], $0xffff  }
0x37b: {  	v41 =	vld.idx.msk [tilespmem:v41+s24+$0x0], $0xffff;
	_ =	sdelay $0x4  }
0x37c: {  	v3 =	vsub.f32 v3, v2;
	v35 =	vsub.f32 v41, v34;
	_ =	sdelay $0x1  }
0x37d: {  	v3 =	vmul.f32 v3, v62;
	v35 =	vmul.f32 v35, v62;
	_ =	sdelay $0x1  }
0x37e: {  	v2 =	vadd.f32 v3, v2;
	v3 =	vadd.f32 v35, v34;
	_ =	sdelay $0x1  }
0x37f: {  	v3 =	vsub.f32 v3, v2  }
0x380: {  	v58 =	vadd.s32 $0x1E1, v33  }
0x381: {  	v3 =	vmul.f32 v3, v63;
	_ =	sdelay $0x1  }
0x382: {  	v2 =	vadd.f32 v3, v2;
	_ =	sdelay $0x1  }
0x383: {  	[tilespmem:v58+s26+$0x0] =	vst.idx.msk $0xffff, v2  }
0x384: {  	v2 =	vld.idx.msk [tilespmem:v42+s18+$0x0], $0xffff  }
0x385: {  	v3 =	vld.idx.msk [tilespmem:v42+s20+$0x0], $0xffff  }
0x386: {  	v34 =	vld.idx.msk [tilespmem:v42+s22+$0x0], $0xffff  }
0x387: {  	v59 =	vld.idx.msk [tilespmem:v42+s24+$0x0], $0xffff;
	_ =	sdelay $0x4  }
0x388: {  	v3 =	vsub.f32 v3, v2;
	v35 =	vsub.f32 v59, v34;
	_ =	sdelay $0x1  }
0x389: {  	v3 =	vmul.f32 v3, v62;
	v35 =	vmul.f32 v35, v62;
	_ =	sdelay $0x1  }
0x38a: {  	v2 =	vadd.f32 v3, v2;
	v3 =	vadd.f32 v35, v34;
	_ =	sdelay $0x1  }
0x38b: {  	v3 =	vsub.f32 v3, v2  }
0x38c: {  	v60 =	vadd.s32 $0x1E2, v33  }
0x38d: {  	v3 =	vmul.f32 v3, v63;
	_ =	sdelay $0x1  }
0x38e: {  	v2 =	vadd.f32 v3, v2;
	_ =	sdelay $0x1  }
0x38f: {  	[tilespmem:v60+s26+$0x0] =	vst.idx.msk $0xffff, v2  }
0x390: {  	v2 =	vld.idx.msk [tilespmem:v43+s18+$0x0], $0xffff  }
0x391: {  	v3 =	vld.idx.msk [tilespmem:v43+s20+$0x0], $0xffff  }
0x392: {  	v34 =	vld.idx.msk [tilespmem:v43+s22+$0x0], $0xffff  }
0x393: {  	v61 =	vld.idx.msk [tilespmem:v43+s24+$0x0], $0xffff;
	_ =	sdelay $0x1  }
0x394: {  	v62 =	vld [tilespmem:$0x11530];
	_ =	sdelay $0x2  }
0x395: {  	v3 =	vsub.f32 v3, v2;
	v35 =	vsub.f32 v61, v34;
	_ =	sdelay $0x1  }
0x396: {  	v3 =	vmul.f32 v3, v62;
	v35 =	vmul.f32 v35, v62  }
0x397: {  	v63 =	vld [tilespmem:$0x115B0]  }
0x398: {  	v2 =	vadd.f32 v3, v2;
	v3 =	vadd.f32 v35, v34;
	_ =	sdelay $0x1  }
0x399: {  	v3 =	vsub.f32 v3, v2  }
0x39a: {  	v39 =	vadd.s32 $0x210, v33  }
0x39b: {  	v3 =	vmul.f32 v3, v63;
	_ =	sdelay $0x1  }
0x39c: {  	v2 =	vadd.f32 v3, v2;
	_ =	sdelay $0x1  }
0x39d: {  	[tilespmem:v39+s26+$0x0] =	vst.idx.msk $0xffff, v2  }
0x39e: {  	v2 =	vld.idx.msk [tilespmem:v44+s18+$0x0], $0xffff  }
0x39f: {  	v3 =	vld.idx.msk [tilespmem:v44+s20+$0x0], $0xffff  }
0x3a0: {  	v34 =	vld.idx.msk [tilespmem:v44+s22+$0x0], $0xffff  }
0x3a1: {  	v40 =	vld.idx.msk [tilespmem:v44+s24+$0x0], $0xffff;
	_ =	sdelay $0x4  }
0x3a2: {  	v3 =	vsub.f32 v3, v2;
	v35 =	vsub.f32 v40, v34;
	_ =	sdelay $0x1  }
0x3a3: {  	v3 =	vmul.f32 v3, v62;
	v35 =	vmul.f32 v35, v62;
	_ =	sdelay $0x1  }
0x3a4: {  	v2 =	vadd.f32 v3, v2;
	v3 =	vadd.f32 v35, v34;
	_ =	sdelay $0x1  }
0x3a5: {  	v3 =	vsub.f32 v3, v2  }
0x3a6: {  	v41 =	vadd.s32 $0x211, v33  }
0x3a7: {  	v3 =	vmul.f32 v3, v63;
	_ =	sdelay $0x1  }
0x3a8: {  	v2 =	vadd.f32 v3, v2;
	_ =	sdelay $0x1  }
0x3a9: {  	[tilespmem:v41+s26+$0x0] =	vst.idx.msk $0xffff, v2  }
0x3aa: {  	v2 =	vld.idx.msk [tilespmem:v45+s18+$0x0], $0xffff  }
0x3ab: {  	v3 =	vld.idx.msk [tilespmem:v45+s20+$0x0], $0xffff  }
0x3ac: {  	v34 =	vld.idx.msk [tilespmem:v45+s22+$0x0], $0xffff  }
0x3ad: {  	v42 =	vld.idx.msk [tilespmem:v45+s24+$0x0], $0xffff;
	_ =	sdelay $0x4  }
0x3ae: {  	v3 =	vsub.f32 v3, v2;
	v35 =	vsub.f32 v42, v34;
	_ =	sdelay $0x1  }
0x3af: {  	v3 =	vmul.f32 v3, v62;
	v35 =	vmul.f32 v35, v62;
	_ =	sdelay $0x1  }
0x3b0: {  	v2 =	vadd.f32 v3, v2;
	v3 =	vadd.f32 v35, v34;
	_ =	sdelay $0x1  }
0x3b1: {  	v3 =	vsub.f32 v3, v2  }
0x3b2: {  	v43 =	vadd.s32 $0x212, v33  }
0x3b3: {  	v3 =	vmul.f32 v3, v63;
	_ =	sdelay $0x1  }
0x3b4: {  	v2 =	vadd.f32 v3, v2;
	_ =	sdelay $0x1  }
0x3b5: {  	[tilespmem:v43+s26+$0x0] =	vst.idx.msk $0xffff, v2  }
0x3b6: {  	v2 =	vld.idx.msk [tilespmem:v46+s18+$0x0], $0xffff  }
0x3b7: {  	v3 =	vld.idx.msk [tilespmem:v46+s20+$0x0], $0xffff  }
0x3b8: {  	v34 =	vld.idx.msk [tilespmem:v46+s22+$0x0], $0xffff  }
0x3b9: {  	v44 =	vld.idx.msk [tilespmem:v46+s24+$0x0], $0xffff;
	_ =	sdelay $0x1  }
0x3ba: {  	v45 =	vld [tilespmem:$0x11540];
	_ =	sdelay $0x2  }
0x3bb: {  	v3 =	vsub.f32 v3, v2;
	v35 =	vsub.f32 v44, v34;
	_ =	sdelay $0x1  }
0x3bc: {  	v3 =	vmul.f32 v3, v45;
	v35 =	vmul.f32 v35, v45  }
0x3bd: {  	v46 =	vld [tilespmem:$0x115C0]  }
0x3be: {  	v2 =	vadd.f32 v3, v2;
	v3 =	vadd.f32 v35, v34;
	_ =	sdelay $0x1  }
0x3bf: {  	v3 =	vsub.f32 v3, v2  }
0x3c0: {  	v58 =	vor.u32 $0x240, v33  }
0x3c1: {  	v3 =	vmul.f32 v3, v46;
	_ =	sdelay $0x1  }
0x3c2: {  	v2 =	vadd.f32 v3, v2;
	_ =	sdelay $0x1  }
0x3c3: {  	[tilespmem:v58+s26+$0x0] =	vst.idx.msk $0xffff, v2  }
0x3c4: {  	v2 =	vld.idx.msk [tilespmem:v47+s18+$0x0], $0xffff  }
0x3c5: {  	v3 =	vld.idx.msk [tilespmem:v47+s20+$0x0], $0xffff  }
0x3c6: {  	v34 =	vld.idx.msk [tilespmem:v47+s22+$0x0], $0xffff  }
0x3c7: {  	v59 =	vld.idx.msk [tilespmem:v47+s24+$0x0], $0xffff;
	_ =	sdelay $0x4  }
0x3c8: {  	v3 =	vsub.f32 v3, v2;
	v35 =	vsub.f32 v59, v34;
	_ =	sdelay $0x1  }
0x3c9: {  	v3 =	vmul.f32 v3, v45;
	v35 =	vmul.f32 v35, v45;
	_ =	sdelay $0x1  }
0x3ca: {  	v2 =	vadd.f32 v3, v2;
	v3 =	vadd.f32 v35, v34;
	_ =	sdelay $0x1  }
0x3cb: {  	v3 =	vsub.f32 v3, v2  }
0x3cc: {  	v60 =	vadd.s32 $0x241, v33  }
0x3cd: {  	v3 =	vmul.f32 v3, v46;
	_ =	sdelay $0x1  }
0x3ce: {  	v2 =	vadd.f32 v3, v2;
	_ =	sdelay $0x1  }
0x3cf: {  	[tilespmem:v60+s26+$0x0] =	vst.idx.msk $0xffff, v2  }
0x3d0: {  	v2 =	vld.idx.msk [tilespmem:v48+s18+$0x0], $0xffff  }
0x3d1: {  	v3 =	vld.idx.msk [tilespmem:v48+s20+$0x0], $0xffff  }
0x3d2: {  	v34 =	vld.idx.msk [tilespmem:v48+s22+$0x0], $0xffff  }
0x3d3: {  	v61 =	vld.idx.msk [tilespmem:v48+s24+$0x0], $0xffff;
	_ =	sdelay $0x4  }
0x3d4: {  	v3 =	vsub.f32 v3, v2;
	v35 =	vsub.f32 v61, v34;
	_ =	sdelay $0x1  }
0x3d5: {  	v3 =	vmul.f32 v3, v45;
	v35 =	vmul.f32 v35, v45;
	_ =	sdelay $0x1  }
0x3d6: {  	v2 =	vadd.f32 v3, v2;
	v3 =	vadd.f32 v35, v34;
	_ =	sdelay $0x1  }
0x3d7: {  	v3 =	vsub.f32 v3, v2  }
0x3d8: {  	v62 =	vadd.s32 $0x242, v33  }
0x3d9: {  	v3 =	vmul.f32 v3, v46;
	_ =	sdelay $0x1  }
0x3da: {  	v2 =	vadd.f32 v3, v2;
	_ =	sdelay $0x1  }
0x3db: {  	[tilespmem:v62+s26+$0x0] =	vst.idx.msk $0xffff, v2  }
0x3dc: {  	v2 =	vld.idx.msk [tilespmem:v49+s18+$0x0], $0xffff  }
0x3dd: {  	v3 =	vld.idx.msk [tilespmem:v49+s20+$0x0], $0xffff  }
0x3de: {  	v34 =	vld.idx.msk [tilespmem:v49+s22+$0x0], $0xffff  }
0x3df: {  	v63 =	vld.idx.msk [tilespmem:v49+s24+$0x0], $0xffff;
	_ =	sdelay $0x1  }
0x3e0: {  	v40 =	vld [tilespmem:$0x11550];
	_ =	sdelay $0x2  }
0x3e1: {  	v3 =	vsub.f32 v3, v2;
	v35 =	vsub.f32 v63, v34;
	_ =	sdelay $0x1  }
0x3e2: {  	v3 =	vmul.f32 v3, v40;
	v35 =	vmul.f32 v35, v40  }
0x3e3: {  	v41 =	vld [tilespmem:$0x115D0]  }
0x3e4: {  	v2 =	vadd.f32 v3, v2;
	v3 =	vadd.f32 v35, v34;
	_ =	sdelay $0x1  }
0x3e5: {  	v3 =	vsub.f32 v3, v2  }
0x3e6: {  	v42 =	vadd.s32 $0x270, v33  }
0x3e7: {  	v3 =	vmul.f32 v3, v41;
	_ =	sdelay $0x1  }
0x3e8: {  	v2 =	vadd.f32 v3, v2;
	_ =	sdelay $0x1  }
0x3e9: {  	[tilespmem:v42+s26+$0x0] =	vst.idx.msk $0xffff, v2  }
0x3ea: {  	v2 =	vld.idx.msk [tilespmem:v50+s18+$0x0], $0xffff  }
0x3eb: {  	v3 =	vld.idx.msk [tilespmem:v50+s20+$0x0], $0xffff  }
0x3ec: {  	v34 =	vld.idx.msk [tilespmem:v50+s22+$0x0], $0xffff  }
0x3ed: {  	v43 =	vld.idx.msk [tilespmem:v50+s24+$0x0], $0xffff;
	_ =	sdelay $0x4  }
0x3ee: {  	v3 =	vsub.f32 v3, v2;
	v35 =	vsub.f32 v43, v34;
	_ =	sdelay $0x1  }
0x3ef: {  	v3 =	vmul.f32 v3, v40;
	v35 =	vmul.f32 v35, v40;
	_ =	sdelay $0x1  }
0x3f0: {  	v2 =	vadd.f32 v3, v2;
	v3 =	vadd.f32 v35, v34;
	_ =	sdelay $0x1  }
0x3f1: {  	v3 =	vsub.f32 v3, v2  }
0x3f2: {  	v44 =	vadd.s32 $0x271, v33  }
0x3f3: {  	v3 =	vmul.f32 v3, v41;
	_ =	sdelay $0x1  }
0x3f4: {  	v2 =	vadd.f32 v3, v2;
	_ =	sdelay $0x1  }
0x3f5: {  	[tilespmem:v44+s26+$0x0] =	vst.idx.msk $0xffff, v2  }
0x3f6: {  	v2 =	vld.idx.msk [tilespmem:v51+s18+$0x0], $0xffff  }
0x3f7: {  	v3 =	vld.idx.msk [tilespmem:v51+s20+$0x0], $0xffff  }
0x3f8: {  	v34 =	vld.idx.msk [tilespmem:v51+s22+$0x0], $0xffff  }
0x3f9: {  	v45 =	vld.idx.msk [tilespmem:v51+s24+$0x0], $0xffff;
	_ =	sdelay $0x4  }
0x3fa: {  	v3 =	vsub.f32 v3, v2;
	v35 =	vsub.f32 v45, v34;
	_ =	sdelay $0x1  }
0x3fb: {  	v3 =	vmul.f32 v3, v40;
	v35 =	vmul.f32 v35, v40;
	_ =	sdelay $0x1  }
0x3fc: {  	v2 =	vadd.f32 v3, v2;
	v3 =	vadd.f32 v35, v34;
	_ =	sdelay $0x1  }
0x3fd: {  	v3 =	vsub.f32 v3, v2  }
0x3fe: {  	v46 =	vadd.s32 $0x272, v33  }
0x3ff: {  	v3 =	vmul.f32 v3, v41;
	_ =	sdelay $0x1  }
0x400: {  	v2 =	vadd.f32 v3, v2;
	_ =	sdelay $0x1  }
0x401: {  	[tilespmem:v46+s26+$0x0] =	vst.idx.msk $0xffff, v2  }
0x402: {  	v2 =	vld.idx.msk [tilespmem:v52+s18+$0x0], $0xffff  }
0x403: {  	v3 =	vld.idx.msk [tilespmem:v52+s20+$0x0], $0xffff  }
0x404: {  	v34 =	vld.idx.msk [tilespmem:v52+s22+$0x0], $0xffff  }
0x405: {  	v47 =	vld.idx.msk [tilespmem:v52+s24+$0x0], $0xffff;
	_ =	sdelay $0x1  }
0x406: {  	v48 =	vld [tilespmem:$0x11560];
	_ =	sdelay $0x2  }
0x407: {  	v3 =	vsub.f32 v3, v2;
	v35 =	vsub.f32 v47, v34;
	_ =	sdelay $0x1  }
0x408: {  	v3 =	vmul.f32 v3, v48;
	v35 =	vmul.f32 v35, v48  }
0x409: {  	v49 =	vld [tilespmem:$0x115E0]  }
0x40a: {  	v2 =	vadd.f32 v3, v2;
	v3 =	vadd.f32 v35, v34;
	_ =	sdelay $0x1  }
0x40b: {  	v3 =	vsub.f32 v3, v2  }
0x40c: {  	v50 =	vadd.s32 $0x2A0, v33  }
0x40d: {  	v3 =	vmul.f32 v3, v49;
	_ =	sdelay $0x1  }
0x40e: {  	v2 =	vadd.f32 v3, v2;
	_ =	sdelay $0x1  }
0x40f: {  	[tilespmem:v50+s26+$0x0] =	vst.idx.msk $0xffff, v2  }
0x410: {  	v2 =	vld.idx.msk [tilespmem:v53+s18+$0x0], $0xffff  }
0x411: {  	v3 =	vld.idx.msk [tilespmem:v53+s20+$0x0], $0xffff  }
0x412: {  	v34 =	vld.idx.msk [tilespmem:v53+s22+$0x0], $0xffff  }
0x413: {  	v51 =	vld.idx.msk [tilespmem:v53+s24+$0x0], $0xffff;
	_ =	sdelay $0x4  }
0x414: {  	v3 =	vsub.f32 v3, v2;
	v35 =	vsub.f32 v51, v34;
	_ =	sdelay $0x1  }
0x415: {  	v3 =	vmul.f32 v3, v48;
	v35 =	vmul.f32 v35, v48;
	_ =	sdelay $0x1  }
0x416: {  	v2 =	vadd.f32 v3, v2;
	v3 =	vadd.f32 v35, v34;
	_ =	sdelay $0x1  }
0x417: {  	v3 =	vsub.f32 v3, v2  }
0x418: {  	v52 =	vadd.s32 $0x2A1, v33  }
0x419: {  	v3 =	vmul.f32 v3, v49;
	_ =	sdelay $0x1  }
0x41a: {  	v2 =	vadd.f32 v3, v2;
	_ =	sdelay $0x1  }
0x41b: {  	[tilespmem:v52+s26+$0x0] =	vst.idx.msk $0xffff, v2  }
0x41c: {  	v2 =	vld.idx.msk [tilespmem:v54+s18+$0x0], $0xffff  }
0x41d: {  	v3 =	vld.idx.msk [tilespmem:v54+s20+$0x0], $0xffff  }
0x41e: {  	v34 =	vld.idx.msk [tilespmem:v54+s22+$0x0], $0xffff  }
0x41f: {  	v53 =	vld.idx.msk [tilespmem:v54+s24+$0x0], $0xffff;
	_ =	sdelay $0x4  }
0x420: {  	v3 =	vsub.f32 v3, v2;
	v35 =	vsub.f32 v53, v34;
	_ =	sdelay $0x1  }
0x421: {  	v3 =	vmul.f32 v3, v48;
	v35 =	vmul.f32 v35, v48;
	_ =	sdelay $0x1  }
0x422: {  	v2 =	vadd.f32 v3, v2;
	v3 =	vadd.f32 v35, v34;
	_ =	sdelay $0x1  }
0x423: {  	v3 =	vsub.f32 v3, v2  }
0x424: {  	v54 =	vadd.s32 $0x2A2, v33  }
0x425: {  	v3 =	vmul.f32 v3, v49;
	_ =	sdelay $0x1  }
0x426: {  	v2 =	vadd.f32 v3, v2;
	_ =	sdelay $0x1  }
0x427: {  	[tilespmem:v54+s26+$0x0] =	vst.idx.msk $0xffff, v2  }
0x428: {  	v2 =	vld.idx.msk [tilespmem:v55+s18+$0x0], $0xffff  }
0x429: {  	v3 =	vld.idx.msk [tilespmem:v55+s20+$0x0], $0xffff  }
0x42a: {  	v34 =	vld.idx.msk [tilespmem:v55+s22+$0x0], $0xffff  }
0x42b: {  	v58 =	vld.idx.msk [tilespmem:v55+s24+$0x0], $0xffff;
	_ =	sdelay $0x1  }
0x42c: {  	v59 =	vld [tilespmem:$0x11570];
	_ =	sdelay $0x2  }
0x42d: {  	v3 =	vsub.f32 v3, v2;
	v35 =	vsub.f32 v58, v34;
	_ =	sdelay $0x1  }
0x42e: {  	v3 =	vmul.f32 v3, v59;
	v35 =	vmul.f32 v35, v59  }
0x42f: {  	v60 =	vld [tilespmem:$0x115F0]  }
0x430: {  	v2 =	vadd.f32 v3, v2;
	v3 =	vadd.f32 v35, v34;
	_ =	sdelay $0x1  }
0x431: {  	v3 =	vsub.f32 v3, v2  }
0x432: {  	v61 =	vadd.s32 $0x2D0, v33  }
0x433: {  	v3 =	vmul.f32 v3, v60;
	_ =	sdelay $0x1  }
0x434: {  	v2 =	vadd.f32 v3, v2;
	_ =	sdelay $0x1  }
0x435: {  	[tilespmem:v61+s26+$0x0] =	vst.idx.msk $0xffff, v2  }
0x436: {  	v2 =	vld.idx.msk [tilespmem:v56+s18+$0x0], $0xffff  }
0x437: {  	v3 =	vld.idx.msk [tilespmem:v56+s20+$0x0], $0xffff  }
0x438: {  	v34 =	vld.idx.msk [tilespmem:v56+s22+$0x0], $0xffff  }
0x439: {  	v62 =	vld.idx.msk [tilespmem:v56+s24+$0x0], $0xffff;
	_ =	sdelay $0x4  }
0x43a: {  	v3 =	vsub.f32 v3, v2;
	v35 =	vsub.f32 v62, v34;
	_ =	sdelay $0x1  }
0x43b: {  	v3 =	vmul.f32 v3, v59;
	v35 =	vmul.f32 v35, v59;
	_ =	sdelay $0x1  }
0x43c: {  	v2 =	vadd.f32 v3, v2;
	v3 =	vadd.f32 v35, v34;
	_ =	sdelay $0x1  }
0x43d: {  	v3 =	vsub.f32 v3, v2  }
0x43e: {  	v63 =	vadd.s32 $0x2D1, v33  }
0x43f: {  	v3 =	vmul.f32 v3, v60;
	_ =	sdelay $0x1  }
0x440: {  	v2 =	vadd.f32 v3, v2;
	_ =	sdelay $0x1  }
0x441: {  	[tilespmem:v63+s26+$0x0] =	vst.idx.msk $0xffff, v2  }
0x442: {  	v2 =	vld.idx.msk [tilespmem:v57+s18+$0x0], $0xffff  }
0x443: {  	v3 =	vld.idx.msk [tilespmem:v57+s20+$0x0], $0xffff  }
0x444: {  	v34 =	vld.idx.msk [tilespmem:v57+s22+$0x0], $0xffff  }
0x445: {  	v38 =	vld.idx.msk [tilespmem:v57+s24+$0x0], $0xffff;
	_ =	sdelay $0x4  }
0x446: {  	v3 =	vsub.f32 v3, v2;
	v35 =	vsub.f32 v38, v34;
	_ =	sdelay $0x1  }
0x447: {  	v3 =	vmul.f32 v3, v59;
	v35 =	vmul.f32 v35, v59  }
0x448: {  	s0 =	smov.u32 s30  }
0x449: {  	s0 =	simm.s32 @p0 $0x80;
	v2 =	vadd.f32 v3, v2;
	v3 =	vadd.f32 v35, v34  }
0x44a: {  	v39 =	vmov s0  }
0x44b: {  	v34 =	vshll.u32 v39, $0x1;
	v3 =	vsub.f32 v3, v2  }
0x44c: {  	v33 =	vadd.s32 $0x2D2, v33;
	v34 =	vor.u32 v1, v34  }
0x44d: {  	v40 =	vor.u32 $0x1, v34;
	v3 =	vmul.f32 v3, v60;
	_ =	sdelay $0x1  }
0x44e: {  	v2 =	vadd.f32 v3, v2;
	_ =	sdelay $0x1  }
0x44f: {  	[tilespmem:v33+s26+$0x0] =	vst.idx.msk $0xffff, v2  }
0x450: {  	v3 =	vld.idx.msk [tilespmem:v40+s2+$0x0], $0xffff  }
0x451: {  	v2 =	vld.idx.msk [tilespmem:v34+s2+$0x0], $0xffff;
	_ =	sdelay $0x3  }
0x452: {  	v3 =	vmul.f32 $2.048000000e+03, v3  }
0x453: {  	v2 =	vmul.f32 $2.048000000e+03, v2  }
0x454: {  	v42 =	vtrunc.f32 v3  }
0x455: {  	s1 =	sor.u32 $0x10, s0;
	v41 =	vtrunc.f32 v2;
	v34 =	vcvt.f32.s32 v42  }
0x456: {  	v47 =	vmov s1;
	v33 =	vcvt.f32.s32 v41  }
0x457: {  	v49 =	vshll.u32 v47, $0x1;
	vm4 =	vgt.s32 v34, $0x0  }
0x458: {  	v43 =	vcvt.s32.f32 v33;
	vm5 =	vgt.s32 v33, $0x0;
	v44 =	vnsel vm4, $0x0, v34  }
0x459: {  	v45 =	vnsel vm5, $0x0, v33;
	v34 =	vcvt.s32.f32 v34;
	v46 =	vmin.u32 v44, $0x7FF  }
0x45a: {  	v2 =	vsub.f32 v2, v43;
	v35 =	vmin.u32 v45, $0x7FF;
	v37 =	vshll.u32 v46, $0xB  }
0x45b: {  	v51 =	vor.u32 v1, v49;
	vm6 =	vgt.s32 v33, $0x7FE;
	v37 =	vor.u32 v35, v37  }
0x45c: {  	v36 =	vmin.u32 v44, $0x7FE;
	v3 =	vsub.f32 v3, v34;
	v2 =	vsel vm6, $0x0, v2;
	[tilespmem:$0x11300] =	vst v37  }
0x45d: {  	v53 =	vor.u32 $0x1, v51;
	v36 =	vshll.u32 v36, $0xB;
	[tilespmem:$0x11500] =	vst v2  }
0x45e: {  	v35 =	vor.u32 v35, v36;
	v48 =	vadd.s32 $0x1, v37;
	[tilespmem:$0x11580] =	vst v3  }
0x45f: {  	v50 =	vadd.s32 $0x800, v35;
	[tilespmem:$0x11380] =	vst v48  }
0x460: {  	v52 =	vadd.s32 $0x801, v35;
	[tilespmem:$0x11400] =	vst v50  }
0x461: {  	[tilespmem:$0x11480] =	vst v52  }
0x462: {  	v3 =	vld.idx.msk [tilespmem:v53+s2+$0x0], $0xffff  }
0x463: {  	v2 =	vld.idx.msk [tilespmem:v51+s2+$0x0], $0xffff;
	_ =	sdelay $0x3  }
0x464: {  	v3 =	vmul.f32 $2.048000000e+03, v3  }
0x465: {  	v2 =	vmul.f32 $2.048000000e+03, v2  }
0x466: {  	v55 =	vtrunc.f32 v3  }
0x467: {  	s1 =	sor.u32 $0x20, s0;
	v54 =	vtrunc.f32 v2;
	v34 =	vcvt.f32.s32 v55  }
0x468: {  	v60 =	vmov s1;
	v33 =	vcvt.f32.s32 v54  }
0x469: {  	v62 =	vshll.u32 v60, $0x1;
	vm7 =	vgt.s32 v34, $0x0  }
0x46a: {  	v56 =	vcvt.s32.f32 v33;
	vm8 =	vgt.s32 v33, $0x0;
	v57 =	vnsel vm7, $0x0, v34  }
0x46b: {  	v58 =	vnsel vm8, $0x0, v33;
	v34 =	vcvt.s32.f32 v34;
	v59 =	vmin.u32 v57, $0x7FF  }
0x46c: {  	v2 =	vsub.f32 v2, v56;
	v35 =	vmin.u32 v58, $0x7FF;
	v37 =	vshll.u32 v59, $0xB  }
0x46d: {  	v40 =	vor.u32 v1, v62;
	vm9 =	vgt.s32 v33, $0x7FE;
	v37 =	vor.u32 v35, v37  }
0x46e: {  	v36 =	vmin.u32 v57, $0x7FE;
	v3 =	vsub.f32 v3, v34;
	v2 =	vsel vm9, $0x0, v2;
	[tilespmem:$0x11310] =	vst v37  }
0x46f: {  	v42 =	vor.u32 $0x1, v40;
	v36 =	vshll.u32 v36, $0xB;
	[tilespmem:$0x11510] =	vst v2  }
0x470: {  	v35 =	vor.u32 v35, v36;
	v61 =	vadd.s32 $0x1, v37;
	[tilespmem:$0x11590] =	vst v3  }
0x471: {  	v63 =	vadd.s32 $0x800, v35;
	[tilespmem:$0x11390] =	vst v61  }
0x472: {  	v41 =	vadd.s32 $0x801, v35;
	[tilespmem:$0x11410] =	vst v63  }
0x473: {  	[tilespmem:$0x11490] =	vst v41  }
0x474: {  	v3 =	vld.idx.msk [tilespmem:v42+s2+$0x0], $0xffff  }
0x475: {  	v2 =	vld.idx.msk [tilespmem:v40+s2+$0x0], $0xffff;
	_ =	sdelay $0x3  }
0x476: {  	v3 =	vmul.f32 $2.048000000e+03, v3  }
0x477: {  	v2 =	vmul.f32 $2.048000000e+03, v2  }
0x478: {  	v44 =	vtrunc.f32 v3  }
0x479: {  	s1 =	sor.u32 $0x30, s0;
	v43 =	vtrunc.f32 v2;
	v34 =	vcvt.f32.s32 v44  }
0x47a: {  	v49 =	vmov s1;
	v33 =	vcvt.f32.s32 v43  }
0x47b: {  	v51 =	vshll.u32 v49, $0x1;
	vm10 =	vgt.s32 v34, $0x0  }
0x47c: {  	v45 =	vcvt.s32.f32 v33;
	vm11 =	vgt.s32 v33, $0x0;
	v46 =	vnsel vm10, $0x0, v34  }
0x47d: {  	v47 =	vnsel vm11, $0x0, v33;
	v34 =	vcvt.s32.f32 v34;
	v48 =	vmin.u32 v46, $0x7FF  }
0x47e: {  	v2 =	vsub.f32 v2, v45;
	v35 =	vmin.u32 v47, $0x7FF;
	v37 =	vshll.u32 v48, $0xB  }
0x47f: {  	v53 =	vor.u32 v1, v51;
	vm12 =	vgt.s32 v33, $0x7FE;
	v37 =	vor.u32 v35, v37  }
0x480: {  	v36 =	vmin.u32 v46, $0x7FE;
	v3 =	vsub.f32 v3, v34;
	v2 =	vsel vm12, $0x0, v2;
	[tilespmem:$0x11320] =	vst v37  }
0x481: {  	v55 =	vor.u32 $0x1, v53;
	v36 =	vshll.u32 v36, $0xB;
	[tilespmem:$0x11520] =	vst v2  }
0x482: {  	v35 =	vor.u32 v35, v36;
	v50 =	vadd.s32 $0x1, v37;
	[tilespmem:$0x115A0] =	vst v3  }
0x483: {  	v52 =	vadd.s32 $0x800, v35;
	[tilespmem:$0x113A0] =	vst v50  }
0x484: {  	v54 =	vadd.s32 $0x801, v35;
	[tilespmem:$0x11420] =	vst v52  }
0x485: {  	[tilespmem:$0x114A0] =	vst v54  }
0x486: {  	v3 =	vld.idx.msk [tilespmem:v55+s2+$0x0], $0xffff  }
0x487: {  	v2 =	vld.idx.msk [tilespmem:v53+s2+$0x0], $0xffff;
	_ =	sdelay $0x3  }
0x488: {  	v3 =	vmul.f32 $2.048000000e+03, v3  }
0x489: {  	v2 =	vmul.f32 $2.048000000e+03, v2  }
0x48a: {  	v57 =	vtrunc.f32 v3  }
0x48b: {  	s1 =	sor.u32 $0x40, s0;
	v56 =	vtrunc.f32 v2;
	v34 =	vcvt.f32.s32 v57  }
0x48c: {  	v62 =	vmov s1;
	v33 =	vcvt.f32.s32 v56  }
0x48d: {  	v40 =	vshll.u32 v62, $0x1;
	vm13 =	vgt.s32 v34, $0x0  }
0x48e: {  	v58 =	vcvt.s32.f32 v33;
	vm14 =	vgt.s32 v33, $0x0;
	v59 =	vnsel vm13, $0x0, v34  }
0x48f: {  	v60 =	vnsel vm14, $0x0, v33;
	v34 =	vcvt.s32.f32 v34;
	v61 =	vmin.u32 v59, $0x7FF  }
0x490: {  	v2 =	vsub.f32 v2, v58;
	v35 =	vmin.u32 v60, $0x7FF;
	v37 =	vshll.u32 v61, $0xB  }
0x491: {  	v42 =	vor.u32 v1, v40;
	vm15 =	vgt.s32 v33, $0x7FE;
	v37 =	vor.u32 v35, v37  }
0x492: {  	v36 =	vmin.u32 v59, $0x7FE;
	v3 =	vsub.f32 v3, v34;
	v2 =	vsel vm15, $0x0, v2;
	[tilespmem:$0x11330] =	vst v37  }
0x493: {  	v44 =	vor.u32 $0x1, v42;
	v36 =	vshll.u32 v36, $0xB;
	[tilespmem:$0x11530] =	vst v2  }
0x494: {  	v35 =	vor.u32 v35, v36;
	v63 =	vadd.s32 $0x1, v37;
	[tilespmem:$0x115B0] =	vst v3  }
0x495: {  	v41 =	vadd.s32 $0x800, v35;
	[tilespmem:$0x113B0] =	vst v63  }
0x496: {  	v43 =	vadd.s32 $0x801, v35;
	[tilespmem:$0x11430] =	vst v41  }
0x497: {  	[tilespmem:$0x114B0] =	vst v43  }
0x498: {  	v3 =	vld.idx.msk [tilespmem:v44+s2+$0x0], $0xffff  }
0x499: {  	v2 =	vld.idx.msk [tilespmem:v42+s2+$0x0], $0xffff;
	_ =	sdelay $0x3  }
0x49a: {  	v3 =	vmul.f32 $2.048000000e+03, v3  }
0x49b: {  	v2 =	vmul.f32 $2.048000000e+03, v2  }
0x49c: {  	v46 =	vtrunc.f32 v3  }
0x49d: {  	s1 =	sor.u32 $0x50, s0;
	v45 =	vtrunc.f32 v2;
	v34 =	vcvt.f32.s32 v46  }
0x49e: {  	v52 =	vmov s1;
	v33 =	vcvt.f32.s32 v45  }
0x49f: {  	v38 =	vshll.u32 v52, $0x1;
	vm5 =	vgt.s32 v34, $0x0  }
0x4a0: {  	v47 =	vcvt.s32.f32 v33;
	vm4 =	vgt.s32 v33, $0x0;
	v49 =	vnsel vm5, $0x0, v34  }
0x4a1: {  	v48 =	vnsel vm4, $0x0, v33;
	v34 =	vcvt.s32.f32 v34;
	v51 =	vmin.u32 v49, $0x7FF  }
0x4a2: {  	v2 =	vsub.f32 v2, v47;
	v50 =	vmin.u32 v48, $0x7FF;
	v36 =	vshll.u32 v51, $0xB  }
0x4a3: {  	v53 =	vor.u32 v1, v38;
	vm6 =	vgt.s32 v33, $0x7FE;
	v36 =	vor.u32 v50, v36  }
0x4a4: {  	v37 =	vmin.u32 v49, $0x7FE;
	v3 =	vsub.f32 v3, v34;
	v2 =	vsel vm6, $0x0, v2;
	[tilespmem:$0x11340] =	vst v36  }
0x4a5: {  	v55 =	vor.u32 $0x1, v53;
	v37 =	vshll.u32 v37, $0xB;
	[tilespmem:$0x11540] =	vst v2  }
0x4a6: {  	v35 =	vor.u32 v50, v37;
	v36 =	vadd.s32 $0x1, v36;
	[tilespmem:$0x115C0] =	vst v3  }
0x4a7: {  	v54 =	vadd.s32 $0x800, v35;
	[tilespmem:$0x113C0] =	vst v36  }
0x4a8: {  	v56 =	vadd.s32 $0x801, v35;
	[tilespmem:$0x11440] =	vst v54  }
0x4a9: {  	[tilespmem:$0x114C0] =	vst v56  }
0x4aa: {  	v2 =	vld.idx.msk [tilespmem:v55+s2+$0x0], $0xffff  }
0x4ab: {  	v3 =	vld.idx.msk [tilespmem:v53+s2+$0x0], $0xffff;
	_ =	sdelay $0x3  }
0x4ac: {  	v2 =	vmul.f32 $2.048000000e+03, v2  }
0x4ad: {  	v3 =	vmul.f32 $2.048000000e+03, v3  }
0x4ae: {  	v57 =	vtrunc.f32 v2  }
0x4af: {  	s1 =	sor.u32 $0x60, s0;
	v58 =	vtrunc.f32 v3;
	v33 =	vcvt.f32.s32 v57  }
0x4b0: {  	v59 =	vmov s1;
	v34 =	vcvt.f32.s32 v58  }
0x4b1: {  	v35 =	vshll.u32 v59, $0x1;
	vm7 =	vgt.s32 v33, $0x0  }
0x4b2: {  	vm8 =	vgt.s32 v34, $0x0;
	v61 =	vcvt.s32.f32 v34;
	v60 =	vnsel vm7, $0x0, v33  }
0x4b3: {  	v62 =	vnsel vm8, $0x0, v34;
	v33 =	vcvt.s32.f32 v33;
	v63 =	vmin.u32 v60, $0x7FF  }
0x4b4: {  	v38 =	vmin.u32 v62, $0x7FF;
	v3 =	vsub.f32 v3, v61;
	v39 =	vshll.u32 v63, $0xB  }
0x4b5: {  	v35 =	vor.u32 v1, v35;
	vm9 =	vgt.s32 v34, $0x7FE;
	v41 =	vor.u32 v38, v39  }
0x4b6: {  	v36 =	vmin.u32 v60, $0x7FE;
	v2 =	vsub.f32 v2, v33;
	v3 =	vsel vm9, $0x0, v3;
	[tilespmem:$0x11350] =	vst v41  }
0x4b7: {  	v43 =	vor.u32 $0x1, v35;
	v36 =	vshll.u32 v36, $0xB;
	[tilespmem:$0x11550] =	vst v3  }
0x4b8: {  	v36 =	vor.u32 v38, v36;
	v37 =	vadd.s32 $0x1, v41;
	[tilespmem:$0x115D0] =	vst v2  }
0x4b9: {  	v38 =	vadd.s32 $0x800, v36;
	[tilespmem:$0x113D0] =	vst v37  }
0x4ba: {  	v42 =	vadd.s32 $0x801, v36;
	[tilespmem:$0x11450] =	vst v38  }
0x4bb: {  	[tilespmem:$0x114D0] =	vst v42  }
0x4bc: {  	v3 =	vld.idx.msk [tilespmem:v43+s2+$0x0], $0xffff  }
0x4bd: {  	v2 =	vld.idx.msk [tilespmem:v35+s2+$0x0], $0xffff;
	_ =	sdelay $0x3  }
0x4be: {  	v3 =	vmul.f32 $2.048000000e+03, v3  }
0x4bf: {  	v2 =	vmul.f32 $2.048000000e+03, v2  }
0x4c0: {  	v45 =	vtrunc.f32 v3  }
0x4c1: {  	s0 =	sor.u32 $0x70, s0;
	v44 =	vtrunc.f32 v2;
	v34 =	vcvt.f32.s32 v45  }
0x4c2: {  	v47 =	vmov s0;
	v33 =	vcvt.f32.s32 v44  }
0x4c3: {  	v36 =	vshll.u32 v47, $0x1;
	vm10 =	vgt.s32 v34, $0x0  }
0x4c4: {  	v46 =	vcvt.s32.f32 v33;
	vm11 =	vgt.s32 v33, $0x0;
	v48 =	vnsel vm10, $0x0, v34  }
0x4c5: {  	v49 =	vnsel vm11, $0x0, v33;
	v34 =	vcvt.s32.f32 v34;
	v50 =	vmin.u32 v48, $0x7FF  }
0x4c6: {  	v2 =	vsub.f32 v2, v46;
	v35 =	vmin.u32 v49, $0x7FF;
	v38 =	vshll.u32 v50, $0xB  }
0x4c7: {  	v36 =	vor.u32 v1, v36;
	vm12 =	vgt.s32 v33, $0x7FE;
	v38 =	vor.u32 v35, v38  }
0x4c8: {  	v37 =	vmin.u32 v48, $0x7FE;
	v3 =	vsub.f32 v3, v34;
	v2 =	vsel vm12, $0x0, v2;
	[tilespmem:$0x11360] =	vst v38  }
0x4c9: {  	v53 =	vor.u32 $0x1, v36;
	v37 =	vshll.u32 v37, $0xB;
	[tilespmem:$0x11560] =	vst v2  }
0x4ca: {  	v35 =	vor.u32 v35, v37;
	v51 =	vadd.s32 $0x1, v38;
	[tilespmem:$0x115E0] =	vst v3  }
0x4cb: {  	v52 =	vadd.s32 $0x800, v35;
	[tilespmem:$0x113E0] =	vst v51  }
0x4cc: {  	v54 =	vadd.s32 $0x801, v35;
	[tilespmem:$0x11460] =	vst v52  }
0x4cd: {  	[tilespmem:$0x114E0] =	vst v54  }
0x4ce: {  	v2 =	vld.idx.msk [tilespmem:v53+s2+$0x0], $0xffff  }
0x4cf: {  	v3 =	vld.idx.msk [tilespmem:v36+s2+$0x0], $0xffff;
	_ =	sdelay $0x3  }
0x4d0: {  	v2 =	vmul.f32 $2.048000000e+03, v2  }
0x4d1: {  	v3 =	vmul.f32 $2.048000000e+03, v3  }
0x4d2: {  	v55 =	vtrunc.f32 v2  }
0x4d3: {  	v56 =	vtrunc.f32 v3;
	v33 =	vcvt.f32.s32 v55  }
0x4d4: {  	v34 =	vcvt.f32.s32 v56  }
0x4d5: {  	vm13 =	vgt.s32 v33, $0x0  }
0x4d6: {  	vm14 =	vgt.s32 v34, $0x0;
	v60 =	vcvt.s32.f32 v34;
	v57 =	vnsel vm13, $0x0, v33  }
0x4d7: {  	v58 =	vnsel vm14, $0x0, v34;
	v33 =	vcvt.s32.f32 v33;
	v59 =	vmin.u32 v57, $0x7FF  }
0x4d8: {  	v36 =	vmin.u32 v58, $0x7FF;
	v3 =	vsub.f32 v3, v60;
	v37 =	vshll.u32 v59, $0xB  }
0x4d9: {  	vm15 =	vgt.s32 v34, $0x7FE;
	v37 =	vor.u32 v36, v37  }
0x4da: {  	v35 =	vmin.u32 v57, $0x7FE;
	v2 =	vsub.f32 v2, v33;
	v3 =	vsel vm15, $0x0, v3;
	[tilespmem:$0x11370] =	vst v37  }
0x4db: {  	v35 =	vshll.u32 v35, $0xB;
	[tilespmem:$0x11570] =	vst v3  }
0x4dc: {  	v35 =	vor.u32 v36, v35;
	v61 =	vadd.s32 $0x1, v37;
	[tilespmem:$0x115F0] =	vst v2  }
0x4dd: {  	v62 =	vadd.s32 $0x800, v35;
	[tilespmem:$0x113F0] =	vst v61  }
0x4de: {  	v63 =	vadd.s32 $0x801, v35;
	[tilespmem:$0x11470] =	vst v62  }
0x4df: {  	[tilespmem:$0x114F0] =	vst v63  }
0x4e0: {  	[tilespmem:s18], [sflag:$0x2] =	stream.indirect.gather [hbm4b:s3+s8], $0x8, s17, s8, $0xb8;
	[tilespmem:$0x12900] =	vst v63  }
0x4e1: {  	_ = 	snop  }
0x4e2: {  	[tilespmem:s20], [sflag:$0x2] =	stream.indirect.gather [hbm4b:s3+s8], $0x8, s19, s8, $0xb8;
	[tilespmem:$0x12900] =	vst v63  }
0x4e3: {  	_ = 	snop  }
0x4e4: {  	[tilespmem:s22], [sflag:$0x2] =	stream.indirect.gather [hbm4b:s3+s8], $0x8, s21, s8, $0xb8;
	[tilespmem:$0x12900] =	vst v63  }
0x4e5: {  	p0 =	sne.s32 s30, $0x8080  }
0x4e6: {  	[tilespmem:s24], [sflag:$0x2] =	stream.indirect.gather [hbm4b:s3+s8], $0x8, s23, s8, $0xb8;
	[tilespmem:$0x12900] =	vst v63  }
.Ltmp0:
0x4e7: {  	_ = 	snop;
	(pc) =	sbr.rel @p0 .LBB2_2-.Ltmp0, $4  }
0x4e8: {  	[hbm4b:s31+s2] =	stream.linear.scatter [tilespmem:s26], [sflag:$0x3], $0x300, $0x38;
	[tilespmem:$0x12900] =	vst v63  }
0x4e9: {  	_ =	swait.ge [sflag:s7], $0x300  }
0x4ea: {  	[sflag:s7] =	ssyncset.done $0x0  }
0x4eb: {  	s30 =	sadd.s32 $0x100, s30;
	s31 =	sadd.s32 $0x60, s31;
	[sflag:s7] =	ssyncadd.s32 $0xFFFFFD00  }
0x4ec: {  	_ =	swait.ge [sflag:s25], $0x400  }
0x4ed: {  	[sflag:s25] =	ssyncset.done $0x0  }
0x4ee: {  	[sflag:s25] =	ssyncadd.s32 $0xFFFFFC00  }
0x4ef: {  	_ =	swait.ge [sflag:s25], $0x400  }
0x4f0: {  	[sflag:s25] =	ssyncset.done $0x0  }
0x4f1: {  	[sflag:s25] =	ssyncadd.s32 $0xFFFFFC00  }
0x4f2: {  	_ =	swait.ge [sflag:s25], $0x400  }
0x4f3: {  	[sflag:s25] =	ssyncset.done $0x0  }
0x4f4: {  	[sflag:s25] =	ssyncadd.s32 $0xFFFFFC00  }
0x4f5: {  	_ =	swait.ge [sflag:s25], $0x400  }
0x4f6: {  	[sflag:s25] =	ssyncset.done $0x0  }
0x4f7: {  	[sflag:s25] =	ssyncadd.s32 $0xFFFFFC00  }
0x4f8: {  	_ =	swait.ge [sflag:s28], $0x400  }
0x4f9: {  	[sflag:s28] =	ssyncset.done $0x0  }
0x4fa: {  	[sflag:s28] =	ssyncadd.s32 $0xFFFFFC00  }
0x4fb: {  	_ =	swait.ge [sflag:s28], $0x400  }
0x4fc: {  	[sflag:s28] =	ssyncset.done $0x0  }
0x4fd: {  	s29 =	sadd.s32 $0x1, s29;
	[sflag:s28] =	ssyncadd.s32 $0xFFFFFC00  }
0x4fe: {  	p0 =	sne.s32 s29, s5;
	_ =	swait.ge [sflag:s28], $0x400  }
.Ltmp1:
0x4ff: {  	[sflag:s28] =	ssyncset.done $0x0;
	(pc) =	sbr.rel @p0 .LBB2_1-.Ltmp1, $4  }
0x500: {  	[sflag:s28] =	ssyncadd.s32 $0xFFFFFC00  }
0x501: {  	_ =	swait.ge [sflag:s28], $0x400  }
0x502: {  	[sflag:s28] =	ssyncset.done $0x0  }
0x503: {  	[sflag:s28] =	ssyncadd.s32 $0xFFFFFC00  }
0x504: {  	_ =	sfence.sel $0x180000  }
0x505: {  	[bflag:$0x0] =	sbarrier.arrive $0xFFFF  }
0x506: {  	_ =	strace $0x90000047  }
0x507: {  	s0 =	stileid.u32;
	[bflag:$0x2] =	sbarrier.arrive $0xFFFF  }
0x508: {  	p0 =	sne.s32 s0, $0x0;
	s0 =	rddreg [dreg:$0x3]  }
0x509: {  	s0 =	sadd.s32 @!p0 $0x100000, s0  }
0x50a: {  	[sflag:s0] =	ssyncadd.tile.s32 @!p0 $0x1;
	_ =	shalt  }
.Lfunc_end2:
_tile_overlayer_lowered:
.L_overlay_start_2:
0x50b: {  	(tag) =	ssettag $0x2  }
0x50c: {  	s0 =	rddreg [dreg:$0x0];
	s2 =	stileid.u32  }
0x50d: {  	s1 =	rddreg [dreg:$0x1];
	p0 =	sne.s32 s2, $0x0  }
0x50e: {  	s3 =	rddreg [dreg:$0x2];
	[bflag:$0x3] =	sbarrier.arrive $0xFFFF;
	s2 =	simm.s32 @!p0 $0x1C03  }
0x50f: {  	[timem:s3], [sflag:s2] =	dma.local @!p0 [hbm:s0], s1  }
0x510: {  	s0 =	simm.s32 @!p0 $0x3  }
0x511: {  	_ =	swait.ge @!p0 [sflag:s0], s1  }
0x512: {  	s1 =	ssub.s32 @!p0 $0x0, s1;
	[sflag:s0] =	ssyncset.done @!p0 $0x0  }
0x513: {  	[sflag:s0] =	ssyncadd.s32 @!p0 s1  }
0x514: {  	[bflag:$0x3] =	sbarrier.arrive $0xFFFF  }
0x515: {  	_ =	shalt  }

</sc_bundles>
